<compile_context>
chip_gen: v7x
topology: tpu7x:2x2x1
jax: 0.10.2.dev20260603
libtpu: 0.0.44.dev20260713+nightly
codegen_flags: <defaults>
</compile_context>

<pallas_src>
import math

import jax
import jax.numpy as jnp
from jax import lax
from jax.experimental import pallas as pl
from jax.experimental.pallas import tpu as pltpu
from jax.experimental.pallas import tpu_sc as plsc

_SIZE = 100000
_N = 2048
_PAD = 0
_SMOOTH = 0.1
_EPS = _SMOOTH / (_SIZE - 2)
_CONF = 1.0 - _SMOOTH
_K = (_SIZE - 2) * _EPS * math.log(_EPS) + _CONF * math.log(_CONF)

_L = 16
_NC = 2

_CB = 1024
_GRID = (_SIZE + _CB - 1) // _CB
_LAST_ROWS = _SIZE - (_GRID - 1) * _CB
_SUB = 8


def _accum_chunks(acc_ref, y_ref, t, base, nchunks):
    for k in range(nchunks):
        yc = y_ref[k * _SUB:(k + 1) * _SUB, :]
        rows = (base + k * _SUB) + lax.broadcasted_iota(
            jnp.int32, yc.shape, 0)
        coef = jnp.where(rows == t, -_CONF, -_EPS)
        acc_ref[...] += coef * yc


def _tc_body(y_ref, t_ref, p_ref, acc_ref):
    i = pl.program_id(0)
    t = t_ref[...]

    @pl.when(i == 0)
    def _init():
        acc_ref[...] = jnp.zeros_like(acc_ref)

    @pl.when(i < _GRID - 1)
    def _interior():
        _accum_chunks(acc_ref, y_ref, t, i * _CB, _CB // _SUB)

    @pl.when(i == 0)
    def _fix_pad_col():
        acc_ref[0:1, :] += _EPS * y_ref[0:1, :]

    @pl.when(i == _GRID - 1)
    def _last():
        _accum_chunks(acc_ref, y_ref, t, i * _CB, _LAST_ROWS // _SUB)
        p_ref[...] = jnp.sum(acc_ref[...], axis=0, keepdims=True)


def _sc_body(p_hbm, t_hbm, out_hbm, p_v, t_v, out_v):
    wid = lax.axis_index("s") * _NC + lax.axis_index("c")

    @pl.when(wid == 0)
    def _combine():
        pltpu.sync_copy(p_hbm, p_v)
        pltpu.sync_copy(t_hbm, t_v)

        def body(k, acc):
            sl = pl.ds(k * _L, _L)
            m = jnp.where(t_v[sl] == _PAD, 0.0, 1.0)
            return acc + m * (_K + p_v[sl])

        out_v[...] = lax.fori_loop(0, _N // _L, body,
                                   jnp.zeros((_L,), jnp.float32))
        pltpu.sync_copy(out_v, out_hbm)


def _make_sc_call():
    return pl.kernel(
        _sc_body,
        out_type=jax.ShapeDtypeStruct((_L,), jnp.float32),
        mesh=plsc.VectorSubcoreMesh(core_axis_name="c", subcore_axis_name="s"),
        scratch_types=[
            pltpu.VMEM((_N,), jnp.float32),
            pltpu.VMEM((_N,), jnp.int32),
            pltpu.VMEM((_L,), jnp.float32),
        ],
    )


def kernel(x, target):
    y = x.T
    t2d = target.astype(jnp.int32).reshape(1, _N)
    p = pl.pallas_call(
        _tc_body,
        grid=(_GRID,),
        in_specs=[
            pl.BlockSpec((_CB, _N), lambda i: (i, 0)),
            pl.BlockSpec((1, _N), lambda i: (0, 0)),
        ],
        out_specs=pl.BlockSpec((1, _N), lambda i: (0, 0)),
        out_shape=jax.ShapeDtypeStruct((1, _N), jnp.float32),
        scratch_shapes=[pltpu.VMEM((_SUB, _N), jnp.float32)],
    )(y, t2d)
    out = _make_sc_call()(p.reshape(-1), target.astype(jnp.int32))
    return jnp.sum(out)

# --- scband reference (transcript-rebuilt; emitter-appended) ---
"""Pipeline reference for scband-label-smoothing-24507083391461 (READ-ONLY COPY).

The authoritative reference and input builder live on the scoring server;
editing this copy changes nothing except your own understanding.
"""

import jax, jax.numpy as jnp
import numpy as np

SIZE = 100000
PADDING_IDX = 0
SMOOTHING = 0.1
CONFIDENCE = 1.0 - SMOOTHING
N_TOKENS = 2048


def setup_inputs(seed: int = 0) -> dict:
    key = jax.random.key(seed)
    k1, k2 = jax.random.split(key)
    # x plays the role of log-probabilities fed to KLDivLoss; randn per spec
    x = jax.random.normal(k1, (N_TOKENS, SIZE), dtype=jnp.float32)
    target = jax.random.randint(k2, (N_TOKENS,), 0, SIZE, dtype=jnp.int64 if jax.config.jax_enable_x64 else jnp.int32)
    return {"x": x, "target": target}


def _build_true_dist(target):
    n = target.shape[0]
    # fill_(smoothing / (size - 2))
    td = jnp.full((n, SIZE), SMOOTHING / (SIZE - 2), dtype=jnp.float32)
    # scatter_(1, target.unsqueeze(1), confidence)
    td = td.at[jnp.arange(n), target].set(CONFIDENCE)
    # true_dist[:, padding_idx] = 0
    td = td.at[:, PADDING_IDX].set(0.0)
    # index_fill_(0, rows where target == padding_idx, 0.0)
    pad_rows = (target == PADDING_IDX)
    td = jnp.where(pad_rows[:, None], 0.0, td)
    return td


def reference(x, target):
    assert x.shape[1] == SIZE
    true_dist = _build_true_dist(target)
    # nn.KLDivLoss(reduction='sum'): sum over t * (log(t) - x), with 0*log(0)=0
    kl = jnp.where(true_dist > 0, true_dist * (jnp.log(jnp.where(true_dist > 0, true_dist, 1.0)) - x), 0.0)
    return jnp.sum(kl)

if __name__ == "__main__":
    import jax
    _d = setup_inputs()
    print(jax.jit(kernel)(*tuple(_d.values())))

</pallas_src>

<mosaic_0001>
#map = affine_map<(d0, d1) -> (0)>
module attributes {stable_mosaic.version = 14 : i64} {
  func.func @_sc_body(%arg0: i32, %arg1: i32, %arg2: memref<2048xf32, #tpu.memory_space<hbm>>, %arg3: memref<2048xi32, #tpu.memory_space<hbm>>, %arg4: memref<16xf32, #tpu.memory_space<hbm>>, %arg5: memref<2048xf32, #tpu.memory_space<vmem>>, %arg6: memref<2048xi32, #tpu.memory_space<vmem>>, %arg7: memref<16xf32, #tpu.memory_space<vmem>>) attributes {dimension_semantics = [#tpu.dimension_semantics<core_parallel>, #tpu.dimension_semantics<subcore_parallel>], iteration_bounds = array<i64: 2, 16>, scalar_prefetch = 0 : i64, scratch_operands = 3 : i64, tpu.core_type = #tpu.core_type<sc_vector_subcore>, window_params = [{transform_indices = #map}, {transform_indices = #map}, {transform_indices = #map}]} {
    %mul3A = arith.constant 2 : i32
    %mul3A_0 = arith.muli %arg1, %mul3A : i32
    %add3A = arith.addi %mul3A_0, %arg0 : i32
    %eq3A = arith.constant 0 : i32
    %eq3A_1 = arith.cmpi eq, %add3A, %eq3A : i32
    %convert_element_type3A = arith.extui %eq3A_1 : i1 to i32
    %cond3A = arith.constant 0 : i32
    %cond3A_2 = arith.cmpi ne, %convert_element_type3A, %cond3A : i32
    scf.if %cond3A_2 {
      "tpu.region"() ({
        %run_scoped3A = tpu.sem_alloc : memref<!tpu.dma_semaphore, #tpu.memory_space<semaphore_mem>>
        tpu.enqueue_dma source(%arg2 : memref<2048xf32, #tpu.memory_space<hbm>>) target(%arg5 : memref<2048xf32, #tpu.memory_space<vmem>>) target_semaphore(%run_scoped3A : memref<!tpu.dma_semaphore, #tpu.memory_space<semaphore_mem>>)
        tpu.wait_dma2 semaphore(%run_scoped3A : memref<!tpu.dma_semaphore, #tpu.memory_space<semaphore_mem>>) src(%arg2 : memref<2048xf32, #tpu.memory_space<hbm>>) dst(%arg5 : memref<2048xf32, #tpu.memory_space<vmem>>)
        tpu.yield
      }) : () -> ()
      "tpu.region"() ({
        %run_scoped3A = tpu.sem_alloc : memref<!tpu.dma_semaphore, #tpu.memory_space<semaphore_mem>>
        tpu.enqueue_dma source(%arg3 : memref<2048xi32, #tpu.memory_space<hbm>>) target(%arg6 : memref<2048xi32, #tpu.memory_space<vmem>>) target_semaphore(%run_scoped3A : memref<!tpu.dma_semaphore, #tpu.memory_space<semaphore_mem>>)
        tpu.wait_dma2 semaphore(%run_scoped3A : memref<!tpu.dma_semaphore, #tpu.memory_space<semaphore_mem>>) src(%arg3 : memref<2048xi32, #tpu.memory_space<hbm>>) dst(%arg6 : memref<2048xi32, #tpu.memory_space<vmem>>)
        tpu.yield
      }) : () -> ()
      %broadcast_in_dim3A = arith.constant 0.000000e+00 : f32
      %broadcast_in_dim3A_3 = vector.broadcast %broadcast_in_dim3A : f32 to vector<16xf32>
      %scan3A = arith.constant 0 : i32
      %scan3A_4 = arith.constant 128 : i32
      %scan3A_5 = arith.addi %scan3A, %scan3A_4 : i32
      %scan3A_6 = arith.constant 1 : i32
      %scan3A_7 = scf.for %scan3A_12 = %scan3A to %scan3A_5 step %scan3A_6 iter_args(%scan3A_13 = %broadcast_in_dim3A_3) -> (vector<16xf32>)  : i32 {
        %mul3A_14 = arith.constant 16 : i32
        %mul3A_15 = arith.muli %scan3A_12, %mul3A_14 : i32
        %get3A = arith.index_cast %mul3A_15 : i32 to index
        %get3A_16 = tpu.vector_load %arg6[%get3A] {strides = array<i32>} : memref<2048xi32, #tpu.memory_space<vmem>>, vector<16xi32>,
        %get3A_17 = vector.shape_cast %get3A_16 : vector<16xi32> to vector<16xi32>
        %eq3A_18 = arith.constant 0 : i32
        %eq3A_19 = vector.broadcast %eq3A_18 : i32 to vector<16xi32>
        %eq3A_20 = arith.cmpi eq, %get3A_17, %eq3A_19 : vector<16xi32>
        %jit3A = arith.constant 0.000000e+00 : f32
        %jit3A_21 = arith.constant 1.000000e+00 : f32
        %broadcast_in_dim3A_22 = vector.broadcast %jit3A : f32 to vector<16xf32>
        %broadcast_in_dim3A_23 = vector.broadcast %jit3A_21 : f32 to vector<16xf32>
        %select_n3A = arith.select %eq3A_20, %broadcast_in_dim3A_22, %broadcast_in_dim3A_23 : vector<16xi1>, vector<16xf32>
        %get3A_24 = arith.index_cast %mul3A_15 : i32 to index
        %get3A_25 = tpu.vector_load %arg5[%get3A_24] {strides = array<i32>} : memref<2048xf32, #tpu.memory_space<vmem>>, vector<16xf32>,
        %get3A_26 = vector.shape_cast %get3A_25 : vector<16xf32> to vector<16xf32>
        %add3A_27 = arith.constant -1.47637355 : f32
        %add3A_28 = vector.broadcast %add3A_27 : f32 to vector<16xf32>
        %add3A_29 = arith.addf %add3A_28, %get3A_26 : vector<16xf32>
        %mul3A_30 = arith.mulf %select_n3A, %add3A_29 : vector<16xf32>
        %add3A_31 = arith.addf %scan3A_13, %mul3A_30 : vector<16xf32>
        scf.yield %add3A_31 : vector<16xf32>
      }
      %scan3A_8 = arith.constant 128 : i32
      %swap3A = arith.constant 0 : index
      %swap3A_9 = tpu.vector_load %arg7[%swap3A] {strides = array<i32>} : memref<16xf32, #tpu.memory_space<vmem>>, vector<16xf32>,
      %swap3A_10 = vector.shape_cast %swap3A_9 : vector<16xf32> to vector<16xf32>
      %swap3A_11 = vector.shape_cast %scan3A_7 : vector<16xf32> to vector<16xf32>
      tpu.vector_store %arg7[%swap3A], %swap3A_11 {strides = array<i32>} : memref<16xf32, #tpu.memory_space<vmem>>, vector<16xf32>,
      "tpu.region"() ({
        %run_scoped3A = tpu.sem_alloc : memref<!tpu.dma_semaphore, #tpu.memory_space<semaphore_mem>>
        tpu.enqueue_dma source(%arg7 : memref<16xf32, #tpu.memory_space<vmem>>) target(%arg4 : memref<16xf32, #tpu.memory_space<hbm>>) target_semaphore(%run_scoped3A : memref<!tpu.dma_semaphore, #tpu.memory_space<semaphore_mem>>)
        tpu.wait_dma2 semaphore(%run_scoped3A : memref<!tpu.dma_semaphore, #tpu.memory_space<semaphore_mem>>) src(%arg7 : memref<16xf32, #tpu.memory_space<vmem>>) dst(%arg4 : memref<16xf32, #tpu.memory_space<hbm>>)
        tpu.yield
      }) : () -> ()
    } else {
    }
    return
  }
}

module attributes {stable_mosaic.version = 14 : i64} {
  func.func @_tc_body(%arg0: i32, %arg1: memref<1024x2048xf32, #tpu.memory_space<vmem>>, %arg2: memref<1x2048xi32, #tpu.memory_space<vmem>>, %arg3: memref<1x2048xf32, #tpu.memory_space<vmem>>, %arg4: memref<8x2048xf32, #tpu.memory_space<vmem>>) attributes {dimension_semantics = [#tpu.dimension_semantics<arbitrary>], iteration_bounds = array<i64: 98>, scalar_prefetch = 0 : i64, scratch_operands = 1 : i64, tpu.core_type = #tpu.core_type<tc>, window_params = [{transform_indices = @transform_0, window_bounds = array<i64: 1024, 2048>}, {pipeline_mode = #tpu.pipeline_mode<synchronous>, transform_indices = @transform_1, window_bounds = array<i64: 1, 2048>}, {pipeline_mode = #tpu.pipeline_mode<synchronous>, transform_indices = @transform_2, window_bounds = array<i64: 1, 2048>}]} {
    %get3A = arith.constant 0 : index
    %get3A_0 = arith.constant 0 : index
    %get3A_1 = vector.load %arg2[%get3A, %get3A_0] : memref<1x2048xi32, #tpu.memory_space<vmem>>, vector<1x2048xi32>
    %eq3A = arith.constant 0 : i32
    %eq3A_2 = arith.cmpi eq, %arg0, %eq3A : i32
    %convert_element_type3A = arith.extui %eq3A_2 : i1 to i32
    %cond3A = arith.constant 0 : i32
    %cond3A_3 = arith.cmpi ne, %convert_element_type3A, %cond3A : i32
    scf.if %cond3A_3 {
      %broadcast_in_dim3A = arith.constant 0.000000e+00 : f32
      %broadcast_in_dim3A_18 = vector.broadcast %broadcast_in_dim3A : f32 to vector<8x2048xf32>
      %swap3A = arith.constant 0 : index
      %swap3A_19 = arith.constant 0 : index
      %swap3A_20 = vector.load %arg4[%swap3A, %swap3A_19] : memref<8x2048xf32, #tpu.memory_space<vmem>>, vector<8x2048xf32>
      tpu.vector_store %arg4[%swap3A, %swap3A_19], %broadcast_in_dim3A_18 {strides = array<i32>} : memref<8x2048xf32, #tpu.memory_space<vmem>>, vector<8x2048xf32>,
    } else {
    }
    %lt3A = arith.constant 97 : i32
    %lt3A_4 = arith.cmpi slt, %arg0, %lt3A : i32
    %convert_element_type3A_5 = arith.extui %lt3A_4 : i1 to i32
    %cond3A_6 = arith.constant 0 : i32
    %cond3A_7 = arith.cmpi ne, %convert_element_type3A_5, %cond3A_6 : i32
    scf.if %cond3A_7 {
      %mul3A = arith.constant 1024 : i32
      %mul3A_18 = arith.muli %arg0, %mul3A : i32
      %get3A_19 = arith.constant 0 : index
      %get3A_20 = arith.constant 0 : index
      %get3A_21 = vector.load %arg1[%get3A_19, %get3A_20] : memref<1024x2048xf32, #tpu.memory_space<vmem>>, vector<8x2048xf32>
      %add3A = arith.constant 0 : i32
      %add3A_22 = arith.addi %mul3A_18, %add3A : i32
      %iota3A = tpu.iota {dimensions = array<i32: 0>} : vector<8x2048xi32>
      %add3A_23 = vector.broadcast %add3A_22 : i32 to vector<8x2048xi32>
      %add3A_24 = arith.addi %add3A_23, %iota3A : vector<8x2048xi32>
      %eq3A_25 = vector.broadcast %get3A_1 : vector<1x2048xi32> to vector<8x2048xi32>
      %eq3A_26 = arith.cmpi eq, %add3A_24, %eq3A_25 : vector<8x2048xi32>
      %jit3A = arith.constant -0.899999976 : f32
      %jit3A_27 = arith.constant -1.000020e-06 : f32
      %broadcast_in_dim3A = vector.broadcast %jit3A : f32 to vector<8x2048xf32>
      %broadcast_in_dim3A_28 = vector.broadcast %jit3A_27 : f32 to vector<8x2048xf32>
      %select_n3A = arith.select %eq3A_26, %broadcast_in_dim3A, %broadcast_in_dim3A_28 : vector<8x2048xi1>, vector<8x2048xf32>
      %get3A_29 = arith.constant 0 : index
      %get3A_30 = arith.constant 0 : index
      %get3A_31 = vector.load %arg4[%get3A_29, %get3A_30] : memref<8x2048xf32, #tpu.memory_space<vmem>>, vector<8x2048xf32>
      %mul3A_32 = arith.mulf %select_n3A, %get3A_21 : vector<8x2048xf32>
      %add3A_33 = arith.addf %get3A_31, %mul3A_32 : vector<8x2048xf32>
      %swap3A = arith.constant 0 : index
      %swap3A_34 = arith.constant 0 : index
      %swap3A_35 = vector.load %arg4[%swap3A, %swap3A_34] : memref<8x2048xf32, #tpu.memory_space<vmem>>, vector<8x2048xf32>
      tpu.vector_store %arg4[%swap3A, %swap3A_34], %add3A_33 {strides = array<i32>} : memref<8x2048xf32, #tpu.memory_space<vmem>>, vector<8x2048xf32>,
      %get3A_36 = arith.constant 8 : index
      %get3A_37 = arith.constant 0 : index
      %get3A_38 = vector.load %arg1[%get3A_36, %get3A_37] : memref<1024x2048xf32, #tpu.memory_space<vmem>>, vector<8x2048xf32>
      %add3A_39 = arith.constant 8 : i32
      %add3A_40 = arith.addi %mul3A_18, %add3A_39 : i32
      %iota3A_41 = tpu.iota {dimensions = array<i32: 0>} : vector<8x2048xi32>
      %add3A_42 = vector.broadcast %add3A_40 : i32 to vector<8x2048xi32>
      %add3A_43 = arith.addi %add3A_42, %iota3A_41 : vector<8x2048xi32>
      %eq3A_44 = vector.broadcast %get3A_1 : vector<1x2048xi32> to vector<8x2048xi32>
      %eq3A_45 = arith.cmpi eq, %add3A_43, %eq3A_44 : vector<8x2048xi32>
      %jit3A_46 = arith.constant -0.899999976 : f32
      %jit3A_47 = arith.constant -1.000020e-06 : f32
      %broadcast_in_dim3A_48 = vector.broadcast %jit3A_46 : f32 to vector<8x2048xf32>
      %broadcast_in_dim3A_49 = vector.broadcast %jit3A_47 : f32 to vector<8x2048xf32>
      %select_n3A_50 = arith.select %eq3A_45, %broadcast_in_dim3A_48, %broadcast_in_dim3A_49 : vector<8x2048xi1>, vector<8x2048xf32>
      %get3A_51 = arith.constant 0 : index
      %get3A_52 = arith.constant 0 : index
      %get3A_53 = vector.load %arg4[%get3A_51, %get3A_52] : memref<8x2048xf32, #tpu.memory_space<vmem>>, vector<8x2048xf32>
      %mul3A_54 = arith.mulf %select_n3A_50, %get3A_38 : vector<8x2048xf32>
      %add3A_55 = arith.addf %get3A_53, %mul3A_54 : vector<8x2048xf32>
      %swap3A_56 = arith.constant 0 : index
      %swap3A_57 = arith.constant 0 : index
      %swap3A_58 = vector.load %arg4[%swap3A_56, %swap3A_57] : memref<8x2048xf32, #tpu.memory_space<vmem>>, vector<8x2048xf32>
      tpu.vector_store %arg4[%swap3A_56, %swap3A_57], %add3A_55 {strides = array<i32>} : memref<8x2048xf32, #tpu.memory_space<vmem>>, vector<8x2048xf32>,
      %get3A_59 = arith.constant 16 : index
      %get3A_60 = arith.constant 0 : index
      %get3A_61 = vector.load %arg1[%get3A_59, %get3A_60] : memref<1024x2048xf32, #tpu.memory_space<vmem>>, vector<8x2048xf32>
      %add3A_62 = arith.constant 16 : i32
      %add3A_63 = arith.addi %mul3A_18, %add3A_62 : i32
      %iota3A_64 = tpu.iota {dimensions = array<i32: 0>} : vector<8x2048xi32>
      %add3A_65 = vector.broadcast %add3A_63 : i32 to vector<8x2048xi32>
      %add3A_66 = arith.addi %add3A_65, %iota3A_64 : vector<8x2048xi32>
      %eq3A_67 = vector.broadcast %get3A_1 : vector<1x2048xi32> to vector<8x2048xi32>
      %eq3A_68 = arith.cmpi eq, %add3A_66, %eq3A_67 : vector<8x2048xi32>
      %jit3A_69 = arith.constant -0.899999976 : f32
      %jit3A_70 = arith.constant -1.000020e-06 : f32
      %broadcast_in_dim3A_71 = vector.broadcast %jit3A_69 : f32 to vector<8x2048xf32>
      %broadcast_in_dim3A_72 = vector.broadcast %jit3A_70 : f32 to vector<8x2048xf32>
      %select_n3A_73 = arith.select %eq3A_68, %broadcast_in_dim3A_71, %broadcast_in_dim3A_72 : vector<8x2048xi1>, vector<8x2048xf32>
      %get3A_74 = arith.constant 0 : index
      %get3A_75 = arith.constant 0 : index
      %get3A_76 = vector.load %arg4[%get3A_74, %get3A_75] : memref<8x2048xf32, #tpu.memory_space<vmem>>, vector<8x2048xf32>
      %mul3A_77 = arith.mulf %select_n3A_73, %get3A_61 : vector<8x2048xf32>
      %add3A_78 = arith.addf %get3A_76, %mul3A_77 : vector<8x2048xf32>
      %swap3A_79 = arith.constant 0 : index
      %swap3A_80 = arith.constant 0 : index
      %swap3A_81 = vector.load %arg4[%swap3A_79, %swap3A_80] : memref<8x2048xf32, #tpu.memory_space<vmem>>, vector<8x2048xf32>
      tpu.vector_store %arg4[%swap3A_79, %swap3A_80], %add3A_78 {strides = array<i32>} : memref<8x2048xf32, #tpu.memory_space<vmem>>, vector<8x2048xf32>,
      %get3A_82 = arith.constant 24 : index
      %get3A_83 = arith.constant 0 : index
      %get3A_84 = vector.load %arg1[%get3A_82, %get3A_83] : memref<1024x2048xf32, #tpu.memory_space<vmem>>, vector<8x2048xf32>
      %add3A_85 = arith.constant 24 : i32
      %add3A_86 = arith.addi %mul3A_18, %add3A_85 : i32
      %iota3A_87 = tpu.iota {dimensions = array<i32: 0>} : vector<8x2048xi32>
      %add3A_88 = vector.broadcast %add3A_86 : i32 to vector<8x2048xi32>
      %add3A_89 = arith.addi %add3A_88, %iota3A_87 : vector<8x2048xi32>
      %eq3A_90 = vector.broadcast %get3A_1 : vector<1x2048xi32> to vector<8x2048xi32>
      %eq3A_91 = arith.cmpi eq, %add3A_89, %eq3A_90 : vector<8x2048xi32>
      %jit3A_92 = arith.constant -0.899999976 : f32
      %jit3A_93 = arith.constant -1.000020e-06 : f32
      %broadcast_in_dim3A_94 = vector.broadcast %jit3A_92 : f32 to vector<8x2048xf32>
      %broadcast_in_dim3A_95 = vector.broadcast %jit3A_93 : f32 to vector<8x2048xf32>
      %select_n3A_96 = arith.select %eq3A_91, %broadcast_in_dim3A_94, %broadcast_in_dim3A_95 : vector<8x2048xi1>, vector<8x2048xf32>
      %get3A_97 = arith.constant 0 : index
      %get3A_98 = arith.constant 0 : index
      %get3A_99 = vector.load %arg4[%get3A_97, %get3A_98] : memref<8x2048xf32, #tpu.memory_space<vmem>>, vector<8x2048xf32>
      %mul3A_100 = arith.mulf %select_n3A_96, %get3A_84 : vector<8x2048xf32>
      %add3A_101 = arith.addf %get3A_99, %mul3A_100 : vector<8x2048xf32>
      %swap3A_102 = arith.constant 0 : index
      %swap3A_103 = arith.constant 0 : index
      %swap3A_104 = vector.load %arg4[%swap3A_102, %swap3A_103] : memref<8x2048xf32, #tpu.memory_space<vmem>>, vector<8x2048xf32>
      tpu.vector_store %arg4[%swap3A_102, %swap3A_103], %add3A_101 {strides = array<i32>} : memref<8x2048xf32, #tpu.memory_space<vmem>>, vector<8x2048xf32>,
      %get3A_105 = arith.constant 32 : index
      %get3A_106 = arith.constant 0 : index
      %get3A_107 = vector.load %arg1[%get3A_105, %get3A_106] : memref<1024x2048xf32, #tpu.memory_space<vmem>>, vector<8x2048xf32>
      %add3A_108 = arith.constant 32 : i32
      %add3A_109 = arith.addi %mul3A_18, %add3A_108 : i32
      %iota3A_110 = tpu.iota {dimensions = array<i32: 0>} : vector<8x2048xi32>
      %add3A_111 = vector.broadcast %add3A_109 : i32 to vector<8x2048xi32>
      %add3A_112 = arith.addi %add3A_111, %iota3A_110 : vector<8x2048xi32>
      %eq3A_113 = vector.broadcast %get3A_1 : vector<1x2048xi32> to vector<8x2048xi32>
      %eq3A_114 = arith.cmpi eq, %add3A_112, %eq3A_113 : vector<8x2048xi32>
      %jit3A_115 = arith.constant -0.899999976 : f32
      %jit3A_116 = arith.constant -1.000020e-06 : f32
      %broadcast_in_dim3A_117 = vector.broadcast %jit3A_115 : f32 to vector<8x2048xf32>
      %broadcast_in_dim3A_118 = vector.broadcast %jit3A_116 : f32 to vector<8x2048xf32>
      %select_n3A_119 = arith.select %eq3A_114, %broadcast_in_dim3A_117, %broadcast_in_dim3A_118 : vector<8x2048xi1>, vector<8x2048xf32>
      %get3A_120 = arith.constant 0 : index
      %get3A_121 = arith.constant 0 : index
      %get3A_122 = vector.load %arg4[%get3A_120, %get3A_121] : memref<8x2048xf32, #tpu.memory_space<vmem>>, vector<8x2048xf32>
      %mul3A_123 = arith.mulf %select_n3A_119, %get3A_107 : vector<8x2048xf32>
      %add3A_124 = arith.addf %get3A_122, %mul3A_123 : vector<8x2048xf32>
      %swap3A_125 = arith.constant 0 : index
      %swap3A_126 = arith.constant 0 : index
      %swap3A_127 = vector.load %arg4[%swap3A_125, %swap3A_126] : memref<8x2048xf32, #tpu.memory_space<vmem>>, vector<8x2048xf32>
      tpu.vector_store %arg4[%swap3A_125, %swap3A_126], %add3A_124 {strides = array<i32>} : memref<8x2048xf32, #tpu.memory_space<vmem>>, vector<8x2048xf32>,
      %get3A_128 = arith.constant 40 : index
      %get3A_129 = arith.constant 0 : index
      %get3A_130 = vector.load %arg1[%get3A_128, %get3A_129] : memref<1024x2048xf32, #tpu.memory_space<vmem>>, vector<8x2048xf32>
      %add3A_131 = arith.constant 40 : i32
      %add3A_132 = arith.addi %mul3A_18, %add3A_131 : i32
      %iota3A_133 = tpu.iota {dimensions = array<i32: 0>} : vector<8x2048xi32>
      %add3A_134 = vector.broadcast %add3A_132 : i32 to vector<8x2048xi32>
      %add3A_135 = arith.addi %add3A_134, %iota3A_133 : vector<8x2048xi32>
      %eq3A_136 = vector.broadcast %get3A_1 : vector<1x2048xi32> to vector<8x2048xi32>
      %eq3A_137 = arith.cmpi eq, %add3A_135, %eq3A_136 : vector<8x2048xi32>
      %jit3A_138 = arith.constant -0.899999976 : f32
      %jit3A_139 = arith.constant -1.000020e-06 : f32
      %broadcast_in_dim3A_140 = vector.broadcast %jit3A_138 : f32 to vector<8x2048xf32>
      %broadcast_in_dim3A_141 = vector.broadcast %jit3A_139 : f32 to vector<8x2048xf32>
      %select_n3A_142 = arith.select %eq3A_137, %broadcast_in_dim3A_140, %broadcast_in_dim3A_141 : vector<8x2048xi1>, vector<8x2048xf32>
      %get3A_143 = arith.constant 0 : index
      %get3A_144 = arith.constant 0 : index
      %get3A_145 = vector.load %arg4[%get3A_143, %get3A_144] : memref<8x2048xf32, #tpu.memory_space<vmem>>, vector<8x2048xf32>
      %mul3A_146 = arith.mulf %select_n3A_142, %get3A_130 : vector<8x2048xf32>
      %add3A_147 = arith.addf %get3A_145, %mul3A_146 : vector<8x2048xf32>
      %swap3A_148 = arith.constant 0 : index
      %swap3A_149 = arith.constant 0 : index
      %swap3A_150 = vector.load %arg4[%swap3A_148, %swap3A_149] : memref<8x2048xf32, #tpu.memory_space<vmem>>, vector<8x2048xf32>
      tpu.vector_store %arg4[%swap3A_148, %swap3A_149], %add3A_147 {strides = array<i32>} : memref<8x2048xf32, #tpu.memory_space<vmem>>, vector<8x2048xf32>,
      %get3A_151 = arith.constant 48 : index
      %get3A_152 = arith.constant 0 : index
      %get3A_153 = vector.load %arg1[%get3A_151, %get3A_152] : memref<1024x2048xf32, #tpu.memory_space<vmem>>, vector<8x2048xf32>
      %add3A_154 = arith.constant 48 : i32
      %add3A_155 = arith.addi %mul3A_18, %add3A_154 : i32
      %iota3A_156 = tpu.iota {dimensions = array<i32: 0>} : vector<8x2048xi32>
      %add3A_157 = vector.broadcast %add3A_155 : i32 to vector<8x2048xi32>
      %add3A_158 = arith.addi %add3A_157, %iota3A_156 : vector<8x2048xi32>
      %eq3A_159 = vector.broadcast %get3A_1 : vector<1x2048xi32> to vector<8x2048xi32>
      %eq3A_160 = arith.cmpi eq, %add3A_158, %eq3A_159 : vector<8x2048xi32>
      %jit3A_161 = arith.constant -0.899999976 : f32
      %jit3A_162 = arith.constant -1.000020e-06 : f32
      %broadcast_in_dim3A_163 = vector.broadcast %jit3A_161 : f32 to vector<8x2048xf32>
      %broadcast_in_dim3A_164 = vector.broadcast %jit3A_162 : f32 to vector<8x2048xf32>
      %select_n3A_165 = arith.select %eq3A_160, %broadcast_in_dim3A_163, %broadcast_in_dim3A_164 : vector<8x2048xi1>, vector<8x2048xf32>
      %get3A_166 = arith.constant 0 : index
      %get3A_167 = arith.constant 0 : index
      %get3A_168 = vector.load %arg4[%get3A_166, %get3A_167] : memref<8x2048xf32, #tpu.memory_space<vmem>>, vector<8x2048xf32>
      %mul3A_169 = arith.mulf %select_n3A_165, %get3A_153 : vector<8x2048xf32>
      %add3A_170 = arith.addf %get3A_168, %mul3A_169 : vector<8x2048xf32>
      %swap3A_171 = arith.constant 0 : index
      %swap3A_172 = arith.constant 0 : index
      %swap3A_173 = vector.load %arg4[%swap3A_171, %swap3A_172] : memref<8x2048xf32, #tpu.memory_space<vmem>>, vector<8x2048xf32>
      tpu.vector_store %arg4[%swap3A_171, %swap3A_172], %add3A_170 {strides = array<i32>} : memref<8x2048xf32, #tpu.memory_space<vmem>>, vector<8x2048xf32>,
      %get3A_174 = arith.constant 56 : index
      %get3A_175 = arith.constant 0 : index
      %get3A_176 = vector.load %arg1[%get3A_174, %get3A_175] : memref<1024x2048xf32, #tpu.memory_space<vmem>>, vector<8x2048xf32>
      %add3A_177 = arith.constant 56 : i32
      %add3A_178 = arith.addi %mul3A_18, %add3A_177 : i32
      %iota3A_179 = tpu.iota {dimensions = array<i32: 0>} : vector<8x2048xi32>
      %add3A_180 = vector.broadcast %add3A_178 : i32 to vector<8x2048xi32>
      %add3A_181 = arith.addi %add3A_180, %iota3A_179 : vector<8x2048xi32>
      %eq3A_182 = vector.broadcast %get3A_1 : vector<1x2048xi32> to vector<8x2048xi32>
      %eq3A_183 = arith.cmpi eq, %add3A_181, %eq3A_182 : vector<8x2048xi32>
      %jit3A_184 = arith.constant -0.899999976 : f32
      %jit3A_185 = arith.constant -1.000020e-06 : f32
      %broadcast_in_dim3A_186 = vector.broadcast %jit3A_184 : f32 to vector<8x2048xf32>
      %broadcast_in_dim3A_187 = vector.broadcast %jit3A_185 : f32 to vector<8x2048xf32>
      %select_n3A_188 = arith.select %eq3A_183, %broadcast_in_dim3A_186, %broadcast_in_dim3A_187 : vector<8x2048xi1>, vector<8x2048xf32>
      %get3A_189 = arith.constant 0 : index
      %get3A_190 = arith.constant 0 : index
      %get3A_191 = vector.load %arg4[%get3A_189, %get3A_190] : memref<8x2048xf32, #tpu.memory_space<vmem>>, vector<8x2048xf32>
      %mul3A_192 = arith.mulf %select_n3A_188, %get3A_176 : vector<8x2048xf32>
      %add3A_193 = arith.addf %get3A_191, %mul3A_192 : vector<8x2048xf32>
      %swap3A_194 = arith.constant 0 : index
      %swap3A_195 = arith.constant 0 : index
      %swap3A_196 = vector.load %arg4[%swap3A_194, %swap3A_195] : memref<8x2048xf32, #tpu.memory_space<vmem>>, vector<8x2048xf32>
      tpu.vector_store %arg4[%swap3A_194, %swap3A_195], %add3A_193 {strides = array<i32>} : memref<8x2048xf32, #tpu.memory_space<vmem>>, vector<8x2048xf32>,
      %get3A_197 = arith.constant 64 : index
      %get3A_198 = arith.constant 0 : index
      %get3A_199 = vector.load %arg1[%get3A_197, %get3A_198] : memref<1024x2048xf32, #tpu.memory_space<vmem>>, vector<8x2048xf32>
      %add3A_200 = arith.constant 64 : i32
      %add3A_201 = arith.addi %mul3A_18, %add3A_200 : i32
      %iota3A_202 = tpu.iota {dimensions = array<i32: 0>} : vector<8x2048xi32>
      %add3A_203 = vector.broadcast %add3A_201 : i32 to vector<8x2048xi32>
      %add3A_204 = arith.addi %add3A_203, %iota3A_202 : vector<8x2048xi32>
      %eq3A_205 = vector.broadcast %get3A_1 : vector<1x2048xi32> to vector<8x2048xi32>
      %eq3A_206 = arith.cmpi eq, %add3A_204, %eq3A_205 : vector<8x2048xi32>
      %jit3A_207 = arith.constant -0.899999976 : f32
      %jit3A_208 = arith.constant -1.000020e-06 : f32
      %broadcast_in_dim3A_209 = vector.broadcast %jit3A_207 : f32 to vector<8x2048xf32>
      %broadcast_in_dim3A_210 = vector.broadcast %jit3A_208 : f32 to vector<8x2048xf32>
      %select_n3A_211 = arith.select %eq3A_206, %broadcast_in_dim3A_209, %broadcast_in_dim3A_210 : vector<8x2048xi1>, vector<8x2048xf32>
      %get3A_212 = arith.constant 0 : index
      %get3A_213 = arith.constant 0 : index
      %get3A_214 = vector.load %arg4[%get3A_212, %get3A_213] : memref<8x2048xf32, #tpu.memory_space<vmem>>, vector<8x2048xf32>
      %mul3A_215 = arith.mulf %select_n3A_211, %get3A_199 : vector<8x2048xf32>
      %add3A_216 = arith.addf %get3A_214, %mul3A_215 : vector<8x2048xf32>
      %swap3A_217 = arith.constant 0 : index
      %swap3A_218 = arith.constant 0 : index
      %swap3A_219 = vector.load %arg4[%swap3A_217, %swap3A_218] : memref<8x2048xf32, #tpu.memory_space<vmem>>, vector<8x2048xf32>
      tpu.vector_store %arg4[%swap3A_217, %swap3A_218], %add3A_216 {strides = array<i32>} : memref<8x2048xf32, #tpu.memory_space<vmem>>, vector<8x2048xf32>,
      %get3A_220 = arith.constant 72 : index
      %get3A_221 = arith.constant 0 : index
      %get3A_222 = vector.load %arg1[%get3A_220, %get3A_221] : memref<1024x2048xf32, #tpu.memory_space<vmem>>, vector<8x2048xf32>
      %add3A_223 = arith.constant 72 : i32
      %add3A_224 = arith.addi %mul3A_18, %add3A_223 : i32
      %iota3A_225 = tpu.iota {dimensions = array<i32: 0>} : vector<8x2048xi32>
      %add3A_226 = vector.broadcast %add3A_224 : i32 to vector<8x2048xi32>
      %add3A_227 = arith.addi %add3A_226, %iota3A_225 : vector<8x2048xi32>
      %eq3A_228 = vector.broadcast %get3A_1 : vector<1x2048xi32> to vector<8x2048xi32>
      %eq3A_229 = arith.cmpi eq, %add3A_227, %eq3A_228 : vector<8x2048xi32>
      %jit3A_230 = arith.constant -0.899999976 : f32
      %jit3A_231 = arith.constant -1.000020e-06 : f32
      %broadcast_in_dim3A_232 = vector.broadcast %jit3A_230 : f32 to vector<8x2048xf32>
      %broadcast_in_dim3A_233 = vector.broadcast %jit3A_231 : f32 to vector<8x2048xf32>
      %select_n3A_234 = arith.select %eq3A_229, %broadcast_in_dim3A_232, %broadcast_in_dim3A_233 : vector<8x2048xi1>, vector<8x2048xf32>
      %get3A_235 = arith.constant 0 : index
      %get3A_236 = arith.constant 0 : index
      %get3A_237 = vector.load %arg4[%get3A_235, %get3A_236] : memref<8x2048xf32, #tpu.memory_space<vmem>>, vector<8x2048xf32>
      %mul3A_238 = arith.mulf %select_n3A_234, %get3A_222 : vector<8x2048xf32>
      %add3A_239 = arith.addf %get3A_237, %mul3A_238 : vector<8x2048xf32>
      %swap3A_240 = arith.constant 0 : index
      %swap3A_241 = arith.constant 0 : index
      %swap3A_242 = vector.load %arg4[%swap3A_240, %swap3A_241] : memref<8x2048xf32, #tpu.memory_space<vmem>>, vector<8x2048xf32>
      tpu.vector_store %arg4[%swap3A_240, %swap3A_241], %add3A_239 {strides = array<i32>} : memref<8x2048xf32, #tpu.memory_space<vmem>>, vector<8x2048xf32>,
      %get3A_243 = arith.constant 80 : index
      %get3A_244 = arith.constant 0 : index
      %get3A_245 = vector.load %arg1[%get3A_243, %get3A_244] : memref<1024x2048xf32, #tpu.memory_space<vmem>>, vector<8x2048xf32>
      %add3A_246 = arith.constant 80 : i32
      %add3A_247 = arith.addi %mul3A_18, %add3A_246 : i32
      %iota3A_248 = tpu.iota {dimensions = array<i32: 0>} : vector<8x2048xi32>
      %add3A_249 = vector.broadcast %add3A_247 : i32 to vector<8x2048xi32>
      %add3A_250 = arith.addi %add3A_249, %iota3A_248 : vector<8x2048xi32>
      %eq3A_251 = vector.broadcast %get3A_1 : vector<1x2048xi32> to vector<8x2048xi32>
      %eq3A_252 = arith.cmpi eq, %add3A_250, %eq3A_251 : vector<8x2048xi32>
      %jit3A_253 = arith.constant -0.899999976 : f32
      %jit3A_254 = arith.constant -1.000020e-06 : f32
      %broadcast_in_dim3A_255 = vector.broadcast %jit3A_253 : f32 to vector<8x2048xf32>
      %broadcast_in_dim3A_256 = vector.broadcast %jit3A_254 : f32 to vector<8x2048xf32>
      %select_n3A_257 = arith.select %eq3A_252, %broadcast_in_dim3A_255, %broadcast_in_dim3A_256 : vector<8x2048xi1>, vector<8x2048xf32>
      %get3A_258 = arith.constant 0 : index
      %get3A_259 = arith.constant 0 : index
      %get3A_260 = vector.load %arg4[%get3A_258, %get3A_259] : memref<8x2048xf32, #tpu.memory_space<vmem>>, vector<8x2048xf32>
      %mul3A_261 = arith.mulf %select_n3A_257, %get3A_245 : vector<8x2048xf32>
      %add3A_262 = arith.addf %get3A_260, %mul3A_261 : vector<8x2048xf32>
      %swap3A_263 = arith.constant 0 : index
      %swap3A_264 = arith.constant 0 : index
      %swap3A_265 = vector.load %arg4[%swap3A_263, %swap3A_264] : memref<8x2048xf32, #tpu.memory_space<vmem>>, vector<8x2048xf32>
      tpu.vector_store %arg4[%swap3A_263, %swap3A_264], %add3A_262 {strides = array<i32>} : memref<8x2048xf32, #tpu.memory_space<vmem>>, vector<8x2048xf32>,
      %get3A_266 = arith.constant 88 : index
      %get3A_267 = arith.constant 0 : index
      %get3A_268 = vector.load %arg1[%get3A_266, %get3A_267] : memref<1024x2048xf32, #tpu.memory_space<vmem>>, vector<8x2048xf32>
      %add3A_269 = arith.constant 88 : i32
      %add3A_270 = arith.addi %mul3A_18, %add3A_269 : i32
      %iota3A_271 = tpu.iota {dimensions = array<i32: 0>} : vector<8x2048xi32>
      %add3A_272 = vector.broadcast %add3A_270 : i32 to vector<8x2048xi32>
      %add3A_273 = arith.addi %add3A_272, %iota3A_271 : vector<8x2048xi32>
      %eq3A_274 = vector.broadcast %get3A_1 : vector<1x2048xi32> to vector<8x2048xi32>
      %eq3A_275 = arith.cmpi eq, %add3A_273, %eq3A_274 : vector<8x2048xi32>
      %jit3A_276 = arith.constant -0.899999976 : f32
      %jit3A_277 = arith.constant -1.000020e-06 : f32
      %broadcast_in_dim3A_278 = vector.broadcast %jit3A_276 : f32 to vector<8x2048xf32>
      %broadcast_in_dim3A_279 = vector.broadcast %jit3A_277 : f32 to vector<8x2048xf32>
      %select_n3A_280 = arith.select %eq3A_275, %broadcast_in_dim3A_278, %broadcast_in_dim3A_279 : vector<8x2048xi1>, vector<8x2048xf32>
      %get3A_281 = arith.constant 0 : index
      %get3A_282 = arith.constant 0 : index
      %get3A_283 = vector.load %arg4[%get3A_281, %get3A_282] : memref<8x2048xf32, #tpu.memory_space<vmem>>, vector<8x2048xf32>
      %mul3A_284 = arith.mulf %select_n3A_280, %get3A_268 : vector<8x2048xf32>
      %add3A_285 = arith.addf %get3A_283, %mul3A_284 : vector<8x2048xf32>
      %swap3A_286 = arith.constant 0 : index
      %swap3A_287 = arith.constant 0 : index
      %swap3A_288 = vector.load %arg4[%swap3A_286, %swap3A_287] : memref<8x2048xf32, #tpu.memory_space<vmem>>, vector<8x2048xf32>
      tpu.vector_store %arg4[%swap3A_286, %swap3A_287], %add3A_285 {strides = array<i32>} : memref<8x2048xf32, #tpu.memory_space<vmem>>, vector<8x2048xf32>,
      %get3A_289 = arith.constant 96 : index
      %get3A_290 = arith.constant 0 : index
      %get3A_291 = vector.load %arg1[%get3A_289, %get3A_290] : memref<1024x2048xf32, #tpu.memory_space<vmem>>, vector<8x2048xf32>
      %add3A_292 = arith.constant 96 : i32
      %add3A_293 = arith.addi %mul3A_18, %add3A_292 : i32
      %iota3A_294 = tpu.iota {dimensions = array<i32: 0>} : vector<8x2048xi32>
      %add3A_295 = vector.broadcast %add3A_293 : i32 to vector<8x2048xi32>
      %add3A_296 = arith.addi %add3A_295, %iota3A_294 : vector<8x2048xi32>
      %eq3A_297 = vector.broadcast %get3A_1 : vector<1x2048xi32> to vector<8x2048xi32>
      %eq3A_298 = arith.cmpi eq, %add3A_296, %eq3A_297 : vector<8x2048xi32>
      %jit3A_299 = arith.constant -0.899999976 : f32
      %jit3A_300 = arith.constant -1.000020e-06 : f32
      %broadcast_in_dim3A_301 = vector.broadcast %jit3A_299 : f32 to vector<8x2048xf32>
      %broadcast_in_dim3A_302 = vector.broadcast %jit3A_300 : f32 to vector<8x2048xf32>
      %select_n3A_303 = arith.select %eq3A_298, %broadcast_in_dim3A_301, %broadcast_in_dim3A_302 : vector<8x2048xi1>, vector<8x2048xf32>
      %get3A_304 = arith.constant 0 : index
      %get3A_305 = arith.constant 0 : index
      %get3A_306 = vector.load %arg4[%get3A_304, %get3A_305] : memref<8x2048xf32, #tpu.memory_space<vmem>>, vector<8x2048xf32>
      %mul3A_307 = arith.mulf %select_n3A_303, %get3A_291 : vector<8x2048xf32>
      %add3A_308 = arith.addf %get3A_306, %mul3A_307 : vector<8x2048xf32>
      %swap3A_309 = arith.constant 0 : index
      %swap3A_310 = arith.constant 0 : index
      %swap3A_311 = vector.load %arg4[%swap3A_309, %swap3A_310] : memref<8x2048xf32, #tpu.memory_space<vmem>>, vector<8x2048xf32>
      tpu.vector_store %arg4[%swap3A_309, %swap3A_310], %add3A_308 {strides = array<i32>} : memref<8x2048xf32, #tpu.memory_space<vmem>>, vector<8x2048xf32>,
      %get3A_312 = arith.constant 104 : index
      %get3A_313 = arith.constant 0 : index
      %get3A_314 = vector.load %arg1[%get3A_312, %get3A_313] : memref<1024x2048xf32, #tpu.memory_space<vmem>>, vector<8x2048xf32>
      %add3A_315 = arith.constant 104 : i32
      %add3A_316 = arith.addi %mul3A_18, %add3A_315 : i32
      %iota3A_317 = tpu.iota {dimensions = array<i32: 0>} : vector<8x2048xi32>
      %add3A_318 = vector.broadcast %add3A_316 : i32 to vector<8x2048xi32>
      %add3A_319 = arith.addi %add3A_318, %iota3A_317 : vector<8x2048xi32>
      %eq3A_320 = vector.broadcast %get3A_1 : vector<1x2048xi32> to vector<8x2048xi32>
      %eq3A_321 = arith.cmpi eq, %add3A_319, %eq3A_320 : vector<8x2048xi32>
      %jit3A_322 = arith.constant -0.899999976 : f32
      %jit3A_323 = arith.constant -1.000020e-06 : f32
      %broadcast_in_dim3A_324 = vector.broadcast %jit3A_322 : f32 to vector<8x2048xf32>
      %broadcast_in_dim3A_325 = vector.broadcast %jit3A_323 : f32 to vector<8x2048xf32>
      %select_n3A_326 = arith.select %eq3A_321, %broadcast_in_dim3A_324, %broadcast_in_dim3A_325 : vector<8x2048xi1>, vector<8x2048xf32>
      %get3A_327 = arith.constant 0 : index
      %get3A_328 = arith.constant 0 : index
      %get3A_329 = vector.load %arg4[%get3A_327, %get3A_328] : memref<8x2048xf32, #tpu.memory_space<vmem>>, vector<8x2048xf32>
      %mul3A_330 = arith.mulf %select_n3A_326, %get3A_314 : vector<8x2048xf32>
      %add3A_331 = arith.addf %get3A_329, %mul3A_330 : vector<8x2048xf32>
      %swap3A_332 = arith.constant 0 : index
      %swap3A_333 = arith.constant 0 : index
      %swap3A_334 = vector.load %arg4[%swap3A_332, %swap3A_333] : memref<8x2048xf32, #tpu.memory_space<vmem>>, vector<8x2048xf32>
      tpu.vector_store %arg4[%swap3A_332, %swap3A_333], %add3A_331 {strides = array<i32>} : memref<8x2048xf32, #tpu.memory_space<vmem>>, vector<8x2048xf32>,
      %get3A_335 = arith.constant 112 : index
      %get3A_336 = arith.constant 0 : index
      %get3A_337 = vector.load %arg1[%get3A_335, %get3A_336] : memref<1024x2048xf32, #tpu.memory_space<vmem>>, vector<8x2048xf32>
      %add3A_338 = arith.constant 112 : i32
      %add3A_339 = arith.addi %mul3A_18, %add3A_338 : i32
      %iota3A_340 = tpu.iota {dimensions = array<i32: 0>} : vector<8x2048xi32>
      %add3A_341 = vector.broadcast %add3A_339 : i32 to vector<8x2048xi32>
      %add3A_342 = arith.addi %add3A_341, %iota3A_340 : vector<8x2048xi32>
      %eq3A_343 = vector.broadcast %get3A_1 : vector<1x2048xi32> to vector<8x2048xi32>
      %eq3A_344 = arith.cmpi eq, %add3A_342, %eq3A_343 : vector<8x2048xi32>
      %jit3A_345 = arith.constant -0.899999976 : f32
      %jit3A_346 = arith.constant -1.000020e-06 : f32
      %broadcast_in_dim3A_347 = vector.broadcast %jit3A_345 : f32 to vector<8x2048xf32>
      %broadcast_in_dim3A_348 = vector.broadcast %jit3A_346 : f32 to vector<8x2048xf32>
      %select_n3A_349 = arith.select %eq3A_344, %broadcast_in_dim3A_347, %broadcast_in_dim3A_348 : vector<8x2048xi1>, vector<8x2048xf32>
      %get3A_350 = arith.constant 0 : index
      %get3A_351 = arith.constant 0 : index
      %get3A_352 = vector.load %arg4[%get3A_350, %get3A_351] : memref<8x2048xf32, #tpu.memory_space<vmem>>, vector<8x2048xf32>
      %mul3A_353 = arith.mulf %select_n3A_349, %get3A_337 : vector<8x2048xf32>
      %add3A_354 = arith.addf %get3A_352, %mul3A_353 : vector<8x2048xf32>
      %swap3A_355 = arith.constant 0 : index
      %swap3A_356 = arith.constant 0 : index
      %swap3A_357 = vector.load %arg4[%swap3A_355, %swap3A_356] : memref<8x2048xf32, #tpu.memory_space<vmem>>, vector<8x2048xf32>
      tpu.vector_store %arg4[%swap3A_355, %swap3A_356], %add3A_354 {strides = array<i32>} : memref<8x2048xf32, #tpu.memory_space<vmem>>, vector<8x2048xf32>,
      %get3A_358 = arith.constant 120 : index
      %get3A_359 = arith.constant 0 : index
      %get3A_360 = vector.load %arg1[%get3A_358, %get3A_359] : memref<1024x2048xf32, #tpu.memory_space<vmem>>, vector<8x2048xf32>
      %add3A_361 = arith.constant 120 : i32
      %add3A_362 = arith.addi %mul3A_18, %add3A_361 : i32
      %iota3A_363 = tpu.iota {dimensions = array<i32: 0>} : vector<8x2048xi32>
      %add3A_364 = vector.broadcast %add3A_362 : i32 to vector<8x2048xi32>
      %add3A_365 = arith.addi %add3A_364, %iota3A_363 : vector<8x2048xi32>
      %eq3A_366 = vector.broadcast %get3A_1 : vector<1x2048xi32> to vector<8x2048xi32>
      %eq3A_367 = arith.cmpi eq, %add3A_365, %eq3A_366 : vector<8x2048xi32>
      %jit3A_368 = arith.constant -0.899999976 : f32
      %jit3A_369 = arith.constant -1.000020e-06 : f32
      %broadcast_in_dim3A_370 = vector.broadcast %jit3A_368 : f32 to vector<8x2048xf32>
      %broadcast_in_dim3A_371 = vector.broadcast %jit3A_369 : f32 to vector<8x2048xf32>
      %select_n3A_372 = arith.select %eq3A_367, %broadcast_in_dim3A_370, %broadcast_in_dim3A_371 : vector<8x2048xi1>, vector<8x2048xf32>
      %get3A_373 = arith.constant 0 : index
      %get3A_374 = arith.constant 0 : index
      %get3A_375 = vector.load %arg4[%get3A_373, %get3A_374] : memref<8x2048xf32, #tpu.memory_space<vmem>>, vector<8x2048xf32>
      %mul3A_376 = arith.mulf %select_n3A_372, %get3A_360 : vector<8x2048xf32>
      %add3A_377 = arith.addf %get3A_375, %mul3A_376 : vector<8x2048xf32>
      %swap3A_378 = arith.constant 0 : index
      %swap3A_379 = arith.constant 0 : index
      %swap3A_380 = vector.load %arg4[%swap3A_378, %swap3A_379] : memref<8x2048xf32, #tpu.memory_space<vmem>>, vector<8x2048xf32>
      tpu.vector_store %arg4[%swap3A_378, %swap3A_379], %add3A_377 {strides = array<i32>} : memref<8x2048xf32, #tpu.memory_space<vmem>>, vector<8x2048xf32>,
      %get3A_381 = arith.constant 128 : index
      %get3A_382 = arith.constant 0 : index
      %get3A_383 = vector.load %arg1[%get3A_381, %get3A_382] : memref<1024x2048xf32, #tpu.memory_space<vmem>>, vector<8x2048xf32>
      %add3A_384 = arith.constant 128 : i32
      %add3A_385 = arith.addi %mul3A_18, %add3A_384 : i32
      %iota3A_386 = tpu.iota {dimensions = array<i32: 0>} : vector<8x2048xi32>
      %add3A_387 = vector.broadcast %add3A_385 : i32 to vector<8x2048xi32>
      %add3A_388 = arith.addi %add3A_387, %iota3A_386 : vector<8x2048xi32>
      %eq3A_389 = vector.broadcast %get3A_1 : vector<1x2048xi32> to vector<8x2048xi32>
      %eq3A_390 = arith.cmpi eq, %add3A_388, %eq3A_389 : vector<8x2048xi32>
      %jit3A_391 = arith.constant -0.899999976 : f32
      %jit3A_392 = arith.constant -1.000020e-06 : f32
      %broadcast_in_dim3A_393 = vector.broadcast %jit3A_391 : f32 to vector<8x2048xf32>
      %broadcast_in_dim3A_394 = vector.broadcast %jit3A_392 : f32 to vector<8x2048xf32>
      %select_n3A_395 = arith.select %eq3A_390, %broadcast_in_dim3A_393, %broadcast_in_dim3A_394 : vector<8x2048xi1>, vector<8x2048xf32>
      %get3A_396 = arith.constant 0 : index
      %get3A_397 = arith.constant 0 : index
      %get3A_398 = vector.load %arg4[%get3A_396, %get3A_397] : memref<8x2048xf32, #tpu.memory_space<vmem>>, vector<8x2048xf32>
      %mul3A_399 = arith.mulf %select_n3A_395, %get3A_383 : vector<8x2048xf32>
      %add3A_400 = arith.addf %get3A_398, %mul3A_399 : vector<8x2048xf32>
      %swap3A_401 = arith.constant 0 : index
      %swap3A_402 = arith.constant 0 : index
      %swap3A_403 = vector.load %arg4[%swap3A_401, %swap3A_402] : memref<8x2048xf32, #tpu.memory_space<vmem>>, vector<8x2048xf32>
      tpu.vector_store %arg4[%swap3A_401, %swap3A_402], %add3A_400 {strides = array<i32>} : memref<8x2048xf32, #tpu.memory_space<vmem>>, vector<8x2048xf32>,
      %get3A_404 = arith.constant 136 : index
      %get3A_405 = arith.constant 0 : index
      %get3A_406 = vector.load %arg1[%get3A_404, %get3A_405] : memref<1024x2048xf32, #tpu.memory_space<vmem>>, vector<8x2048xf32>
      %add3A_407 = arith.constant 136 : i32
      %add3A_408 = arith.addi %mul3A_18, %add3A_407 : i32
      %iota3A_409 = tpu.iota {dimensions = array<i32: 0>} : vector<8x2048xi32>
      %add3A_410 = vector.broadcast %add3A_408 : i32 to vector<8x2048xi32>
      %add3A_411 = arith.addi %add3A_410, %iota3A_409 : vector<8x2048xi32>
      %eq3A_412 = vector.broadcast %get3A_1 : vector<1x2048xi32> to vector<8x2048xi32>
      %eq3A_413 = arith.cmpi eq, %add3A_411, %eq3A_412 : vector<8x2048xi32>
      %jit3A_414 = arith.constant -0.899999976 : f32
      %jit3A_415 = arith.constant -1.000020e-06 : f32
      %broadcast_in_dim3A_416 = vector.broadcast %jit3A_414 : f32 to vector<8x2048xf32>
      %broadcast_in_dim3A_417 = vector.broadcast %jit3A_415 : f32 to vector<8x2048xf32>
      %select_n3A_418 = arith.select %eq3A_413, %broadcast_in_dim3A_416, %broadcast_in_dim3A_417 : vector<8x2048xi1>, vector<8x2048xf32>
      %get3A_419 = arith.constant 0 : index
      %get3A_420 = arith.constant 0 : index
      %get3A_421 = vector.load %arg4[%get3A_419, %get3A_420] : memref<8x2048xf32, #tpu.memory_space<vmem>>, vector<8x2048xf32>
      %mul3A_422 = arith.mulf %select_n3A_418, %get3A_406 : vector<8x2048xf32>
      %add3A_423 = arith.addf %get3A_421, %mul3A_422 : vector<8x2048xf32>
      %swap3A_424 = arith.constant 0 : index
      %swap3A_425 = arith.constant 0 : index
      %swap3A_426 = vector.load %arg4[%swap3A_424, %swap3A_425] : memref<8x2048xf32, #tpu.memory_space<vmem>>, vector<8x2048xf32>
      tpu.vector_store %arg4[%swap3A_424, %swap3A_425], %add3A_423 {strides = array<i32>} : memref<8x2048xf32, #tpu.memory_space<vmem>>, vector<8x2048xf32>,
      %get3A_427 = arith.constant 144 : index
      %get3A_428 = arith.constant 0 : index
      %get3A_429 = vector.load %arg1[%get3A_427, %get3A_428] : memref<1024x2048xf32, #tpu.memory_space<vmem>>, vector<8x2048xf32>
      %add3A_430 = arith.constant 144 : i32
      %add3A_431 = arith.addi %mul3A_18, %add3A_430 : i32
      %iota3A_432 = tpu.iota {dimensions = array<i32: 0>} : vector<8x2048xi32>
      %add3A_433 = vector.broadcast %add3A_431 : i32 to vector<8x2048xi32>
      %add3A_434 = arith.addi %add3A_433, %iota3A_432 : vector<8x2048xi32>
      %eq3A_435 = vector.broadcast %get3A_1 : vector<1x2048xi32> to vector<8x2048xi32>
      %eq3A_436 = arith.cmpi eq, %add3A_434, %eq3A_435 : vector<8x2048xi32>
      %jit3A_437 = arith.constant -0.899999976 : f32
      %jit3A_438 = arith.constant -1.000020e-06 : f32
      %broadcast_in_dim3A_439 = vector.broadcast %jit3A_437 : f32 to vector<8x2048xf32>
      %broadcast_in_dim3A_440 = vector.broadcast %jit3A_438 : f32 to vector<8x2048xf32>
      %select_n3A_441 = arith.select %eq3A_436, %broadcast_in_dim3A_439, %broadcast_in_dim3A_440 : vector<8x2048xi1>, vector<8x2048xf32>
      %get3A_442 = arith.constant 0 : index
      %get3A_443 = arith.constant 0 : index
      %get3A_444 = vector.load %arg4[%get3A_442, %get3A_443] : memref<8x2048xf32, #tpu.memory_space<vmem>>, vector<8x2048xf32>
      %mul3A_445 = arith.mulf %select_n3A_441, %get3A_429 : vector<8x2048xf32>
      %add3A_446 = arith.addf %get3A_444, %mul3A_445 : vector<8x2048xf32>
      %swap3A_447 = arith.constant 0 : index
      %swap3A_448 = arith.constant 0 : index
      %swap3A_449 = vector.load %arg4[%swap3A_447, %swap3A_448] : memref<8x2048xf32, #tpu.memory_space<vmem>>, vector<8x2048xf32>
      tpu.vector_store %arg4[%swap3A_447, %swap3A_448], %add3A_446 {strides = array<i32>} : memref<8x2048xf32, #tpu.memory_space<vmem>>, vector<8x2048xf32>,
      %get3A_450 = arith.constant 152 : index
      %get3A_451 = arith.constant 0 : index
      %get3A_452 = vector.load %arg1[%get3A_450, %get3A_451] : memref<1024x2048xf32, #tpu.memory_space<vmem>>, vector<8x2048xf32>
      %add3A_453 = arith.constant 152 : i32
      %add3A_454 = arith.addi %mul3A_18, %add3A_453 : i32
      %iota3A_455 = tpu.iota {dimensions = array<i32: 0>} : vector<8x2048xi32>
      %add3A_456 = vector.broadcast %add3A_454 : i32 to vector<8x2048xi32>
      %add3A_457 = arith.addi %add3A_456, %iota3A_455 : vector<8x2048xi32>
      %eq3A_458 = vector.broadcast %get3A_1 : vector<1x2048xi32> to vector<8x2048xi32>
      %eq3A_459 = arith.cmpi eq, %add3A_457, %eq3A_458 : vector<8x2048xi32>
      %jit3A_460 = arith.constant -0.899999976 : f32
      %jit3A_461 = arith.constant -1.000020e-06 : f32
      %broadcast_in_dim3A_462 = vector.broadcast %jit3A_460 : f32 to vector<8x2048xf32>
      %broadcast_in_dim3A_463 = vector.broadcast %jit3A_461 : f32 to vector<8x2048xf32>
      %select_n3A_464 = arith.select %eq3A_459, %broadcast_in_dim3A_462, %broadcast_in_dim3A_463 : vector<8x2048xi1>, vector<8x2048xf32>
      %get3A_465 = arith.constant 0 : index
      %get3A_466 = arith.constant 0 : index
      %get3A_467 = vector.load %arg4[%get3A_465, %get3A_466] : memref<8x2048xf32, #tpu.memory_space<vmem>>, vector<8x2048xf32>
      %mul3A_468 = arith.mulf %select_n3A_464, %get3A_452 : vector<8x2048xf32>
      %add3A_469 = arith.addf %get3A_467, %mul3A_468 : vector<8x2048xf32>
      %swap3A_470 = arith.constant 0 : index
      %swap3A_471 = arith.constant 0 : index
      %swap3A_472 = vector.load %arg4[%swap3A_470, %swap3A_471] : memref<8x2048xf32, #tpu.memory_space<vmem>>, vector<8x2048xf32>
      tpu.vector_store %arg4[%swap3A_470, %swap3A_471], %add3A_469 {strides = array<i32>} : memref<8x2048xf32, #tpu.memory_space<vmem>>, vector<8x2048xf32>,
      %get3A_473 = arith.constant 160 : index
      %get3A_474 = arith.constant 0 : index
      %get3A_475 = vector.load %arg1[%get3A_473, %get3A_474] : memref<1024x2048xf32, #tpu.memory_space<vmem>>, vector<8x2048xf32>
      %add3A_476 = arith.constant 160 : i32
      %add3A_477 = arith.addi %mul3A_18, %add3A_476 : i32
      %iota3A_478 = tpu.iota {dimensions = array<i32: 0>} : vector<8x2048xi32>
      %add3A_479 = vector.broadcast %add3A_477 : i32 to vector<8x2048xi32>
      %add3A_480 = arith.addi %add3A_479, %iota3A_478 : vector<8x2048xi32>
      %eq3A_481 = vector.broadcast %get3A_1 : vector<1x2048xi32> to vector<8x2048xi32>
      %eq3A_482 = arith.cmpi eq, %add3A_480, %eq3A_481 : vector<8x2048xi32>
      %jit3A_483 = arith.constant -0.899999976 : f32
      %jit3A_484 = arith.constant -1.000020e-06 : f32
      %broadcast_in_dim3A_485 = vector.broadcast %jit3A_483 : f32 to vector<8x2048xf32>
      %broadcast_in_dim3A_486 = vector.broadcast %jit3A_484 : f32 to vector<8x2048xf32>
      %select_n3A_487 = arith.select %eq3A_482, %broadcast_in_dim3A_485, %broadcast_in_dim3A_486 : vector<8x2048xi1>, vector<8x2048xf32>
      %get3A_488 = arith.constant 0 : index
      %get3A_489 = arith.constant 0 : index
      %get3A_490 = vector.load %arg4[%get3A_488, %get3A_489] : memref<8x2048xf32, #tpu.memory_space<vmem>>, vector<8x2048xf32>
      %mul3A_491 = arith.mulf %select_n3A_487, %get3A_475 : vector<8x2048xf32>
      %add3A_492 = arith.addf %get3A_490, %mul3A_491 : vector<8x2048xf32>
      %swap3A_493 = arith.constant 0 : index
      %swap3A_494 = arith.constant 0 : index
      %swap3A_495 = vector.load %arg4[%swap3A_493, %swap3A_494] : memref<8x2048xf32, #tpu.memory_space<vmem>>, vector<8x2048xf32>
      tpu.vector_store %arg4[%swap3A_493, %swap3A_494], %add3A_492 {strides = array<i32>} : memref<8x2048xf32, #tpu.memory_space<vmem>>, vector<8x2048xf32>,
      %get3A_496 = arith.constant 168 : index
      %get3A_497 = arith.constant 0 : index
      %get3A_498 = vector.load %arg1[%get3A_496, %get3A_497] : memref<1024x2048xf32, #tpu.memory_space<vmem>>, vector<8x2048xf32>
      %add3A_499 = arith.constant 168 : i32
      %add3A_500 = arith.addi %mul3A_18, %add3A_499 : i32
      %iota3A_501 = tpu.iota {dimensions = array<i32: 0>} : vector<8x2048xi32>
      %add3A_502 = vector.broadcast %add3A_500 : i32 to vector<8x2048xi32>
      %add3A_503 = arith.addi %add3A_502, %iota3A_501 : vector<8x2048xi32>
      %eq3A_504 = vector.broadcast %get3A_1 : vector<1x2048xi32> to vector<8x2048xi32>
      %eq3A_505 = arith.cmpi eq, %add3A_503, %eq3A_504 : vector<8x2048xi32>
      %jit3A_506 = arith.constant -0.899999976 : f32
      %jit3A_507 = arith.constant -1.000020e-06 : f32
      %broadcast_in_dim3A_508 = vector.broadcast %jit3A_506 : f32 to vector<8x2048xf32>
      %broadcast_in_dim3A_509 = vector.broadcast %jit3A_507 : f32 to vector<8x2048xf32>
      %select_n3A_510 = arith.select %eq3A_505, %broadcast_in_dim3A_508, %broadcast_in_dim3A_509 : vector<8x2048xi1>, vector<8x2048xf32>
      %get3A_511 = arith.constant 0 : index
      %get3A_512 = arith.constant 0 : index
      %get3A_513 = vector.load %arg4[%get3A_511, %get3A_512] : memref<8x2048xf32, #tpu.memory_space<vmem>>, vector<8x2048xf32>
      %mul3A_514 = arith.mulf %select_n3A_510, %get3A_498 : vector<8x2048xf32>
      %add3A_515 = arith.addf %get3A_513, %mul3A_514 : vector<8x2048xf32>
      %swap3A_516 = arith.constant 0 : index
      %swap3A_517 = arith.constant 0 : index
      %swap3A_518 = vector.load %arg4[%swap3A_516, %swap3A_517] : memref<8x2048xf32, #tpu.memory_space<vmem>>, vector<8x2048xf32>
      tpu.vector_store %arg4[%swap3A_516, %swap3A_517], %add3A_515 {strides = array<i32>} : memref<8x2048xf32, #tpu.memory_space<vmem>>, vector<8x2048xf32>,
      %get3A_519 = arith.constant 176 : index
      %get3A_520 = arith.constant 0 : index
      %get3A_521 = vector.load %arg1[%get3A_519, %get3A_520] : memref<1024x2048xf32, #tpu.memory_space<vmem>>, vector<8x2048xf32>
      %add3A_522 = arith.constant 176 : i32
      %add3A_523 = arith.addi %mul3A_18, %add3A_522 : i32
      %iota3A_524 = tpu.iota {dimensions = array<i32: 0>} : vector<8x2048xi32>
      %add3A_525 = vector.broadcast %add3A_523 : i32 to vector<8x2048xi32>
      %add3A_526 = arith.addi %add3A_525, %iota3A_524 : vector<8x2048xi32>
      %eq3A_527 = vector.broadcast %get3A_1 : vector<1x2048xi32> to vector<8x2048xi32>
      %eq3A_528 = arith.cmpi eq, %add3A_526, %eq3A_527 : vector<8x2048xi32>
      %jit3A_529 = arith.constant -0.899999976 : f32
      %jit3A_530 = arith.constant -1.000020e-06 : f32
      %broadcast_in_dim3A_531 = vector.broadcast %jit3A_529 : f32 to vector<8x2048xf32>
      %broadcast_in_dim3A_532 = vector.broadcast %jit3A_530 : f32 to vector<8x2048xf32>
      %select_n3A_533 = arith.select %eq3A_528, %broadcast_in_dim3A_531, %broadcast_in_dim3A_532 : vector<8x2048xi1>, vector<8x2048xf32>
      %get3A_534 = arith.constant 0 : index
      %get3A_535 = arith.constant 0 : index
      %get3A_536 = vector.load %arg4[%get3A_534, %get3A_535] : memref<8x2048xf32, #tpu.memory_space<vmem>>, vector<8x2048xf32>
      %mul3A_537 = arith.mulf %select_n3A_533, %get3A_521 : vector<8x2048xf32>
      %add3A_538 = arith.addf %get3A_536, %mul3A_537 : vector<8x2048xf32>
      %swap3A_539 = arith.constant 0 : index
      %swap3A_540 = arith.constant 0 : index
      %swap3A_541 = vector.load %arg4[%swap3A_539, %swap3A_540] : memref<8x2048xf32, #tpu.memory_space<vmem>>, vector<8x2048xf32>
      tpu.vector_store %arg4[%swap3A_539, %swap3A_540], %add3A_538 {strides = array<i32>} : memref<8x2048xf32, #tpu.memory_space<vmem>>, vector<8x2048xf32>,
      %get3A_542 = arith.constant 184 : index
      %get3A_543 = arith.constant 0 : index
      %get3A_544 = vector.load %arg1[%get3A_542, %get3A_543] : memref<1024x2048xf32, #tpu.memory_space<vmem>>, vector<8x2048xf32>
      %add3A_545 = arith.constant 184 : i32
      %add3A_546 = arith.addi %mul3A_18, %add3A_545 : i32
      %iota3A_547 = tpu.iota {dimensions = array<i32: 0>} : vector<8x2048xi32>
      %add3A_548 = vector.broadcast %add3A_546 : i32 to vector<8x2048xi32>
      %add3A_549 = arith.addi %add3A_548, %iota3A_547 : vector<8x2048xi32>
      %eq3A_550 = vector.broadcast %get3A_1 : vector<1x2048xi32> to vector<8x2048xi32>
      %eq3A_551 = arith.cmpi eq, %add3A_549, %eq3A_550 : vector<8x2048xi32>
      %jit3A_552 = arith.constant -0.899999976 : f32
      %jit3A_553 = arith.constant -1.000020e-06 : f32
      %broadcast_in_dim3A_554 = vector.broadcast %jit3A_552 : f32 to vector<8x2048xf32>
      %broadcast_in_dim3A_555 = vector.broadcast %jit3A_553 : f32 to vector<8x2048xf32>
      %select_n3A_556 = arith.select %eq3A_551, %broadcast_in_dim3A_554, %broadcast_in_dim3A_555 : vector<8x2048xi1>, vector<8x2048xf32>
      %get3A_557 = arith.constant 0 : index
      %get3A_558 = arith.constant 0 : index
      %get3A_559 = vector.load %arg4[%get3A_557, %get3A_558] : memref<8x2048xf32, #tpu.memory_space<vmem>>, vector<8x2048xf32>
      %mul3A_560 = arith.mulf %select_n3A_556, %get3A_544 : vector<8x2048xf32>
      %add3A_561 = arith.addf %get3A_559, %mul3A_560 : vector<8x2048xf32>
      %swap3A_562 = arith.constant 0 : index
      %swap3A_563 = arith.constant 0 : index
      %swap3A_564 = vector.load %arg4[%swap3A_562, %swap3A_563] : memref<8x2048xf32, #tpu.memory_space<vmem>>, vector<8x2048xf32>
      tpu.vector_store %arg4[%swap3A_562, %swap3A_563], %add3A_561 {strides = array<i32>} : memref<8x2048xf32, #tpu.memory_space<vmem>>, vector<8x2048xf32>,
      %get3A_565 = arith.constant 192 : index
      %get3A_566 = arith.constant 0 : index
      %get3A_567 = vector.load %arg1[%get3A_565, %get3A_566] : memref<1024x2048xf32, #tpu.memory_space<vmem>>, vector<8x2048xf32>
      %add3A_568 = arith.constant 192 : i32
      %add3A_569 = arith.addi %mul3A_18, %add3A_568 : i32
      %iota3A_570 = tpu.iota {dimensions = array<i32: 0>} : vector<8x2048xi32>
      %add3A_571 = vector.broadcast %add3A_569 : i32 to vector<8x2048xi32>
      %add3A_572 = arith.addi %add3A_571, %iota3A_570 : vector<8x2048xi32>
      %eq3A_573 = vector.broadcast %get3A_1 : vector<1x2048xi32> to vector<8x2048xi32>
      %eq3A_574 = arith.cmpi eq, %add3A_572, %eq3A_573 : vector<8x2048xi32>
      %jit3A_575 = arith.constant -0.899999976 : f32
      %jit3A_576 = arith.constant -1.000020e-06 : f32
      %broadcast_in_dim3A_577 = vector.broadcast %jit3A_575 : f32 to vector<8x2048xf32>
      %broadcast_in_dim3A_578 = vector.broadcast %jit3A_576 : f32 to vector<8x2048xf32>
      %select_n3A_579 = arith.select %eq3A_574, %broadcast_in_dim3A_577, %broadcast_in_dim3A_578 : vector<8x2048xi1>, vector<8x2048xf32>
      %get3A_580 = arith.constant 0 : index
      %get3A_581 = arith.constant 0 : index
      %get3A_582 = vector.load %arg4[%get3A_580, %get3A_581] : memref<8x2048xf32, #tpu.memory_space<vmem>>, vector<8x2048xf32>
      %mul3A_583 = arith.mulf %select_n3A_579, %get3A_567 : vector<8x2048xf32>
      %add3A_584 = arith.addf %get3A_582, %mul3A_583 : vector<8x2048xf32>
      %swap3A_585 = arith.constant 0 : index
      %swap3A_586 = arith.constant 0 : index
      %swap3A_587 = vector.load %arg4[%swap3A_585, %swap3A_586] : memref<8x2048xf32, #tpu.memory_space<vmem>>, vector<8x2048xf32>
      tpu.vector_store %arg4[%swap3A_585, %swap3A_586], %add3A_584 {strides = array<i32>} : memref<8x2048xf32, #tpu.memory_space<vmem>>, vector<8x2048xf32>,
      %get3A_588 = arith.constant 200 : index
      %get3A_589 = arith.constant 0 : index
      %get3A_590 = vector.load %arg1[%get3A_588, %get3A_589] : memref<1024x2048xf32, #tpu.memory_space<vmem>>, vector<8x2048xf32>
      %add3A_591 = arith.constant 200 : i32
      %add3A_592 = arith.addi %mul3A_18, %add3A_591 : i32
      %iota3A_593 = tpu.iota {dimensions = array<i32: 0>} : vector<8x2048xi32>
      %add3A_594 = vector.broadcast %add3A_592 : i32 to vector<8x2048xi32>
      %add3A_595 = arith.addi %add3A_594, %iota3A_593 : vector<8x2048xi32>
      %eq3A_596 = vector.broadcast %get3A_1 : vector<1x2048xi32> to vector<8x2048xi32>
      %eq3A_597 = arith.cmpi eq, %add3A_595, %eq3A_596 : vector<8x2048xi32>
      %jit3A_598 = arith.constant -0.899999976 : f32
      %jit3A_599 = arith.constant -1.000020e-06 : f32
      %broadcast_in_dim3A_600 = vector.broadcast %jit3A_598 : f32 to vector<8x2048xf32>
      %broadcast_in_dim3A_601 = vector.broadcast %jit3A_599 : f32 to vector<8x2048xf32>
      %select_n3A_602 = arith.select %eq3A_597, %broadcast_in_dim3A_600, %broadcast_in_dim3A_601 : vector<8x2048xi1>, vector<8x2048xf32>
      %get3A_603 = arith.constant 0 : index
      %get3A_604 = arith.constant 0 : index
      %get3A_605 = vector.load %arg4[%get3A_603, %get3A_604] : memref<8x2048xf32, #tpu.memory_space<vmem>>, vector<8x2048xf32>
      %mul3A_606 = arith.mulf %select_n3A_602, %get3A_590 : vector<8x2048xf32>
      %add3A_607 = arith.addf %get3A_605, %mul3A_606 : vector<8x2048xf32>
      %swap3A_608 = arith.constant 0 : index
      %swap3A_609 = arith.constant 0 : index
      %swap3A_610 = vector.load %arg4[%swap3A_608, %swap3A_609] : memref<8x2048xf32, #tpu.memory_space<vmem>>, vector<8x2048xf32>
      tpu.vector_store %arg4[%swap3A_608, %swap3A_609], %add3A_607 {strides = array<i32>} : memref<8x2048xf32, #tpu.memory_space<vmem>>, vector<8x2048xf32>,
      %get3A_611 = arith.constant 208 : index
      %get3A_612 = arith.constant 0 : index
      %get3A_613 = vector.load %arg1[%get3A_611, %get3A_612] : memref<1024x2048xf32, #tpu.memory_space<vmem>>, vector<8x2048xf32>
      %add3A_614 = arith.constant 208 : i32
      %add3A_615 = arith.addi %mul3A_18, %add3A_614 : i32
      %iota3A_616 = tpu.iota {dimensions = array<i32: 0>} : vector<8x2048xi32>
      %add3A_617 = vector.broadcast %add3A_615 : i32 to vector<8x2048xi32>
      %add3A_618 = arith.addi %add3A_617, %iota3A_616 : vector<8x2048xi32>
      %eq3A_619 = vector.broadcast %get3A_1 : vector<1x2048xi32> to vector<8x2048xi32>
      %eq3A_620 = arith.cmpi eq, %add3A_618, %eq3A_619 : vector<8x2048xi32>
      %jit3A_621 = arith.constant -0.899999976 : f32
      %jit3A_622 = arith.constant -1.000020e-06 : f32
      %broadcast_in_dim3A_623 = vector.broadcast %jit3A_621 : f32 to vector<8x2048xf32>
      %broadcast_in_dim3A_624 = vector.broadcast %jit3A_622 : f32 to vector<8x2048xf32>
      %select_n3A_625 = arith.select %eq3A_620, %broadcast_in_dim3A_623, %broadcast_in_dim3A_624 : vector<8x2048xi1>, vector<8x2048xf32>
      %get3A_626 = arith.constant 0 : index
      %get3A_627 = arith.constant 0 : index
      %get3A_628 = vector.load %arg4[%get3A_626, %get3A_627] : memref<8x2048xf32, #tpu.memory_space<vmem>>, vector<8x2048xf32>
      %mul3A_629 = arith.mulf %select_n3A_625, %get3A_613 : vector<8x2048xf32>
      %add3A_630 = arith.addf %get3A_628, %mul3A_629 : vector<8x2048xf32>
      %swap3A_631 = arith.constant 0 : index
      %swap3A_632 = arith.constant 0 : index
      %swap3A_633 = vector.load %arg4[%swap3A_631, %swap3A_632] : memref<8x2048xf32, #tpu.memory_space<vmem>>, vector<8x2048xf32>
      tpu.vector_store %arg4[%swap3A_631, %swap3A_632], %add3A_630 {strides = array<i32>} : memref<8x2048xf32, #tpu.memory_space<vmem>>, vector<8x2048xf32>,
      %get3A_634 = arith.constant 216 : index
      %get3A_635 = arith.constant 0 : index
      %get3A_636 = vector.load %arg1[%get3A_634, %get3A_635] : memref<1024x2048xf32, #tpu.memory_space<vmem>>, vector<8x2048xf32>
      %add3A_637 = arith.constant 216 : i32
      %add3A_638 = arith.addi %mul3A_18, %add3A_637 : i32
      %iota3A_639 = tpu.iota {dimensions = array<i32: 0>} : vector<8x2048xi32>
      %add3A_640 = vector.broadcast %add3A_638 : i32 to vector<8x2048xi32>
      %add3A_641 = arith.addi %add3A_640, %iota3A_639 : vector<8x2048xi32>
      %eq3A_642 = vector.broadcast %get3A_1 : vector<1x2048xi32> to vector<8x2048xi32>
      %eq3A_643 = arith.cmpi eq, %add3A_641, %eq3A_642 : vector<8x2048xi32>
      %jit3A_644 = arith.constant -0.899999976 : f32
      %jit3A_645 = arith.constant -1.000020e-06 : f32
      %broadcast_in_dim3A_646 = vector.broadcast %jit3A_644 : f32 to vector<8x2048xf32>
      %broadcast_in_dim3A_647 = vector.broadcast %jit3A_645 : f32 to vector<8x2048xf32>
      %select_n3A_648 = arith.select %eq3A_643, %broadcast_in_dim3A_646, %broadcast_in_dim3A_647 : vector<8x2048xi1>, vector<8x2048xf32>
      %get3A_649 = arith.constant 0 : index
      %get3A_650 = arith.constant 0 : index
      %get3A_651 = vector.load %arg4[%get3A_649, %get3A_650] : memref<8x2048xf32, #tpu.memory_space<vmem>>, vector<8x2048xf32>
      %mul3A_652 = arith.mulf %select_n3A_648, %get3A_636 : vector<8x2048xf32>
      %add3A_653 = arith.addf %get3A_651, %mul3A_652 : vector<8x2048xf32>
      %swap3A_654 = arith.constant 0 : index
      %swap3A_655 = arith.constant 0 : index
      %swap3A_656 = vector.load %arg4[%swap3A_654, %swap3A_655] : memref<8x2048xf32, #tpu.memory_space<vmem>>, vector<8x2048xf32>
      tpu.vector_store %arg4[%swap3A_654, %swap3A_655], %add3A_653 {strides = array<i32>} : memref<8x2048xf32, #tpu.memory_space<vmem>>, vector<8x2048xf32>,
      %get3A_657 = arith.constant 224 : index
      %get3A_658 = arith.constant 0 : index
      %get3A_659 = vector.load %arg1[%get3A_657, %get3A_658] : memref<1024x2048xf32, #tpu.memory_space<vmem>>, vector<8x2048xf32>
      %add3A_660 = arith.constant 224 : i32
      %add3A_661 = arith.addi %mul3A_18, %add3A_660 : i32
      %iota3A_662 = tpu.iota {dimensions = array<i32: 0>} : vector<8x2048xi32>
      %add3A_663 = vector.broadcast %add3A_661 : i32 to vector<8x2048xi32>
      %add3A_664 = arith.addi %add3A_663, %iota3A_662 : vector<8x2048xi32>
      %eq3A_665 = vector.broadcast %get3A_1 : vector<1x2048xi32> to vector<8x2048xi32>
      %eq3A_666 = arith.cmpi eq, %add3A_664, %eq3A_665 : vector<8x2048xi32>
      %jit3A_667 = arith.constant -0.899999976 : f32
      %jit3A_668 = arith.constant -1.000020e-06 : f32
      %broadcast_in_dim3A_669 = vector.broadcast %jit3A_667 : f32 to vector<8x2048xf32>
      %broadcast_in_dim3A_670 = vector.broadcast %jit3A_668 : f32 to vector<8x2048xf32>
      %select_n3A_671 = arith.select %eq3A_666, %broadcast_in_dim3A_669, %broadcast_in_dim3A_670 : vector<8x2048xi1>, vector<8x2048xf32>
      %get3A_672 = arith.constant 0 : index
      %get3A_673 = arith.constant 0 : index
      %get3A_674 = vector.load %arg4[%get3A_672, %get3A_673] : memref<8x2048xf32, #tpu.memory_space<vmem>>, vector<8x2048xf32>
      %mul3A_675 = arith.mulf %select_n3A_671, %get3A_659 : vector<8x2048xf32>
      %add3A_676 = arith.addf %get3A_674, %mul3A_675 : vector<8x2048xf32>
      %swap3A_677 = arith.constant 0 : index
      %swap3A_678 = arith.constant 0 : index
      %swap3A_679 = vector.load %arg4[%swap3A_677, %swap3A_678] : memref<8x2048xf32, #tpu.memory_space<vmem>>, vector<8x2048xf32>
      tpu.vector_store %arg4[%swap3A_677, %swap3A_678], %add3A_676 {strides = array<i32>} : memref<8x2048xf32, #tpu.memory_space<vmem>>, vector<8x2048xf32>,
      %get3A_680 = arith.constant 232 : index
      %get3A_681 = arith.constant 0 : index
      %get3A_682 = vector.load %arg1[%get3A_680, %get3A_681] : memref<1024x2048xf32, #tpu.memory_space<vmem>>, vector<8x2048xf32>
      %add3A_683 = arith.constant 232 : i32
      %add3A_684 = arith.addi %mul3A_18, %add3A_683 : i32
      %iota3A_685 = tpu.iota {dimensions = array<i32: 0>} : vector<8x2048xi32>
      %add3A_686 = vector.broadcast %add3A_684 : i32 to vector<8x2048xi32>
      %add3A_687 = arith.addi %add3A_686, %iota3A_685 : vector<8x2048xi32>
      %eq3A_688 = vector.broadcast %get3A_1 : vector<1x2048xi32> to vector<8x2048xi32>
      %eq3A_689 = arith.cmpi eq, %add3A_687, %eq3A_688 : vector<8x2048xi32>
      %jit3A_690 = arith.constant -0.899999976 : f32
      %jit3A_691 = arith.constant -1.000020e-06 : f32
      %broadcast_in_dim3A_692 = vector.broadcast %jit3A_690 : f32 to vector<8x2048xf32>
      %broadcast_in_dim3A_693 = vector.broadcast %jit3A_691 : f32 to vector<8x2048xf32>
      %select_n3A_694 = arith.select %eq3A_689, %broadcast_in_dim3A_692, %broadcast_in_dim3A_693 : vector<8x2048xi1>, vector<8x2048xf32>
      %get3A_695 = arith.constant 0 : index
      %get3A_696 = arith.constant 0 : index
      %get3A_697 = vector.load %arg4[%get3A_695, %get3A_696] : memref<8x2048xf32, #tpu.memory_space<vmem>>, vector<8x2048xf32>
      %mul3A_698 = arith.mulf %select_n3A_694, %get3A_682 : vector<8x2048xf32>
      %add3A_699 = arith.addf %get3A_697, %mul3A_698 : vector<8x2048xf32>
      %swap3A_700 = arith.constant 0 : index
      %swap3A_701 = arith.constant 0 : index
      %swap3A_702 = vector.load %arg4[%swap3A_700, %swap3A_701] : memref<8x2048xf32, #tpu.memory_space<vmem>>, vector<8x2048xf32>
      tpu.vector_store %arg4[%swap3A_700, %swap3A_701], %add3A_699 {strides = array<i32>} : memref<8x2048xf32, #tpu.memory_space<vmem>>, vector<8x2048xf32>,
      %get3A_703 = arith.constant 240 : index
      %get3A_704 = arith.constant 0 : index
      %get3A_705 = vector.load %arg1[%get3A_703, %get3A_704] : memref<1024x2048xf32, #tpu.memory_space<vmem>>, vector<8x2048xf32>
      %add3A_706 = arith.constant 240 : i32
      %add3A_707 = arith.addi %mul3A_18, %add3A_706 : i32
      %iota3A_708 = tpu.iota {dimensions = array<i32: 0>} : vector<8x2048xi32>
      %add3A_709 = vector.broadcast %add3A_707 : i32 to vector<8x2048xi32>
      %add3A_710 = arith.addi %add3A_709, %iota3A_708 : vector<8x2048xi32>
      %eq3A_711 = vector.broadcast %get3A_1 : vector<1x2048xi32> to vector<8x2048xi32>
      %eq3A_712 = arith.cmpi eq, %add3A_710, %eq3A_711 : vector<8x2048xi32>
      %jit3A_713 = arith.constant -0.899999976 : f32
      %jit3A_714 = arith.constant -1.000020e-06 : f32
      %broadcast_in_dim3A_715 = vector.broadcast %jit3A_713 : f32 to vector<8x2048xf32>
      %broadcast_in_dim3A_716 = vector.broadcast %jit3A_714 : f32 to vector<8x2048xf32>
      %select_n3A_717 = arith.select %eq3A_712, %broadcast_in_dim3A_715, %broadcast_in_dim3A_716 : vector<8x2048xi1>, vector<8x2048xf32>
      %get3A_718 = arith.constant 0 : index
      %get3A_719 = arith.constant 0 : index
      %get3A_720 = vector.load %arg4[%get3A_718, %get3A_719] : memref<8x2048xf32, #tpu.memory_space<vmem>>, vector<8x2048xf32>
      %mul3A_721 = arith.mulf %select_n3A_717, %get3A_705 : vector<8x2048xf32>
      %add3A_722 = arith.addf %get3A_720, %mul3A_721 : vector<8x2048xf32>
      %swap3A_723 = arith.constant 0 : index
      %swap3A_724 = arith.constant 0 : index
      %swap3A_725 = vector.load %arg4[%swap3A_723, %swap3A_724] : memref<8x2048xf32, #tpu.memory_space<vmem>>, vector<8x2048xf32>
      tpu.vector_store %arg4[%swap3A_723, %swap3A_724], %add3A_722 {strides = array<i32>} : memref<8x2048xf32, #tpu.memory_space<vmem>>, vector<8x2048xf32>,
      %get3A_726 = arith.constant 248 : index
      %get3A_727 = arith.constant 0 : index
      %get3A_728 = vector.load %arg1[%get3A_726, %get3A_727] : memref<1024x2048xf32, #tpu.memory_space<vmem>>, vector<8x2048xf32>
      %add3A_729 = arith.constant 248 : i32
      %add3A_730 = arith.addi %mul3A_18, %add3A_729 : i32
      %iota3A_731 = tpu.iota {dimensions = array<i32: 0>} : vector<8x2048xi32>
      %add3A_732 = vector.broadcast %add3A_730 : i32 to vector<8x2048xi32>
      %add3A_733 = arith.addi %add3A_732, %iota3A_731 : vector<8x2048xi32>
      %eq3A_734 = vector.broadcast %get3A_1 : vector<1x2048xi32> to vector<8x2048xi32>
      %eq3A_735 = arith.cmpi eq, %add3A_733, %eq3A_734 : vector<8x2048xi32>
      %jit3A_736 = arith.constant -0.899999976 : f32
      %jit3A_737 = arith.constant -1.000020e-06 : f32
      %broadcast_in_dim3A_738 = vector.broadcast %jit3A_736 : f32 to vector<8x2048xf32>
      %broadcast_in_dim3A_739 = vector.broadcast %jit3A_737 : f32 to vector<8x2048xf32>
      %select_n3A_740 = arith.select %eq3A_735, %broadcast_in_dim3A_738, %broadcast_in_dim3A_739 : vector<8x2048xi1>, vector<8x2048xf32>
      %get3A_741 = arith.constant 0 : index
      %get3A_742 = arith.constant 0 : index
      %get3A_743 = vector.load %arg4[%get3A_741, %get3A_742] : memref<8x2048xf32, #tpu.memory_space<vmem>>, vector<8x2048xf32>
      %mul3A_744 = arith.mulf %select_n3A_740, %get3A_728 : vector<8x2048xf32>
      %add3A_745 = arith.addf %get3A_743, %mul3A_744 : vector<8x2048xf32>
      %swap3A_746 = arith.constant 0 : index
      %swap3A_747 = arith.constant 0 : index
      %swap3A_748 = vector.load %arg4[%swap3A_746, %swap3A_747] : memref<8x2048xf32, #tpu.memory_space<vmem>>, vector<8x2048xf32>
      tpu.vector_store %arg4[%swap3A_746, %swap3A_747], %add3A_745 {strides = array<i32>} : memref<8x2048xf32, #tpu.memory_space<vmem>>, vector<8x2048xf32>,
      %get3A_749 = arith.constant 256 : index
      %get3A_750 = arith.constant 0 : index
      %get3A_751 = vector.load %arg1[%get3A_749, %get3A_750] : memref<1024x2048xf32, #tpu.memory_space<vmem>>, vector<8x2048xf32>
      %add3A_752 = arith.constant 256 : i32
      %add3A_753 = arith.addi %mul3A_18, %add3A_752 : i32
      %iota3A_754 = tpu.iota {dimensions = array<i32: 0>} : vector<8x2048xi32>
      %add3A_755 = vector.broadcast %add3A_753 : i32 to vector<8x2048xi32>
      %add3A_756 = arith.addi %add3A_755, %iota3A_754 : vector<8x2048xi32>
      %eq3A_757 = vector.broadcast %get3A_1 : vector<1x2048xi32> to vector<8x2048xi32>
      %eq3A_758 = arith.cmpi eq, %add3A_756, %eq3A_757 : vector<8x2048xi32>
      %jit3A_759 = arith.constant -0.899999976 : f32
      %jit3A_760 = arith.constant -1.000020e-06 : f32
      %broadcast_in_dim3A_761 = vector.broadcast %jit3A_759 : f32 to vector<8x2048xf32>
      %broadcast_in_dim3A_762 = vector.broadcast %jit3A_760 : f32 to vector<8x2048xf32>
      %select_n3A_763 = arith.select %eq3A_758, %broadcast_in_dim3A_761, %broadcast_in_dim3A_762 : vector<8x2048xi1>, vector<8x2048xf32>
      %get3A_764 = arith.constant 0 : index
      %get3A_765 = arith.constant 0 : index
      %get3A_766 = vector.load %arg4[%get3A_764, %get3A_765] : memref<8x2048xf32, #tpu.memory_space<vmem>>, vector<8x2048xf32>
      %mul3A_767 = arith.mulf %select_n3A_763, %get3A_751 : vector<8x2048xf32>
      %add3A_768 = arith.addf %get3A_766, %mul3A_767 : vector<8x2048xf32>
      %swap3A_769 = arith.constant 0 : index
      %swap3A_770 = arith.constant 0 : index
      %swap3A_771 = vector.load %arg4[%swap3A_769, %swap3A_770] : memref<8x2048xf32, #tpu.memory_space<vmem>>, vector<8x2048xf32>
      tpu.vector_store %arg4[%swap3A_769, %swap3A_770], %add3A_768 {strides = array<i32>} : memref<8x2048xf32, #tpu.memory_space<vmem>>, vector<8x2048xf32>,
      %get3A_772 = arith.constant 264 : index
      %get3A_773 = arith.constant 0 : index
      %get3A_774 = vector.load %arg1[%get3A_772, %get3A_773] : memref<1024x2048xf32, #tpu.memory_space<vmem>>, vector<8x2048xf32>
      %add3A_775 = arith.constant 264 : i32
      %add3A_776 = arith.addi %mul3A_18, %add3A_775 : i32
      %iota3A_777 = tpu.iota {dimensions = array<i32: 0>} : vector<8x2048xi32>
      %add3A_778 = vector.broadcast %add3A_776 : i32 to vector<8x2048xi32>
      %add3A_779 = arith.addi %add3A_778, %iota3A_777 : vector<8x2048xi32>
      %eq3A_780 = vector.broadcast %get3A_1 : vector<1x2048xi32> to vector<8x2048xi32>
      %eq3A_781 = arith.cmpi eq, %add3A_779, %eq3A_780 : vector<8x2048xi32>
      %jit3A_782 = arith.constant -0.899999976 : f32
      %jit3A_783 = arith.constant -1.000020e-06 : f32
      %broadcast_in_dim3A_784 = vector.broadcast %jit3A_782 : f32 to vector<8x2048xf32>
      %broadcast_in_dim3A_785 = vector.broadcast %jit3A_783 : f32 to vector<8x2048xf32>
      %select_n3A_786 = arith.select %eq3A_781, %broadcast_in_dim3A_784, %broadcast_in_dim3A_785 : vector<8x2048xi1>, vector<8x2048xf32>
      %get3A_787 = arith.constant 0 : index
      %get3A_788 = arith.constant 0 : index
      %get3A_789 = vector.load %arg4[%get3A_787, %get3A_788] : memref<8x2048xf32, #tpu.memory_space<vmem>>, vector<8x2048xf32>
      %mul3A_790 = arith.mulf %select_n3A_786, %get3A_774 : vector<8x2048xf32>
      %add3A_791 = arith.addf %get3A_789, %mul3A_790 : vector<8x2048xf32>
      %swap3A_792 = arith.constant 0 : index
      %swap3A_793 = arith.constant 0 : index
      %swap3A_794 = vector.load %arg4[%swap3A_792, %swap3A_793] : memref<8x2048xf32, #tpu.memory_space<vmem>>, vector<8x2048xf32>
      tpu.vector_store %arg4[%swap3A_792, %swap3A_793], %add3A_791 {strides = array<i32>} : memref<8x2048xf32, #tpu.memory_space<vmem>>, vector<8x2048xf32>,
      %get3A_795 = arith.constant 272 : index
      %get3A_796 = arith.constant 0 : index
      %get3A_797 = vector.load %arg1[%get3A_795, %get3A_796] : memref<1024x2048xf32, #tpu.memory_space<vmem>>, vector<8x2048xf32>
      %add3A_798 = arith.constant 272 : i32
      %add3A_799 = arith.addi %mul3A_18, %add3A_798 : i32
      %iota3A_800 = tpu.iota {dimensions = array<i32: 0>} : vector<8x2048xi32>
      %add3A_801 = vector.broadcast %add3A_799 : i32 to vector<8x2048xi32>
      %add3A_802 = arith.addi %add3A_801, %iota3A_800 : vector<8x2048xi32>
      %eq3A_803 = vector.broadcast %get3A_1 : vector<1x2048xi32> to vector<8x2048xi32>
      %eq3A_804 = arith.cmpi eq, %add3A_802, %eq3A_803 : vector<8x2048xi32>
      %jit3A_805 = arith.constant -0.899999976 : f32
      %jit3A_806 = arith.constant -1.000020e-06 : f32
      %broadcast_in_dim3A_807 = vector.broadcast %jit3A_805 : f32 to vector<8x2048xf32>
      %broadcast_in_dim3A_808 = vector.broadcast %jit3A_806 : f32 to vector<8x2048xf32>
      %select_n3A_809 = arith.select %eq3A_804, %broadcast_in_dim3A_807, %broadcast_in_dim3A_808 : vector<8x2048xi1>, vector<8x2048xf32>
      %get3A_810 = arith.constant 0 : index
      %get3A_811 = arith.constant 0 : index
      %get3A_812 = vector.load %arg4[%get3A_810, %get3A_811] : memref<8x2048xf32, #tpu.memory_space<vmem>>, vector<8x2048xf32>
      %mul3A_813 = arith.mulf %select_n3A_809, %get3A_797 : vector<8x2048xf32>
      %add3A_814 = arith.addf %get3A_812, %mul3A_813 : vector<8x2048xf32>
      %swap3A_815 = arith.constant 0 : index
      %swap3A_816 = arith.constant 0 : index
      %swap3A_817 = vector.load %arg4[%swap3A_815, %swap3A_816] : memref<8x2048xf32, #tpu.memory_space<vmem>>, vector<8x2048xf32>
      tpu.vector_store %arg4[%swap3A_815, %swap3A_816], %add3A_814 {strides = array<i32>} : memref<8x2048xf32, #tpu.memory_space<vmem>>, vector<8x2048xf32>,
      %get3A_818 = arith.constant 280 : index
      %get3A_819 = arith.constant 0 : index
      %get3A_820 = vector.load %arg1[%get3A_818, %get3A_819] : memref<1024x2048xf32, #tpu.memory_space<vmem>>, vector<8x2048xf32>
      %add3A_821 = arith.constant 280 : i32
      %add3A_822 = arith.addi %mul3A_18, %add3A_821 : i32
      %iota3A_823 = tpu.iota {dimensions = array<i32: 0>} : vector<8x2048xi32>
      %add3A_824 = vector.broadcast %add3A_822 : i32 to vector<8x2048xi32>
      %add3A_825 = arith.addi %add3A_824, %iota3A_823 : vector<8x2048xi32>
      %eq3A_826 = vector.broadcast %get3A_1 : vector<1x2048xi32> to vector<8x2048xi32>
      %eq3A_827 = arith.cmpi eq, %add3A_825, %eq3A_826 : vector<8x2048xi32>
      %jit3A_828 = arith.constant -0.899999976 : f32
      %jit3A_829 = arith.constant -1.000020e-06 : f32
      %broadcast_in_dim3A_830 = vector.broadcast %jit3A_828 : f32 to vector<8x2048xf32>
      %broadcast_in_dim3A_831 = vector.broadcast %jit3A_829 : f32 to vector<8x2048xf32>
      %select_n3A_832 = arith.select %eq3A_827, %broadcast_in_dim3A_830, %broadcast_in_dim3A_831 : vector<8x2048xi1>, vector<8x2048xf32>
      %get3A_833 = arith.constant 0 : index
      %get3A_834 = arith.constant 0 : index
      %get3A_835 = vector.load %arg4[%get3A_833, %get3A_834] : memref<8x2048xf32, #tpu.memory_space<vmem>>, vector<8x2048xf32>
      %mul3A_836 = arith.mulf %select_n3A_832, %get3A_820 : vector<8x2048xf32>
      %add3A_837 = arith.addf %get3A_835, %mul3A_836 : vector<8x2048xf32>
      %swap3A_838 = arith.constant 0 : index
      %swap3A_839 = arith.constant 0 : index
      %swap3A_840 = vector.load %arg4[%swap3A_838, %swap3A_839] : memref<8x2048xf32, #tpu.memory_space<vmem>>, vector<8x2048xf32>
      tpu.vector_store %arg4[%swap3A_838, %swap3A_839], %add3A_837 {strides = array<i32>} : memref<8x2048xf32, #tpu.memory_space<vmem>>, vector<8x2048xf32>,
      %get3A_841 = arith.constant 288 : index
      %get3A_842 = arith.constant 0 : index
      %get3A_843 = vector.load %arg1[%get3A_841, %get3A_842] : memref<1024x2048xf32, #tpu.memory_space<vmem>>, vector<8x2048xf32>
      %add3A_844 = arith.constant 288 : i32
      %add3A_845 = arith.addi %mul3A_18, %add3A_844 : i32
      %iota3A_846 = tpu.iota {dimensions = array<i32: 0>} : vector<8x2048xi32>
      %add3A_847 = vector.broadcast %add3A_845 : i32 to vector<8x2048xi32>
      %add3A_848 = arith.addi %add3A_847, %iota3A_846 : vector<8x2048xi32>
      %eq3A_849 = vector.broadcast %get3A_1 : vector<1x2048xi32> to vector<8x2048xi32>
      %eq3A_850 = arith.cmpi eq, %add3A_848, %eq3A_849 : vector<8x2048xi32>
      %jit3A_851 = arith.constant -0.899999976 : f32
      %jit3A_852 = arith.constant -1.000020e-06 : f32
      %broadcast_in_dim3A_853 = vector.broadcast %jit3A_851 : f32 to vector<8x2048xf32>
      %broadcast_in_dim3A_854 = vector.broadcast %jit3A_852 : f32 to vector<8x2048xf32>
      %select_n3A_855 = arith.select %eq3A_850, %broadcast_in_dim3A_853, %broadcast_in_dim3A_854 : vector<8x2048xi1>, vector<8x2048xf32>
      %get3A_856 = arith.constant 0 : index
      %get3A_857 = arith.constant 0 : index
      %get3A_858 = vector.load %arg4[%get3A_856, %get3A_857] : memref<8x2048xf32, #tpu.memory_space<vmem>>, vector<8x2048xf32>
      %mul3A_859 = arith.mulf %select_n3A_855, %get3A_843 : vector<8x2048xf32>
      %add3A_860 = arith.addf %get3A_858, %mul3A_859 : vector<8x2048xf32>
      %swap3A_861 = arith.constant 0 : index
      %swap3A_862 = arith.constant 0 : index
      %swap3A_863 = vector.load %arg4[%swap3A_861, %swap3A_862] : memref<8x2048xf32, #tpu.memory_space<vmem>>, vector<8x2048xf32>
      tpu.vector_store %arg4[%swap3A_861, %swap3A_862], %add3A_860 {strides = array<i32>} : memref<8x2048xf32, #tpu.memory_space<vmem>>, vector<8x2048xf32>,
      %get3A_864 = arith.constant 296 : index
      %get3A_865 = arith.constant 0 : index
      %get3A_866 = vector.load %arg1[%get3A_864, %get3A_865] : memref<1024x2048xf32, #tpu.memory_space<vmem>>, vector<8x2048xf32>
      %add3A_867 = arith.constant 296 : i32
      %add3A_868 = arith.addi %mul3A_18, %add3A_867 : i32
      %iota3A_869 = tpu.iota {dimensions = array<i32: 0>} : vector<8x2048xi32>
      %add3A_870 = vector.broadcast %add3A_868 : i32 to vector<8x2048xi32>
      %add3A_871 = arith.addi %add3A_870, %iota3A_869 : vector<8x2048xi32>
      %eq3A_872 = vector.broadcast %get3A_1 : vector<1x2048xi32> to vector<8x2048xi32>
      %eq3A_873 = arith.cmpi eq, %add3A_871, %eq3A_872 : vector<8x2048xi32>
      %jit3A_874 = arith.constant -0.899999976 : f32
      %jit3A_875 = arith.constant -1.000020e-06 : f32
      %broadcast_in_dim3A_876 = vector.broadcast %jit3A_874 : f32 to vector<8x2048xf32>
      %broadcast_in_dim3A_877 = vector.broadcast %jit3A_875 : f32 to vector<8x2048xf32>
      %select_n3A_878 = arith.select %eq3A_873, %broadcast_in_dim3A_876, %broadcast_in_dim3A_877 : vector<8x2048xi1>, vector<8x2048xf32>
      %get3A_879 = arith.constant 0 : index
      %get3A_880 = arith.constant 0 : index
      %get3A_881 = vector.load %arg4[%get3A_879, %get3A_880] : memref<8x2048xf32, #tpu.memory_space<vmem>>, vector<8x2048xf32>
      %mul3A_882 = arith.mulf %select_n3A_878, %get3A_866 : vector<8x2048xf32>
      %add3A_883 = arith.addf %get3A_881, %mul3A_882 : vector<8x2048xf32>
      %swap3A_884 = arith.constant 0 : index
      %swap3A_885 = arith.constant 0 : index
      %swap3A_886 = vector.load %arg4[%swap3A_884, %swap3A_885] : memref<8x2048xf32, #tpu.memory_space<vmem>>, vector<8x2048xf32>
      tpu.vector_store %arg4[%swap3A_884, %swap3A_885], %add3A_883 {strides = array<i32>} : memref<8x2048xf32, #tpu.memory_space<vmem>>, vector<8x2048xf32>,
      %get3A_887 = arith.constant 304 : index
      %get3A_888 = arith.constant 0 : index
      %get3A_889 = vector.load %arg1[%get3A_887, %get3A_888] : memref<1024x2048xf32, #tpu.memory_space<vmem>>, vector<8x2048xf32>
      %add3A_890 = arith.constant 304 : i32
      %add3A_891 = arith.addi %mul3A_18, %add3A_890 : i32
      %iota3A_892 = tpu.iota {dimensions = array<i32: 0>} : vector<8x2048xi32>
      %add3A_893 = vector.broadcast %add3A_891 : i32 to vector<8x2048xi32>
      %add3A_894 = arith.addi %add3A_893, %iota3A_892 : vector<8x2048xi32>
      %eq3A_895 = vector.broadcast %get3A_1 : vector<1x2048xi32> to vector<8x2048xi32>
      %eq3A_896 = arith.cmpi eq, %add3A_894, %eq3A_895 : vector<8x2048xi32>
      %jit3A_897 = arith.constant -0.899999976 : f32
      %jit3A_898 = arith.constant -1.000020e-06 : f32
      %broadcast_in_dim3A_899 = vector.broadcast %jit3A_897 : f32 to vector<8x2048xf32>
      %broadcast_in_dim3A_900 = vector.broadcast %jit3A_898 : f32 to vector<8x2048xf32>
      %select_n3A_901 = arith.select %eq3A_896, %broadcast_in_dim3A_899, %broadcast_in_dim3A_900 : vector<8x2048xi1>, vector<8x2048xf32>
      %get3A_902 = arith.constant 0 : index
      %get3A_903 = arith.constant 0 : index
      %get3A_904 = vector.load %arg4[%get3A_902, %get3A_903] : memref<8x2048xf32, #tpu.memory_space<vmem>>, vector<8x2048xf32>
      %mul3A_905 = arith.mulf %select_n3A_901, %get3A_889 : vector<8x2048xf32>
      %add3A_906 = arith.addf %get3A_904, %mul3A_905 : vector<8x2048xf32>
      %swap3A_907 = arith.constant 0 : index
      %swap3A_908 = arith.constant 0 : index
      %swap3A_909 = vector.load %arg4[%swap3A_907, %swap3A_908] : memref<8x2048xf32, #tpu.memory_space<vmem>>, vector<8x2048xf32>
      tpu.vector_store %arg4[%swap3A_907, %swap3A_908], %add3A_906 {strides = array<i32>} : memref<8x2048xf32, #tpu.memory_space<vmem>>, vector<8x2048xf32>,
      %get3A_910 = arith.constant 312 : index
      %get3A_911 = arith.constant 0 : index
      %get3A_912 = vector.load %arg1[%get3A_910, %get3A_911] : memref<1024x2048xf32, #tpu.memory_space<vmem>>, vector<8x2048xf32>
      %add3A_913 = arith.constant 312 : i32
      %add3A_914 = arith.addi %mul3A_18, %add3A_913 : i32
      %iota3A_915 = tpu.iota {dimensions = array<i32: 0>} : vector<8x2048xi32>
      %add3A_916 = vector.broadcast %add3A_914 : i32 to vector<8x2048xi32>
      %add3A_917 = arith.addi %add3A_916, %iota3A_915 : vector<8x2048xi32>
      %eq3A_918 = vector.broadcast %get3A_1 : vector<1x2048xi32> to vector<8x2048xi32>
      %eq3A_919 = arith.cmpi eq, %add3A_917, %eq3A_918 : vector<8x2048xi32>
      %jit3A_920 = arith.constant -0.899999976 : f32
      %jit3A_921 = arith.constant -1.000020e-06 : f32
      %broadcast_in_dim3A_922 = vector.broadcast %jit3A_920 : f32 to vector<8x2048xf32>
      %broadcast_in_dim3A_923 = vector.broadcast %jit3A_921 : f32 to vector<8x2048xf32>
      %select_n3A_924 = arith.select %eq3A_919, %broadcast_in_dim3A_922, %broadcast_in_dim3A_923 : vector<8x2048xi1>, vector<8x2048xf32>
      %get3A_925 = arith.constant 0 : index
      %get3A_926 = arith.constant 0 : index
      %get3A_927 = vector.load %arg4[%get3A_925, %get3A_926] : memref<8x2048xf32, #tpu.memory_space<vmem>>, vector<8x2048xf32>
      %mul3A_928 = arith.mulf %select_n3A_924, %get3A_912 : vector<8x2048xf32>
      %add3A_929 = arith.addf %get3A_927, %mul3A_928 : vector<8x2048xf32>
      %swap3A_930 = arith.constant 0 : index
      %swap3A_931 = arith.constant 0 : index
      %swap3A_932 = vector.load %arg4[%swap3A_930, %swap3A_931] : memref<8x2048xf32, #tpu.memory_space<vmem>>, vector<8x2048xf32>
      tpu.vector_store %arg4[%swap3A_930, %swap3A_931], %add3A_929 {strides = array<i32>} : memref<8x2048xf32, #tpu.memory_space<vmem>>, vector<8x2048xf32>,
      %get3A_933 = arith.constant 320 : index
      %get3A_934 = arith.constant 0 : index
      %get3A_935 = vector.load %arg1[%get3A_933, %get3A_934] : memref<1024x2048xf32, #tpu.memory_space<vmem>>, vector<8x2048xf32>
      %add3A_936 = arith.constant 320 : i32
      %add3A_937 = arith.addi %mul3A_18, %add3A_936 : i32
      %iota3A_938 = tpu.iota {dimensions = array<i32: 0>} : vector<8x2048xi32>
      %add3A_939 = vector.broadcast %add3A_937 : i32 to vector<8x2048xi32>
      %add3A_940 = arith.addi %add3A_939, %iota3A_938 : vector<8x2048xi32>
      %eq3A_941 = vector.broadcast %get3A_1 : vector<1x2048xi32> to vector<8x2048xi32>
      %eq3A_942 = arith.cmpi eq, %add3A_940, %eq3A_941 : vector<8x2048xi32>
      %jit3A_943 = arith.constant -0.899999976 : f32
      %jit3A_944 = arith.constant -1.000020e-06 : f32
      %broadcast_in_dim3A_945 = vector.broadcast %jit3A_943 : f32 to vector<8x2048xf32>
      %broadcast_in_dim3A_946 = vector.broadcast %jit3A_944 : f32 to vector<8x2048xf32>
      %select_n3A_947 = arith.select %eq3A_942, %broadcast_in_dim3A_945, %broadcast_in_dim3A_946 : vector<8x2048xi1>, vector<8x2048xf32>
      %get3A_948 = arith.constant 0 : index
      %get3A_949 = arith.constant 0 : index
      %get3A_950 = vector.load %arg4[%get3A_948, %get3A_949] : memref<8x2048xf32, #tpu.memory_space<vmem>>, vector<8x2048xf32>
      %mul3A_951 = arith.mulf %select_n3A_947, %get3A_935 : vector<8x2048xf32>
      %add3A_952 = arith.addf %get3A_950, %mul3A_951 : vector<8x2048xf32>
      %swap3A_953 = arith.constant 0 : index
      %swap3A_954 = arith.constant 0 : index
      %swap3A_955 = vector.load %arg4[%swap3A_953, %swap3A_954] : memref<8x2048xf32, #tpu.memory_space<vmem>>, vector<8x2048xf32>
      tpu.vector_store %arg4[%swap3A_953, %swap3A_954], %add3A_952 {strides = array<i32>} : memref<8x2048xf32, #tpu.memory_space<vmem>>, vector<8x2048xf32>,
      %get3A_956 = arith.constant 328 : index
      %get3A_957 = arith.constant 0 : index
      %get3A_958 = vector.load %arg1[%get3A_956, %get3A_957] : memref<1024x2048xf32, #tpu.memory_space<vmem>>, vector<8x2048xf32>
      %add3A_959 = arith.constant 328 : i32
      %add3A_960 = arith.addi %mul3A_18, %add3A_959 : i32
      %iota3A_961 = tpu.iota {dimensions = array<i32: 0>} : vector<8x2048xi32>
      %add3A_962 = vector.broadcast %add3A_960 : i32 to vector<8x2048xi32>
      %add3A_963 = arith.addi %add3A_962, %iota3A_961 : vector<8x2048xi32>
      %eq3A_964 = vector.broadcast %get3A_1 : vector<1x2048xi32> to vector<8x2048xi32>
      %eq3A_965 = arith.cmpi eq, %add3A_963, %eq3A_964 : vector<8x2048xi32>
      %jit3A_966 = arith.constant -0.899999976 : f32
      %jit3A_967 = arith.constant -1.000020e-06 : f32
      %broadcast_in_dim3A_968 = vector.broadcast %jit3A_966 : f32 to vector<8x2048xf32>
      %broadcast_in_dim3A_969 = vector.broadcast %jit3A_967 : f32 to vector<8x2048xf32>
      %select_n3A_970 = arith.select %eq3A_965, %broadcast_in_dim3A_968, %broadcast_in_dim3A_969 : vector<8x2048xi1>, vector<8x2048xf32>
      %get3A_971 = arith.constant 0 : index
      %get3A_972 = arith.constant 0 : index
      %get3A_973 = vector.load %arg4[%get3A_971, %get3A_972] : memref<8x2048xf32, #tpu.memory_space<vmem>>, vector<8x2048xf32>
      %mul3A_974 = arith.mulf %select_n3A_970, %get3A_958 : vector<8x2048xf32>
      %add3A_975 = arith.addf %get3A_973, %mul3A_974 : vector<8x2048xf32>
      %swap3A_976 = arith.constant 0 : index
      %swap3A_977 = arith.constant 0 : index
      %swap3A_978 = vector.load %arg4[%swap3A_976, %swap3A_977] : memref<8x2048xf32, #tpu.memory_space<vmem>>, vector<8x2048xf32>
      tpu.vector_store %arg4[%swap3A_976, %swap3A_977], %add3A_975 {strides = array<i32>} : memref<8x2048xf32, #tpu.memory_space<vmem>>, vector<8x2048xf32>,
      %get3A_979 = arith.constant 336 : index
      %get3A_980 = arith.constant 0 : index
      %get3A_981 = vector.load %arg1[%get3A_979, %get3A_980] : memref<1024x2048xf32, #tpu.memory_space<vmem>>, vector<8x2048xf32>
      %add3A_982 = arith.constant 336 : i32
      %add3A_983 = arith.addi %mul3A_18, %add3A_982 : i32
      %iota3A_984 = tpu.iota {dimensions = array<i32: 0>} : vector<8x2048xi32>
      %add3A_985 = vector.broadcast %add3A_983 : i32 to vector<8x2048xi32>
      %add3A_986 = arith.addi %add3A_985, %iota3A_984 : vector<8x2048xi32>
      %eq3A_987 = vector.broadcast %get3A_1 : vector<1x2048xi32> to vector<8x2048xi32>
      %eq3A_988 = arith.cmpi eq, %add3A_986, %eq3A_987 : vector<8x2048xi32>
      %jit3A_989 = arith.constant -0.899999976 : f32
      %jit3A_990 = arith.constant -1.000020e-06 : f32
      %broadcast_in_dim3A_991 = vector.broadcast %jit3A_989 : f32 to vector<8x2048xf32>
      %broadcast_in_dim3A_992 = vector.broadcast %jit3A_990 : f32 to vector<8x2048xf32>
      %select_n3A_993 = arith.select %eq3A_988, %broadcast_in_dim3A_991, %broadcast_in_dim3A_992 : vector<8x2048xi1>, vector<8x2048xf32>
      %get3A_994 = arith.constant 0 : index
      %get3A_995 = arith.constant 0 : index
      %get3A_996 = vector.load %arg4[%get3A_994, %get3A_995] : memref<8x2048xf32, #tpu.memory_space<vmem>>, vector<8x2048xf32>
      %mul3A_997 = arith.mulf %select_n3A_993, %get3A_981 : vector<8x2048xf32>
      %add3A_998 = arith.addf %get3A_996, %mul3A_997 : vector<8x2048xf32>
      %swap3A_999 = arith.constant 0 : index
      %swap3A_1000 = arith.constant 0 : index
      %swap3A_1001 = vector.load %arg4[%swap3A_999, %swap3A_1000] : memref<8x2048xf32, #tpu.memory_space<vmem>>, vector<8x2048xf32>
      tpu.vector_store %arg4[%swap3A_999, %swap3A_1000], %add3A_998 {strides = array<i32>} : memref<8x2048xf32, #tpu.memory_space<vmem>>, vector<8x2048xf32>,
      %get3A_1002 = arith.constant 344 : index
      %get3A_1003 = arith.constant 0 : index
      %get3A_1004 = vector.load %arg1[%get3A_1002, %get3A_1003] : memref<1024x2048xf32, #tpu.memory_space<vmem>>, vector<8x2048xf32>
      %add3A_1005 = arith.constant 344 : i32
      %add3A_1006 = arith.addi %mul3A_18, %add3A_1005 : i32
      %iota3A_1007 = tpu.iota {dimensions = array<i32: 0>} : vector<8x2048xi32>
      %add3A_1008 = vector.broadcast %add3A_1006 : i32 to vector<8x2048xi32>
      %add3A_1009 = arith.addi %add3A_1008, %iota3A_1007 : vector<8x2048xi32>
      %eq3A_1010 = vector.broadcast %get3A_1 : vector<1x2048xi32> to vector<8x2048xi32>
      %eq3A_1011 = arith.cmpi eq, %add3A_1009, %eq3A_1010 : vector<8x2048xi32>
      %jit3A_1012 = arith.constant -0.899999976 : f32
      %jit3A_1013 = arith.constant -1.000020e-06 : f32
      %broadcast_in_dim3A_1014 = vector.broadcast %jit3A_1012 : f32 to vector<8x2048xf32>
      %broadcast_in_dim3A_1015 = vector.broadcast %jit3A_1013 : f32 to vector<8x2048xf32>
      %select_n3A_1016 = arith.select %eq3A_1011, %broadcast_in_dim3A_1014, %broadcast_in_dim3A_1015 : vector<8x2048xi1>, vector<8x2048xf32>
      %get3A_1017 = arith.constant 0 : index
      %get3A_1018 = arith.constant 0 : index
      %get3A_1019 = vector.load %arg4[%get3A_1017, %get3A_1018] : memref<8x2048xf32, #tpu.memory_space<vmem>>, vector<8x2048xf32>
      %mul3A_1020 = arith.mulf %select_n3A_1016, %get3A_1004 : vector<8x2048xf32>
      %add3A_1021 = arith.addf %get3A_1019, %mul3A_1020 : vector<8x2048xf32>
      %swap3A_1022 = arith.constant 0 : index
      %swap3A_1023 = arith.constant 0 : index
      %swap3A_1024 = vector.load %arg4[%swap3A_1022, %swap3A_1023] : memref<8x2048xf32, #tpu.memory_space<vmem>>, vector<8x2048xf32>
      tpu.vector_store %arg4[%swap3A_1022, %swap3A_1023], %add3A_1021 {strides = array<i32>} : memref<8x2048xf32, #tpu.memory_space<vmem>>, vector<8x2048xf32>,
      %get3A_1025 = arith.constant 352 : index
      %get3A_1026 = arith.constant 0 : index
      %get3A_1027 = vector.load %arg1[%get3A_1025, %get3A_1026] : memref<1024x2048xf32, #tpu.memory_space<vmem>>, vector<8x2048xf32>
      %add3A_1028 = arith.constant 352 : i32
      %add3A_1029 = arith.addi %mul3A_18, %add3A_1028 : i32
      %iota3A_1030 = tpu.iota {dimensions = array<i32: 0>} : vector<8x2048xi32>
      %add3A_1031 = vector.broadcast %add3A_1029 : i32 to vector<8x2048xi32>
      %add3A_1032 = arith.addi %add3A_1031, %iota3A_1030 : vector<8x2048xi32>
      %eq3A_1033 = vector.broadcast %get3A_1 : vector<1x2048xi32> to vector<8x2048xi32>
      %eq3A_1034 = arith.cmpi eq, %add3A_1032, %eq3A_1033 : vector<8x2048xi32>
      %jit3A_1035 = arith.constant -0.899999976 : f32
      %jit3A_1036 = arith.constant -1.000020e-06 : f32
      %broadcast_in_dim3A_1037 = vector.broadcast %jit3A_1035 : f32 to vector<8x2048xf32>
      %broadcast_in_dim3A_1038 = vector.broadcast %jit3A_1036 : f32 to vector<8x2048xf32>
      %select_n3A_1039 = arith.select %eq3A_1034, %broadcast_in_dim3A_1037, %broadcast_in_dim3A_1038 : vector<8x2048xi1>, vector<8x2048xf32>
      %get3A_1040 = arith.constant 0 : index
      %get3A_1041 = arith.constant 0 : index
      %get3A_1042 = vector.load %arg4[%get3A_1040, %get3A_1041] : memref<8x2048xf32, #tpu.memory_space<vmem>>, vector<8x2048xf32>
      %mul3A_1043 = arith.mulf %select_n3A_1039, %get3A_1027 : vector<8x2048xf32>
      %add3A_1044 = arith.addf %get3A_1042, %mul3A_1043 : vector<8x2048xf32>
      %swap3A_1045 = arith.constant 0 : index
      %swap3A_1046 = arith.constant 0 : index
      %swap3A_1047 = vector.load %arg4[%swap3A_1045, %swap3A_1046] : memref<8x2048xf32, #tpu.memory_space<vmem>>, vector<8x2048xf32>
      tpu.vector_store %arg4[%swap3A_1045, %swap3A_1046], %add3A_1044 {strides = array<i32>} : memref<8x2048xf32, #tpu.memory_space<vmem>>, vector<8x2048xf32>,
      %get3A_1048 = arith.constant 360 : index
      %get3A_1049 = arith.constant 0 : index
      %get3A_1050 = vector.load %arg1[%get3A_1048, %get3A_1049] : memref<1024x2048xf32, #tpu.memory_space<vmem>>, vector<8x2048xf32>
      %add3A_1051 = arith.constant 360 : i32
      %add3A_1052 = arith.addi %mul3A_18, %add3A_1051 : i32
      %iota3A_1053 = tpu.iota {dimensions = array<i32: 0>} : vector<8x2048xi32>
      %add3A_1054 = vector.broadcast %add3A_1052 : i32 to vector<8x2048xi32>
      %add3A_1055 = arith.addi %add3A_1054, %iota3A_1053 : vector<8x2048xi32>
      %eq3A_1056 = vector.broadcast %get3A_1 : vector<1x2048xi32> to vector<8x2048xi32>
      %eq3A_1057 = arith.cmpi eq, %add3A_1055, %eq3A_1056 : vector<8x2048xi32>
      %jit3A_1058 = arith.constant -0.899999976 : f32
      %jit3A_1059 = arith.constant -1.000020e-06 : f32
      %broadcast_in_dim3A_1060 = vector.broadcast %jit3A_1058 : f32 to vector<8x2048xf32>
      %broadcast_in_dim3A_1061 = vector.broadcast %jit3A_1059 : f32 to vector<8x2048xf32>
      %select_n3A_1062 = arith.select %eq3A_1057, %broadcast_in_dim3A_1060, %broadcast_in_dim3A_1061 : vector<8x2048xi1>, vector<8x2048xf32>
      %get3A_1063 = arith.constant 0 : index
      %get3A_1064 = arith.constant 0 : index
      %get3A_1065 = vector.load %arg4[%get3A_1063, %get3A_1064] : memref<8x2048xf32, #tpu.memory_space<vmem>>, vector<8x2048xf32>
      %mul3A_1066 = arith.mulf %select_n3A_1062, %get3A_1050 : vector<8x2048xf32>
      %add3A_1067 = arith.addf %get3A_1065, %mul3A_1066 : vector<8x2048xf32>
      %swap3A_1068 = arith.constant 0 : index
      %swap3A_1069 = arith.constant 0 : index
      %swap3A_1070 = vector.load %arg4[%swap3A_1068, %swap3A_1069] : memref<8x2048xf32, #tpu.memory_space<vmem>>, vector<8x2048xf32>
      tpu.vector_store %arg4[%swap3A_1068, %swap3A_1069], %add3A_1067 {strides = array<i32>} : memref<8x2048xf32, #tpu.memory_space<vmem>>, vector<8x2048xf32>,
      %get3A_1071 = arith.constant 368 : index
      %get3A_1072 = arith.constant 0 : index
      %get3A_1073 = vector.load %arg1[%get3A_1071, %get3A_1072] : memref<1024x2048xf32, #tpu.memory_space<vmem>>, vector<8x2048xf32>
      %add3A_1074 = arith.constant 368 : i32
      %add3A_1075 = arith.addi %mul3A_18, %add3A_1074 : i32
      %iota3A_1076 = tpu.iota {dimensions = array<i32: 0>} : vector<8x2048xi32>
      %add3A_1077 = vector.broadcast %add3A_1075 : i32 to vector<8x2048xi32>
      %add3A_1078 = arith.addi %add3A_1077, %iota3A_1076 : vector<8x2048xi32>
      %eq3A_1079 = vector.broadcast %get3A_1 : vector<1x2048xi32> to vector<8x2048xi32>
      %eq3A_1080 = arith.cmpi eq, %add3A_1078, %eq3A_1079 : vector<8x2048xi32>
      %jit3A_1081 = arith.constant -0.899999976 : f32
      %jit3A_1082 = arith.constant -1.000020e-06 : f32
      %broadcast_in_dim3A_1083 = vector.broadcast %jit3A_1081 : f32 to vector<8x2048xf32>
      %broadcast_in_dim3A_1084 = vector.broadcast %jit3A_1082 : f32 to vector<8x2048xf32>
      %select_n3A_1085 = arith.select %eq3A_1080, %broadcast_in_dim3A_1083, %broadcast_in_dim3A_1084 : vector<8x2048xi1>, vector<8x2048xf32>
      %get3A_1086 = arith.constant 0 : index
      %get3A_1087 = arith.constant 0 : index
      %get3A_1088 = vector.load %arg4[%get3A_1086, %get3A_1087] : memref<8x2048xf32, #tpu.memory_space<vmem>>, vector<8x2048xf32>
      %mul3A_1089 = arith.mulf %select_n3A_1085, %get3A_1073 : vector<8x2048xf32>
      %add3A_1090 = arith.addf %get3A_1088, %mul3A_1089 : vector<8x2048xf32>
      %swap3A_1091 = arith.constant 0 : index
      %swap3A_1092 = arith.constant 0 : index
      %swap3A_1093 = vector.load %arg4[%swap3A_1091, %swap3A_1092] : memref<8x2048xf32, #tpu.memory_space<vmem>>, vector<8x2048xf32>
      tpu.vector_store %arg4[%swap3A_1091, %swap3A_1092], %add3A_1090 {strides = array<i32>} : memref<8x2048xf32, #tpu.memory_space<vmem>>, vector<8x2048xf32>,
      %get3A_1094 = arith.constant 376 : index
      %get3A_1095 = arith.constant 0 : index
      %get3A_1096 = vector.load %arg1[%get3A_1094, %get3A_1095] : memref<1024x2048xf32, #tpu.memory_space<vmem>>, vector<8x2048xf32>
      %add3A_1097 = arith.constant 376 : i32
      %add3A_1098 = arith.addi %mul3A_18, %add3A_1097 : i32
      %iota3A_1099 = tpu.iota {dimensions = array<i32: 0>} : vector<8x2048xi32>
      %add3A_1100 = vector.broadcast %add3A_1098 : i32 to vector<8x2048xi32>
      %add3A_1101 = arith.addi %add3A_1100, %iota3A_1099 : vector<8x2048xi32>
      %eq3A_1102 = vector.broadcast %get3A_1 : vector<1x2048xi32> to vector<8x2048xi32>
      %eq3A_1103 = arith.cmpi eq, %add3A_1101, %eq3A_1102 : vector<8x2048xi32>
      %jit3A_1104 = arith.constant -0.899999976 : f32
      %jit3A_1105 = arith.constant -1.000020e-06 : f32
      %broadcast_in_dim3A_1106 = vector.broadcast %jit3A_1104 : f32 to vector<8x2048xf32>
      %broadcast_in_dim3A_1107 = vector.broadcast %jit3A_1105 : f32 to vector<8x2048xf32>
      %select_n3A_1108 = arith.select %eq3A_1103, %broadcast_in_dim3A_1106, %broadcast_in_dim3A_1107 : vector<8x2048xi1>, vector<8x2048xf32>
      %get3A_1109 = arith.constant 0 : index
      %get3A_1110 = arith.constant 0 : index
      %get3A_1111 = vector.load %arg4[%get3A_1109, %get3A_1110] : memref<8x2048xf32, #tpu.memory_space<vmem>>, vector<8x2048xf32>
      %mul3A_1112 = arith.mulf %select_n3A_1108, %get3A_1096 : vector<8x2048xf32>
      %add3A_1113 = arith.addf %get3A_1111, %mul3A_1112 : vector<8x2048xf32>
      %swap3A_1114 = arith.constant 0 : index
      %swap3A_1115 = arith.constant 0 : index
      %swap3A_1116 = vector.load %arg4[%swap3A_1114, %swap3A_1115] : memref<8x2048xf32, #tpu.memory_space<vmem>>, vector<8x2048xf32>
      tpu.vector_store %arg4[%swap3A_1114, %swap3A_1115], %add3A_1113 {strides = array<i32>} : memref<8x2048xf32, #tpu.memory_space<vmem>>, vector<8x2048xf32>,
      %get3A_1117 = arith.constant 384 : index
      %get3A_1118 = arith.constant 0 : index
      %get3A_1119 = vector.load %arg1[%get3A_1117, %get3A_1118] : memref<1024x2048xf32, #tpu.memory_space<vmem>>, vector<8x2048xf32>
      %add3A_1120 = arith.constant 384 : i32
      %add3A_1121 = arith.addi %mul3A_18, %add3A_1120 : i32
      %iota3A_1122 = tpu.iota {dimensions = array<i32: 0>} : vector<8x2048xi32>
      %add3A_1123 = vector.broadcast %add3A_1121 : i32 to vector<8x2048xi32>
      %add3A_1124 = arith.addi %add3A_1123, %iota3A_1122 : vector<8x2048xi32>
      %eq3A_1125 = vector.broadcast %get3A_1 : vector<1x2048xi32> to vector<8x2048xi32>
      %eq3A_1126 = arith.cmpi eq, %add3A_1124, %eq3A_1125 : vector<8x2048xi32>
      %jit3A_1127 = arith.constant -0.899999976 : f32
      %jit3A_1128 = arith.constant -1.000020e-06 : f32
      %broadcast_in_dim3A_1129 = vector.broadcast %jit3A_1127 : f32 to vector<8x2048xf32>
      %broadcast_in_dim3A_1130 = vector.broadcast %jit3A_1128 : f32 to vector<8x2048xf32>
      %select_n3A_1131 = arith.select %eq3A_1126, %broadcast_in_dim3A_1129, %broadcast_in_dim3A_1130 : vector<8x2048xi1>, vector<8x2048xf32>
      %get3A_1132 = arith.constant 0 : index
      %get3A_1133 = arith.constant 0 : index
      %get3A_1134 = vector.load %arg4[%get3A_1132, %get3A_1133] : memref<8x2048xf32, #tpu.memory_space<vmem>>, vector<8x2048xf32>
      %mul3A_1135 = arith.mulf %select_n3A_1131, %get3A_1119 : vector<8x2048xf32>
      %add3A_1136 = arith.addf %get3A_1134, %mul3A_1135 : vector<8x2048xf32>
      %swap3A_1137 = arith.constant 0 : index
      %swap3A_1138 = arith.constant 0 : index
      %swap3A_1139 = vector.load %arg4[%swap3A_1137, %swap3A_1138] : memref<8x2048xf32, #tpu.memory_space<vmem>>, vector<8x2048xf32>
      tpu.vector_store %arg4[%swap3A_1137, %swap3A_1138], %add3A_1136 {strides = array<i32>} : memref<8x2048xf32, #tpu.memory_space<vmem>>, vector<8x2048xf32>,
      %get3A_1140 = arith.constant 392 : index
      %get3A_1141 = arith.constant 0 : index
      %get3A_1142 = vector.load %arg1[%get3A_1140, %get3A_1141] : memref<1024x2048xf32, #tpu.memory_space<vmem>>, vector<8x2048xf32>
      %add3A_1143 = arith.constant 392 : i32
      %add3A_1144 = arith.addi %mul3A_18, %add3A_1143 : i32
      %iota3A_1145 = tpu.iota {dimensions = array<i32: 0>} : vector<8x2048xi32>
      %add3A_1146 = vector.broadcast %add3A_1144 : i32 to vector<8x2048xi32>
      %add3A_1147 = arith.addi %add3A_1146, %iota3A_1145 : vector<8x2048xi32>
      %eq3A_1148 = vector.broadcast %get3A_1 : vector<1x2048xi32> to vector<8x2048xi32>
      %eq3A_1149 = arith.cmpi eq, %add3A_1147, %eq3A_1148 : vector<8x2048xi32>
      %jit3A_1150 = arith.constant -0.899999976 : f32
      %jit3A_1151 = arith.constant -1.000020e-06 : f32
      %broadcast_in_dim3A_1152 = vector.broadcast %jit3A_1150 : f32 to vector<8x2048xf32>
      %broadcast_in_dim3A_1153 = vector.broadcast %jit3A_1151 : f32 to vector<8x2048xf32>
      %select_n3A_1154 = arith.select %eq3A_1149, %broadcast_in_dim3A_1152, %broadcast_in_dim3A_1153 : vector<8x2048xi1>, vector<8x2048xf32>
      %get3A_1155 = arith.constant 0 : index
      %get3A_1156 = arith.constant 0 : index
      %get3A_1157 = vector.load %arg4[%get3A_1155, %get3A_1156] : memref<8x2048xf32, #tpu.memory_space<vmem>>, vector<8x2048xf32>
      %mul3A_1158 = arith.mulf %select_n3A_1154, %get3A_1142 : vector<8x2048xf32>
      %add3A_1159 = arith.addf %get3A_1157, %mul3A_1158 : vector<8x2048xf32>
      %swap3A_1160 = arith.constant 0 : index
      %swap3A_1161 = arith.constant 0 : index
      %swap3A_1162 = vector.load %arg4[%swap3A_1160, %swap3A_1161] : memref<8x2048xf32, #tpu.memory_space<vmem>>, vector<8x2048xf32>
      tpu.vector_store %arg4[%swap3A_1160, %swap3A_1161], %add3A_1159 {strides = array<i32>} : memref<8x2048xf32, #tpu.memory_space<vmem>>, vector<8x2048xf32>,
      %get3A_1163 = arith.constant 400 : index
      %get3A_1164 = arith.constant 0 : index
      %get3A_1165 = vector.load %arg1[%get3A_1163, %get3A_1164] : memref<1024x2048xf32, #tpu.memory_space<vmem>>, vector<8x2048xf32>
      %add3A_1166 = arith.constant 400 : i32
      %add3A_1167 = arith.addi %mul3A_18, %add3A_1166 : i32
      %iota3A_1168 = tpu.iota {dimensions = array<i32: 0>} : vector<8x2048xi32>
      %add3A_1169 = vector.broadcast %add3A_1167 : i32 to vector<8x2048xi32>
      %add3A_1170 = arith.addi %add3A_1169, %iota3A_1168 : vector<8x2048xi32>
      %eq3A_1171 = vector.broadcast %get3A_1 : vector<1x2048xi32> to vector<8x2048xi32>
      %eq3A_1172 = arith.cmpi eq, %add3A_1170, %eq3A_1171 : vector<8x2048xi32>
      %jit3A_1173 = arith.constant -0.899999976 : f32
      %jit3A_1174 = arith.constant -1.000020e-06 : f32
      %broadcast_in_dim3A_1175 = vector.broadcast %jit3A_1173 : f32 to vector<8x2048xf32>
      %broadcast_in_dim3A_1176 = vector.broadcast %jit3A_1174 : f32 to vector<8x2048xf32>
      %select_n3A_1177 = arith.select %eq3A_1172, %broadcast_in_dim3A_1175, %broadcast_in_dim3A_1176 : vector<8x2048xi1>, vector<8x2048xf32>
      %get3A_1178 = arith.constant 0 : index
      %get3A_1179 = arith.constant 0 : index
      %get3A_1180 = vector.load %arg4[%get3A_1178, %get3A_1179] : memref<8x2048xf32, #tpu.memory_space<vmem>>, vector<8x2048xf32>
      %mul3A_1181 = arith.mulf %select_n3A_1177, %get3A_1165 : vector<8x2048xf32>
      %add3A_1182 = arith.addf %get3A_1180, %mul3A_1181 : vector<8x2048xf32>
      %swap3A_1183 = arith.constant 0 : index
      %swap3A_1184 = arith.constant 0 : index
      %swap3A_1185 = vector.load %arg4[%swap3A_1183, %swap3A_1184] : memref<8x2048xf32, #tpu.memory_space<vmem>>, vector<8x2048xf32>
      tpu.vector_store %arg4[%swap3A_1183, %swap3A_1184], %add3A_1182 {strides = array<i32>} : memref<8x2048xf32, #tpu.memory_space<vmem>>, vector<8x2048xf32>,
      %get3A_1186 = arith.constant 408 : index
      %get3A_1187 = arith.constant 0 : index
      %get3A_1188 = vector.load %arg1[%get3A_1186, %get3A_1187] : memref<1024x2048xf32, #tpu.memory_space<vmem>>, vector<8x2048xf32>
      %add3A_1189 = arith.constant 408 : i32
      %add3A_1190 = arith.addi %mul3A_18, %add3A_1189 : i32
      %iota3A_1191 = tpu.iota {dimensions = array<i32: 0>} : vector<8x2048xi32>
      %add3A_1192 = vector.broadcast %add3A_1190 : i32 to vector<8x2048xi32>
      %add3A_1193 = arith.addi %add3A_1192, %iota3A_1191 : vector<8x2048xi32>
      %eq3A_1194 = vector.broadcast %get3A_1 : vector<1x2048xi32> to vector<8x2048xi32>
      %eq3A_1195 = arith.cmpi eq, %add3A_1193, %eq3A_1194 : vector<8x2048xi32>
      %jit3A_1196 = arith.constant -0.899999976 : f32
      %jit3A_1197 = arith.constant -1.000020e-06 : f32
      %broadcast_in_dim3A_1198 = vector.broadcast %jit3A_1196 : f32 to vector<8x2048xf32>
      %broadcast_in_dim3A_1199 = vector.broadcast %jit3A_1197 : f32 to vector<8x2048xf32>
      %select_n3A_1200 = arith.select %eq3A_1195, %broadcast_in_dim3A_1198, %broadcast_in_dim3A_1199 : vector<8x2048xi1>, vector<8x2048xf32>
      %get3A_1201 = arith.constant 0 : index
      %get3A_1202 = arith.constant 0 : index
      %get3A_1203 = vector.load %arg4[%get3A_1201, %get3A_1202] : memref<8x2048xf32, #tpu.memory_space<vmem>>, vector<8x2048xf32>
      %mul3A_1204 = arith.mulf %select_n3A_1200, %get3A_1188 : vector<8x2048xf32>
      %add3A_1205 = arith.addf %get3A_1203, %mul3A_1204 : vector<8x2048xf32>
      %swap3A_1206 = arith.constant 0 : index
      %swap3A_1207 = arith.constant 0 : index
      %swap3A_1208 = vector.load %arg4[%swap3A_1206, %swap3A_1207] : memref<8x2048xf32, #tpu.memory_space<vmem>>, vector<8x2048xf32>
      tpu.vector_store %arg4[%swap3A_1206, %swap3A_1207], %add3A_1205 {strides = array<i32>} : memref<8x2048xf32, #tpu.memory_space<vmem>>, vector<8x2048xf32>,
      %get3A_1209 = arith.constant 416 : index
      %get3A_1210 = arith.constant 0 : index
      %get3A_1211 = vector.load %arg1[%get3A_1209, %get3A_1210] : memref<1024x2048xf32, #tpu.memory_space<vmem>>, vector<8x2048xf32>
      %add3A_1212 = arith.constant 416 : i32
      %add3A_1213 = arith.addi %mul3A_18, %add3A_1212 : i32
      %iota3A_1214 = tpu.iota {dimensions = array<i32: 0>} : vector<8x2048xi32>
      %add3A_1215 = vector.broadcast %add3A_1213 : i32 to vector<8x2048xi32>
      %add3A_1216 = arith.addi %add3A_1215, %iota3A_1214 : vector<8x2048xi32>
      %eq3A_1217 = vector.broadcast %get3A_1 : vector<1x2048xi32> to vector<8x2048xi32>
      %eq3A_1218 = arith.cmpi eq, %add3A_1216, %eq3A_1217 : vector<8x2048xi32>
      %jit3A_1219 = arith.constant -0.899999976 : f32
      %jit3A_1220 = arith.constant -1.000020e-06 : f32
      %broadcast_in_dim3A_1221 = vector.broadcast %jit3A_1219 : f32 to vector<8x2048xf32>
      %broadcast_in_dim3A_1222 = vector.broadcast %jit3A_1220 : f32 to vector<8x2048xf32>
      %select_n3A_1223 = arith.select %eq3A_1218, %broadcast_in_dim3A_1221, %broadcast_in_dim3A_1222 : vector<8x2048xi1>, vector<8x2048xf32>
      %get3A_1224 = arith.constant 0 : index
      %get3A_1225 = arith.constant 0 : index
      %get3A_1226 = vector.load %arg4[%get3A_1224, %get3A_1225] : memref<8x2048xf32, #tpu.memory_space<vmem>>, vector<8x2048xf32>
      %mul3A_1227 = arith.mulf %select_n3A_1223, %get3A_1211 : vector<8x2048xf32>
      %add3A_1228 = arith.addf %get3A_1226, %mul3A_1227 : vector<8x2048xf32>
      %swap3A_1229 = arith.constant 0 : index
      %swap3A_1230 = arith.constant 0 : index
      %swap3A_1231 = vector.load %arg4[%swap3A_1229, %swap3A_1230] : memref<8x2048xf32, #tpu.memory_space<vmem>>, vector<8x2048xf32>
      tpu.vector_store %arg4[%swap3A_1229, %swap3A_1230], %add3A_1228 {strides = array<i32>} : memref<8x2048xf32, #tpu.memory_space<vmem>>, vector<8x2048xf32>,
      %get3A_1232 = arith.constant 424 : index
      %get3A_1233 = arith.constant 0 : index
      %get3A_1234 = vector.load %arg1[%get3A_1232, %get3A_1233] : memref<1024x2048xf32, #tpu.memory_space<vmem>>, vector<8x2048xf32>
      %add3A_1235 = arith.constant 424 : i32
      %add3A_1236 = arith.addi %mul3A_18, %add3A_1235 : i32
      %iota3A_1237 = tpu.iota {dimensions = array<i32: 0>} : vector<8x2048xi32>
      %add3A_1238 = vector.broadcast %add3A_1236 : i32 to vector<8x2048xi32>
      %add3A_1239 = arith.addi %add3A_1238, %iota3A_1237 : vector<8x2048xi32>
      %eq3A_1240 = vector.broadcast %get3A_1 : vector<1x2048xi32> to vector<8x2048xi32>
      %eq3A_1241 = arith.cmpi eq, %add3A_1239, %eq3A_1240 : vector<8x2048xi32>
      %jit3A_1242 = arith.constant -0.899999976 : f32
      %jit3A_1243 = arith.constant -1.000020e-06 : f32
      %broadcast_in_dim3A_1244 = vector.broadcast %jit3A_1242 : f32 to vector<8x2048xf32>
      %broadcast_in_dim3A_1245 = vector.broadcast %jit3A_1243 : f32 to vector<8x2048xf32>
      %select_n3A_1246 = arith.select %eq3A_1241, %broadcast_in_dim3A_1244, %broadcast_in_dim3A_1245 : vector<8x2048xi1>, vector<8x2048xf32>
      %get3A_1247 = arith.constant 0 : index
      %get3A_1248 = arith.constant 0 : index
      %get3A_1249 = vector.load %arg4[%get3A_1247, %get3A_1248] : memref<8x2048xf32, #tpu.memory_space<vmem>>, vector<8x2048xf32>
      %mul3A_1250 = arith.mulf %select_n3A_1246, %get3A_1234 : vector<8x2048xf32>
      %add3A_1251 = arith.addf %get3A_1249, %mul3A_1250 : vector<8x2048xf32>
      %swap3A_1252 = arith.constant 0 : index
      %swap3A_1253 = arith.constant 0 : index
      %swap3A_1254 = vector.load %arg4[%swap3A_1252, %swap3A_1253] : memref<8x2048xf32, #tpu.memory_space<vmem>>, vector<8x2048xf32>
      tpu.vector_store %arg4[%swap3A_1252, %swap3A_1253], %add3A_1251 {strides = array<i32>} : memref<8x2048xf32, #tpu.memory_space<vmem>>, vector<8x2048xf32>,
      %get3A_1255 = arith.constant 432 : index
      %get3A_1256 = arith.constant 0 : index
      %get3A_1257 = vector.load %arg1[%get3A_1255, %get3A_1256] : memref<1024x2048xf32, #tpu.memory_space<vmem>>, vector<8x2048xf32>
      %add3A_1258 = arith.constant 432 : i32
      %add3A_1259 = arith.addi %mul3A_18, %add3A_1258 : i32
      %iota3A_1260 = tpu.iota {dimensions = array<i32: 0>} : vector<8x2048xi32>
      %add3A_1261 = vector.broadcast %add3A_1259 : i32 to vector<8x2048xi32>
      %add3A_1262 = arith.addi %add3A_1261, %iota3A_1260 : vector<8x2048xi32>
      %eq3A_1263 = vector.broadcast %get3A_1 : vector<1x2048xi32> to vector<8x2048xi32>
      %eq3A_1264 = arith.cmpi eq, %add3A_1262, %eq3A_1263 : vector<8x2048xi32>
      %jit3A_1265 = arith.constant -0.899999976 : f32
      %jit3A_1266 = arith.constant -1.000020e-06 : f32
      %broadcast_in_dim3A_1267 = vector.broadcast %jit3A_1265 : f32 to vector<8x2048xf32>
      %broadcast_in_dim3A_1268 = vector.broadcast %jit3A_1266 : f32 to vector<8x2048xf32>
      %select_n3A_1269 = arith.select %eq3A_1264, %broadcast_in_dim3A_1267, %broadcast_in_dim3A_1268 : vector<8x2048xi1>, vector<8x2048xf32>
      %get3A_1270 = arith.constant 0 : index
      %get3A_1271 = arith.constant 0 : index
      %get3A_1272 = vector.load %arg4[%get3A_1270, %get3A_1271] : memref<8x2048xf32, #tpu.memory_space<vmem>>, vector<8x2048xf32>
      %mul3A_1273 = arith.mulf %select_n3A_1269, %get3A_1257 : vector<8x2048xf32>
      %add3A_1274 = arith.addf %get3A_1272, %mul3A_1273 : vector<8x2048xf32>
      %swap3A_1275 = arith.constant 0 : index
      %swap3A_1276 = arith.constant 0 : index
      %swap3A_1277 = vector.load %arg4[%swap3A_1275, %swap3A_1276] : memref<8x2048xf32, #tpu.memory_space<vmem>>, vector<8x2048xf32>
      tpu.vector_store %arg4[%swap3A_1275, %swap3A_1276], %add3A_1274 {strides = array<i32>} : memref<8x2048xf32, #tpu.memory_space<vmem>>, vector<8x2048xf32>,
      %get3A_1278 = arith.constant 440 : index
      %get3A_1279 = arith.constant 0 : index
      %get3A_1280 = vector.load %arg1[%get3A_1278, %get3A_1279] : memref<1024x2048xf32, #tpu.memory_space<vmem>>, vector<8x2048xf32>
      %add3A_1281 = arith.constant 440 : i32
      %add3A_1282 = arith.addi %mul3A_18, %add3A_1281 : i32
      %iota3A_1283 = tpu.iota {dimensions = array<i32: 0>} : vector<8x2048xi32>
      %add3A_1284 = vector.broadcast %add3A_1282 : i32 to vector<8x2048xi32>
      %add3A_1285 = arith.addi %add3A_1284, %iota3A_1283 : vector<8x2048xi32>
      %eq3A_1286 = vector.broadcast %get3A_1 : vector<1x2048xi32> to vector<8x2048xi32>
      %eq3A_1287 = arith.cmpi eq, %add3A_1285, %eq3A_1286 : vector<8x2048xi32>
      %jit3A_1288 = arith.constant -0.899999976 : f32
      %jit3A_1289 = arith.constant -1.000020e-06 : f32
      %broadcast_in_dim3A_1290 = vector.broadcast %jit3A_1288 : f32 to vector<8x2048xf32>
      %broadcast_in_dim3A_1291 = vector.broadcast %jit3A_1289 : f32 to vector<8x2048xf32>
      %select_n3A_1292 = arith.select %eq3A_1287, %broadcast_in_dim3A_1290, %broadcast_in_dim3A_1291 : vector<8x2048xi1>, vector<8x2048xf32>
      %get3A_1293 = arith.constant 0 : index
      %get3A_1294 = arith.constant 0 : index
      %get3A_1295 = vector.load %arg4[%get3A_1293, %get3A_1294] : memref<8x2048xf32, #tpu.memory_space<vmem>>, vector<8x2048xf32>
      %mul3A_1296 = arith.mulf %select_n3A_1292, %get3A_1280 : vector<8x2048xf32>
      %add3A_1297 = arith.addf %get3A_1295, %mul3A_1296 : vector<8x2048xf32>
      %swap3A_1298 = arith.constant 0 : index
      %swap3A_1299 = arith.constant 0 : index
      %swap3A_1300 = vector.load %arg4[%swap3A_1298, %swap3A_1299] : memref<8x2048xf32, #tpu.memory_space<vmem>>, vector<8x2048xf32>
      tpu.vector_store %arg4[%swap3A_1298, %swap3A_1299], %add3A_1297 {strides = array<i32>} : memref<8x2048xf32, #tpu.memory_space<vmem>>, vector<8x2048xf32>,
      %get3A_1301 = arith.constant 448 : index
      %get3A_1302 = arith.constant 0 : index
      %get3A_1303 = vector.load %arg1[%get3A_1301, %get3A_1302] : memref<1024x2048xf32, #tpu.memory_space<vmem>>, vector<8x2048xf32>
      %add3A_1304 = arith.constant 448 : i32
      %add3A_1305 = arith.addi %mul3A_18, %add3A_1304 : i32
      %iota3A_1306 = tpu.iota {dimensions = array<i32: 0>} : vector<8x2048xi32>
      %add3A_1307 = vector.broadcast %add3A_1305 : i32 to vector<8x2048xi32>
      %add3A_1308 = arith.addi %add3A_1307, %iota3A_1306 : vector<8x2048xi32>
      %eq3A_1309 = vector.broadcast %get3A_1 : vector<1x2048xi32> to vector<8x2048xi32>
      %eq3A_1310 = arith.cmpi eq, %add3A_1308, %eq3A_1309 : vector<8x2048xi32>
      %jit3A_1311 = arith.constant -0.899999976 : f32
      %jit3A_1312 = arith.constant -1.000020e-06 : f32
      %broadcast_in_dim3A_1313 = vector.broadcast %jit3A_1311 : f32 to vector<8x2048xf32>
      %broadcast_in_dim3A_1314 = vector.broadcast %jit3A_1312 : f32 to vector<8x2048xf32>
      %select_n3A_1315 = arith.select %eq3A_1310, %broadcast_in_dim3A_1313, %broadcast_in_dim3A_1314 : vector<8x2048xi1>, vector<8x2048xf32>
      %get3A_1316 = arith.constant 0 : index
      %get3A_1317 = arith.constant 0 : index
      %get3A_1318 = vector.load %arg4[%get3A_1316, %get3A_1317] : memref<8x2048xf32, #tpu.memory_space<vmem>>, vector<8x2048xf32>
      %mul3A_1319 = arith.mulf %select_n3A_1315, %get3A_1303 : vector<8x2048xf32>
      %add3A_1320 = arith.addf %get3A_1318, %mul3A_1319 : vector<8x2048xf32>
      %swap3A_1321 = arith.constant 0 : index
      %swap3A_1322 = arith.constant 0 : index
      %swap3A_1323 = vector.load %arg4[%swap3A_1321, %swap3A_1322] : memref<8x2048xf32, #tpu.memory_space<vmem>>, vector<8x2048xf32>
      tpu.vector_store %arg4[%swap3A_1321, %swap3A_1322], %add3A_1320 {strides = array<i32>} : memref<8x2048xf32, #tpu.memory_space<vmem>>, vector<8x2048xf32>,
      %get3A_1324 = arith.constant 456 : index
      %get3A_1325 = arith.constant 0 : index
      %get3A_1326 = vector.load %arg1[%get3A_1324, %get3A_1325] : memref<1024x2048xf32, #tpu.memory_space<vmem>>, vector<8x2048xf32>
      %add3A_1327 = arith.constant 456 : i32
      %add3A_1328 = arith.addi %mul3A_18, %add3A_1327 : i32
      %iota3A_1329 = tpu.iota {dimensions = array<i32: 0>} : vector<8x2048xi32>
      %add3A_1330 = vector.broadcast %add3A_1328 : i32 to vector<8x2048xi32>
      %add3A_1331 = arith.addi %add3A_1330, %iota3A_1329 : vector<8x2048xi32>
      %eq3A_1332 = vector.broadcast %get3A_1 : vector<1x2048xi32> to vector<8x2048xi32>
      %eq3A_1333 = arith.cmpi eq, %add3A_1331, %eq3A_1332 : vector<8x2048xi32>
      %jit3A_1334 = arith.constant -0.899999976 : f32
      %jit3A_1335 = arith.constant -1.000020e-06 : f32
      %broadcast_in_dim3A_1336 = vector.broadcast %jit3A_1334 : f32 to vector<8x2048xf32>
      %broadcast_in_dim3A_1337 = vector.broadcast %jit3A_1335 : f32 to vector<8x2048xf32>
      %select_n3A_1338 = arith.select %eq3A_1333, %broadcast_in_dim3A_1336, %broadcast_in_dim3A_1337 : vector<8x2048xi1>, vector<8x2048xf32>
      %get3A_1339 = arith.constant 0 : index
      %get3A_1340 = arith.constant 0 : index
      %get3A_1341 = vector.load %arg4[%get3A_1339, %get3A_1340] : memref<8x2048xf32, #tpu.memory_space<vmem>>, vector<8x2048xf32>
      %mul3A_1342 = arith.mulf %select_n3A_1338, %get3A_1326 : vector<8x2048xf32>
      %add3A_1343 = arith.addf %get3A_1341, %mul3A_1342 : vector<8x2048xf32>
      %swap3A_1344 = arith.constant 0 : index
      %swap3A_1345 = arith.constant 0 : index
      %swap3A_1346 = vector.load %arg4[%swap3A_1344, %swap3A_1345] : memref<8x2048xf32, #tpu.memory_space<vmem>>, vector<8x2048xf32>
      tpu.vector_store %arg4[%swap3A_1344, %swap3A_1345], %add3A_1343 {strides = array<i32>} : memref<8x2048xf32, #tpu.memory_space<vmem>>, vector<8x2048xf32>,
      %get3A_1347 = arith.constant 464 : index
      %get3A_1348 = arith.constant 0 : index
      %get3A_1349 = vector.load %arg1[%get3A_1347, %get3A_1348] : memref<1024x2048xf32, #tpu.memory_space<vmem>>, vector<8x2048xf32>
      %add3A_1350 = arith.constant 464 : i32
      %add3A_1351 = arith.addi %mul3A_18, %add3A_1350 : i32
      %iota3A_1352 = tpu.iota {dimensions = array<i32: 0>} : vector<8x2048xi32>
      %add3A_1353 = vector.broadcast %add3A_1351 : i32 to vector<8x2048xi32>
      %add3A_1354 = arith.addi %add3A_1353, %iota3A_1352 : vector<8x2048xi32>
      %eq3A_1355 = vector.broadcast %get3A_1 : vector<1x2048xi32> to vector<8x2048xi32>
      %eq3A_1356 = arith.cmpi eq, %add3A_1354, %eq3A_1355 : vector<8x2048xi32>
      %jit3A_1357 = arith.constant -0.899999976 : f32
      %jit3A_1358 = arith.constant -1.000020e-06 : f32
      %broadcast_in_dim3A_1359 = vector.broadcast %jit3A_1357 : f32 to vector<8x2048xf32>
      %broadcast_in_dim3A_1360 = vector.broadcast %jit3A_1358 : f32 to vector<8x2048xf32>
      %select_n3A_1361 = arith.select %eq3A_1356, %broadcast_in_dim3A_1359, %broadcast_in_dim3A_1360 : vector<8x2048xi1>, vector<8x2048xf32>
      %get3A_1362 = arith.constant 0 : index
      %get3A_1363 = arith.constant 0 : index
      %get3A_1364 = vector.load %arg4[%get3A_1362, %get3A_1363] : memref<8x2048xf32, #tpu.memory_space<vmem>>, vector<8x2048xf32>
      %mul3A_1365 = arith.mulf %select_n3A_1361, %get3A_1349 : vector<8x2048xf32>
      %add3A_1366 = arith.addf %get3A_1364, %mul3A_1365 : vector<8x2048xf32>
      %swap3A_1367 = arith.constant 0 : index
      %swap3A_1368 = arith.constant 0 : index
      %swap3A_1369 = vector.load %arg4[%swap3A_1367, %swap3A_1368] : memref<8x2048xf32, #tpu.memory_space<vmem>>, vector<8x2048xf32>
      tpu.vector_store %arg4[%swap3A_1367, %swap3A_1368], %add3A_1366 {strides = array<i32>} : memref<8x2048xf32, #tpu.memory_space<vmem>>, vector<8x2048xf32>,
      %get3A_1370 = arith.constant 472 : index
      %get3A_1371 = arith.constant 0 : index
      %get3A_1372 = vector.load %arg1[%get3A_1370, %get3A_1371] : memref<1024x2048xf32, #tpu.memory_space<vmem>>, vector<8x2048xf32>
      %add3A_1373 = arith.constant 472 : i32
      %add3A_1374 = arith.addi %mul3A_18, %add3A_1373 : i32
      %iota3A_1375 = tpu.iota {dimensions = array<i32: 0>} : vector<8x2048xi32>
      %add3A_1376 = vector.broadcast %add3A_1374 : i32 to vector<8x2048xi32>
      %add3A_1377 = arith.addi %add3A_1376, %iota3A_1375 : vector<8x2048xi32>
      %eq3A_1378 = vector.broadcast %get3A_1 : vector<1x2048xi32> to vector<8x2048xi32>
      %eq3A_1379 = arith.cmpi eq, %add3A_1377, %eq3A_1378 : vector<8x2048xi32>
      %jit3A_1380 = arith.constant -0.899999976 : f32
      %jit3A_1381 = arith.constant -1.000020e-06 : f32
      %broadcast_in_dim3A_1382 = vector.broadcast %jit3A_1380 : f32 to vector<8x2048xf32>
      %broadcast_in_dim3A_1383 = vector.broadcast %jit3A_1381 : f32 to vector<8x2048xf32>
      %select_n3A_1384 = arith.select %eq3A_1379, %broadcast_in_dim3A_1382, %broadcast_in_dim3A_1383 : vector<8x2048xi1>, vector<8x2048xf32>
      %get3A_1385 = arith.constant 0 : index
      %get3A_1386 = arith.constant 0 : index
      %get3A_1387 = vector.load %arg4[%get3A_1385, %get3A_1386] : memref<8x2048xf32, #tpu.memory_space<vmem>>, vector<8x2048xf32>
      %mul3A_1388 = arith.mulf %select_n3A_1384, %get3A_1372 : vector<8x2048xf32>
      %add3A_1389 = arith.addf %get3A_1387, %mul3A_1388 : vector<8x2048xf32>
      %swap3A_1390 = arith.constant 0 : index
      %swap3A_1391 = arith.constant 0 : index
      %swap3A_1392 = vector.load %arg4[%swap3A_1390, %swap3A_1391] : memref<8x2048xf32, #tpu.memory_space<vmem>>, vector<8x2048xf32>
      tpu.vector_store %arg4[%swap3A_1390, %swap3A_1391], %add3A_1389 {strides = array<i32>} : memref<8x2048xf32, #tpu.memory_space<vmem>>, vector<8x2048xf32>,
      %get3A_1393 = arith.constant 480 : index
      %get3A_1394 = arith.constant 0 : index
      %get3A_1395 = vector.load %arg1[%get3A_1393, %get3A_1394] : memref<1024x2048xf32, #tpu.memory_space<vmem>>, vector<8x2048xf32>
      %add3A_1396 = arith.constant 480 : i32
      %add3A_1397 = arith.addi %mul3A_18, %add3A_1396 : i32
      %iota3A_1398 = tpu.iota {dimensions = array<i32: 0>} : vector<8x2048xi32>
      %add3A_1399 = vector.broadcast %add3A_1397 : i32 to vector<8x2048xi32>
      %add3A_1400 = arith.addi %add3A_1399, %iota3A_1398 : vector<8x2048xi32>
      %eq3A_1401 = vector.broadcast %get3A_1 : vector<1x2048xi32> to vector<8x2048xi32>
      %eq3A_1402 = arith.cmpi eq, %add3A_1400, %eq3A_1401 : vector<8x2048xi32>
      %jit3A_1403 = arith.constant -0.899999976 : f32
      %jit3A_1404 = arith.constant -1.000020e-06 : f32
      %broadcast_in_dim3A_1405 = vector.broadcast %jit3A_1403 : f32 to vector<8x2048xf32>
      %broadcast_in_dim3A_1406 = vector.broadcast %jit3A_1404 : f32 to vector<8x2048xf32>
      %select_n3A_1407 = arith.select %eq3A_1402, %broadcast_in_dim3A_1405, %broadcast_in_dim3A_1406 : vector<8x2048xi1>, vector<8x2048xf32>
      %get3A_1408 = arith.constant 0 : index
      %get3A_1409 = arith.constant 0 : index
      %get3A_1410 = vector.load %arg4[%get3A_1408, %get3A_1409] : memref<8x2048xf32, #tpu.memory_space<vmem>>, vector<8x2048xf32>
      %mul3A_1411 = arith.mulf %select_n3A_1407, %get3A_1395 : vector<8x2048xf32>
      %add3A_1412 = arith.addf %get3A_1410, %mul3A_1411 : vector<8x2048xf32>
      %swap3A_1413 = arith.constant 0 : index
      %swap3A_1414 = arith.constant 0 : index
      %swap3A_1415 = vector.load %arg4[%swap3A_1413, %swap3A_1414] : memref<8x2048xf32, #tpu.memory_space<vmem>>, vector<8x2048xf32>
      tpu.vector_store %arg4[%swap3A_1413, %swap3A_1414], %add3A_1412 {strides = array<i32>} : memref<8x2048xf32, #tpu.memory_space<vmem>>, vector<8x2048xf32>,
      %get3A_1416 = arith.constant 488 : index
      %get3A_1417 = arith.constant 0 : index
      %get3A_1418 = vector.load %arg1[%get3A_1416, %get3A_1417] : memref<1024x2048xf32, #tpu.memory_space<vmem>>, vector<8x2048xf32>
      %add3A_1419 = arith.constant 488 : i32
      %add3A_1420 = arith.addi %mul3A_18, %add3A_1419 : i32
      %iota3A_1421 = tpu.iota {dimensions = array<i32: 0>} : vector<8x2048xi32>
      %add3A_1422 = vector.broadcast %add3A_1420 : i32 to vector<8x2048xi32>
      %add3A_1423 = arith.addi %add3A_1422, %iota3A_1421 : vector<8x2048xi32>
      %eq3A_1424 = vector.broadcast %get3A_1 : vector<1x2048xi32> to vector<8x2048xi32>
      %eq3A_1425 = arith.cmpi eq, %add3A_1423, %eq3A_1424 : vector<8x2048xi32>
      %jit3A_1426 = arith.constant -0.899999976 : f32
      %jit3A_1427 = arith.constant -1.000020e-06 : f32
      %broadcast_in_dim3A_1428 = vector.broadcast %jit3A_1426 : f32 to vector<8x2048xf32>
      %broadcast_in_dim3A_1429 = vector.broadcast %jit3A_1427 : f32 to vector<8x2048xf32>
      %select_n3A_1430 = arith.select %eq3A_1425, %broadcast_in_dim3A_1428, %broadcast_in_dim3A_1429 : vector<8x2048xi1>, vector<8x2048xf32>
      %get3A_1431 = arith.constant 0 : index
      %get3A_1432 = arith.constant 0 : index
      %get3A_1433 = vector.load %arg4[%get3A_1431, %get3A_1432] : memref<8x2048xf32, #tpu.memory_space<vmem>>, vector<8x2048xf32>
      %mul3A_1434 = arith.mulf %select_n3A_1430, %get3A_1418 : vector<8x2048xf32>
      %add3A_1435 = arith.addf %get3A_1433, %mul3A_1434 : vector<8x2048xf32>
      %swap3A_1436 = arith.constant 0 : index
      %swap3A_1437 = arith.constant 0 : index
      %swap3A_1438 = vector.load %arg4[%swap3A_1436, %swap3A_1437] : memref<8x2048xf32, #tpu.memory_space<vmem>>, vector<8x2048xf32>
      tpu.vector_store %arg4[%swap3A_1436, %swap3A_1437], %add3A_1435 {strides = array<i32>} : memref<8x2048xf32, #tpu.memory_space<vmem>>, vector<8x2048xf32>,
      %get3A_1439 = arith.constant 496 : index
      %get3A_1440 = arith.constant 0 : index
      %get3A_1441 = vector.load %arg1[%get3A_1439, %get3A_1440] : memref<1024x2048xf32, #tpu.memory_space<vmem>>, vector<8x2048xf32>
      %add3A_1442 = arith.constant 496 : i32
      %add3A_1443 = arith.addi %mul3A_18, %add3A_1442 : i32
      %iota3A_1444 = tpu.iota {dimensions = array<i32: 0>} : vector<8x2048xi32>
      %add3A_1445 = vector.broadcast %add3A_1443 : i32 to vector<8x2048xi32>
      %add3A_1446 = arith.addi %add3A_1445, %iota3A_1444 : vector<8x2048xi32>
      %eq3A_1447 = vector.broadcast %get3A_1 : vector<1x2048xi32> to vector<8x2048xi32>
      %eq3A_1448 = arith.cmpi eq, %add3A_1446, %eq3A_1447 : vector<8x2048xi32>
      %jit3A_1449 = arith.constant -0.899999976 : f32
      %jit3A_1450 = arith.constant -1.000020e-06 : f32
      %broadcast_in_dim3A_1451 = vector.broadcast %jit3A_1449 : f32 to vector<8x2048xf32>
      %broadcast_in_dim3A_1452 = vector.broadcast %jit3A_1450 : f32 to vector<8x2048xf32>
      %select_n3A_1453 = arith.select %eq3A_1448, %broadcast_in_dim3A_1451, %broadcast_in_dim3A_1452 : vector<8x2048xi1>, vector<8x2048xf32>
      %get3A_1454 = arith.constant 0 : index
      %get3A_1455 = arith.constant 0 : index
      %get3A_1456 = vector.load %arg4[%get3A_1454, %get3A_1455] : memref<8x2048xf32, #tpu.memory_space<vmem>>, vector<8x2048xf32>
      %mul3A_1457 = arith.mulf %select_n3A_1453, %get3A_1441 : vector<8x2048xf32>
      %add3A_1458 = arith.addf %get3A_1456, %mul3A_1457 : vector<8x2048xf32>
      %swap3A_1459 = arith.constant 0 : index
      %swap3A_1460 = arith.constant 0 : index
      %swap3A_1461 = vector.load %arg4[%swap3A_1459, %swap3A_1460] : memref<8x2048xf32, #tpu.memory_space<vmem>>, vector<8x2048xf32>
      tpu.vector_store %arg4[%swap3A_1459, %swap3A_1460], %add3A_1458 {strides = array<i32>} : memref<8x2048xf32, #tpu.memory_space<vmem>>, vector<8x2048xf32>,
      %get3A_1462 = arith.constant 504 : index
      %get3A_1463 = arith.constant 0 : index
      %get3A_1464 = vector.load %arg1[%get3A_1462, %get3A_1463] : memref<1024x2048xf32, #tpu.memory_space<vmem>>, vector<8x2048xf32>
      %add3A_1465 = arith.constant 504 : i32
      %add3A_1466 = arith.addi %mul3A_18, %add3A_1465 : i32
      %iota3A_1467 = tpu.iota {dimensions = array<i32: 0>} : vector<8x2048xi32>
      %add3A_1468 = vector.broadcast %add3A_1466 : i32 to vector<8x2048xi32>
      %add3A_1469 = arith.addi %add3A_1468, %iota3A_1467 : vector<8x2048xi32>
      %eq3A_1470 = vector.broadcast %get3A_1 : vector<1x2048xi32> to vector<8x2048xi32>
      %eq3A_1471 = arith.cmpi eq, %add3A_1469, %eq3A_1470 : vector<8x2048xi32>
      %jit3A_1472 = arith.constant -0.899999976 : f32
      %jit3A_1473 = arith.constant -1.000020e-06 : f32
      %broadcast_in_dim3A_1474 = vector.broadcast %jit3A_1472 : f32 to vector<8x2048xf32>
      %broadcast_in_dim3A_1475 = vector.broadcast %jit3A_1473 : f32 to vector<8x2048xf32>
      %select_n3A_1476 = arith.select %eq3A_1471, %broadcast_in_dim3A_1474, %broadcast_in_dim3A_1475 : vector<8x2048xi1>, vector<8x2048xf32>
      %get3A_1477 = arith.constant 0 : index
      %get3A_1478 = arith.constant 0 : index
      %get3A_1479 = vector.load %arg4[%get3A_1477, %get3A_1478] : memref<8x2048xf32, #tpu.memory_space<vmem>>, vector<8x2048xf32>
      %mul3A_1480 = arith.mulf %select_n3A_1476, %get3A_1464 : vector<8x2048xf32>
      %add3A_1481 = arith.addf %get3A_1479, %mul3A_1480 : vector<8x2048xf32>
      %swap3A_1482 = arith.constant 0 : index
      %swap3A_1483 = arith.constant 0 : index
      %swap3A_1484 = vector.load %arg4[%swap3A_1482, %swap3A_1483] : memref<8x2048xf32, #tpu.memory_space<vmem>>, vector<8x2048xf32>
      tpu.vector_store %arg4[%swap3A_1482, %swap3A_1483], %add3A_1481 {strides = array<i32>} : memref<8x2048xf32, #tpu.memory_space<vmem>>, vector<8x2048xf32>,
      %get3A_1485 = arith.constant 512 : index
      %get3A_1486 = arith.constant 0 : index
      %get3A_1487 = vector.load %arg1[%get3A_1485, %get3A_1486] : memref<1024x2048xf32, #tpu.memory_space<vmem>>, vector<8x2048xf32>
      %add3A_1488 = arith.constant 512 : i32
      %add3A_1489 = arith.addi %mul3A_18, %add3A_1488 : i32
      %iota3A_1490 = tpu.iota {dimensions = array<i32: 0>} : vector<8x2048xi32>
      %add3A_1491 = vector.broadcast %add3A_1489 : i32 to vector<8x2048xi32>
      %add3A_1492 = arith.addi %add3A_1491, %iota3A_1490 : vector<8x2048xi32>
      %eq3A_1493 = vector.broadcast %get3A_1 : vector<1x2048xi32> to vector<8x2048xi32>
      %eq3A_1494 = arith.cmpi eq, %add3A_1492, %eq3A_1493 : vector<8x2048xi32>
      %jit3A_1495 = arith.constant -0.899999976 : f32
      %jit3A_1496 = arith.constant -1.000020e-06 : f32
      %broadcast_in_dim3A_1497 = vector.broadcast %jit3A_1495 : f32 to vector<8x2048xf32>
      %broadcast_in_dim3A_1498 = vector.broadcast %jit3A_1496 : f32 to vector<8x2048xf32>
      %select_n3A_1499 = arith.select %eq3A_1494, %broadcast_in_dim3A_1497, %broadcast_in_dim3A_1498 : vector<8x2048xi1>, vector<8x2048xf32>
      %get3A_1500 = arith.constant 0 : index
      %get3A_1501 = arith.constant 0 : index
      %get3A_1502 = vector.load %arg4[%get3A_1500, %get3A_1501] : memref<8x2048xf32, #tpu.memory_space<vmem>>, vector<8x2048xf32>
      %mul3A_1503 = arith.mulf %select_n3A_1499, %get3A_1487 : vector<8x2048xf32>
      %add3A_1504 = arith.addf %get3A_1502, %mul3A_1503 : vector<8x2048xf32>
      %swap3A_1505 = arith.constant 0 : index
      %swap3A_1506 = arith.constant 0 : index
      %swap3A_1507 = vector.load %arg4[%swap3A_1505, %swap3A_1506] : memref<8x2048xf32, #tpu.memory_space<vmem>>, vector<8x2048xf32>
      tpu.vector_store %arg4[%swap3A_1505, %swap3A_1506], %add3A_1504 {strides = array<i32>} : memref<8x2048xf32, #tpu.memory_space<vmem>>, vector<8x2048xf32>,
      %get3A_1508 = arith.constant 520 : index
      %get3A_1509 = arith.constant 0 : index
      %get3A_1510 = vector.load %arg1[%get3A_1508, %get3A_1509] : memref<1024x2048xf32, #tpu.memory_space<vmem>>, vector<8x2048xf32>
      %add3A_1511 = arith.constant 520 : i32
      %add3A_1512 = arith.addi %mul3A_18, %add3A_1511 : i32
      %iota3A_1513 = tpu.iota {dimensions = array<i32: 0>} : vector<8x2048xi32>
      %add3A_1514 = vector.broadcast %add3A_1512 : i32 to vector<8x2048xi32>
      %add3A_1515 = arith.addi %add3A_1514, %iota3A_1513 : vector<8x2048xi32>
      %eq3A_1516 = vector.broadcast %get3A_1 : vector<1x2048xi32> to vector<8x2048xi32>
      %eq3A_1517 = arith.cmpi eq, %add3A_1515, %eq3A_1516 : vector<8x2048xi32>
      %jit3A_1518 = arith.constant -0.899999976 : f32
      %jit3A_1519 = arith.constant -1.000020e-06 : f32
      %broadcast_in_dim3A_1520 = vector.broadcast %jit3A_1518 : f32 to vector<8x2048xf32>
      %broadcast_in_dim3A_1521 = vector.broadcast %jit3A_1519 : f32 to vector<8x2048xf32>
      %select_n3A_1522 = arith.select %eq3A_1517, %broadcast_in_dim3A_1520, %broadcast_in_dim3A_1521 : vector<8x2048xi1>, vector<8x2048xf32>
      %get3A_1523 = arith.constant 0 : index
      %get3A_1524 = arith.constant 0 : index
      %get3A_1525 = vector.load %arg4[%get3A_1523, %get3A_1524] : memref<8x2048xf32, #tpu.memory_space<vmem>>, vector<8x2048xf32>
      %mul3A_1526 = arith.mulf %select_n3A_1522, %get3A_1510 : vector<8x2048xf32>
      %add3A_1527 = arith.addf %get3A_1525, %mul3A_1526 : vector<8x2048xf32>
      %swap3A_1528 = arith.constant 0 : index
      %swap3A_1529 = arith.constant 0 : index
      %swap3A_1530 = vector.load %arg4[%swap3A_1528, %swap3A_1529] : memref<8x2048xf32, #tpu.memory_space<vmem>>, vector<8x2048xf32>
      tpu.vector_store %arg4[%swap3A_1528, %swap3A_1529], %add3A_1527 {strides = array<i32>} : memref<8x2048xf32, #tpu.memory_space<vmem>>, vector<8x2048xf32>,
      %get3A_1531 = arith.constant 528 : index
      %get3A_1532 = arith.constant 0 : index
      %get3A_1533 = vector.load %arg1[%get3A_1531, %get3A_1532] : memref<1024x2048xf32, #tpu.memory_space<vmem>>, vector<8x2048xf32>
      %add3A_1534 = arith.constant 528 : i32
      %add3A_1535 = arith.addi %mul3A_18, %add3A_1534 : i32
      %iota3A_1536 = tpu.iota {dimensions = array<i32: 0>} : vector<8x2048xi32>
      %add3A_1537 = vector.broadcast %add3A_1535 : i32 to vector<8x2048xi32>
      %add3A_1538 = arith.addi %add3A_1537, %iota3A_1536 : vector<8x2048xi32>
      %eq3A_1539 = vector.broadcast %get3A_1 : vector<1x2048xi32> to vector<8x2048xi32>
      %eq3A_1540 = arith.cmpi eq, %add3A_1538, %eq3A_1539 : vector<8x2048xi32>
      %jit3A_1541 = arith.constant -0.899999976 : f32
      %jit3A_1542 = arith.constant -1.000020e-06 : f32
      %broadcast_in_dim3A_1543 = vector.broadcast %jit3A_1541 : f32 to vector<8x2048xf32>
      %broadcast_in_dim3A_1544 = vector.broadcast %jit3A_1542 : f32 to vector<8x2048xf32>
      %select_n3A_1545 = arith.select %eq3A_1540, %broadcast_in_dim3A_1543, %broadcast_in_dim3A_1544 : vector<8x2048xi1>, vector<8x2048xf32>
      %get3A_1546 = arith.constant 0 : index
      %get3A_1547 = arith.constant 0 : index
      %get3A_1548 = vector.load %arg4[%get3A_1546, %get3A_1547] : memref<8x2048xf32, #tpu.memory_space<vmem>>, vector<8x2048xf32>
      %mul3A_1549 = arith.mulf %select_n3A_1545, %get3A_1533 : vector<8x2048xf32>
      %add3A_1550 = arith.addf %get3A_1548, %mul3A_1549 : vector<8x2048xf32>
      %swap3A_1551 = arith.constant 0 : index
      %swap3A_1552 = arith.constant 0 : index
      %swap3A_1553 = vector.load %arg4[%swap3A_1551, %swap3A_1552] : memref<8x2048xf32, #tpu.memory_space<vmem>>, vector<8x2048xf32>
      tpu.vector_store %arg4[%swap3A_1551, %swap3A_1552], %add3A_1550 {strides = array<i32>} : memref<8x2048xf32, #tpu.memory_space<vmem>>, vector<8x2048xf32>,
      %get3A_1554 = arith.constant 536 : index
      %get3A_1555 = arith.constant 0 : index
      %get3A_1556 = vector.load %arg1[%get3A_1554, %get3A_1555] : memref<1024x2048xf32, #tpu.memory_space<vmem>>, vector<8x2048xf32>
      %add3A_1557 = arith.constant 536 : i32
      %add3A_1558 = arith.addi %mul3A_18, %add3A_1557 : i32
      %iota3A_1559 = tpu.iota {dimensions = array<i32: 0>} : vector<8x2048xi32>
      %add3A_1560 = vector.broadcast %add3A_1558 : i32 to vector<8x2048xi32>
      %add3A_1561 = arith.addi %add3A_1560, %iota3A_1559 : vector<8x2048xi32>
      %eq3A_1562 = vector.broadcast %get3A_1 : vector<1x2048xi32> to vector<8x2048xi32>
      %eq3A_1563 = arith.cmpi eq, %add3A_1561, %eq3A_1562 : vector<8x2048xi32>
      %jit3A_1564 = arith.constant -0.899999976 : f32
      %jit3A_1565 = arith.constant -1.000020e-06 : f32
      %broadcast_in_dim3A_1566 = vector.broadcast %jit3A_1564 : f32 to vector<8x2048xf32>
      %broadcast_in_dim3A_1567 = vector.broadcast %jit3A_1565 : f32 to vector<8x2048xf32>
      %select_n3A_1568 = arith.select %eq3A_1563, %broadcast_in_dim3A_1566, %broadcast_in_dim3A_1567 : vector<8x2048xi1>, vector<8x2048xf32>
      %get3A_1569 = arith.constant 0 : index
      %get3A_1570 = arith.constant 0 : index
      %get3A_1571 = vector.load %arg4[%get3A_1569, %get3A_1570] : memref<8x2048xf32, #tpu.memory_space<vmem>>, vector<8x2048xf32>
      %mul3A_1572 = arith.mulf %select_n3A_1568, %get3A_1556 : vector<8x2048xf32>
      %add3A_1573 = arith.addf %get3A_1571, %mul3A_1572 : vector<8x2048xf32>
      %swap3A_1574 = arith.constant 0 : index
      %swap3A_1575 = arith.constant 0 : index
      %swap3A_1576 = vector.load %arg4[%swap3A_1574, %swap3A_1575] : memref<8x2048xf32, #tpu.memory_space<vmem>>, vector<8x2048xf32>
      tpu.vector_store %arg4[%swap3A_1574, %swap3A_1575], %add3A_1573 {strides = array<i32>} : memref<8x2048xf32, #tpu.memory_space<vmem>>, vector<8x2048xf32>,
      %get3A_1577 = arith.constant 544 : index
      %get3A_1578 = arith.constant 0 : index
      %get3A_1579 = vector.load %arg1[%get3A_1577, %get3A_1578] : memref<1024x2048xf32, #tpu.memory_space<vmem>>, vector<8x2048xf32>
      %add3A_1580 = arith.constant 544 : i32
      %add3A_1581 = arith.addi %mul3A_18, %add3A_1580 : i32
      %iota3A_1582 = tpu.iota {dimensions = array<i32: 0>} : vector<8x2048xi32>
      %add3A_1583 = vector.broadcast %add3A_1581 : i32 to vector<8x2048xi32>
      %add3A_1584 = arith.addi %add3A_1583, %iota3A_1582 : vector<8x2048xi32>
      %eq3A_1585 = vector.broadcast %get3A_1 : vector<1x2048xi32> to vector<8x2048xi32>
      %eq3A_1586 = arith.cmpi eq, %add3A_1584, %eq3A_1585 : vector<8x2048xi32>
      %jit3A_1587 = arith.constant -0.899999976 : f32
      %jit3A_1588 = arith.constant -1.000020e-06 : f32
      %broadcast_in_dim3A_1589 = vector.broadcast %jit3A_1587 : f32 to vector<8x2048xf32>
      %broadcast_in_dim3A_1590 = vector.broadcast %jit3A_1588 : f32 to vector<8x2048xf32>
      %select_n3A_1591 = arith.select %eq3A_1586, %broadcast_in_dim3A_1589, %broadcast_in_dim3A_1590 : vector<8x2048xi1>, vector<8x2048xf32>
      %get3A_1592 = arith.constant 0 : index
      %get3A_1593 = arith.constant 0 : index
      %get3A_1594 = vector.load %arg4[%get3A_1592, %get3A_1593] : memref<8x2048xf32, #tpu.memory_space<vmem>>, vector<8x2048xf32>
      %mul3A_1595 = arith.mulf %select_n3A_1591, %get3A_1579 : vector<8x2048xf32>
      %add3A_1596 = arith.addf %get3A_1594, %mul3A_1595 : vector<8x2048xf32>
      %swap3A_1597 = arith.constant 0 : index
      %swap3A_1598 = arith.constant 0 : index
      %swap3A_1599 = vector.load %arg4[%swap3A_1597, %swap3A_1598] : memref<8x2048xf32, #tpu.memory_space<vmem>>, vector<8x2048xf32>
      tpu.vector_store %arg4[%swap3A_1597, %swap3A_1598], %add3A_1596 {strides = array<i32>} : memref<8x2048xf32, #tpu.memory_space<vmem>>, vector<8x2048xf32>,
      %get3A_1600 = arith.constant 552 : index
      %get3A_1601 = arith.constant 0 : index
      %get3A_1602 = vector.load %arg1[%get3A_1600, %get3A_1601] : memref<1024x2048xf32, #tpu.memory_space<vmem>>, vector<8x2048xf32>
      %add3A_1603 = arith.constant 552 : i32
      %add3A_1604 = arith.addi %mul3A_18, %add3A_1603 : i32
      %iota3A_1605 = tpu.iota {dimensions = array<i32: 0>} : vector<8x2048xi32>
      %add3A_1606 = vector.broadcast %add3A_1604 : i32 to vector<8x2048xi32>
      %add3A_1607 = arith.addi %add3A_1606, %iota3A_1605 : vector<8x2048xi32>
      %eq3A_1608 = vector.broadcast %get3A_1 : vector<1x2048xi32> to vector<8x2048xi32>
      %eq3A_1609 = arith.cmpi eq, %add3A_1607, %eq3A_1608 : vector<8x2048xi32>
      %jit3A_1610 = arith.constant -0.899999976 : f32
      %jit3A_1611 = arith.constant -1.000020e-06 : f32
      %broadcast_in_dim3A_1612 = vector.broadcast %jit3A_1610 : f32 to vector<8x2048xf32>
      %broadcast_in_dim3A_1613 = vector.broadcast %jit3A_1611 : f32 to vector<8x2048xf32>
      %select_n3A_1614 = arith.select %eq3A_1609, %broadcast_in_dim3A_1612, %broadcast_in_dim3A_1613 : vector<8x2048xi1>, vector<8x2048xf32>
      %get3A_1615 = arith.constant 0 : index
      %get3A_1616 = arith.constant 0 : index
      %get3A_1617 = vector.load %arg4[%get3A_1615, %get3A_1616] : memref<8x2048xf32, #tpu.memory_space<vmem>>, vector<8x2048xf32>
      %mul3A_1618 = arith.mulf %select_n3A_1614, %get3A_1602 : vector<8x2048xf32>
      %add3A_1619 = arith.addf %get3A_1617, %mul3A_1618 : vector<8x2048xf32>
      %swap3A_1620 = arith.constant 0 : index
      %swap3A_1621 = arith.constant 0 : index
      %swap3A_1622 = vector.load %arg4[%swap3A_1620, %swap3A_1621] : memref<8x2048xf32, #tpu.memory_space<vmem>>, vector<8x2048xf32>
      tpu.vector_store %arg4[%swap3A_1620, %swap3A_1621], %add3A_1619 {strides = array<i32>} : memref<8x2048xf32, #tpu.memory_space<vmem>>, vector<8x2048xf32>,
      %get3A_1623 = arith.constant 560 : index
      %get3A_1624 = arith.constant 0 : index
      %get3A_1625 = vector.load %arg1[%get3A_1623, %get3A_1624] : memref<1024x2048xf32, #tpu.memory_space<vmem>>, vector<8x2048xf32>
      %add3A_1626 = arith.constant 560 : i32
      %add3A_1627 = arith.addi %mul3A_18, %add3A_1626 : i32
      %iota3A_1628 = tpu.iota {dimensions = array<i32: 0>} : vector<8x2048xi32>
      %add3A_1629 = vector.broadcast %add3A_1627 : i32 to vector<8x2048xi32>
      %add3A_1630 = arith.addi %add3A_1629, %iota3A_1628 : vector<8x2048xi32>
      %eq3A_1631 = vector.broadcast %get3A_1 : vector<1x2048xi32> to vector<8x2048xi32>
      %eq3A_1632 = arith.cmpi eq, %add3A_1630, %eq3A_1631 : vector<8x2048xi32>
      %jit3A_1633 = arith.constant -0.899999976 : f32
      %jit3A_1634 = arith.constant -1.000020e-06 : f32
      %broadcast_in_dim3A_1635 = vector.broadcast %jit3A_1633 : f32 to vector<8x2048xf32>
      %broadcast_in_dim3A_1636 = vector.broadcast %jit3A_1634 : f32 to vector<8x2048xf32>
      %select_n3A_1637 = arith.select %eq3A_1632, %broadcast_in_dim3A_1635, %broadcast_in_dim3A_1636 : vector<8x2048xi1>, vector<8x2048xf32>
      %get3A_1638 = arith.constant 0 : index
      %get3A_1639 = arith.constant 0 : index
      %get3A_1640 = vector.load %arg4[%get3A_1638, %get3A_1639] : memref<8x2048xf32, #tpu.memory_space<vmem>>, vector<8x2048xf32>
      %mul3A_1641 = arith.mulf %select_n3A_1637, %get3A_1625 : vector<8x2048xf32>
      %add3A_1642 = arith.addf %get3A_1640, %mul3A_1641 : vector<8x2048xf32>
      %swap3A_1643 = arith.constant 0 : index
      %swap3A_1644 = arith.constant 0 : index
      %swap3A_1645 = vector.load %arg4[%swap3A_1643, %swap3A_1644] : memref<8x2048xf32, #tpu.memory_space<vmem>>, vector<8x2048xf32>
      tpu.vector_store %arg4[%swap3A_1643, %swap3A_1644], %add3A_1642 {strides = array<i32>} : memref<8x2048xf32, #tpu.memory_space<vmem>>, vector<8x2048xf32>,
      %get3A_1646 = arith.constant 568 : index
      %get3A_1647 = arith.constant 0 : index
      %get3A_1648 = vector.load %arg1[%get3A_1646, %get3A_1647] : memref<1024x2048xf32, #tpu.memory_space<vmem>>, vector<8x2048xf32>
      %add3A_1649 = arith.constant 568 : i32
      %add3A_1650 = arith.addi %mul3A_18, %add3A_1649 : i32
      %iota3A_1651 = tpu.iota {dimensions = array<i32: 0>} : vector<8x2048xi32>
      %add3A_1652 = vector.broadcast %add3A_1650 : i32 to vector<8x2048xi32>
      %add3A_1653 = arith.addi %add3A_1652, %iota3A_1651 : vector<8x2048xi32>
      %eq3A_1654 = vector.broadcast %get3A_1 : vector<1x2048xi32> to vector<8x2048xi32>
      %eq3A_1655 = arith.cmpi eq, %add3A_1653, %eq3A_1654 : vector<8x2048xi32>
      %jit3A_1656 = arith.constant -0.899999976 : f32
      %jit3A_1657 = arith.constant -1.000020e-06 : f32
      %broadcast_in_dim3A_1658 = vector.broadcast %jit3A_1656 : f32 to vector<8x2048xf32>
      %broadcast_in_dim3A_1659 = vector.broadcast %jit3A_1657 : f32 to vector<8x2048xf32>
      %select_n3A_1660 = arith.select %eq3A_1655, %broadcast_in_dim3A_1658, %broadcast_in_dim3A_1659 : vector<8x2048xi1>, vector<8x2048xf32>
      %get3A_1661 = arith.constant 0 : index
      %get3A_1662 = arith.constant 0 : index
      %get3A_1663 = vector.load %arg4[%get3A_1661, %get3A_1662] : memref<8x2048xf32, #tpu.memory_space<vmem>>, vector<8x2048xf32>
      %mul3A_1664 = arith.mulf %select_n3A_1660, %get3A_1648 : vector<8x2048xf32>
      %add3A_1665 = arith.addf %get3A_1663, %mul3A_1664 : vector<8x2048xf32>
      %swap3A_1666 = arith.constant 0 : index
      %swap3A_1667 = arith.constant 0 : index
      %swap3A_1668 = vector.load %arg4[%swap3A_1666, %swap3A_1667] : memref<8x2048xf32, #tpu.memory_space<vmem>>, vector<8x2048xf32>
      tpu.vector_store %arg4[%swap3A_1666, %swap3A_1667], %add3A_1665 {strides = array<i32>} : memref<8x2048xf32, #tpu.memory_space<vmem>>, vector<8x2048xf32>,
      %get3A_1669 = arith.constant 576 : index
      %get3A_1670 = arith.constant 0 : index
      %get3A_1671 = vector.load %arg1[%get3A_1669, %get3A_1670] : memref<1024x2048xf32, #tpu.memory_space<vmem>>, vector<8x2048xf32>
      %add3A_1672 = arith.constant 576 : i32
      %add3A_1673 = arith.addi %mul3A_18, %add3A_1672 : i32
      %iota3A_1674 = tpu.iota {dimensions = array<i32: 0>} : vector<8x2048xi32>
      %add3A_1675 = vector.broadcast %add3A_1673 : i32 to vector<8x2048xi32>
      %add3A_1676 = arith.addi %add3A_1675, %iota3A_1674 : vector<8x2048xi32>
      %eq3A_1677 = vector.broadcast %get3A_1 : vector<1x2048xi32> to vector<8x2048xi32>
      %eq3A_1678 = arith.cmpi eq, %add3A_1676, %eq3A_1677 : vector<8x2048xi32>
      %jit3A_1679 = arith.constant -0.899999976 : f32
      %jit3A_1680 = arith.constant -1.000020e-06 : f32
      %broadcast_in_dim3A_1681 = vector.broadcast %jit3A_1679 : f32 to vector<8x2048xf32>
      %broadcast_in_dim3A_1682 = vector.broadcast %jit3A_1680 : f32 to vector<8x2048xf32>
      %select_n3A_1683 = arith.select %eq3A_1678, %broadcast_in_dim3A_1681, %broadcast_in_dim3A_1682 : vector<8x2048xi1>, vector<8x2048xf32>
      %get3A_1684 = arith.constant 0 : index
      %get3A_1685 = arith.constant 0 : index
      %get3A_1686 = vector.load %arg4[%get3A_1684, %get3A_1685] : memref<8x2048xf32, #tpu.memory_space<vmem>>, vector<8x2048xf32>
      %mul3A_1687 = arith.mulf %select_n3A_1683, %get3A_1671 : vector<8x2048xf32>
      %add3A_1688 = arith.addf %get3A_1686, %mul3A_1687 : vector<8x2048xf32>
      %swap3A_1689 = arith.constant 0 : index
      %swap3A_1690 = arith.constant 0 : index
      %swap3A_1691 = vector.load %arg4[%swap3A_1689, %swap3A_1690] : memref<8x2048xf32, #tpu.memory_space<vmem>>, vector<8x2048xf32>
      tpu.vector_store %arg4[%swap3A_1689, %swap3A_1690], %add3A_1688 {strides = array<i32>} : memref<8x2048xf32, #tpu.memory_space<vmem>>, vector<8x2048xf32>,
      %get3A_1692 = arith.constant 584 : index
      %get3A_1693 = arith.constant 0 : index
      %get3A_1694 = vector.load %arg1[%get3A_1692, %get3A_1693] : memref<1024x2048xf32, #tpu.memory_space<vmem>>, vector<8x2048xf32>
      %add3A_1695 = arith.constant 584 : i32
      %add3A_1696 = arith.addi %mul3A_18, %add3A_1695 : i32
      %iota3A_1697 = tpu.iota {dimensions = array<i32: 0>} : vector<8x2048xi32>
      %add3A_1698 = vector.broadcast %add3A_1696 : i32 to vector<8x2048xi32>
      %add3A_1699 = arith.addi %add3A_1698, %iota3A_1697 : vector<8x2048xi32>
      %eq3A_1700 = vector.broadcast %get3A_1 : vector<1x2048xi32> to vector<8x2048xi32>
      %eq3A_1701 = arith.cmpi eq, %add3A_1699, %eq3A_1700 : vector<8x2048xi32>
      %jit3A_1702 = arith.constant -0.899999976 : f32
      %jit3A_1703 = arith.constant -1.000020e-06 : f32
      %broadcast_in_dim3A_1704 = vector.broadcast %jit3A_1702 : f32 to vector<8x2048xf32>
      %broadcast_in_dim3A_1705 = vector.broadcast %jit3A_1703 : f32 to vector<8x2048xf32>
      %select_n3A_1706 = arith.select %eq3A_1701, %broadcast_in_dim3A_1704, %broadcast_in_dim3A_1705 : vector<8x2048xi1>, vector<8x2048xf32>
      %get3A_1707 = arith.constant 0 : index
      %get3A_1708 = arith.constant 0 : index
      %get3A_1709 = vector.load %arg4[%get3A_1707, %get3A_1708] : memref<8x2048xf32, #tpu.memory_space<vmem>>, vector<8x2048xf32>
      %mul3A_1710 = arith.mulf %select_n3A_1706, %get3A_1694 : vector<8x2048xf32>
      %add3A_1711 = arith.addf %get3A_1709, %mul3A_1710 : vector<8x2048xf32>
      %swap3A_1712 = arith.constant 0 : index
      %swap3A_1713 = arith.constant 0 : index
      %swap3A_1714 = vector.load %arg4[%swap3A_1712, %swap3A_1713] : memref<8x2048xf32, #tpu.memory_space<vmem>>, vector<8x2048xf32>
      tpu.vector_store %arg4[%swap3A_1712, %swap3A_1713], %add3A_1711 {strides = array<i32>} : memref<8x2048xf32, #tpu.memory_space<vmem>>, vector<8x2048xf32>,
      %get3A_1715 = arith.constant 592 : index
      %get3A_1716 = arith.constant 0 : index
      %get3A_1717 = vector.load %arg1[%get3A_1715, %get3A_1716] : memref<1024x2048xf32, #tpu.memory_space<vmem>>, vector<8x2048xf32>
      %add3A_1718 = arith.constant 592 : i32
      %add3A_1719 = arith.addi %mul3A_18, %add3A_1718 : i32
      %iota3A_1720 = tpu.iota {dimensions = array<i32: 0>} : vector<8x2048xi32>
      %add3A_1721 = vector.broadcast %add3A_1719 : i32 to vector<8x2048xi32>
      %add3A_1722 = arith.addi %add3A_1721, %iota3A_1720 : vector<8x2048xi32>
      %eq3A_1723 = vector.broadcast %get3A_1 : vector<1x2048xi32> to vector<8x2048xi32>
      %eq3A_1724 = arith.cmpi eq, %add3A_1722, %eq3A_1723 : vector<8x2048xi32>
      %jit3A_1725 = arith.constant -0.899999976 : f32
      %jit3A_1726 = arith.constant -1.000020e-06 : f32
      %broadcast_in_dim3A_1727 = vector.broadcast %jit3A_1725 : f32 to vector<8x2048xf32>
      %broadcast_in_dim3A_1728 = vector.broadcast %jit3A_1726 : f32 to vector<8x2048xf32>
      %select_n3A_1729 = arith.select %eq3A_1724, %broadcast_in_dim3A_1727, %broadcast_in_dim3A_1728 : vector<8x2048xi1>, vector<8x2048xf32>
      %get3A_1730 = arith.constant 0 : index
      %get3A_1731 = arith.constant 0 : index
      %get3A_1732 = vector.load %arg4[%get3A_1730, %get3A_1731] : memref<8x2048xf32, #tpu.memory_space<vmem>>, vector<8x2048xf32>
      %mul3A_1733 = arith.mulf %select_n3A_1729, %get3A_1717 : vector<8x2048xf32>
      %add3A_1734 = arith.addf %get3A_1732, %mul3A_1733 : vector<8x2048xf32>
      %swap3A_1735 = arith.constant 0 : index
      %swap3A_1736 = arith.constant 0 : index
      %swap3A_1737 = vector.load %arg4[%swap3A_1735, %swap3A_1736] : memref<8x2048xf32, #tpu.memory_space<vmem>>, vector<8x2048xf32>
      tpu.vector_store %arg4[%swap3A_1735, %swap3A_1736], %add3A_1734 {strides = array<i32>} : memref<8x2048xf32, #tpu.memory_space<vmem>>, vector<8x2048xf32>,
      %get3A_1738 = arith.constant 600 : index
      %get3A_1739 = arith.constant 0 : index
      %get3A_1740 = vector.load %arg1[%get3A_1738, %get3A_1739] : memref<1024x2048xf32, #tpu.memory_space<vmem>>, vector<8x2048xf32>
      %add3A_1741 = arith.constant 600 : i32
      %add3A_1742 = arith.addi %mul3A_18, %add3A_1741 : i32
      %iota3A_1743 = tpu.iota {dimensions = array<i32: 0>} : vector<8x2048xi32>
      %add3A_1744 = vector.broadcast %add3A_1742 : i32 to vector<8x2048xi32>
      %add3A_1745 = arith.addi %add3A_1744, %iota3A_1743 : vector<8x2048xi32>
      %eq3A_1746 = vector.broadcast %get3A_1 : vector<1x2048xi32> to vector<8x2048xi32>
      %eq3A_1747 = arith.cmpi eq, %add3A_1745, %eq3A_1746 : vector<8x2048xi32>
      %jit3A_1748 = arith.constant -0.899999976 : f32
      %jit3A_1749 = arith.constant -1.000020e-06 : f32
      %broadcast_in_dim3A_1750 = vector.broadcast %jit3A_1748 : f32 to vector<8x2048xf32>
      %broadcast_in_dim3A_1751 = vector.broadcast %jit3A_1749 : f32 to vector<8x2048xf32>
      %select_n3A_1752 = arith.select %eq3A_1747, %broadcast_in_dim3A_1750, %broadcast_in_dim3A_1751 : vector<8x2048xi1>, vector<8x2048xf32>
      %get3A_1753 = arith.constant 0 : index
      %get3A_1754 = arith.constant 0 : index
      %get3A_1755 = vector.load %arg4[%get3A_1753, %get3A_1754] : memref<8x2048xf32, #tpu.memory_space<vmem>>, vector<8x2048xf32>
      %mul3A_1756 = arith.mulf %select_n3A_1752, %get3A_1740 : vector<8x2048xf32>
      %add3A_1757 = arith.addf %get3A_1755, %mul3A_1756 : vector<8x2048xf32>
      %swap3A_1758 = arith.constant 0 : index
      %swap3A_1759 = arith.constant 0 : index
      %swap3A_1760 = vector.load %arg4[%swap3A_1758, %swap3A_1759] : memref<8x2048xf32, #tpu.memory_space<vmem>>, vector<8x2048xf32>
      tpu.vector_store %arg4[%swap3A_1758, %swap3A_1759], %add3A_1757 {strides = array<i32>} : memref<8x2048xf32, #tpu.memory_space<vmem>>, vector<8x2048xf32>,
      %get3A_1761 = arith.constant 608 : index
      %get3A_1762 = arith.constant 0 : index
      %get3A_1763 = vector.load %arg1[%get3A_1761, %get3A_1762] : memref<1024x2048xf32, #tpu.memory_space<vmem>>, vector<8x2048xf32>
      %add3A_1764 = arith.constant 608 : i32
      %add3A_1765 = arith.addi %mul3A_18, %add3A_1764 : i32
      %iota3A_1766 = tpu.iota {dimensions = array<i32: 0>} : vector<8x2048xi32>
      %add3A_1767 = vector.broadcast %add3A_1765 : i32 to vector<8x2048xi32>
      %add3A_1768 = arith.addi %add3A_1767, %iota3A_1766 : vector<8x2048xi32>
      %eq3A_1769 = vector.broadcast %get3A_1 : vector<1x2048xi32> to vector<8x2048xi32>
      %eq3A_1770 = arith.cmpi eq, %add3A_1768, %eq3A_1769 : vector<8x2048xi32>
      %jit3A_1771 = arith.constant -0.899999976 : f32
      %jit3A_1772 = arith.constant -1.000020e-06 : f32
      %broadcast_in_dim3A_1773 = vector.broadcast %jit3A_1771 : f32 to vector<8x2048xf32>
      %broadcast_in_dim3A_1774 = vector.broadcast %jit3A_1772 : f32 to vector<8x2048xf32>
      %select_n3A_1775 = arith.select %eq3A_1770, %broadcast_in_dim3A_1773, %broadcast_in_dim3A_1774 : vector<8x2048xi1>, vector<8x2048xf32>
      %get3A_1776 = arith.constant 0 : index
      %get3A_1777 = arith.constant 0 : index
      %get3A_1778 = vector.load %arg4[%get3A_1776, %get3A_1777] : memref<8x2048xf32, #tpu.memory_space<vmem>>, vector<8x2048xf32>
      %mul3A_1779 = arith.mulf %select_n3A_1775, %get3A_1763 : vector<8x2048xf32>
      %add3A_1780 = arith.addf %get3A_1778, %mul3A_1779 : vector<8x2048xf32>
      %swap3A_1781 = arith.constant 0 : index
      %swap3A_1782 = arith.constant 0 : index
      %swap3A_1783 = vector.load %arg4[%swap3A_1781, %swap3A_1782] : memref<8x2048xf32, #tpu.memory_space<vmem>>, vector<8x2048xf32>
      tpu.vector_store %arg4[%swap3A_1781, %swap3A_1782], %add3A_1780 {strides = array<i32>} : memref<8x2048xf32, #tpu.memory_space<vmem>>, vector<8x2048xf32>,
      %get3A_1784 = arith.constant 616 : index
      %get3A_1785 = arith.constant 0 : index
      %get3A_1786 = vector.load %arg1[%get3A_1784, %get3A_1785] : memref<1024x2048xf32, #tpu.memory_space<vmem>>, vector<8x2048xf32>
      %add3A_1787 = arith.constant 616 : i32
      %add3A_1788 = arith.addi %mul3A_18, %add3A_1787 : i32
      %iota3A_1789 = tpu.iota {dimensions = array<i32: 0>} : vector<8x2048xi32>
      %add3A_1790 = vector.broadcast %add3A_1788 : i32 to vector<8x2048xi32>
      %add3A_1791 = arith.addi %add3A_1790, %iota3A_1789 : vector<8x2048xi32>
      %eq3A_1792 = vector.broadcast %get3A_1 : vector<1x2048xi32> to vector<8x2048xi32>
      %eq3A_1793 = arith.cmpi eq, %add3A_1791, %eq3A_1792 : vector<8x2048xi32>
      %jit3A_1794 = arith.constant -0.899999976 : f32
      %jit3A_1795 = arith.constant -1.000020e-06 : f32
      %broadcast_in_dim3A_1796 = vector.broadcast %jit3A_1794 : f32 to vector<8x2048xf32>
      %broadcast_in_dim3A_1797 = vector.broadcast %jit3A_1795 : f32 to vector<8x2048xf32>
      %select_n3A_1798 = arith.select %eq3A_1793, %broadcast_in_dim3A_1796, %broadcast_in_dim3A_1797 : vector<8x2048xi1>, vector<8x2048xf32>
      %get3A_1799 = arith.constant 0 : index
      %get3A_1800 = arith.constant 0 : index
      %get3A_1801 = vector.load %arg4[%get3A_1799, %get3A_1800] : memref<8x2048xf32, #tpu.memory_space<vmem>>, vector<8x2048xf32>
      %mul3A_1802 = arith.mulf %select_n3A_1798, %get3A_1786 : vector<8x2048xf32>
      %add3A_1803 = arith.addf %get3A_1801, %mul3A_1802 : vector<8x2048xf32>
      %swap3A_1804 = arith.constant 0 : index
      %swap3A_1805 = arith.constant 0 : index
      %swap3A_1806 = vector.load %arg4[%swap3A_1804, %swap3A_1805] : memref<8x2048xf32, #tpu.memory_space<vmem>>, vector<8x2048xf32>
      tpu.vector_store %arg4[%swap3A_1804, %swap3A_1805], %add3A_1803 {strides = array<i32>} : memref<8x2048xf32, #tpu.memory_space<vmem>>, vector<8x2048xf32>,
      %get3A_1807 = arith.constant 624 : index
      %get3A_1808 = arith.constant 0 : index
      %get3A_1809 = vector.load %arg1[%get3A_1807, %get3A_1808] : memref<1024x2048xf32, #tpu.memory_space<vmem>>, vector<8x2048xf32>
      %add3A_1810 = arith.constant 624 : i32
      %add3A_1811 = arith.addi %mul3A_18, %add3A_1810 : i32
      %iota3A_1812 = tpu.iota {dimensions = array<i32: 0>} : vector<8x2048xi32>
      %add3A_1813 = vector.broadcast %add3A_1811 : i32 to vector<8x2048xi32>
      %add3A_1814 = arith.addi %add3A_1813, %iota3A_1812 : vector<8x2048xi32>
      %eq3A_1815 = vector.broadcast %get3A_1 : vector<1x2048xi32> to vector<8x2048xi32>
      %eq3A_1816 = arith.cmpi eq, %add3A_1814, %eq3A_1815 : vector<8x2048xi32>
      %jit3A_1817 = arith.constant -0.899999976 : f32
      %jit3A_1818 = arith.constant -1.000020e-06 : f32
      %broadcast_in_dim3A_1819 = vector.broadcast %jit3A_1817 : f32 to vector<8x2048xf32>
      %broadcast_in_dim3A_1820 = vector.broadcast %jit3A_1818 : f32 to vector<8x2048xf32>
      %select_n3A_1821 = arith.select %eq3A_1816, %broadcast_in_dim3A_1819, %broadcast_in_dim3A_1820 : vector<8x2048xi1>, vector<8x2048xf32>
      %get3A_1822 = arith.constant 0 : index
      %get3A_1823 = arith.constant 0 : index
      %get3A_1824 = vector.load %arg4[%get3A_1822, %get3A_1823] : memref<8x2048xf32, #tpu.memory_space<vmem>>, vector<8x2048xf32>
      %mul3A_1825 = arith.mulf %select_n3A_1821, %get3A_1809 : vector<8x2048xf32>
      %add3A_1826 = arith.addf %get3A_1824, %mul3A_1825 : vector<8x2048xf32>
      %swap3A_1827 = arith.constant 0 : index
      %swap3A_1828 = arith.constant 0 : index
      %swap3A_1829 = vector.load %arg4[%swap3A_1827, %swap3A_1828] : memref<8x2048xf32, #tpu.memory_space<vmem>>, vector<8x2048xf32>
      tpu.vector_store %arg4[%swap3A_1827, %swap3A_1828], %add3A_1826 {strides = array<i32>} : memref<8x2048xf32, #tpu.memory_space<vmem>>, vector<8x2048xf32>,
      %get3A_1830 = arith.constant 632 : index
      %get3A_1831 = arith.constant 0 : index
      %get3A_1832 = vector.load %arg1[%get3A_1830, %get3A_1831] : memref<1024x2048xf32, #tpu.memory_space<vmem>>, vector<8x2048xf32>
      %add3A_1833 = arith.constant 632 : i32
      %add3A_1834 = arith.addi %mul3A_18, %add3A_1833 : i32
      %iota3A_1835 = tpu.iota {dimensions = array<i32: 0>} : vector<8x2048xi32>
      %add3A_1836 = vector.broadcast %add3A_1834 : i32 to vector<8x2048xi32>
      %add3A_1837 = arith.addi %add3A_1836, %iota3A_1835 : vector<8x2048xi32>
      %eq3A_1838 = vector.broadcast %get3A_1 : vector<1x2048xi32> to vector<8x2048xi32>
      %eq3A_1839 = arith.cmpi eq, %add3A_1837, %eq3A_1838 : vector<8x2048xi32>
      %jit3A_1840 = arith.constant -0.899999976 : f32
      %jit3A_1841 = arith.constant -1.000020e-06 : f32
      %broadcast_in_dim3A_1842 = vector.broadcast %jit3A_1840 : f32 to vector<8x2048xf32>
      %broadcast_in_dim3A_1843 = vector.broadcast %jit3A_1841 : f32 to vector<8x2048xf32>
      %select_n3A_1844 = arith.select %eq3A_1839, %broadcast_in_dim3A_1842, %broadcast_in_dim3A_1843 : vector<8x2048xi1>, vector<8x2048xf32>
      %get3A_1845 = arith.constant 0 : index
      %get3A_1846 = arith.constant 0 : index
      %get3A_1847 = vector.load %arg4[%get3A_1845, %get3A_1846] : memref<8x2048xf32, #tpu.memory_space<vmem>>, vector<8x2048xf32>
      %mul3A_1848 = arith.mulf %select_n3A_1844, %get3A_1832 : vector<8x2048xf32>
      %add3A_1849 = arith.addf %get3A_1847, %mul3A_1848 : vector<8x2048xf32>
      %swap3A_1850 = arith.constant 0 : index
      %swap3A_1851 = arith.constant 0 : index
      %swap3A_1852 = vector.load %arg4[%swap3A_1850, %swap3A_1851] : memref<8x2048xf32, #tpu.memory_space<vmem>>, vector<8x2048xf32>
      tpu.vector_store %arg4[%swap3A_1850, %swap3A_1851], %add3A_1849 {strides = array<i32>} : memref<8x2048xf32, #tpu.memory_space<vmem>>, vector<8x2048xf32>,
      %get3A_1853 = arith.constant 640 : index
      %get3A_1854 = arith.constant 0 : index
      %get3A_1855 = vector.load %arg1[%get3A_1853, %get3A_1854] : memref<1024x2048xf32, #tpu.memory_space<vmem>>, vector<8x2048xf32>
      %add3A_1856 = arith.constant 640 : i32
      %add3A_1857 = arith.addi %mul3A_18, %add3A_1856 : i32
      %iota3A_1858 = tpu.iota {dimensions = array<i32: 0>} : vector<8x2048xi32>
      %add3A_1859 = vector.broadcast %add3A_1857 : i32 to vector<8x2048xi32>
      %add3A_1860 = arith.addi %add3A_1859, %iota3A_1858 : vector<8x2048xi32>
      %eq3A_1861 = vector.broadcast %get3A_1 : vector<1x2048xi32> to vector<8x2048xi32>
      %eq3A_1862 = arith.cmpi eq, %add3A_1860, %eq3A_1861 : vector<8x2048xi32>
      %jit3A_1863 = arith.constant -0.899999976 : f32
      %jit3A_1864 = arith.constant -1.000020e-06 : f32
      %broadcast_in_dim3A_1865 = vector.broadcast %jit3A_1863 : f32 to vector<8x2048xf32>
      %broadcast_in_dim3A_1866 = vector.broadcast %jit3A_1864 : f32 to vector<8x2048xf32>
      %select_n3A_1867 = arith.select %eq3A_1862, %broadcast_in_dim3A_1865, %broadcast_in_dim3A_1866 : vector<8x2048xi1>, vector<8x2048xf32>
      %get3A_1868 = arith.constant 0 : index
      %get3A_1869 = arith.constant 0 : index
      %get3A_1870 = vector.load %arg4[%get3A_1868, %get3A_1869] : memref<8x2048xf32, #tpu.memory_space<vmem>>, vector<8x2048xf32>
      %mul3A_1871 = arith.mulf %select_n3A_1867, %get3A_1855 : vector<8x2048xf32>
      %add3A_1872 = arith.addf %get3A_1870, %mul3A_1871 : vector<8x2048xf32>
      %swap3A_1873 = arith.constant 0 : index
      %swap3A_1874 = arith.constant 0 : index
      %swap3A_1875 = vector.load %arg4[%swap3A_1873, %swap3A_1874] : memref<8x2048xf32, #tpu.memory_space<vmem>>, vector<8x2048xf32>
      tpu.vector_store %arg4[%swap3A_1873, %swap3A_1874], %add3A_1872 {strides = array<i32>} : memref<8x2048xf32, #tpu.memory_space<vmem>>, vector<8x2048xf32>,
      %get3A_1876 = arith.constant 648 : index
      %get3A_1877 = arith.constant 0 : index
      %get3A_1878 = vector.load %arg1[%get3A_1876, %get3A_1877] : memref<1024x2048xf32, #tpu.memory_space<vmem>>, vector<8x2048xf32>
      %add3A_1879 = arith.constant 648 : i32
      %add3A_1880 = arith.addi %mul3A_18, %add3A_1879 : i32
      %iota3A_1881 = tpu.iota {dimensions = array<i32: 0>} : vector<8x2048xi32>
      %add3A_1882 = vector.broadcast %add3A_1880 : i32 to vector<8x2048xi32>
      %add3A_1883 = arith.addi %add3A_1882, %iota3A_1881 : vector<8x2048xi32>
      %eq3A_1884 = vector.broadcast %get3A_1 : vector<1x2048xi32> to vector<8x2048xi32>
      %eq3A_1885 = arith.cmpi eq, %add3A_1883, %eq3A_1884 : vector<8x2048xi32>
      %jit3A_1886 = arith.constant -0.899999976 : f32
      %jit3A_1887 = arith.constant -1.000020e-06 : f32
      %broadcast_in_dim3A_1888 = vector.broadcast %jit3A_1886 : f32 to vector<8x2048xf32>
      %broadcast_in_dim3A_1889 = vector.broadcast %jit3A_1887 : f32 to vector<8x2048xf32>
      %select_n3A_1890 = arith.select %eq3A_1885, %broadcast_in_dim3A_1888, %broadcast_in_dim3A_1889 : vector<8x2048xi1>, vector<8x2048xf32>
      %get3A_1891 = arith.constant 0 : index
      %get3A_1892 = arith.constant 0 : index
      %get3A_1893 = vector.load %arg4[%get3A_1891, %get3A_1892] : memref<8x2048xf32, #tpu.memory_space<vmem>>, vector<8x2048xf32>
      %mul3A_1894 = arith.mulf %select_n3A_1890, %get3A_1878 : vector<8x2048xf32>
      %add3A_1895 = arith.addf %get3A_1893, %mul3A_1894 : vector<8x2048xf32>
      %swap3A_1896 = arith.constant 0 : index
      %swap3A_1897 = arith.constant 0 : index
      %swap3A_1898 = vector.load %arg4[%swap3A_1896, %swap3A_1897] : memref<8x2048xf32, #tpu.memory_space<vmem>>, vector<8x2048xf32>
      tpu.vector_store %arg4[%swap3A_1896, %swap3A_1897], %add3A_1895 {strides = array<i32>} : memref<8x2048xf32, #tpu.memory_space<vmem>>, vector<8x2048xf32>,
      %get3A_1899 = arith.constant 656 : index
      %get3A_1900 = arith.constant 0 : index
      %get3A_1901 = vector.load %arg1[%get3A_1899, %get3A_1900] : memref<1024x2048xf32, #tpu.memory_space<vmem>>, vector<8x2048xf32>
      %add3A_1902 = arith.constant 656 : i32
      %add3A_1903 = arith.addi %mul3A_18, %add3A_1902 : i32
      %iota3A_1904 = tpu.iota {dimensions = array<i32: 0>} : vector<8x2048xi32>
      %add3A_1905 = vector.broadcast %add3A_1903 : i32 to vector<8x2048xi32>
      %add3A_1906 = arith.addi %add3A_1905, %iota3A_1904 : vector<8x2048xi32>
      %eq3A_1907 = vector.broadcast %get3A_1 : vector<1x2048xi32> to vector<8x2048xi32>
      %eq3A_1908 = arith.cmpi eq, %add3A_1906, %eq3A_1907 : vector<8x2048xi32>
      %jit3A_1909 = arith.constant -0.899999976 : f32
      %jit3A_1910 = arith.constant -1.000020e-06 : f32
      %broadcast_in_dim3A_1911 = vector.broadcast %jit3A_1909 : f32 to vector<8x2048xf32>
      %broadcast_in_dim3A_1912 = vector.broadcast %jit3A_1910 : f32 to vector<8x2048xf32>
      %select_n3A_1913 = arith.select %eq3A_1908, %broadcast_in_dim3A_1911, %broadcast_in_dim3A_1912 : vector<8x2048xi1>, vector<8x2048xf32>
      %get3A_1914 = arith.constant 0 : index
      %get3A_1915 = arith.constant 0 : index
      %get3A_1916 = vector.load %arg4[%get3A_1914, %get3A_1915] : memref<8x2048xf32, #tpu.memory_space<vmem>>, vector<8x2048xf32>
      %mul3A_1917 = arith.mulf %select_n3A_1913, %get3A_1901 : vector<8x2048xf32>
      %add3A_1918 = arith.addf %get3A_1916, %mul3A_1917 : vector<8x2048xf32>
      %swap3A_1919 = arith.constant 0 : index
      %swap3A_1920 = arith.constant 0 : index
      %swap3A_1921 = vector.load %arg4[%swap3A_1919, %swap3A_1920] : memref<8x2048xf32, #tpu.memory_space<vmem>>, vector<8x2048xf32>
      tpu.vector_store %arg4[%swap3A_1919, %swap3A_1920], %add3A_1918 {strides = array<i32>} : memref<8x2048xf32, #tpu.memory_space<vmem>>, vector<8x2048xf32>,
      %get3A_1922 = arith.constant 664 : index
      %get3A_1923 = arith.constant 0 : index
      %get3A_1924 = vector.load %arg1[%get3A_1922, %get3A_1923] : memref<1024x2048xf32, #tpu.memory_space<vmem>>, vector<8x2048xf32>
      %add3A_1925 = arith.constant 664 : i32
      %add3A_1926 = arith.addi %mul3A_18, %add3A_1925 : i32
      %iota3A_1927 = tpu.iota {dimensions = array<i32: 0>} : vector<8x2048xi32>
      %add3A_1928 = vector.broadcast %add3A_1926 : i32 to vector<8x2048xi32>
      %add3A_1929 = arith.addi %add3A_1928, %iota3A_1927 : vector<8x2048xi32>
      %eq3A_1930 = vector.broadcast %get3A_1 : vector<1x2048xi32> to vector<8x2048xi32>
      %eq3A_1931 = arith.cmpi eq, %add3A_1929, %eq3A_1930 : vector<8x2048xi32>
      %jit3A_1932 = arith.constant -0.899999976 : f32
      %jit3A_1933 = arith.constant -1.000020e-06 : f32
      %broadcast_in_dim3A_1934 = vector.broadcast %jit3A_1932 : f32 to vector<8x2048xf32>
      %broadcast_in_dim3A_1935 = vector.broadcast %jit3A_1933 : f32 to vector<8x2048xf32>
      %select_n3A_1936 = arith.select %eq3A_1931, %broadcast_in_dim3A_1934, %broadcast_in_dim3A_1935 : vector<8x2048xi1>, vector<8x2048xf32>
      %get3A_1937 = arith.constant 0 : index
      %get3A_1938 = arith.constant 0 : index
      %get3A_1939 = vector.load %arg4[%get3A_1937, %get3A_1938] : memref<8x2048xf32, #tpu.memory_space<vmem>>, vector<8x2048xf32>
      %mul3A_1940 = arith.mulf %select_n3A_1936, %get3A_1924 : vector<8x2048xf32>
      %add3A_1941 = arith.addf %get3A_1939, %mul3A_1940 : vector<8x2048xf32>
      %swap3A_1942 = arith.constant 0 : index
      %swap3A_1943 = arith.constant 0 : index
      %swap3A_1944 = vector.load %arg4[%swap3A_1942, %swap3A_1943] : memref<8x2048xf32, #tpu.memory_space<vmem>>, vector<8x2048xf32>
      tpu.vector_store %arg4[%swap3A_1942, %swap3A_1943], %add3A_1941 {strides = array<i32>} : memref<8x2048xf32, #tpu.memory_space<vmem>>, vector<8x2048xf32>,
      %get3A_1945 = arith.constant 672 : index
      %get3A_1946 = arith.constant 0 : index
      %get3A_1947 = vector.load %arg1[%get3A_1945, %get3A_1946] : memref<1024x2048xf32, #tpu.memory_space<vmem>>, vector<8x2048xf32>
      %add3A_1948 = arith.constant 672 : i32
      %add3A_1949 = arith.addi %mul3A_18, %add3A_1948 : i32
      %iota3A_1950 = tpu.iota {dimensions = array<i32: 0>} : vector<8x2048xi32>
      %add3A_1951 = vector.broadcast %add3A_1949 : i32 to vector<8x2048xi32>
      %add3A_1952 = arith.addi %add3A_1951, %iota3A_1950 : vector<8x2048xi32>
      %eq3A_1953 = vector.broadcast %get3A_1 : vector<1x2048xi32> to vector<8x2048xi32>
      %eq3A_1954 = arith.cmpi eq, %add3A_1952, %eq3A_1953 : vector<8x2048xi32>
      %jit3A_1955 = arith.constant -0.899999976 : f32
      %jit3A_1956 = arith.constant -1.000020e-06 : f32
      %broadcast_in_dim3A_1957 = vector.broadcast %jit3A_1955 : f32 to vector<8x2048xf32>
      %broadcast_in_dim3A_1958 = vector.broadcast %jit3A_1956 : f32 to vector<8x2048xf32>
      %select_n3A_1959 = arith.select %eq3A_1954, %broadcast_in_dim3A_1957, %broadcast_in_dim3A_1958 : vector<8x2048xi1>, vector<8x2048xf32>
      %get3A_1960 = arith.constant 0 : index
      %get3A_1961 = arith.constant 0 : index
      %get3A_1962 = vector.load %arg4[%get3A_1960, %get3A_1961] : memref<8x2048xf32, #tpu.memory_space<vmem>>, vector<8x2048xf32>
      %mul3A_1963 = arith.mulf %select_n3A_1959, %get3A_1947 : vector<8x2048xf32>
      %add3A_1964 = arith.addf %get3A_1962, %mul3A_1963 : vector<8x2048xf32>
      %swap3A_1965 = arith.constant 0 : index
      %swap3A_1966 = arith.constant 0 : index
      %swap3A_1967 = vector.load %arg4[%swap3A_1965, %swap3A_1966] : memref<8x2048xf32, #tpu.memory_space<vmem>>, vector<8x2048xf32>
      tpu.vector_store %arg4[%swap3A_1965, %swap3A_1966], %add3A_1964 {strides = array<i32>} : memref<8x2048xf32, #tpu.memory_space<vmem>>, vector<8x2048xf32>,
      %get3A_1968 = arith.constant 680 : index
      %get3A_1969 = arith.constant 0 : index
      %get3A_1970 = vector.load %arg1[%get3A_1968, %get3A_1969] : memref<1024x2048xf32, #tpu.memory_space<vmem>>, vector<8x2048xf32>
      %add3A_1971 = arith.constant 680 : i32
      %add3A_1972 = arith.addi %mul3A_18, %add3A_1971 : i32
      %iota3A_1973 = tpu.iota {dimensions = array<i32: 0>} : vector<8x2048xi32>
      %add3A_1974 = vector.broadcast %add3A_1972 : i32 to vector<8x2048xi32>
      %add3A_1975 = arith.addi %add3A_1974, %iota3A_1973 : vector<8x2048xi32>
      %eq3A_1976 = vector.broadcast %get3A_1 : vector<1x2048xi32> to vector<8x2048xi32>
      %eq3A_1977 = arith.cmpi eq, %add3A_1975, %eq3A_1976 : vector<8x2048xi32>
      %jit3A_1978 = arith.constant -0.899999976 : f32
      %jit3A_1979 = arith.constant -1.000020e-06 : f32
      %broadcast_in_dim3A_1980 = vector.broadcast %jit3A_1978 : f32 to vector<8x2048xf32>
      %broadcast_in_dim3A_1981 = vector.broadcast %jit3A_1979 : f32 to vector<8x2048xf32>
      %select_n3A_1982 = arith.select %eq3A_1977, %broadcast_in_dim3A_1980, %broadcast_in_dim3A_1981 : vector<8x2048xi1>, vector<8x2048xf32>
      %get3A_1983 = arith.constant 0 : index
      %get3A_1984 = arith.constant 0 : index
      %get3A_1985 = vector.load %arg4[%get3A_1983, %get3A_1984] : memref<8x2048xf32, #tpu.memory_space<vmem>>, vector<8x2048xf32>
      %mul3A_1986 = arith.mulf %select_n3A_1982, %get3A_1970 : vector<8x2048xf32>
      %add3A_1987 = arith.addf %get3A_1985, %mul3A_1986 : vector<8x2048xf32>
      %swap3A_1988 = arith.constant 0 : index
      %swap3A_1989 = arith.constant 0 : index
      %swap3A_1990 = vector.load %arg4[%swap3A_1988, %swap3A_1989] : memref<8x2048xf32, #tpu.memory_space<vmem>>, vector<8x2048xf32>
      tpu.vector_store %arg4[%swap3A_1988, %swap3A_1989], %add3A_1987 {strides = array<i32>} : memref<8x2048xf32, #tpu.memory_space<vmem>>, vector<8x2048xf32>,
      %get3A_1991 = arith.constant 688 : index
      %get3A_1992 = arith.constant 0 : index
      %get3A_1993 = vector.load %arg1[%get3A_1991, %get3A_1992] : memref<1024x2048xf32, #tpu.memory_space<vmem>>, vector<8x2048xf32>
      %add3A_1994 = arith.constant 688 : i32
      %add3A_1995 = arith.addi %mul3A_18, %add3A_1994 : i32
      %iota3A_1996 = tpu.iota {dimensions = array<i32: 0>} : vector<8x2048xi32>
      %add3A_1997 = vector.broadcast %add3A_1995 : i32 to vector<8x2048xi32>
      %add3A_1998 = arith.addi %add3A_1997, %iota3A_1996 : vector<8x2048xi32>
      %eq3A_1999 = vector.broadcast %get3A_1 : vector<1x2048xi32> to vector<8x2048xi32>
      %eq3A_2000 = arith.cmpi eq, %add3A_1998, %eq3A_1999 : vector<8x2048xi32>
      %jit3A_2001 = arith.constant -0.899999976 : f32
      %jit3A_2002 = arith.constant -1.000020e-06 : f32
      %broadcast_in_dim3A_2003 = vector.broadcast %jit3A_2001 : f32 to vector<8x2048xf32>
      %broadcast_in_dim3A_2004 = vector.broadcast %jit3A_2002 : f32 to vector<8x2048xf32>
      %select_n3A_2005 = arith.select %eq3A_2000, %broadcast_in_dim3A_2003, %broadcast_in_dim3A_2004 : vector<8x2048xi1>, vector<8x2048xf32>
      %get3A_2006 = arith.constant 0 : index
      %get3A_2007 = arith.constant 0 : index
      %get3A_2008 = vector.load %arg4[%get3A_2006, %get3A_2007] : memref<8x2048xf32, #tpu.memory_space<vmem>>, vector<8x2048xf32>
      %mul3A_2009 = arith.mulf %select_n3A_2005, %get3A_1993 : vector<8x2048xf32>
      %add3A_2010 = arith.addf %get3A_2008, %mul3A_2009 : vector<8x2048xf32>
      %swap3A_2011 = arith.constant 0 : index
      %swap3A_2012 = arith.constant 0 : index
      %swap3A_2013 = vector.load %arg4[%swap3A_2011, %swap3A_2012] : memref<8x2048xf32, #tpu.memory_space<vmem>>, vector<8x2048xf32>
      tpu.vector_store %arg4[%swap3A_2011, %swap3A_2012], %add3A_2010 {strides = array<i32>} : memref<8x2048xf32, #tpu.memory_space<vmem>>, vector<8x2048xf32>,
      %get3A_2014 = arith.constant 696 : index
      %get3A_2015 = arith.constant 0 : index
      %get3A_2016 = vector.load %arg1[%get3A_2014, %get3A_2015] : memref<1024x2048xf32, #tpu.memory_space<vmem>>, vector<8x2048xf32>
      %add3A_2017 = arith.constant 696 : i32
      %add3A_2018 = arith.addi %mul3A_18, %add3A_2017 : i32
      %iota3A_2019 = tpu.iota {dimensions = array<i32: 0>} : vector<8x2048xi32>
      %add3A_2020 = vector.broadcast %add3A_2018 : i32 to vector<8x2048xi32>
      %add3A_2021 = arith.addi %add3A_2020, %iota3A_2019 : vector<8x2048xi32>
      %eq3A_2022 = vector.broadcast %get3A_1 : vector<1x2048xi32> to vector<8x2048xi32>
      %eq3A_2023 = arith.cmpi eq, %add3A_2021, %eq3A_2022 : vector<8x2048xi32>
      %jit3A_2024 = arith.constant -0.899999976 : f32
      %jit3A_2025 = arith.constant -1.000020e-06 : f32
      %broadcast_in_dim3A_2026 = vector.broadcast %jit3A_2024 : f32 to vector<8x2048xf32>
      %broadcast_in_dim3A_2027 = vector.broadcast %jit3A_2025 : f32 to vector<8x2048xf32>
      %select_n3A_2028 = arith.select %eq3A_2023, %broadcast_in_dim3A_2026, %broadcast_in_dim3A_2027 : vector<8x2048xi1>, vector<8x2048xf32>
      %get3A_2029 = arith.constant 0 : index
      %get3A_2030 = arith.constant 0 : index
      %get3A_2031 = vector.load %arg4[%get3A_2029, %get3A_2030] : memref<8x2048xf32, #tpu.memory_space<vmem>>, vector<8x2048xf32>
      %mul3A_2032 = arith.mulf %select_n3A_2028, %get3A_2016 : vector<8x2048xf32>
      %add3A_2033 = arith.addf %get3A_2031, %mul3A_2032 : vector<8x2048xf32>
      %swap3A_2034 = arith.constant 0 : index
      %swap3A_2035 = arith.constant 0 : index
      %swap3A_2036 = vector.load %arg4[%swap3A_2034, %swap3A_2035] : memref<8x2048xf32, #tpu.memory_space<vmem>>, vector<8x2048xf32>
      tpu.vector_store %arg4[%swap3A_2034, %swap3A_2035], %add3A_2033 {strides = array<i32>} : memref<8x2048xf32, #tpu.memory_space<vmem>>, vector<8x2048xf32>,
      %get3A_2037 = arith.constant 704 : index
      %get3A_2038 = arith.constant 0 : index
      %get3A_2039 = vector.load %arg1[%get3A_2037, %get3A_2038] : memref<1024x2048xf32, #tpu.memory_space<vmem>>, vector<8x2048xf32>
      %add3A_2040 = arith.constant 704 : i32
      %add3A_2041 = arith.addi %mul3A_18, %add3A_2040 : i32
      %iota3A_2042 = tpu.iota {dimensions = array<i32: 0>} : vector<8x2048xi32>
      %add3A_2043 = vector.broadcast %add3A_2041 : i32 to vector<8x2048xi32>
      %add3A_2044 = arith.addi %add3A_2043, %iota3A_2042 : vector<8x2048xi32>
      %eq3A_2045 = vector.broadcast %get3A_1 : vector<1x2048xi32> to vector<8x2048xi32>
      %eq3A_2046 = arith.cmpi eq, %add3A_2044, %eq3A_2045 : vector<8x2048xi32>
      %jit3A_2047 = arith.constant -0.899999976 : f32
      %jit3A_2048 = arith.constant -1.000020e-06 : f32
      %broadcast_in_dim3A_2049 = vector.broadcast %jit3A_2047 : f32 to vector<8x2048xf32>
      %broadcast_in_dim3A_2050 = vector.broadcast %jit3A_2048 : f32 to vector<8x2048xf32>
      %select_n3A_2051 = arith.select %eq3A_2046, %broadcast_in_dim3A_2049, %broadcast_in_dim3A_2050 : vector<8x2048xi1>, vector<8x2048xf32>
      %get3A_2052 = arith.constant 0 : index
      %get3A_2053 = arith.constant 0 : index
      %get3A_2054 = vector.load %arg4[%get3A_2052, %get3A_2053] : memref<8x2048xf32, #tpu.memory_space<vmem>>, vector<8x2048xf32>
      %mul3A_2055 = arith.mulf %select_n3A_2051, %get3A_2039 : vector<8x2048xf32>
      %add3A_2056 = arith.addf %get3A_2054, %mul3A_2055 : vector<8x2048xf32>
      %swap3A_2057 = arith.constant 0 : index
      %swap3A_2058 = arith.constant 0 : index
      %swap3A_2059 = vector.load %arg4[%swap3A_2057, %swap3A_2058] : memref<8x2048xf32, #tpu.memory_space<vmem>>, vector<8x2048xf32>
      tpu.vector_store %arg4[%swap3A_2057, %swap3A_2058], %add3A_2056 {strides = array<i32>} : memref<8x2048xf32, #tpu.memory_space<vmem>>, vector<8x2048xf32>,
      %get3A_2060 = arith.constant 712 : index
      %get3A_2061 = arith.constant 0 : index
      %get3A_2062 = vector.load %arg1[%get3A_2060, %get3A_2061] : memref<1024x2048xf32, #tpu.memory_space<vmem>>, vector<8x2048xf32>
      %add3A_2063 = arith.constant 712 : i32
      %add3A_2064 = arith.addi %mul3A_18, %add3A_2063 : i32
      %iota3A_2065 = tpu.iota {dimensions = array<i32: 0>} : vector<8x2048xi32>
      %add3A_2066 = vector.broadcast %add3A_2064 : i32 to vector<8x2048xi32>
      %add3A_2067 = arith.addi %add3A_2066, %iota3A_2065 : vector<8x2048xi32>
      %eq3A_2068 = vector.broadcast %get3A_1 : vector<1x2048xi32> to vector<8x2048xi32>
      %eq3A_2069 = arith.cmpi eq, %add3A_2067, %eq3A_2068 : vector<8x2048xi32>
      %jit3A_2070 = arith.constant -0.899999976 : f32
      %jit3A_2071 = arith.constant -1.000020e-06 : f32
      %broadcast_in_dim3A_2072 = vector.broadcast %jit3A_2070 : f32 to vector<8x2048xf32>
      %broadcast_in_dim3A_2073 = vector.broadcast %jit3A_2071 : f32 to vector<8x2048xf32>
      %select_n3A_2074 = arith.select %eq3A_2069, %broadcast_in_dim3A_2072, %broadcast_in_dim3A_2073 : vector<8x2048xi1>, vector<8x2048xf32>
      %get3A_2075 = arith.constant 0 : index
      %get3A_2076 = arith.constant 0 : index
      %get3A_2077 = vector.load %arg4[%get3A_2075, %get3A_2076] : memref<8x2048xf32, #tpu.memory_space<vmem>>, vector<8x2048xf32>
      %mul3A_2078 = arith.mulf %select_n3A_2074, %get3A_2062 : vector<8x2048xf32>
      %add3A_2079 = arith.addf %get3A_2077, %mul3A_2078 : vector<8x2048xf32>
      %swap3A_2080 = arith.constant 0 : index
      %swap3A_2081 = arith.constant 0 : index
      %swap3A_2082 = vector.load %arg4[%swap3A_2080, %swap3A_2081] : memref<8x2048xf32, #tpu.memory_space<vmem>>, vector<8x2048xf32>
      tpu.vector_store %arg4[%swap3A_2080, %swap3A_2081], %add3A_2079 {strides = array<i32>} : memref<8x2048xf32, #tpu.memory_space<vmem>>, vector<8x2048xf32>,
      %get3A_2083 = arith.constant 720 : index
      %get3A_2084 = arith.constant 0 : index
      %get3A_2085 = vector.load %arg1[%get3A_2083, %get3A_2084] : memref<1024x2048xf32, #tpu.memory_space<vmem>>, vector<8x2048xf32>
      %add3A_2086 = arith.constant 720 : i32
      %add3A_2087 = arith.addi %mul3A_18, %add3A_2086 : i32
      %iota3A_2088 = tpu.iota {dimensions = array<i32: 0>} : vector<8x2048xi32>
      %add3A_2089 = vector.broadcast %add3A_2087 : i32 to vector<8x2048xi32>
      %add3A_2090 = arith.addi %add3A_2089, %iota3A_2088 : vector<8x2048xi32>
      %eq3A_2091 = vector.broadcast %get3A_1 : vector<1x2048xi32> to vector<8x2048xi32>
      %eq3A_2092 = arith.cmpi eq, %add3A_2090, %eq3A_2091 : vector<8x2048xi32>
      %jit3A_2093 = arith.constant -0.899999976 : f32
      %jit3A_2094 = arith.constant -1.000020e-06 : f32
      %broadcast_in_dim3A_2095 = vector.broadcast %jit3A_2093 : f32 to vector<8x2048xf32>
      %broadcast_in_dim3A_2096 = vector.broadcast %jit3A_2094 : f32 to vector<8x2048xf32>
      %select_n3A_2097 = arith.select %eq3A_2092, %broadcast_in_dim3A_2095, %broadcast_in_dim3A_2096 : vector<8x2048xi1>, vector<8x2048xf32>
      %get3A_2098 = arith.constant 0 : index
      %get3A_2099 = arith.constant 0 : index
      %get3A_2100 = vector.load %arg4[%get3A_2098, %get3A_2099] : memref<8x2048xf32, #tpu.memory_space<vmem>>, vector<8x2048xf32>
      %mul3A_2101 = arith.mulf %select_n3A_2097, %get3A_2085 : vector<8x2048xf32>
      %add3A_2102 = arith.addf %get3A_2100, %mul3A_2101 : vector<8x2048xf32>
      %swap3A_2103 = arith.constant 0 : index
      %swap3A_2104 = arith.constant 0 : index
      %swap3A_2105 = vector.load %arg4[%swap3A_2103, %swap3A_2104] : memref<8x2048xf32, #tpu.memory_space<vmem>>, vector<8x2048xf32>
      tpu.vector_store %arg4[%swap3A_2103, %swap3A_2104], %add3A_2102 {strides = array<i32>} : memref<8x2048xf32, #tpu.memory_space<vmem>>, vector<8x2048xf32>,
      %get3A_2106 = arith.constant 728 : index
      %get3A_2107 = arith.constant 0 : index
      %get3A_2108 = vector.load %arg1[%get3A_2106, %get3A_2107] : memref<1024x2048xf32, #tpu.memory_space<vmem>>, vector<8x2048xf32>
      %add3A_2109 = arith.constant 728 : i32
      %add3A_2110 = arith.addi %mul3A_18, %add3A_2109 : i32
      %iota3A_2111 = tpu.iota {dimensions = array<i32: 0>} : vector<8x2048xi32>
      %add3A_2112 = vector.broadcast %add3A_2110 : i32 to vector<8x2048xi32>
      %add3A_2113 = arith.addi %add3A_2112, %iota3A_2111 : vector<8x2048xi32>
      %eq3A_2114 = vector.broadcast %get3A_1 : vector<1x2048xi32> to vector<8x2048xi32>
      %eq3A_2115 = arith.cmpi eq, %add3A_2113, %eq3A_2114 : vector<8x2048xi32>
      %jit3A_2116 = arith.constant -0.899999976 : f32
      %jit3A_2117 = arith.constant -1.000020e-06 : f32
      %broadcast_in_dim3A_2118 = vector.broadcast %jit3A_2116 : f32 to vector<8x2048xf32>
      %broadcast_in_dim3A_2119 = vector.broadcast %jit3A_2117 : f32 to vector<8x2048xf32>
      %select_n3A_2120 = arith.select %eq3A_2115, %broadcast_in_dim3A_2118, %broadcast_in_dim3A_2119 : vector<8x2048xi1>, vector<8x2048xf32>
      %get3A_2121 = arith.constant 0 : index
      %get3A_2122 = arith.constant 0 : index
      %get3A_2123 = vector.load %arg4[%get3A_2121, %get3A_2122] : memref<8x2048xf32, #tpu.memory_space<vmem>>, vector<8x2048xf32>
      %mul3A_2124 = arith.mulf %select_n3A_2120, %get3A_2108 : vector<8x2048xf32>
      %add3A_2125 = arith.addf %get3A_2123, %mul3A_2124 : vector<8x2048xf32>
      %swap3A_2126 = arith.constant 0 : index
      %swap3A_2127 = arith.constant 0 : index
      %swap3A_2128 = vector.load %arg4[%swap3A_2126, %swap3A_2127] : memref<8x2048xf32, #tpu.memory_space<vmem>>, vector<8x2048xf32>
      tpu.vector_store %arg4[%swap3A_2126, %swap3A_2127], %add3A_2125 {strides = array<i32>} : memref<8x2048xf32, #tpu.memory_space<vmem>>, vector<8x2048xf32>,
      %get3A_2129 = arith.constant 736 : index
      %get3A_2130 = arith.constant 0 : index
      %get3A_2131 = vector.load %arg1[%get3A_2129, %get3A_2130] : memref<1024x2048xf32, #tpu.memory_space<vmem>>, vector<8x2048xf32>
      %add3A_2132 = arith.constant 736 : i32
      %add3A_2133 = arith.addi %mul3A_18, %add3A_2132 : i32
      %iota3A_2134 = tpu.iota {dimensions = array<i32: 0>} : vector<8x2048xi32>
      %add3A_2135 = vector.broadcast %add3A_2133 : i32 to vector<8x2048xi32>
      %add3A_2136 = arith.addi %add3A_2135, %iota3A_2134 : vector<8x2048xi32>
      %eq3A_2137 = vector.broadcast %get3A_1 : vector<1x2048xi32> to vector<8x2048xi32>
      %eq3A_2138 = arith.cmpi eq, %add3A_2136, %eq3A_2137 : vector<8x2048xi32>
      %jit3A_2139 = arith.constant -0.899999976 : f32
      %jit3A_2140 = arith.constant -1.000020e-06 : f32
      %broadcast_in_dim3A_2141 = vector.broadcast %jit3A_2139 : f32 to vector<8x2048xf32>
      %broadcast_in_dim3A_2142 = vector.broadcast %jit3A_2140 : f32 to vector<8x2048xf32>
      %select_n3A_2143 = arith.select %eq3A_2138, %broadcast_in_dim3A_2141, %broadcast_in_dim3A_2142 : vector<8x2048xi1>, vector<8x2048xf32>
      %get3A_2144 = arith.constant 0 : index
      %get3A_2145 = arith.constant 0 : index
      %get3A_2146 = vector.load %arg4[%get3A_2144, %get3A_2145] : memref<8x2048xf32, #tpu.memory_space<vmem>>, vector<8x2048xf32>
      %mul3A_2147 = arith.mulf %select_n3A_2143, %get3A_2131 : vector<8x2048xf32>
      %add3A_2148 = arith.addf %get3A_2146, %mul3A_2147 : vector<8x2048xf32>
      %swap3A_2149 = arith.constant 0 : index
      %swap3A_2150 = arith.constant 0 : index
      %swap3A_2151 = vector.load %arg4[%swap3A_2149, %swap3A_2150] : memref<8x2048xf32, #tpu.memory_space<vmem>>, vector<8x2048xf32>
      tpu.vector_store %arg4[%swap3A_2149, %swap3A_2150], %add3A_2148 {strides = array<i32>} : memref<8x2048xf32, #tpu.memory_space<vmem>>, vector<8x2048xf32>,
      %get3A_2152 = arith.constant 744 : index
      %get3A_2153 = arith.constant 0 : index
      %get3A_2154 = vector.load %arg1[%get3A_2152, %get3A_2153] : memref<1024x2048xf32, #tpu.memory_space<vmem>>, vector<8x2048xf32>
      %add3A_2155 = arith.constant 744 : i32
      %add3A_2156 = arith.addi %mul3A_18, %add3A_2155 : i32
      %iota3A_2157 = tpu.iota {dimensions = array<i32: 0>} : vector<8x2048xi32>
      %add3A_2158 = vector.broadcast %add3A_2156 : i32 to vector<8x2048xi32>
      %add3A_2159 = arith.addi %add3A_2158, %iota3A_2157 : vector<8x2048xi32>
      %eq3A_2160 = vector.broadcast %get3A_1 : vector<1x2048xi32> to vector<8x2048xi32>
      %eq3A_2161 = arith.cmpi eq, %add3A_2159, %eq3A_2160 : vector<8x2048xi32>
      %jit3A_2162 = arith.constant -0.899999976 : f32
      %jit3A_2163 = arith.constant -1.000020e-06 : f32
      %broadcast_in_dim3A_2164 = vector.broadcast %jit3A_2162 : f32 to vector<8x2048xf32>
      %broadcast_in_dim3A_2165 = vector.broadcast %jit3A_2163 : f32 to vector<8x2048xf32>
      %select_n3A_2166 = arith.select %eq3A_2161, %broadcast_in_dim3A_2164, %broadcast_in_dim3A_2165 : vector<8x2048xi1>, vector<8x2048xf32>
      %get3A_2167 = arith.constant 0 : index
      %get3A_2168 = arith.constant 0 : index
      %get3A_2169 = vector.load %arg4[%get3A_2167, %get3A_2168] : memref<8x2048xf32, #tpu.memory_space<vmem>>, vector<8x2048xf32>
      %mul3A_2170 = arith.mulf %select_n3A_2166, %get3A_2154 : vector<8x2048xf32>
      %add3A_2171 = arith.addf %get3A_2169, %mul3A_2170 : vector<8x2048xf32>
      %swap3A_2172 = arith.constant 0 : index
      %swap3A_2173 = arith.constant 0 : index
      %swap3A_2174 = vector.load %arg4[%swap3A_2172, %swap3A_2173] : memref<8x2048xf32, #tpu.memory_space<vmem>>, vector<8x2048xf32>
      tpu.vector_store %arg4[%swap3A_2172, %swap3A_2173], %add3A_2171 {strides = array<i32>} : memref<8x2048xf32, #tpu.memory_space<vmem>>, vector<8x2048xf32>,
      %get3A_2175 = arith.constant 752 : index
      %get3A_2176 = arith.constant 0 : index
      %get3A_2177 = vector.load %arg1[%get3A_2175, %get3A_2176] : memref<1024x2048xf32, #tpu.memory_space<vmem>>, vector<8x2048xf32>
      %add3A_2178 = arith.constant 752 : i32
      %add3A_2179 = arith.addi %mul3A_18, %add3A_2178 : i32
      %iota3A_2180 = tpu.iota {dimensions = array<i32: 0>} : vector<8x2048xi32>
      %add3A_2181 = vector.broadcast %add3A_2179 : i32 to vector<8x2048xi32>
      %add3A_2182 = arith.addi %add3A_2181, %iota3A_2180 : vector<8x2048xi32>
      %eq3A_2183 = vector.broadcast %get3A_1 : vector<1x2048xi32> to vector<8x2048xi32>
      %eq3A_2184 = arith.cmpi eq, %add3A_2182, %eq3A_2183 : vector<8x2048xi32>
      %jit3A_2185 = arith.constant -0.899999976 : f32
      %jit3A_2186 = arith.constant -1.000020e-06 : f32
      %broadcast_in_dim3A_2187 = vector.broadcast %jit3A_2185 : f32 to vector<8x2048xf32>
      %broadcast_in_dim3A_2188 = vector.broadcast %jit3A_2186 : f32 to vector<8x2048xf32>
      %select_n3A_2189 = arith.select %eq3A_2184, %broadcast_in_dim3A_2187, %broadcast_in_dim3A_2188 : vector<8x2048xi1>, vector<8x2048xf32>
      %get3A_2190 = arith.constant 0 : index
      %get3A_2191 = arith.constant 0 : index
      %get3A_2192 = vector.load %arg4[%get3A_2190, %get3A_2191] : memref<8x2048xf32, #tpu.memory_space<vmem>>, vector<8x2048xf32>
      %mul3A_2193 = arith.mulf %select_n3A_2189, %get3A_2177 : vector<8x2048xf32>
      %add3A_2194 = arith.addf %get3A_2192, %mul3A_2193 : vector<8x2048xf32>
      %swap3A_2195 = arith.constant 0 : index
      %swap3A_2196 = arith.constant 0 : index
      %swap3A_2197 = vector.load %arg4[%swap3A_2195, %swap3A_2196] : memref<8x2048xf32, #tpu.memory_space<vmem>>, vector<8x2048xf32>
      tpu.vector_store %arg4[%swap3A_2195, %swap3A_2196], %add3A_2194 {strides = array<i32>} : memref<8x2048xf32, #tpu.memory_space<vmem>>, vector<8x2048xf32>,
      %get3A_2198 = arith.constant 760 : index
      %get3A_2199 = arith.constant 0 : index
      %get3A_2200 = vector.load %arg1[%get3A_2198, %get3A_2199] : memref<1024x2048xf32, #tpu.memory_space<vmem>>, vector<8x2048xf32>
      %add3A_2201 = arith.constant 760 : i32
      %add3A_2202 = arith.addi %mul3A_18, %add3A_2201 : i32
      %iota3A_2203 = tpu.iota {dimensions = array<i32: 0>} : vector<8x2048xi32>
      %add3A_2204 = vector.broadcast %add3A_2202 : i32 to vector<8x2048xi32>
      %add3A_2205 = arith.addi %add3A_2204, %iota3A_2203 : vector<8x2048xi32>
      %eq3A_2206 = vector.broadcast %get3A_1 : vector<1x2048xi32> to vector<8x2048xi32>
      %eq3A_2207 = arith.cmpi eq, %add3A_2205, %eq3A_2206 : vector<8x2048xi32>
      %jit3A_2208 = arith.constant -0.899999976 : f32
      %jit3A_2209 = arith.constant -1.000020e-06 : f32
      %broadcast_in_dim3A_2210 = vector.broadcast %jit3A_2208 : f32 to vector<8x2048xf32>
      %broadcast_in_dim3A_2211 = vector.broadcast %jit3A_2209 : f32 to vector<8x2048xf32>
      %select_n3A_2212 = arith.select %eq3A_2207, %broadcast_in_dim3A_2210, %broadcast_in_dim3A_2211 : vector<8x2048xi1>, vector<8x2048xf32>
      %get3A_2213 = arith.constant 0 : index
      %get3A_2214 = arith.constant 0 : index
      %get3A_2215 = vector.load %arg4[%get3A_2213, %get3A_2214] : memref<8x2048xf32, #tpu.memory_space<vmem>>, vector<8x2048xf32>
      %mul3A_2216 = arith.mulf %select_n3A_2212, %get3A_2200 : vector<8x2048xf32>
      %add3A_2217 = arith.addf %get3A_2215, %mul3A_2216 : vector<8x2048xf32>
      %swap3A_2218 = arith.constant 0 : index
      %swap3A_2219 = arith.constant 0 : index
      %swap3A_2220 = vector.load %arg4[%swap3A_2218, %swap3A_2219] : memref<8x2048xf32, #tpu.memory_space<vmem>>, vector<8x2048xf32>
      tpu.vector_store %arg4[%swap3A_2218, %swap3A_2219], %add3A_2217 {strides = array<i32>} : memref<8x2048xf32, #tpu.memory_space<vmem>>, vector<8x2048xf32>,
      %get3A_2221 = arith.constant 768 : index
      %get3A_2222 = arith.constant 0 : index
      %get3A_2223 = vector.load %arg1[%get3A_2221, %get3A_2222] : memref<1024x2048xf32, #tpu.memory_space<vmem>>, vector<8x2048xf32>
      %add3A_2224 = arith.constant 768 : i32
      %add3A_2225 = arith.addi %mul3A_18, %add3A_2224 : i32
      %iota3A_2226 = tpu.iota {dimensions = array<i32: 0>} : vector<8x2048xi32>
      %add3A_2227 = vector.broadcast %add3A_2225 : i32 to vector<8x2048xi32>
      %add3A_2228 = arith.addi %add3A_2227, %iota3A_2226 : vector<8x2048xi32>
      %eq3A_2229 = vector.broadcast %get3A_1 : vector<1x2048xi32> to vector<8x2048xi32>
      %eq3A_2230 = arith.cmpi eq, %add3A_2228, %eq3A_2229 : vector<8x2048xi32>
      %jit3A_2231 = arith.constant -0.899999976 : f32
      %jit3A_2232 = arith.constant -1.000020e-06 : f32
      %broadcast_in_dim3A_2233 = vector.broadcast %jit3A_2231 : f32 to vector<8x2048xf32>
      %broadcast_in_dim3A_2234 = vector.broadcast %jit3A_2232 : f32 to vector<8x2048xf32>
      %select_n3A_2235 = arith.select %eq3A_2230, %broadcast_in_dim3A_2233, %broadcast_in_dim3A_2234 : vector<8x2048xi1>, vector<8x2048xf32>
      %get3A_2236 = arith.constant 0 : index
      %get3A_2237 = arith.constant 0 : index
      %get3A_2238 = vector.load %arg4[%get3A_2236, %get3A_2237] : memref<8x2048xf32, #tpu.memory_space<vmem>>, vector<8x2048xf32>
      %mul3A_2239 = arith.mulf %select_n3A_2235, %get3A_2223 : vector<8x2048xf32>
      %add3A_2240 = arith.addf %get3A_2238, %mul3A_2239 : vector<8x2048xf32>
      %swap3A_2241 = arith.constant 0 : index
      %swap3A_2242 = arith.constant 0 : index
      %swap3A_2243 = vector.load %arg4[%swap3A_2241, %swap3A_2242] : memref<8x2048xf32, #tpu.memory_space<vmem>>, vector<8x2048xf32>
      tpu.vector_store %arg4[%swap3A_2241, %swap3A_2242], %add3A_2240 {strides = array<i32>} : memref<8x2048xf32, #tpu.memory_space<vmem>>, vector<8x2048xf32>,
      %get3A_2244 = arith.constant 776 : index
      %get3A_2245 = arith.constant 0 : index
      %get3A_2246 = vector.load %arg1[%get3A_2244, %get3A_2245] : memref<1024x2048xf32, #tpu.memory_space<vmem>>, vector<8x2048xf32>
      %add3A_2247 = arith.constant 776 : i32
      %add3A_2248 = arith.addi %mul3A_18, %add3A_2247 : i32
      %iota3A_2249 = tpu.iota {dimensions = array<i32: 0>} : vector<8x2048xi32>
      %add3A_2250 = vector.broadcast %add3A_2248 : i32 to vector<8x2048xi32>
      %add3A_2251 = arith.addi %add3A_2250, %iota3A_2249 : vector<8x2048xi32>
      %eq3A_2252 = vector.broadcast %get3A_1 : vector<1x2048xi32> to vector<8x2048xi32>
      %eq3A_2253 = arith.cmpi eq, %add3A_2251, %eq3A_2252 : vector<8x2048xi32>
      %jit3A_2254 = arith.constant -0.899999976 : f32
      %jit3A_2255 = arith.constant -1.000020e-06 : f32
      %broadcast_in_dim3A_2256 = vector.broadcast %jit3A_2254 : f32 to vector<8x2048xf32>
      %broadcast_in_dim3A_2257 = vector.broadcast %jit3A_2255 : f32 to vector<8x2048xf32>
      %select_n3A_2258 = arith.select %eq3A_2253, %broadcast_in_dim3A_2256, %broadcast_in_dim3A_2257 : vector<8x2048xi1>, vector<8x2048xf32>
      %get3A_2259 = arith.constant 0 : index
      %get3A_2260 = arith.constant 0 : index
      %get3A_2261 = vector.load %arg4[%get3A_2259, %get3A_2260] : memref<8x2048xf32, #tpu.memory_space<vmem>>, vector<8x2048xf32>
      %mul3A_2262 = arith.mulf %select_n3A_2258, %get3A_2246 : vector<8x2048xf32>
      %add3A_2263 = arith.addf %get3A_2261, %mul3A_2262 : vector<8x2048xf32>
      %swap3A_2264 = arith.constant 0 : index
      %swap3A_2265 = arith.constant 0 : index
      %swap3A_2266 = vector.load %arg4[%swap3A_2264, %swap3A_2265] : memref<8x2048xf32, #tpu.memory_space<vmem>>, vector<8x2048xf32>
      tpu.vector_store %arg4[%swap3A_2264, %swap3A_2265], %add3A_2263 {strides = array<i32>} : memref<8x2048xf32, #tpu.memory_space<vmem>>, vector<8x2048xf32>,
      %get3A_2267 = arith.constant 784 : index
      %get3A_2268 = arith.constant 0 : index
      %get3A_2269 = vector.load %arg1[%get3A_2267, %get3A_2268] : memref<1024x2048xf32, #tpu.memory_space<vmem>>, vector<8x2048xf32>
      %add3A_2270 = arith.constant 784 : i32
      %add3A_2271 = arith.addi %mul3A_18, %add3A_2270 : i32
      %iota3A_2272 = tpu.iota {dimensions = array<i32: 0>} : vector<8x2048xi32>
      %add3A_2273 = vector.broadcast %add3A_2271 : i32 to vector<8x2048xi32>
      %add3A_2274 = arith.addi %add3A_2273, %iota3A_2272 : vector<8x2048xi32>
      %eq3A_2275 = vector.broadcast %get3A_1 : vector<1x2048xi32> to vector<8x2048xi32>
      %eq3A_2276 = arith.cmpi eq, %add3A_2274, %eq3A_2275 : vector<8x2048xi32>
      %jit3A_2277 = arith.constant -0.899999976 : f32
      %jit3A_2278 = arith.constant -1.000020e-06 : f32
      %broadcast_in_dim3A_2279 = vector.broadcast %jit3A_2277 : f32 to vector<8x2048xf32>
      %broadcast_in_dim3A_2280 = vector.broadcast %jit3A_2278 : f32 to vector<8x2048xf32>
      %select_n3A_2281 = arith.select %eq3A_2276, %broadcast_in_dim3A_2279, %broadcast_in_dim3A_2280 : vector<8x2048xi1>, vector<8x2048xf32>
      %get3A_2282 = arith.constant 0 : index
      %get3A_2283 = arith.constant 0 : index
      %get3A_2284 = vector.load %arg4[%get3A_2282, %get3A_2283] : memref<8x2048xf32, #tpu.memory_space<vmem>>, vector<8x2048xf32>
      %mul3A_2285 = arith.mulf %select_n3A_2281, %get3A_2269 : vector<8x2048xf32>
      %add3A_2286 = arith.addf %get3A_2284, %mul3A_2285 : vector<8x2048xf32>
      %swap3A_2287 = arith.constant 0 : index
      %swap3A_2288 = arith.constant 0 : index
      %swap3A_2289 = vector.load %arg4[%swap3A_2287, %swap3A_2288] : memref<8x2048xf32, #tpu.memory_space<vmem>>, vector<8x2048xf32>
      tpu.vector_store %arg4[%swap3A_2287, %swap3A_2288], %add3A_2286 {strides = array<i32>} : memref<8x2048xf32, #tpu.memory_space<vmem>>, vector<8x2048xf32>,
      %get3A_2290 = arith.constant 792 : index
      %get3A_2291 = arith.constant 0 : index
      %get3A_2292 = vector.load %arg1[%get3A_2290, %get3A_2291] : memref<1024x2048xf32, #tpu.memory_space<vmem>>, vector<8x2048xf32>
      %add3A_2293 = arith.constant 792 : i32
      %add3A_2294 = arith.addi %mul3A_18, %add3A_2293 : i32
      %iota3A_2295 = tpu.iota {dimensions = array<i32: 0>} : vector<8x2048xi32>
      %add3A_2296 = vector.broadcast %add3A_2294 : i32 to vector<8x2048xi32>
      %add3A_2297 = arith.addi %add3A_2296, %iota3A_2295 : vector<8x2048xi32>
      %eq3A_2298 = vector.broadcast %get3A_1 : vector<1x2048xi32> to vector<8x2048xi32>
      %eq3A_2299 = arith.cmpi eq, %add3A_2297, %eq3A_2298 : vector<8x2048xi32>
      %jit3A_2300 = arith.constant -0.899999976 : f32
      %jit3A_2301 = arith.constant -1.000020e-06 : f32
      %broadcast_in_dim3A_2302 = vector.broadcast %jit3A_2300 : f32 to vector<8x2048xf32>
      %broadcast_in_dim3A_2303 = vector.broadcast %jit3A_2301 : f32 to vector<8x2048xf32>
      %select_n3A_2304 = arith.select %eq3A_2299, %broadcast_in_dim3A_2302, %broadcast_in_dim3A_2303 : vector<8x2048xi1>, vector<8x2048xf32>
      %get3A_2305 = arith.constant 0 : index
      %get3A_2306 = arith.constant 0 : index
      %get3A_2307 = vector.load %arg4[%get3A_2305, %get3A_2306] : memref<8x2048xf32, #tpu.memory_space<vmem>>, vector<8x2048xf32>
      %mul3A_2308 = arith.mulf %select_n3A_2304, %get3A_2292 : vector<8x2048xf32>
      %add3A_2309 = arith.addf %get3A_2307, %mul3A_2308 : vector<8x2048xf32>
      %swap3A_2310 = arith.constant 0 : index
      %swap3A_2311 = arith.constant 0 : index
      %swap3A_2312 = vector.load %arg4[%swap3A_2310, %swap3A_2311] : memref<8x2048xf32, #tpu.memory_space<vmem>>, vector<8x2048xf32>
      tpu.vector_store %arg4[%swap3A_2310, %swap3A_2311], %add3A_2309 {strides = array<i32>} : memref<8x2048xf32, #tpu.memory_space<vmem>>, vector<8x2048xf32>,
      %get3A_2313 = arith.constant 800 : index
      %get3A_2314 = arith.constant 0 : index
      %get3A_2315 = vector.load %arg1[%get3A_2313, %get3A_2314] : memref<1024x2048xf32, #tpu.memory_space<vmem>>, vector<8x2048xf32>
      %add3A_2316 = arith.constant 800 : i32
      %add3A_2317 = arith.addi %mul3A_18, %add3A_2316 : i32
      %iota3A_2318 = tpu.iota {dimensions = array<i32: 0>} : vector<8x2048xi32>
      %add3A_2319 = vector.broadcast %add3A_2317 : i32 to vector<8x2048xi32>
      %add3A_2320 = arith.addi %add3A_2319, %iota3A_2318 : vector<8x2048xi32>
      %eq3A_2321 = vector.broadcast %get3A_1 : vector<1x2048xi32> to vector<8x2048xi32>
      %eq3A_2322 = arith.cmpi eq, %add3A_2320, %eq3A_2321 : vector<8x2048xi32>
      %jit3A_2323 = arith.constant -0.899999976 : f32
      %jit3A_2324 = arith.constant -1.000020e-06 : f32
      %broadcast_in_dim3A_2325 = vector.broadcast %jit3A_2323 : f32 to vector<8x2048xf32>
      %broadcast_in_dim3A_2326 = vector.broadcast %jit3A_2324 : f32 to vector<8x2048xf32>
      %select_n3A_2327 = arith.select %eq3A_2322, %broadcast_in_dim3A_2325, %broadcast_in_dim3A_2326 : vector<8x2048xi1>, vector<8x2048xf32>
      %get3A_2328 = arith.constant 0 : index
      %get3A_2329 = arith.constant 0 : index
      %get3A_2330 = vector.load %arg4[%get3A_2328, %get3A_2329] : memref<8x2048xf32, #tpu.memory_space<vmem>>, vector<8x2048xf32>
      %mul3A_2331 = arith.mulf %select_n3A_2327, %get3A_2315 : vector<8x2048xf32>
      %add3A_2332 = arith.addf %get3A_2330, %mul3A_2331 : vector<8x2048xf32>
      %swap3A_2333 = arith.constant 0 : index
      %swap3A_2334 = arith.constant 0 : index
      %swap3A_2335 = vector.load %arg4[%swap3A_2333, %swap3A_2334] : memref<8x2048xf32, #tpu.memory_space<vmem>>, vector<8x2048xf32>
      tpu.vector_store %arg4[%swap3A_2333, %swap3A_2334], %add3A_2332 {strides = array<i32>} : memref<8x2048xf32, #tpu.memory_space<vmem>>, vector<8x2048xf32>,
      %get3A_2336 = arith.constant 808 : index
      %get3A_2337 = arith.constant 0 : index
      %get3A_2338 = vector.load %arg1[%get3A_2336, %get3A_2337] : memref<1024x2048xf32, #tpu.memory_space<vmem>>, vector<8x2048xf32>
      %add3A_2339 = arith.constant 808 : i32
      %add3A_2340 = arith.addi %mul3A_18, %add3A_2339 : i32
      %iota3A_2341 = tpu.iota {dimensions = array<i32: 0>} : vector<8x2048xi32>
      %add3A_2342 = vector.broadcast %add3A_2340 : i32 to vector<8x2048xi32>
      %add3A_2343 = arith.addi %add3A_2342, %iota3A_2341 : vector<8x2048xi32>
      %eq3A_2344 = vector.broadcast %get3A_1 : vector<1x2048xi32> to vector<8x2048xi32>
      %eq3A_2345 = arith.cmpi eq, %add3A_2343, %eq3A_2344 : vector<8x2048xi32>
      %jit3A_2346 = arith.constant -0.899999976 : f32
      %jit3A_2347 = arith.constant -1.000020e-06 : f32
      %broadcast_in_dim3A_2348 = vector.broadcast %jit3A_2346 : f32 to vector<8x2048xf32>
      %broadcast_in_dim3A_2349 = vector.broadcast %jit3A_2347 : f32 to vector<8x2048xf32>
      %select_n3A_2350 = arith.select %eq3A_2345, %broadcast_in_dim3A_2348, %broadcast_in_dim3A_2349 : vector<8x2048xi1>, vector<8x2048xf32>
      %get3A_2351 = arith.constant 0 : index
      %get3A_2352 = arith.constant 0 : index
      %get3A_2353 = vector.load %arg4[%get3A_2351, %get3A_2352] : memref<8x2048xf32, #tpu.memory_space<vmem>>, vector<8x2048xf32>
      %mul3A_2354 = arith.mulf %select_n3A_2350, %get3A_2338 : vector<8x2048xf32>
      %add3A_2355 = arith.addf %get3A_2353, %mul3A_2354 : vector<8x2048xf32>
      %swap3A_2356 = arith.constant 0 : index
      %swap3A_2357 = arith.constant 0 : index
      %swap3A_2358 = vector.load %arg4[%swap3A_2356, %swap3A_2357] : memref<8x2048xf32, #tpu.memory_space<vmem>>, vector<8x2048xf32>
      tpu.vector_store %arg4[%swap3A_2356, %swap3A_2357], %add3A_2355 {strides = array<i32>} : memref<8x2048xf32, #tpu.memory_space<vmem>>, vector<8x2048xf32>,
      %get3A_2359 = arith.constant 816 : index
      %get3A_2360 = arith.constant 0 : index
      %get3A_2361 = vector.load %arg1[%get3A_2359, %get3A_2360] : memref<1024x2048xf32, #tpu.memory_space<vmem>>, vector<8x2048xf32>
      %add3A_2362 = arith.constant 816 : i32
      %add3A_2363 = arith.addi %mul3A_18, %add3A_2362 : i32
      %iota3A_2364 = tpu.iota {dimensions = array<i32: 0>} : vector<8x2048xi32>
      %add3A_2365 = vector.broadcast %add3A_2363 : i32 to vector<8x2048xi32>
      %add3A_2366 = arith.addi %add3A_2365, %iota3A_2364 : vector<8x2048xi32>
      %eq3A_2367 = vector.broadcast %get3A_1 : vector<1x2048xi32> to vector<8x2048xi32>
      %eq3A_2368 = arith.cmpi eq, %add3A_2366, %eq3A_2367 : vector<8x2048xi32>
      %jit3A_2369 = arith.constant -0.899999976 : f32
      %jit3A_2370 = arith.constant -1.000020e-06 : f32
      %broadcast_in_dim3A_2371 = vector.broadcast %jit3A_2369 : f32 to vector<8x2048xf32>
      %broadcast_in_dim3A_2372 = vector.broadcast %jit3A_2370 : f32 to vector<8x2048xf32>
      %select_n3A_2373 = arith.select %eq3A_2368, %broadcast_in_dim3A_2371, %broadcast_in_dim3A_2372 : vector<8x2048xi1>, vector<8x2048xf32>
      %get3A_2374 = arith.constant 0 : index
      %get3A_2375 = arith.constant 0 : index
      %get3A_2376 = vector.load %arg4[%get3A_2374, %get3A_2375] : memref<8x2048xf32, #tpu.memory_space<vmem>>, vector<8x2048xf32>
      %mul3A_2377 = arith.mulf %select_n3A_2373, %get3A_2361 : vector<8x2048xf32>
      %add3A_2378 = arith.addf %get3A_2376, %mul3A_2377 : vector<8x2048xf32>
      %swap3A_2379 = arith.constant 0 : index
      %swap3A_2380 = arith.constant 0 : index
      %swap3A_2381 = vector.load %arg4[%swap3A_2379, %swap3A_2380] : memref<8x2048xf32, #tpu.memory_space<vmem>>, vector<8x2048xf32>
      tpu.vector_store %arg4[%swap3A_2379, %swap3A_2380], %add3A_2378 {strides = array<i32>} : memref<8x2048xf32, #tpu.memory_space<vmem>>, vector<8x2048xf32>,
      %get3A_2382 = arith.constant 824 : index
      %get3A_2383 = arith.constant 0 : index
      %get3A_2384 = vector.load %arg1[%get3A_2382, %get3A_2383] : memref<1024x2048xf32, #tpu.memory_space<vmem>>, vector<8x2048xf32>
      %add3A_2385 = arith.constant 824 : i32
      %add3A_2386 = arith.addi %mul3A_18, %add3A_2385 : i32
      %iota3A_2387 = tpu.iota {dimensions = array<i32: 0>} : vector<8x2048xi32>
      %add3A_2388 = vector.broadcast %add3A_2386 : i32 to vector<8x2048xi32>
      %add3A_2389 = arith.addi %add3A_2388, %iota3A_2387 : vector<8x2048xi32>
      %eq3A_2390 = vector.broadcast %get3A_1 : vector<1x2048xi32> to vector<8x2048xi32>
      %eq3A_2391 = arith.cmpi eq, %add3A_2389, %eq3A_2390 : vector<8x2048xi32>
      %jit3A_2392 = arith.constant -0.899999976 : f32
      %jit3A_2393 = arith.constant -1.000020e-06 : f32
      %broadcast_in_dim3A_2394 = vector.broadcast %jit3A_2392 : f32 to vector<8x2048xf32>
      %broadcast_in_dim3A_2395 = vector.broadcast %jit3A_2393 : f32 to vector<8x2048xf32>
      %select_n3A_2396 = arith.select %eq3A_2391, %broadcast_in_dim3A_2394, %broadcast_in_dim3A_2395 : vector<8x2048xi1>, vector<8x2048xf32>
      %get3A_2397 = arith.constant 0 : index
      %get3A_2398 = arith.constant 0 : index
      %get3A_2399 = vector.load %arg4[%get3A_2397, %get3A_2398] : memref<8x2048xf32, #tpu.memory_space<vmem>>, vector<8x2048xf32>
      %mul3A_2400 = arith.mulf %select_n3A_2396, %get3A_2384 : vector<8x2048xf32>
      %add3A_2401 = arith.addf %get3A_2399, %mul3A_2400 : vector<8x2048xf32>
      %swap3A_2402 = arith.constant 0 : index
      %swap3A_2403 = arith.constant 0 : index
      %swap3A_2404 = vector.load %arg4[%swap3A_2402, %swap3A_2403] : memref<8x2048xf32, #tpu.memory_space<vmem>>, vector<8x2048xf32>
      tpu.vector_store %arg4[%swap3A_2402, %swap3A_2403], %add3A_2401 {strides = array<i32>} : memref<8x2048xf32, #tpu.memory_space<vmem>>, vector<8x2048xf32>,
      %get3A_2405 = arith.constant 832 : index
      %get3A_2406 = arith.constant 0 : index
      %get3A_2407 = vector.load %arg1[%get3A_2405, %get3A_2406] : memref<1024x2048xf32, #tpu.memory_space<vmem>>, vector<8x2048xf32>
      %add3A_2408 = arith.constant 832 : i32
      %add3A_2409 = arith.addi %mul3A_18, %add3A_2408 : i32
      %iota3A_2410 = tpu.iota {dimensions = array<i32: 0>} : vector<8x2048xi32>
      %add3A_2411 = vector.broadcast %add3A_2409 : i32 to vector<8x2048xi32>
      %add3A_2412 = arith.addi %add3A_2411, %iota3A_2410 : vector<8x2048xi32>
      %eq3A_2413 = vector.broadcast %get3A_1 : vector<1x2048xi32> to vector<8x2048xi32>
      %eq3A_2414 = arith.cmpi eq, %add3A_2412, %eq3A_2413 : vector<8x2048xi32>
      %jit3A_2415 = arith.constant -0.899999976 : f32
      %jit3A_2416 = arith.constant -1.000020e-06 : f32
      %broadcast_in_dim3A_2417 = vector.broadcast %jit3A_2415 : f32 to vector<8x2048xf32>
      %broadcast_in_dim3A_2418 = vector.broadcast %jit3A_2416 : f32 to vector<8x2048xf32>
      %select_n3A_2419 = arith.select %eq3A_2414, %broadcast_in_dim3A_2417, %broadcast_in_dim3A_2418 : vector<8x2048xi1>, vector<8x2048xf32>
      %get3A_2420 = arith.constant 0 : index
      %get3A_2421 = arith.constant 0 : index
      %get3A_2422 = vector.load %arg4[%get3A_2420, %get3A_2421] : memref<8x2048xf32, #tpu.memory_space<vmem>>, vector<8x2048xf32>
      %mul3A_2423 = arith.mulf %select_n3A_2419, %get3A_2407 : vector<8x2048xf32>
      %add3A_2424 = arith.addf %get3A_2422, %mul3A_2423 : vector<8x2048xf32>
      %swap3A_2425 = arith.constant 0 : index
      %swap3A_2426 = arith.constant 0 : index
      %swap3A_2427 = vector.load %arg4[%swap3A_2425, %swap3A_2426] : memref<8x2048xf32, #tpu.memory_space<vmem>>, vector<8x2048xf32>
      tpu.vector_store %arg4[%swap3A_2425, %swap3A_2426], %add3A_2424 {strides = array<i32>} : memref<8x2048xf32, #tpu.memory_space<vmem>>, vector<8x2048xf32>,
      %get3A_2428 = arith.constant 840 : index
      %get3A_2429 = arith.constant 0 : index
      %get3A_2430 = vector.load %arg1[%get3A_2428, %get3A_2429] : memref<1024x2048xf32, #tpu.memory_space<vmem>>, vector<8x2048xf32>
      %add3A_2431 = arith.constant 840 : i32
      %add3A_2432 = arith.addi %mul3A_18, %add3A_2431 : i32
      %iota3A_2433 = tpu.iota {dimensions = array<i32: 0>} : vector<8x2048xi32>
      %add3A_2434 = vector.broadcast %add3A_2432 : i32 to vector<8x2048xi32>
      %add3A_2435 = arith.addi %add3A_2434, %iota3A_2433 : vector<8x2048xi32>
      %eq3A_2436 = vector.broadcast %get3A_1 : vector<1x2048xi32> to vector<8x2048xi32>
      %eq3A_2437 = arith.cmpi eq, %add3A_2435, %eq3A_2436 : vector<8x2048xi32>
      %jit3A_2438 = arith.constant -0.899999976 : f32
      %jit3A_2439 = arith.constant -1.000020e-06 : f32
      %broadcast_in_dim3A_2440 = vector.broadcast %jit3A_2438 : f32 to vector<8x2048xf32>
      %broadcast_in_dim3A_2441 = vector.broadcast %jit3A_2439 : f32 to vector<8x2048xf32>
      %select_n3A_2442 = arith.select %eq3A_2437, %broadcast_in_dim3A_2440, %broadcast_in_dim3A_2441 : vector<8x2048xi1>, vector<8x2048xf32>
      %get3A_2443 = arith.constant 0 : index
      %get3A_2444 = arith.constant 0 : index
      %get3A_2445 = vector.load %arg4[%get3A_2443, %get3A_2444] : memref<8x2048xf32, #tpu.memory_space<vmem>>, vector<8x2048xf32>
      %mul3A_2446 = arith.mulf %select_n3A_2442, %get3A_2430 : vector<8x2048xf32>
      %add3A_2447 = arith.addf %get3A_2445, %mul3A_2446 : vector<8x2048xf32>
      %swap3A_2448 = arith.constant 0 : index
      %swap3A_2449 = arith.constant 0 : index
      %swap3A_2450 = vector.load %arg4[%swap3A_2448, %swap3A_2449] : memref<8x2048xf32, #tpu.memory_space<vmem>>, vector<8x2048xf32>
      tpu.vector_store %arg4[%swap3A_2448, %swap3A_2449], %add3A_2447 {strides = array<i32>} : memref<8x2048xf32, #tpu.memory_space<vmem>>, vector<8x2048xf32>,
      %get3A_2451 = arith.constant 848 : index
      %get3A_2452 = arith.constant 0 : index
      %get3A_2453 = vector.load %arg1[%get3A_2451, %get3A_2452] : memref<1024x2048xf32, #tpu.memory_space<vmem>>, vector<8x2048xf32>
      %add3A_2454 = arith.constant 848 : i32
      %add3A_2455 = arith.addi %mul3A_18, %add3A_2454 : i32
      %iota3A_2456 = tpu.iota {dimensions = array<i32: 0>} : vector<8x2048xi32>
      %add3A_2457 = vector.broadcast %add3A_2455 : i32 to vector<8x2048xi32>
      %add3A_2458 = arith.addi %add3A_2457, %iota3A_2456 : vector<8x2048xi32>
      %eq3A_2459 = vector.broadcast %get3A_1 : vector<1x2048xi32> to vector<8x2048xi32>
      %eq3A_2460 = arith.cmpi eq, %add3A_2458, %eq3A_2459 : vector<8x2048xi32>
      %jit3A_2461 = arith.constant -0.899999976 : f32
      %jit3A_2462 = arith.constant -1.000020e-06 : f32
      %broadcast_in_dim3A_2463 = vector.broadcast %jit3A_2461 : f32 to vector<8x2048xf32>
      %broadcast_in_dim3A_2464 = vector.broadcast %jit3A_2462 : f32 to vector<8x2048xf32>
      %select_n3A_2465 = arith.select %eq3A_2460, %broadcast_in_dim3A_2463, %broadcast_in_dim3A_2464 : vector<8x2048xi1>, vector<8x2048xf32>
      %get3A_2466 = arith.constant 0 : index
      %get3A_2467 = arith.constant 0 : index
      %get3A_2468 = vector.load %arg4[%get3A_2466, %get3A_2467] : memref<8x2048xf32, #tpu.memory_space<vmem>>, vector<8x2048xf32>
      %mul3A_2469 = arith.mulf %select_n3A_2465, %get3A_2453 : vector<8x2048xf32>
      %add3A_2470 = arith.addf %get3A_2468, %mul3A_2469 : vector<8x2048xf32>
      %swap3A_2471 = arith.constant 0 : index
      %swap3A_2472 = arith.constant 0 : index
      %swap3A_2473 = vector.load %arg4[%swap3A_2471, %swap3A_2472] : memref<8x2048xf32, #tpu.memory_space<vmem>>, vector<8x2048xf32>
      tpu.vector_store %arg4[%swap3A_2471, %swap3A_2472], %add3A_2470 {strides = array<i32>} : memref<8x2048xf32, #tpu.memory_space<vmem>>, vector<8x2048xf32>,
      %get3A_2474 = arith.constant 856 : index
      %get3A_2475 = arith.constant 0 : index
      %get3A_2476 = vector.load %arg1[%get3A_2474, %get3A_2475] : memref<1024x2048xf32, #tpu.memory_space<vmem>>, vector<8x2048xf32>
      %add3A_2477 = arith.constant 856 : i32
      %add3A_2478 = arith.addi %mul3A_18, %add3A_2477 : i32
      %iota3A_2479 = tpu.iota {dimensions = array<i32: 0>} : vector<8x2048xi32>
      %add3A_2480 = vector.broadcast %add3A_2478 : i32 to vector<8x2048xi32>
      %add3A_2481 = arith.addi %add3A_2480, %iota3A_2479 : vector<8x2048xi32>
      %eq3A_2482 = vector.broadcast %get3A_1 : vector<1x2048xi32> to vector<8x2048xi32>
      %eq3A_2483 = arith.cmpi eq, %add3A_2481, %eq3A_2482 : vector<8x2048xi32>
      %jit3A_2484 = arith.constant -0.899999976 : f32
      %jit3A_2485 = arith.constant -1.000020e-06 : f32
      %broadcast_in_dim3A_2486 = vector.broadcast %jit3A_2484 : f32 to vector<8x2048xf32>
      %broadcast_in_dim3A_2487 = vector.broadcast %jit3A_2485 : f32 to vector<8x2048xf32>
      %select_n3A_2488 = arith.select %eq3A_2483, %broadcast_in_dim3A_2486, %broadcast_in_dim3A_2487 : vector<8x2048xi1>, vector<8x2048xf32>
      %get3A_2489 = arith.constant 0 : index
      %get3A_2490 = arith.constant 0 : index
      %get3A_2491 = vector.load %arg4[%get3A_2489, %get3A_2490] : memref<8x2048xf32, #tpu.memory_space<vmem>>, vector<8x2048xf32>
      %mul3A_2492 = arith.mulf %select_n3A_2488, %get3A_2476 : vector<8x2048xf32>
      %add3A_2493 = arith.addf %get3A_2491, %mul3A_2492 : vector<8x2048xf32>
      %swap3A_2494 = arith.constant 0 : index
      %swap3A_2495 = arith.constant 0 : index
      %swap3A_2496 = vector.load %arg4[%swap3A_2494, %swap3A_2495] : memref<8x2048xf32, #tpu.memory_space<vmem>>, vector<8x2048xf32>
      tpu.vector_store %arg4[%swap3A_2494, %swap3A_2495], %add3A_2493 {strides = array<i32>} : memref<8x2048xf32, #tpu.memory_space<vmem>>, vector<8x2048xf32>,
      %get3A_2497 = arith.constant 864 : index
      %get3A_2498 = arith.constant 0 : index
      %get3A_2499 = vector.load %arg1[%get3A_2497, %get3A_2498] : memref<1024x2048xf32, #tpu.memory_space<vmem>>, vector<8x2048xf32>
      %add3A_2500 = arith.constant 864 : i32
      %add3A_2501 = arith.addi %mul3A_18, %add3A_2500 : i32
      %iota3A_2502 = tpu.iota {dimensions = array<i32: 0>} : vector<8x2048xi32>
      %add3A_2503 = vector.broadcast %add3A_2501 : i32 to vector<8x2048xi32>
      %add3A_2504 = arith.addi %add3A_2503, %iota3A_2502 : vector<8x2048xi32>
      %eq3A_2505 = vector.broadcast %get3A_1 : vector<1x2048xi32> to vector<8x2048xi32>
      %eq3A_2506 = arith.cmpi eq, %add3A_2504, %eq3A_2505 : vector<8x2048xi32>
      %jit3A_2507 = arith.constant -0.899999976 : f32
      %jit3A_2508 = arith.constant -1.000020e-06 : f32
      %broadcast_in_dim3A_2509 = vector.broadcast %jit3A_2507 : f32 to vector<8x2048xf32>
      %broadcast_in_dim3A_2510 = vector.broadcast %jit3A_2508 : f32 to vector<8x2048xf32>
      %select_n3A_2511 = arith.select %eq3A_2506, %broadcast_in_dim3A_2509, %broadcast_in_dim3A_2510 : vector<8x2048xi1>, vector<8x2048xf32>
      %get3A_2512 = arith.constant 0 : index
      %get3A_2513 = arith.constant 0 : index
      %get3A_2514 = vector.load %arg4[%get3A_2512, %get3A_2513] : memref<8x2048xf32, #tpu.memory_space<vmem>>, vector<8x2048xf32>
      %mul3A_2515 = arith.mulf %select_n3A_2511, %get3A_2499 : vector<8x2048xf32>
      %add3A_2516 = arith.addf %get3A_2514, %mul3A_2515 : vector<8x2048xf32>
      %swap3A_2517 = arith.constant 0 : index
      %swap3A_2518 = arith.constant 0 : index
      %swap3A_2519 = vector.load %arg4[%swap3A_2517, %swap3A_2518] : memref<8x2048xf32, #tpu.memory_space<vmem>>, vector<8x2048xf32>
      tpu.vector_store %arg4[%swap3A_2517, %swap3A_2518], %add3A_2516 {strides = array<i32>} : memref<8x2048xf32, #tpu.memory_space<vmem>>, vector<8x2048xf32>,
      %get3A_2520 = arith.constant 872 : index
      %get3A_2521 = arith.constant 0 : index
      %get3A_2522 = vector.load %arg1[%get3A_2520, %get3A_2521] : memref<1024x2048xf32, #tpu.memory_space<vmem>>, vector<8x2048xf32>
      %add3A_2523 = arith.constant 872 : i32
      %add3A_2524 = arith.addi %mul3A_18, %add3A_2523 : i32
      %iota3A_2525 = tpu.iota {dimensions = array<i32: 0>} : vector<8x2048xi32>
      %add3A_2526 = vector.broadcast %add3A_2524 : i32 to vector<8x2048xi32>
      %add3A_2527 = arith.addi %add3A_2526, %iota3A_2525 : vector<8x2048xi32>
      %eq3A_2528 = vector.broadcast %get3A_1 : vector<1x2048xi32> to vector<8x2048xi32>
      %eq3A_2529 = arith.cmpi eq, %add3A_2527, %eq3A_2528 : vector<8x2048xi32>
      %jit3A_2530 = arith.constant -0.899999976 : f32
      %jit3A_2531 = arith.constant -1.000020e-06 : f32
      %broadcast_in_dim3A_2532 = vector.broadcast %jit3A_2530 : f32 to vector<8x2048xf32>
      %broadcast_in_dim3A_2533 = vector.broadcast %jit3A_2531 : f32 to vector<8x2048xf32>
      %select_n3A_2534 = arith.select %eq3A_2529, %broadcast_in_dim3A_2532, %broadcast_in_dim3A_2533 : vector<8x2048xi1>, vector<8x2048xf32>
      %get3A_2535 = arith.constant 0 : index
      %get3A_2536 = arith.constant 0 : index
      %get3A_2537 = vector.load %arg4[%get3A_2535, %get3A_2536] : memref<8x2048xf32, #tpu.memory_space<vmem>>, vector<8x2048xf32>
      %mul3A_2538 = arith.mulf %select_n3A_2534, %get3A_2522 : vector<8x2048xf32>
      %add3A_2539 = arith.addf %get3A_2537, %mul3A_2538 : vector<8x2048xf32>
      %swap3A_2540 = arith.constant 0 : index
      %swap3A_2541 = arith.constant 0 : index
      %swap3A_2542 = vector.load %arg4[%swap3A_2540, %swap3A_2541] : memref<8x2048xf32, #tpu.memory_space<vmem>>, vector<8x2048xf32>
      tpu.vector_store %arg4[%swap3A_2540, %swap3A_2541], %add3A_2539 {strides = array<i32>} : memref<8x2048xf32, #tpu.memory_space<vmem>>, vector<8x2048xf32>,
      %get3A_2543 = arith.constant 880 : index
      %get3A_2544 = arith.constant 0 : index
      %get3A_2545 = vector.load %arg1[%get3A_2543, %get3A_2544] : memref<1024x2048xf32, #tpu.memory_space<vmem>>, vector<8x2048xf32>
      %add3A_2546 = arith.constant 880 : i32
      %add3A_2547 = arith.addi %mul3A_18, %add3A_2546 : i32
      %iota3A_2548 = tpu.iota {dimensions = array<i32: 0>} : vector<8x2048xi32>
      %add3A_2549 = vector.broadcast %add3A_2547 : i32 to vector<8x2048xi32>
      %add3A_2550 = arith.addi %add3A_2549, %iota3A_2548 : vector<8x2048xi32>
      %eq3A_2551 = vector.broadcast %get3A_1 : vector<1x2048xi32> to vector<8x2048xi32>
      %eq3A_2552 = arith.cmpi eq, %add3A_2550, %eq3A_2551 : vector<8x2048xi32>
      %jit3A_2553 = arith.constant -0.899999976 : f32
      %jit3A_2554 = arith.constant -1.000020e-06 : f32
      %broadcast_in_dim3A_2555 = vector.broadcast %jit3A_2553 : f32 to vector<8x2048xf32>
      %broadcast_in_dim3A_2556 = vector.broadcast %jit3A_2554 : f32 to vector<8x2048xf32>
      %select_n3A_2557 = arith.select %eq3A_2552, %broadcast_in_dim3A_2555, %broadcast_in_dim3A_2556 : vector<8x2048xi1>, vector<8x2048xf32>
      %get3A_2558 = arith.constant 0 : index
      %get3A_2559 = arith.constant 0 : index
      %get3A_2560 = vector.load %arg4[%get3A_2558, %get3A_2559] : memref<8x2048xf32, #tpu.memory_space<vmem>>, vector<8x2048xf32>
      %mul3A_2561 = arith.mulf %select_n3A_2557, %get3A_2545 : vector<8x2048xf32>
      %add3A_2562 = arith.addf %get3A_2560, %mul3A_2561 : vector<8x2048xf32>
      %swap3A_2563 = arith.constant 0 : index
      %swap3A_2564 = arith.constant 0 : index
      %swap3A_2565 = vector.load %arg4[%swap3A_2563, %swap3A_2564] : memref<8x2048xf32, #tpu.memory_space<vmem>>, vector<8x2048xf32>
      tpu.vector_store %arg4[%swap3A_2563, %swap3A_2564], %add3A_2562 {strides = array<i32>} : memref<8x2048xf32, #tpu.memory_space<vmem>>, vector<8x2048xf32>,
      %get3A_2566 = arith.constant 888 : index
      %get3A_2567 = arith.constant 0 : index
      %get3A_2568 = vector.load %arg1[%get3A_2566, %get3A_2567] : memref<1024x2048xf32, #tpu.memory_space<vmem>>, vector<8x2048xf32>
      %add3A_2569 = arith.constant 888 : i32
      %add3A_2570 = arith.addi %mul3A_18, %add3A_2569 : i32
      %iota3A_2571 = tpu.iota {dimensions = array<i32: 0>} : vector<8x2048xi32>
      %add3A_2572 = vector.broadcast %add3A_2570 : i32 to vector<8x2048xi32>
      %add3A_2573 = arith.addi %add3A_2572, %iota3A_2571 : vector<8x2048xi32>
      %eq3A_2574 = vector.broadcast %get3A_1 : vector<1x2048xi32> to vector<8x2048xi32>
      %eq3A_2575 = arith.cmpi eq, %add3A_2573, %eq3A_2574 : vector<8x2048xi32>
      %jit3A_2576 = arith.constant -0.899999976 : f32
      %jit3A_2577 = arith.constant -1.000020e-06 : f32
      %broadcast_in_dim3A_2578 = vector.broadcast %jit3A_2576 : f32 to vector<8x2048xf32>
      %broadcast_in_dim3A_2579 = vector.broadcast %jit3A_2577 : f32 to vector<8x2048xf32>
      %select_n3A_2580 = arith.select %eq3A_2575, %broadcast_in_dim3A_2578, %broadcast_in_dim3A_2579 : vector<8x2048xi1>, vector<8x2048xf32>
      %get3A_2581 = arith.constant 0 : index
      %get3A_2582 = arith.constant 0 : index
      %get3A_2583 = vector.load %arg4[%get3A_2581, %get3A_2582] : memref<8x2048xf32, #tpu.memory_space<vmem>>, vector<8x2048xf32>
      %mul3A_2584 = arith.mulf %select_n3A_2580, %get3A_2568 : vector<8x2048xf32>
      %add3A_2585 = arith.addf %get3A_2583, %mul3A_2584 : vector<8x2048xf32>
      %swap3A_2586 = arith.constant 0 : index
      %swap3A_2587 = arith.constant 0 : index
      %swap3A_2588 = vector.load %arg4[%swap3A_2586, %swap3A_2587] : memref<8x2048xf32, #tpu.memory_space<vmem>>, vector<8x2048xf32>
      tpu.vector_store %arg4[%swap3A_2586, %swap3A_2587], %add3A_2585 {strides = array<i32>} : memref<8x2048xf32, #tpu.memory_space<vmem>>, vector<8x2048xf32>,
      %get3A_2589 = arith.constant 896 : index
      %get3A_2590 = arith.constant 0 : index
      %get3A_2591 = vector.load %arg1[%get3A_2589, %get3A_2590] : memref<1024x2048xf32, #tpu.memory_space<vmem>>, vector<8x2048xf32>
      %add3A_2592 = arith.constant 896 : i32
      %add3A_2593 = arith.addi %mul3A_18, %add3A_2592 : i32
      %iota3A_2594 = tpu.iota {dimensions = array<i32: 0>} : vector<8x2048xi32>
      %add3A_2595 = vector.broadcast %add3A_2593 : i32 to vector<8x2048xi32>
      %add3A_2596 = arith.addi %add3A_2595, %iota3A_2594 : vector<8x2048xi32>
      %eq3A_2597 = vector.broadcast %get3A_1 : vector<1x2048xi32> to vector<8x2048xi32>
      %eq3A_2598 = arith.cmpi eq, %add3A_2596, %eq3A_2597 : vector<8x2048xi32>
      %jit3A_2599 = arith.constant -0.899999976 : f32
      %jit3A_2600 = arith.constant -1.000020e-06 : f32
      %broadcast_in_dim3A_2601 = vector.broadcast %jit3A_2599 : f32 to vector<8x2048xf32>
      %broadcast_in_dim3A_2602 = vector.broadcast %jit3A_2600 : f32 to vector<8x2048xf32>
      %select_n3A_2603 = arith.select %eq3A_2598, %broadcast_in_dim3A_2601, %broadcast_in_dim3A_2602 : vector<8x2048xi1>, vector<8x2048xf32>
      %get3A_2604 = arith.constant 0 : index
      %get3A_2605 = arith.constant 0 : index
      %get3A_2606 = vector.load %arg4[%get3A_2604, %get3A_2605] : memref<8x2048xf32, #tpu.memory_space<vmem>>, vector<8x2048xf32>
      %mul3A_2607 = arith.mulf %select_n3A_2603, %get3A_2591 : vector<8x2048xf32>
      %add3A_2608 = arith.addf %get3A_2606, %mul3A_2607 : vector<8x2048xf32>
      %swap3A_2609 = arith.constant 0 : index
      %swap3A_2610 = arith.constant 0 : index
      %swap3A_2611 = vector.load %arg4[%swap3A_2609, %swap3A_2610] : memref<8x2048xf32, #tpu.memory_space<vmem>>, vector<8x2048xf32>
      tpu.vector_store %arg4[%swap3A_2609, %swap3A_2610], %add3A_2608 {strides = array<i32>} : memref<8x2048xf32, #tpu.memory_space<vmem>>, vector<8x2048xf32>,
      %get3A_2612 = arith.constant 904 : index
      %get3A_2613 = arith.constant 0 : index
      %get3A_2614 = vector.load %arg1[%get3A_2612, %get3A_2613] : memref<1024x2048xf32, #tpu.memory_space<vmem>>, vector<8x2048xf32>
      %add3A_2615 = arith.constant 904 : i32
      %add3A_2616 = arith.addi %mul3A_18, %add3A_2615 : i32
      %iota3A_2617 = tpu.iota {dimensions = array<i32: 0>} : vector<8x2048xi32>
      %add3A_2618 = vector.broadcast %add3A_2616 : i32 to vector<8x2048xi32>
      %add3A_2619 = arith.addi %add3A_2618, %iota3A_2617 : vector<8x2048xi32>
      %eq3A_2620 = vector.broadcast %get3A_1 : vector<1x2048xi32> to vector<8x2048xi32>
      %eq3A_2621 = arith.cmpi eq, %add3A_2619, %eq3A_2620 : vector<8x2048xi32>
      %jit3A_2622 = arith.constant -0.899999976 : f32
      %jit3A_2623 = arith.constant -1.000020e-06 : f32
      %broadcast_in_dim3A_2624 = vector.broadcast %jit3A_2622 : f32 to vector<8x2048xf32>
      %broadcast_in_dim3A_2625 = vector.broadcast %jit3A_2623 : f32 to vector<8x2048xf32>
      %select_n3A_2626 = arith.select %eq3A_2621, %broadcast_in_dim3A_2624, %broadcast_in_dim3A_2625 : vector<8x2048xi1>, vector<8x2048xf32>
      %get3A_2627 = arith.constant 0 : index
      %get3A_2628 = arith.constant 0 : index
      %get3A_2629 = vector.load %arg4[%get3A_2627, %get3A_2628] : memref<8x2048xf32, #tpu.memory_space<vmem>>, vector<8x2048xf32>
      %mul3A_2630 = arith.mulf %select_n3A_2626, %get3A_2614 : vector<8x2048xf32>
      %add3A_2631 = arith.addf %get3A_2629, %mul3A_2630 : vector<8x2048xf32>
      %swap3A_2632 = arith.constant 0 : index
      %swap3A_2633 = arith.constant 0 : index
      %swap3A_2634 = vector.load %arg4[%swap3A_2632, %swap3A_2633] : memref<8x2048xf32, #tpu.memory_space<vmem>>, vector<8x2048xf32>
      tpu.vector_store %arg4[%swap3A_2632, %swap3A_2633], %add3A_2631 {strides = array<i32>} : memref<8x2048xf32, #tpu.memory_space<vmem>>, vector<8x2048xf32>,
      %get3A_2635 = arith.constant 912 : index
      %get3A_2636 = arith.constant 0 : index
      %get3A_2637 = vector.load %arg1[%get3A_2635, %get3A_2636] : memref<1024x2048xf32, #tpu.memory_space<vmem>>, vector<8x2048xf32>
      %add3A_2638 = arith.constant 912 : i32
      %add3A_2639 = arith.addi %mul3A_18, %add3A_2638 : i32
      %iota3A_2640 = tpu.iota {dimensions = array<i32: 0>} : vector<8x2048xi32>
      %add3A_2641 = vector.broadcast %add3A_2639 : i32 to vector<8x2048xi32>
      %add3A_2642 = arith.addi %add3A_2641, %iota3A_2640 : vector<8x2048xi32>
      %eq3A_2643 = vector.broadcast %get3A_1 : vector<1x2048xi32> to vector<8x2048xi32>
      %eq3A_2644 = arith.cmpi eq, %add3A_2642, %eq3A_2643 : vector<8x2048xi32>
      %jit3A_2645 = arith.constant -0.899999976 : f32
      %jit3A_2646 = arith.constant -1.000020e-06 : f32
      %broadcast_in_dim3A_2647 = vector.broadcast %jit3A_2645 : f32 to vector<8x2048xf32>
      %broadcast_in_dim3A_2648 = vector.broadcast %jit3A_2646 : f32 to vector<8x2048xf32>
      %select_n3A_2649 = arith.select %eq3A_2644, %broadcast_in_dim3A_2647, %broadcast_in_dim3A_2648 : vector<8x2048xi1>, vector<8x2048xf32>
      %get3A_2650 = arith.constant 0 : index
      %get3A_2651 = arith.constant 0 : index
      %get3A_2652 = vector.load %arg4[%get3A_2650, %get3A_2651] : memref<8x2048xf32, #tpu.memory_space<vmem>>, vector<8x2048xf32>
      %mul3A_2653 = arith.mulf %select_n3A_2649, %get3A_2637 : vector<8x2048xf32>
      %add3A_2654 = arith.addf %get3A_2652, %mul3A_2653 : vector<8x2048xf32>
      %swap3A_2655 = arith.constant 0 : index
      %swap3A_2656 = arith.constant 0 : index
      %swap3A_2657 = vector.load %arg4[%swap3A_2655, %swap3A_2656] : memref<8x2048xf32, #tpu.memory_space<vmem>>, vector<8x2048xf32>
      tpu.vector_store %arg4[%swap3A_2655, %swap3A_2656], %add3A_2654 {strides = array<i32>} : memref<8x2048xf32, #tpu.memory_space<vmem>>, vector<8x2048xf32>,
      %get3A_2658 = arith.constant 920 : index
      %get3A_2659 = arith.constant 0 : index
      %get3A_2660 = vector.load %arg1[%get3A_2658, %get3A_2659] : memref<1024x2048xf32, #tpu.memory_space<vmem>>, vector<8x2048xf32>
      %add3A_2661 = arith.constant 920 : i32
      %add3A_2662 = arith.addi %mul3A_18, %add3A_2661 : i32
      %iota3A_2663 = tpu.iota {dimensions = array<i32: 0>} : vector<8x2048xi32>
      %add3A_2664 = vector.broadcast %add3A_2662 : i32 to vector<8x2048xi32>
      %add3A_2665 = arith.addi %add3A_2664, %iota3A_2663 : vector<8x2048xi32>
      %eq3A_2666 = vector.broadcast %get3A_1 : vector<1x2048xi32> to vector<8x2048xi32>
      %eq3A_2667 = arith.cmpi eq, %add3A_2665, %eq3A_2666 : vector<8x2048xi32>
      %jit3A_2668 = arith.constant -0.899999976 : f32
      %jit3A_2669 = arith.constant -1.000020e-06 : f32
      %broadcast_in_dim3A_2670 = vector.broadcast %jit3A_2668 : f32 to vector<8x2048xf32>
      %broadcast_in_dim3A_2671 = vector.broadcast %jit3A_2669 : f32 to vector<8x2048xf32>
      %select_n3A_2672 = arith.select %eq3A_2667, %broadcast_in_dim3A_2670, %broadcast_in_dim3A_2671 : vector<8x2048xi1>, vector<8x2048xf32>
      %get3A_2673 = arith.constant 0 : index
      %get3A_2674 = arith.constant 0 : index
      %get3A_2675 = vector.load %arg4[%get3A_2673, %get3A_2674] : memref<8x2048xf32, #tpu.memory_space<vmem>>, vector<8x2048xf32>
      %mul3A_2676 = arith.mulf %select_n3A_2672, %get3A_2660 : vector<8x2048xf32>
      %add3A_2677 = arith.addf %get3A_2675, %mul3A_2676 : vector<8x2048xf32>
      %swap3A_2678 = arith.constant 0 : index
      %swap3A_2679 = arith.constant 0 : index
      %swap3A_2680 = vector.load %arg4[%swap3A_2678, %swap3A_2679] : memref<8x2048xf32, #tpu.memory_space<vmem>>, vector<8x2048xf32>
      tpu.vector_store %arg4[%swap3A_2678, %swap3A_2679], %add3A_2677 {strides = array<i32>} : memref<8x2048xf32, #tpu.memory_space<vmem>>, vector<8x2048xf32>,
      %get3A_2681 = arith.constant 928 : index
      %get3A_2682 = arith.constant 0 : index
      %get3A_2683 = vector.load %arg1[%get3A_2681, %get3A_2682] : memref<1024x2048xf32, #tpu.memory_space<vmem>>, vector<8x2048xf32>
      %add3A_2684 = arith.constant 928 : i32
      %add3A_2685 = arith.addi %mul3A_18, %add3A_2684 : i32
      %iota3A_2686 = tpu.iota {dimensions = array<i32: 0>} : vector<8x2048xi32>
      %add3A_2687 = vector.broadcast %add3A_2685 : i32 to vector<8x2048xi32>
      %add3A_2688 = arith.addi %add3A_2687, %iota3A_2686 : vector<8x2048xi32>
      %eq3A_2689 = vector.broadcast %get3A_1 : vector<1x2048xi32> to vector<8x2048xi32>
      %eq3A_2690 = arith.cmpi eq, %add3A_2688, %eq3A_2689 : vector<8x2048xi32>
      %jit3A_2691 = arith.constant -0.899999976 : f32
      %jit3A_2692 = arith.constant -1.000020e-06 : f32
      %broadcast_in_dim3A_2693 = vector.broadcast %jit3A_2691 : f32 to vector<8x2048xf32>
      %broadcast_in_dim3A_2694 = vector.broadcast %jit3A_2692 : f32 to vector<8x2048xf32>
      %select_n3A_2695 = arith.select %eq3A_2690, %broadcast_in_dim3A_2693, %broadcast_in_dim3A_2694 : vector<8x2048xi1>, vector<8x2048xf32>
      %get3A_2696 = arith.constant 0 : index
      %get3A_2697 = arith.constant 0 : index
      %get3A_2698 = vector.load %arg4[%get3A_2696, %get3A_2697] : memref<8x2048xf32, #tpu.memory_space<vmem>>, vector<8x2048xf32>
      %mul3A_2699 = arith.mulf %select_n3A_2695, %get3A_2683 : vector<8x2048xf32>
      %add3A_2700 = arith.addf %get3A_2698, %mul3A_2699 : vector<8x2048xf32>
      %swap3A_2701 = arith.constant 0 : index
      %swap3A_2702 = arith.constant 0 : index
      %swap3A_2703 = vector.load %arg4[%swap3A_2701, %swap3A_2702] : memref<8x2048xf32, #tpu.memory_space<vmem>>, vector<8x2048xf32>
      tpu.vector_store %arg4[%swap3A_2701, %swap3A_2702], %add3A_2700 {strides = array<i32>} : memref<8x2048xf32, #tpu.memory_space<vmem>>, vector<8x2048xf32>,
      %get3A_2704 = arith.constant 936 : index
      %get3A_2705 = arith.constant 0 : index
      %get3A_2706 = vector.load %arg1[%get3A_2704, %get3A_2705] : memref<1024x2048xf32, #tpu.memory_space<vmem>>, vector<8x2048xf32>
      %add3A_2707 = arith.constant 936 : i32
      %add3A_2708 = arith.addi %mul3A_18, %add3A_2707 : i32
      %iota3A_2709 = tpu.iota {dimensions = array<i32: 0>} : vector<8x2048xi32>
      %add3A_2710 = vector.broadcast %add3A_2708 : i32 to vector<8x2048xi32>
      %add3A_2711 = arith.addi %add3A_2710, %iota3A_2709 : vector<8x2048xi32>
      %eq3A_2712 = vector.broadcast %get3A_1 : vector<1x2048xi32> to vector<8x2048xi32>
      %eq3A_2713 = arith.cmpi eq, %add3A_2711, %eq3A_2712 : vector<8x2048xi32>
      %jit3A_2714 = arith.constant -0.899999976 : f32
      %jit3A_2715 = arith.constant -1.000020e-06 : f32
      %broadcast_in_dim3A_2716 = vector.broadcast %jit3A_2714 : f32 to vector<8x2048xf32>
      %broadcast_in_dim3A_2717 = vector.broadcast %jit3A_2715 : f32 to vector<8x2048xf32>
      %select_n3A_2718 = arith.select %eq3A_2713, %broadcast_in_dim3A_2716, %broadcast_in_dim3A_2717 : vector<8x2048xi1>, vector<8x2048xf32>
      %get3A_2719 = arith.constant 0 : index
      %get3A_2720 = arith.constant 0 : index
      %get3A_2721 = vector.load %arg4[%get3A_2719, %get3A_2720] : memref<8x2048xf32, #tpu.memory_space<vmem>>, vector<8x2048xf32>
      %mul3A_2722 = arith.mulf %select_n3A_2718, %get3A_2706 : vector<8x2048xf32>
      %add3A_2723 = arith.addf %get3A_2721, %mul3A_2722 : vector<8x2048xf32>
      %swap3A_2724 = arith.constant 0 : index
      %swap3A_2725 = arith.constant 0 : index
      %swap3A_2726 = vector.load %arg4[%swap3A_2724, %swap3A_2725] : memref<8x2048xf32, #tpu.memory_space<vmem>>, vector<8x2048xf32>
      tpu.vector_store %arg4[%swap3A_2724, %swap3A_2725], %add3A_2723 {strides = array<i32>} : memref<8x2048xf32, #tpu.memory_space<vmem>>, vector<8x2048xf32>,
      %get3A_2727 = arith.constant 944 : index
      %get3A_2728 = arith.constant 0 : index
      %get3A_2729 = vector.load %arg1[%get3A_2727, %get3A_2728] : memref<1024x2048xf32, #tpu.memory_space<vmem>>, vector<8x2048xf32>
      %add3A_2730 = arith.constant 944 : i32
      %add3A_2731 = arith.addi %mul3A_18, %add3A_2730 : i32
      %iota3A_2732 = tpu.iota {dimensions = array<i32: 0>} : vector<8x2048xi32>
      %add3A_2733 = vector.broadcast %add3A_2731 : i32 to vector<8x2048xi32>
      %add3A_2734 = arith.addi %add3A_2733, %iota3A_2732 : vector<8x2048xi32>
      %eq3A_2735 = vector.broadcast %get3A_1 : vector<1x2048xi32> to vector<8x2048xi32>
      %eq3A_2736 = arith.cmpi eq, %add3A_2734, %eq3A_2735 : vector<8x2048xi32>
      %jit3A_2737 = arith.constant -0.899999976 : f32
      %jit3A_2738 = arith.constant -1.000020e-06 : f32
      %broadcast_in_dim3A_2739 = vector.broadcast %jit3A_2737 : f32 to vector<8x2048xf32>
      %broadcast_in_dim3A_2740 = vector.broadcast %jit3A_2738 : f32 to vector<8x2048xf32>
      %select_n3A_2741 = arith.select %eq3A_2736, %broadcast_in_dim3A_2739, %broadcast_in_dim3A_2740 : vector<8x2048xi1>, vector<8x2048xf32>
      %get3A_2742 = arith.constant 0 : index
      %get3A_2743 = arith.constant 0 : index
      %get3A_2744 = vector.load %arg4[%get3A_2742, %get3A_2743] : memref<8x2048xf32, #tpu.memory_space<vmem>>, vector<8x2048xf32>
      %mul3A_2745 = arith.mulf %select_n3A_2741, %get3A_2729 : vector<8x2048xf32>
      %add3A_2746 = arith.addf %get3A_2744, %mul3A_2745 : vector<8x2048xf32>
      %swap3A_2747 = arith.constant 0 : index
      %swap3A_2748 = arith.constant 0 : index
      %swap3A_2749 = vector.load %arg4[%swap3A_2747, %swap3A_2748] : memref<8x2048xf32, #tpu.memory_space<vmem>>, vector<8x2048xf32>
      tpu.vector_store %arg4[%swap3A_2747, %swap3A_2748], %add3A_2746 {strides = array<i32>} : memref<8x2048xf32, #tpu.memory_space<vmem>>, vector<8x2048xf32>,
      %get3A_2750 = arith.constant 952 : index
      %get3A_2751 = arith.constant 0 : index
      %get3A_2752 = vector.load %arg1[%get3A_2750, %get3A_2751] : memref<1024x2048xf32, #tpu.memory_space<vmem>>, vector<8x2048xf32>
      %add3A_2753 = arith.constant 952 : i32
      %add3A_2754 = arith.addi %mul3A_18, %add3A_2753 : i32
      %iota3A_2755 = tpu.iota {dimensions = array<i32: 0>} : vector<8x2048xi32>
      %add3A_2756 = vector.broadcast %add3A_2754 : i32 to vector<8x2048xi32>
      %add3A_2757 = arith.addi %add3A_2756, %iota3A_2755 : vector<8x2048xi32>
      %eq3A_2758 = vector.broadcast %get3A_1 : vector<1x2048xi32> to vector<8x2048xi32>
      %eq3A_2759 = arith.cmpi eq, %add3A_2757, %eq3A_2758 : vector<8x2048xi32>
      %jit3A_2760 = arith.constant -0.899999976 : f32
      %jit3A_2761 = arith.constant -1.000020e-06 : f32
      %broadcast_in_dim3A_2762 = vector.broadcast %jit3A_2760 : f32 to vector<8x2048xf32>
      %broadcast_in_dim3A_2763 = vector.broadcast %jit3A_2761 : f32 to vector<8x2048xf32>
      %select_n3A_2764 = arith.select %eq3A_2759, %broadcast_in_dim3A_2762, %broadcast_in_dim3A_2763 : vector<8x2048xi1>, vector<8x2048xf32>
      %get3A_2765 = arith.constant 0 : index
      %get3A_2766 = arith.constant 0 : index
      %get3A_2767 = vector.load %arg4[%get3A_2765, %get3A_2766] : memref<8x2048xf32, #tpu.memory_space<vmem>>, vector<8x2048xf32>
      %mul3A_2768 = arith.mulf %select_n3A_2764, %get3A_2752 : vector<8x2048xf32>
      %add3A_2769 = arith.addf %get3A_2767, %mul3A_2768 : vector<8x2048xf32>
      %swap3A_2770 = arith.constant 0 : index
      %swap3A_2771 = arith.constant 0 : index
      %swap3A_2772 = vector.load %arg4[%swap3A_2770, %swap3A_2771] : memref<8x2048xf32, #tpu.memory_space<vmem>>, vector<8x2048xf32>
      tpu.vector_store %arg4[%swap3A_2770, %swap3A_2771], %add3A_2769 {strides = array<i32>} : memref<8x2048xf32, #tpu.memory_space<vmem>>, vector<8x2048xf32>,
      %get3A_2773 = arith.constant 960 : index
      %get3A_2774 = arith.constant 0 : index
      %get3A_2775 = vector.load %arg1[%get3A_2773, %get3A_2774] : memref<1024x2048xf32, #tpu.memory_space<vmem>>, vector<8x2048xf32>
      %add3A_2776 = arith.constant 960 : i32
      %add3A_2777 = arith.addi %mul3A_18, %add3A_2776 : i32
      %iota3A_2778 = tpu.iota {dimensions = array<i32: 0>} : vector<8x2048xi32>
      %add3A_2779 = vector.broadcast %add3A_2777 : i32 to vector<8x2048xi32>
      %add3A_2780 = arith.addi %add3A_2779, %iota3A_2778 : vector<8x2048xi32>
      %eq3A_2781 = vector.broadcast %get3A_1 : vector<1x2048xi32> to vector<8x2048xi32>
      %eq3A_2782 = arith.cmpi eq, %add3A_2780, %eq3A_2781 : vector<8x2048xi32>
      %jit3A_2783 = arith.constant -0.899999976 : f32
      %jit3A_2784 = arith.constant -1.000020e-06 : f32
      %broadcast_in_dim3A_2785 = vector.broadcast %jit3A_2783 : f32 to vector<8x2048xf32>
      %broadcast_in_dim3A_2786 = vector.broadcast %jit3A_2784 : f32 to vector<8x2048xf32>
      %select_n3A_2787 = arith.select %eq3A_2782, %broadcast_in_dim3A_2785, %broadcast_in_dim3A_2786 : vector<8x2048xi1>, vector<8x2048xf32>
      %get3A_2788 = arith.constant 0 : index
      %get3A_2789 = arith.constant 0 : index
      %get3A_2790 = vector.load %arg4[%get3A_2788, %get3A_2789] : memref<8x2048xf32, #tpu.memory_space<vmem>>, vector<8x2048xf32>
      %mul3A_2791 = arith.mulf %select_n3A_2787, %get3A_2775 : vector<8x2048xf32>
      %add3A_2792 = arith.addf %get3A_2790, %mul3A_2791 : vector<8x2048xf32>
      %swap3A_2793 = arith.constant 0 : index
      %swap3A_2794 = arith.constant 0 : index
      %swap3A_2795 = vector.load %arg4[%swap3A_2793, %swap3A_2794] : memref<8x2048xf32, #tpu.memory_space<vmem>>, vector<8x2048xf32>
      tpu.vector_store %arg4[%swap3A_2793, %swap3A_2794], %add3A_2792 {strides = array<i32>} : memref<8x2048xf32, #tpu.memory_space<vmem>>, vector<8x2048xf32>,
      %get3A_2796 = arith.constant 968 : index
      %get3A_2797 = arith.constant 0 : index
      %get3A_2798 = vector.load %arg1[%get3A_2796, %get3A_2797] : memref<1024x2048xf32, #tpu.memory_space<vmem>>, vector<8x2048xf32>
      %add3A_2799 = arith.constant 968 : i32
      %add3A_2800 = arith.addi %mul3A_18, %add3A_2799 : i32
      %iota3A_2801 = tpu.iota {dimensions = array<i32: 0>} : vector<8x2048xi32>
      %add3A_2802 = vector.broadcast %add3A_2800 : i32 to vector<8x2048xi32>
      %add3A_2803 = arith.addi %add3A_2802, %iota3A_2801 : vector<8x2048xi32>
      %eq3A_2804 = vector.broadcast %get3A_1 : vector<1x2048xi32> to vector<8x2048xi32>
      %eq3A_2805 = arith.cmpi eq, %add3A_2803, %eq3A_2804 : vector<8x2048xi32>
      %jit3A_2806 = arith.constant -0.899999976 : f32
      %jit3A_2807 = arith.constant -1.000020e-06 : f32
      %broadcast_in_dim3A_2808 = vector.broadcast %jit3A_2806 : f32 to vector<8x2048xf32>
      %broadcast_in_dim3A_2809 = vector.broadcast %jit3A_2807 : f32 to vector<8x2048xf32>
      %select_n3A_2810 = arith.select %eq3A_2805, %broadcast_in_dim3A_2808, %broadcast_in_dim3A_2809 : vector<8x2048xi1>, vector<8x2048xf32>
      %get3A_2811 = arith.constant 0 : index
      %get3A_2812 = arith.constant 0 : index
      %get3A_2813 = vector.load %arg4[%get3A_2811, %get3A_2812] : memref<8x2048xf32, #tpu.memory_space<vmem>>, vector<8x2048xf32>
      %mul3A_2814 = arith.mulf %select_n3A_2810, %get3A_2798 : vector<8x2048xf32>
      %add3A_2815 = arith.addf %get3A_2813, %mul3A_2814 : vector<8x2048xf32>
      %swap3A_2816 = arith.constant 0 : index
      %swap3A_2817 = arith.constant 0 : index
      %swap3A_2818 = vector.load %arg4[%swap3A_2816, %swap3A_2817] : memref<8x2048xf32, #tpu.memory_space<vmem>>, vector<8x2048xf32>
      tpu.vector_store %arg4[%swap3A_2816, %swap3A_2817], %add3A_2815 {strides = array<i32>} : memref<8x2048xf32, #tpu.memory_space<vmem>>, vector<8x2048xf32>,
      %get3A_2819 = arith.constant 976 : index
      %get3A_2820 = arith.constant 0 : index
      %get3A_2821 = vector.load %arg1[%get3A_2819, %get3A_2820] : memref<1024x2048xf32, #tpu.memory_space<vmem>>, vector<8x2048xf32>
      %add3A_2822 = arith.constant 976 : i32
      %add3A_2823 = arith.addi %mul3A_18, %add3A_2822 : i32
      %iota3A_2824 = tpu.iota {dimensions = array<i32: 0>} : vector<8x2048xi32>
      %add3A_2825 = vector.broadcast %add3A_2823 : i32 to vector<8x2048xi32>
      %add3A_2826 = arith.addi %add3A_2825, %iota3A_2824 : vector<8x2048xi32>
      %eq3A_2827 = vector.broadcast %get3A_1 : vector<1x2048xi32> to vector<8x2048xi32>
      %eq3A_2828 = arith.cmpi eq, %add3A_2826, %eq3A_2827 : vector<8x2048xi32>
      %jit3A_2829 = arith.constant -0.899999976 : f32
      %jit3A_2830 = arith.constant -1.000020e-06 : f32
      %broadcast_in_dim3A_2831 = vector.broadcast %jit3A_2829 : f32 to vector<8x2048xf32>
      %broadcast_in_dim3A_2832 = vector.broadcast %jit3A_2830 : f32 to vector<8x2048xf32>
      %select_n3A_2833 = arith.select %eq3A_2828, %broadcast_in_dim3A_2831, %broadcast_in_dim3A_2832 : vector<8x2048xi1>, vector<8x2048xf32>
      %get3A_2834 = arith.constant 0 : index
      %get3A_2835 = arith.constant 0 : index
      %get3A_2836 = vector.load %arg4[%get3A_2834, %get3A_2835] : memref<8x2048xf32, #tpu.memory_space<vmem>>, vector<8x2048xf32>
      %mul3A_2837 = arith.mulf %select_n3A_2833, %get3A_2821 : vector<8x2048xf32>
      %add3A_2838 = arith.addf %get3A_2836, %mul3A_2837 : vector<8x2048xf32>
      %swap3A_2839 = arith.constant 0 : index
      %swap3A_2840 = arith.constant 0 : index
      %swap3A_2841 = vector.load %arg4[%swap3A_2839, %swap3A_2840] : memref<8x2048xf32, #tpu.memory_space<vmem>>, vector<8x2048xf32>
      tpu.vector_store %arg4[%swap3A_2839, %swap3A_2840], %add3A_2838 {strides = array<i32>} : memref<8x2048xf32, #tpu.memory_space<vmem>>, vector<8x2048xf32>,
      %get3A_2842 = arith.constant 984 : index
      %get3A_2843 = arith.constant 0 : index
      %get3A_2844 = vector.load %arg1[%get3A_2842, %get3A_2843] : memref<1024x2048xf32, #tpu.memory_space<vmem>>, vector<8x2048xf32>
      %add3A_2845 = arith.constant 984 : i32
      %add3A_2846 = arith.addi %mul3A_18, %add3A_2845 : i32
      %iota3A_2847 = tpu.iota {dimensions = array<i32: 0>} : vector<8x2048xi32>
      %add3A_2848 = vector.broadcast %add3A_2846 : i32 to vector<8x2048xi32>
      %add3A_2849 = arith.addi %add3A_2848, %iota3A_2847 : vector<8x2048xi32>
      %eq3A_2850 = vector.broadcast %get3A_1 : vector<1x2048xi32> to vector<8x2048xi32>
      %eq3A_2851 = arith.cmpi eq, %add3A_2849, %eq3A_2850 : vector<8x2048xi32>
      %jit3A_2852 = arith.constant -0.899999976 : f32
      %jit3A_2853 = arith.constant -1.000020e-06 : f32
      %broadcast_in_dim3A_2854 = vector.broadcast %jit3A_2852 : f32 to vector<8x2048xf32>
      %broadcast_in_dim3A_2855 = vector.broadcast %jit3A_2853 : f32 to vector<8x2048xf32>
      %select_n3A_2856 = arith.select %eq3A_2851, %broadcast_in_dim3A_2854, %broadcast_in_dim3A_2855 : vector<8x2048xi1>, vector<8x2048xf32>
      %get3A_2857 = arith.constant 0 : index
      %get3A_2858 = arith.constant 0 : index
      %get3A_2859 = vector.load %arg4[%get3A_2857, %get3A_2858] : memref<8x2048xf32, #tpu.memory_space<vmem>>, vector<8x2048xf32>
      %mul3A_2860 = arith.mulf %select_n3A_2856, %get3A_2844 : vector<8x2048xf32>
      %add3A_2861 = arith.addf %get3A_2859, %mul3A_2860 : vector<8x2048xf32>
      %swap3A_2862 = arith.constant 0 : index
      %swap3A_2863 = arith.constant 0 : index
      %swap3A_2864 = vector.load %arg4[%swap3A_2862, %swap3A_2863] : memref<8x2048xf32, #tpu.memory_space<vmem>>, vector<8x2048xf32>
      tpu.vector_store %arg4[%swap3A_2862, %swap3A_2863], %add3A_2861 {strides = array<i32>} : memref<8x2048xf32, #tpu.memory_space<vmem>>, vector<8x2048xf32>,
      %get3A_2865 = arith.constant 992 : index
      %get3A_2866 = arith.constant 0 : index
      %get3A_2867 = vector.load %arg1[%get3A_2865, %get3A_2866] : memref<1024x2048xf32, #tpu.memory_space<vmem>>, vector<8x2048xf32>
      %add3A_2868 = arith.constant 992 : i32
      %add3A_2869 = arith.addi %mul3A_18, %add3A_2868 : i32
      %iota3A_2870 = tpu.iota {dimensions = array<i32: 0>} : vector<8x2048xi32>
      %add3A_2871 = vector.broadcast %add3A_2869 : i32 to vector<8x2048xi32>
      %add3A_2872 = arith.addi %add3A_2871, %iota3A_2870 : vector<8x2048xi32>
      %eq3A_2873 = vector.broadcast %get3A_1 : vector<1x2048xi32> to vector<8x2048xi32>
      %eq3A_2874 = arith.cmpi eq, %add3A_2872, %eq3A_2873 : vector<8x2048xi32>
      %jit3A_2875 = arith.constant -0.899999976 : f32
      %jit3A_2876 = arith.constant -1.000020e-06 : f32
      %broadcast_in_dim3A_2877 = vector.broadcast %jit3A_2875 : f32 to vector<8x2048xf32>
      %broadcast_in_dim3A_2878 = vector.broadcast %jit3A_2876 : f32 to vector<8x2048xf32>
      %select_n3A_2879 = arith.select %eq3A_2874, %broadcast_in_dim3A_2877, %broadcast_in_dim3A_2878 : vector<8x2048xi1>, vector<8x2048xf32>
      %get3A_2880 = arith.constant 0 : index
      %get3A_2881 = arith.constant 0 : index
      %get3A_2882 = vector.load %arg4[%get3A_2880, %get3A_2881] : memref<8x2048xf32, #tpu.memory_space<vmem>>, vector<8x2048xf32>
      %mul3A_2883 = arith.mulf %select_n3A_2879, %get3A_2867 : vector<8x2048xf32>
      %add3A_2884 = arith.addf %get3A_2882, %mul3A_2883 : vector<8x2048xf32>
      %swap3A_2885 = arith.constant 0 : index
      %swap3A_2886 = arith.constant 0 : index
      %swap3A_2887 = vector.load %arg4[%swap3A_2885, %swap3A_2886] : memref<8x2048xf32, #tpu.memory_space<vmem>>, vector<8x2048xf32>
      tpu.vector_store %arg4[%swap3A_2885, %swap3A_2886], %add3A_2884 {strides = array<i32>} : memref<8x2048xf32, #tpu.memory_space<vmem>>, vector<8x2048xf32>,
      %get3A_2888 = arith.constant 1000 : index
      %get3A_2889 = arith.constant 0 : index
      %get3A_2890 = vector.load %arg1[%get3A_2888, %get3A_2889] : memref<1024x2048xf32, #tpu.memory_space<vmem>>, vector<8x2048xf32>
      %add3A_2891 = arith.constant 1000 : i32
      %add3A_2892 = arith.addi %mul3A_18, %add3A_2891 : i32
      %iota3A_2893 = tpu.iota {dimensions = array<i32: 0>} : vector<8x2048xi32>
      %add3A_2894 = vector.broadcast %add3A_2892 : i32 to vector<8x2048xi32>
      %add3A_2895 = arith.addi %add3A_2894, %iota3A_2893 : vector<8x2048xi32>
      %eq3A_2896 = vector.broadcast %get3A_1 : vector<1x2048xi32> to vector<8x2048xi32>
      %eq3A_2897 = arith.cmpi eq, %add3A_2895, %eq3A_2896 : vector<8x2048xi32>
      %jit3A_2898 = arith.constant -0.899999976 : f32
      %jit3A_2899 = arith.constant -1.000020e-06 : f32
      %broadcast_in_dim3A_2900 = vector.broadcast %jit3A_2898 : f32 to vector<8x2048xf32>
      %broadcast_in_dim3A_2901 = vector.broadcast %jit3A_2899 : f32 to vector<8x2048xf32>
      %select_n3A_2902 = arith.select %eq3A_2897, %broadcast_in_dim3A_2900, %broadcast_in_dim3A_2901 : vector<8x2048xi1>, vector<8x2048xf32>
      %get3A_2903 = arith.constant 0 : index
      %get3A_2904 = arith.constant 0 : index
      %get3A_2905 = vector.load %arg4[%get3A_2903, %get3A_2904] : memref<8x2048xf32, #tpu.memory_space<vmem>>, vector<8x2048xf32>
      %mul3A_2906 = arith.mulf %select_n3A_2902, %get3A_2890 : vector<8x2048xf32>
      %add3A_2907 = arith.addf %get3A_2905, %mul3A_2906 : vector<8x2048xf32>
      %swap3A_2908 = arith.constant 0 : index
      %swap3A_2909 = arith.constant 0 : index
      %swap3A_2910 = vector.load %arg4[%swap3A_2908, %swap3A_2909] : memref<8x2048xf32, #tpu.memory_space<vmem>>, vector<8x2048xf32>
      tpu.vector_store %arg4[%swap3A_2908, %swap3A_2909], %add3A_2907 {strides = array<i32>} : memref<8x2048xf32, #tpu.memory_space<vmem>>, vector<8x2048xf32>,
      %get3A_2911 = arith.constant 1008 : index
      %get3A_2912 = arith.constant 0 : index
      %get3A_2913 = vector.load %arg1[%get3A_2911, %get3A_2912] : memref<1024x2048xf32, #tpu.memory_space<vmem>>, vector<8x2048xf32>
      %add3A_2914 = arith.constant 1008 : i32
      %add3A_2915 = arith.addi %mul3A_18, %add3A_2914 : i32
      %iota3A_2916 = tpu.iota {dimensions = array<i32: 0>} : vector<8x2048xi32>
      %add3A_2917 = vector.broadcast %add3A_2915 : i32 to vector<8x2048xi32>
      %add3A_2918 = arith.addi %add3A_2917, %iota3A_2916 : vector<8x2048xi32>
      %eq3A_2919 = vector.broadcast %get3A_1 : vector<1x2048xi32> to vector<8x2048xi32>
      %eq3A_2920 = arith.cmpi eq, %add3A_2918, %eq3A_2919 : vector<8x2048xi32>
      %jit3A_2921 = arith.constant -0.899999976 : f32
      %jit3A_2922 = arith.constant -1.000020e-06 : f32
      %broadcast_in_dim3A_2923 = vector.broadcast %jit3A_2921 : f32 to vector<8x2048xf32>
      %broadcast_in_dim3A_2924 = vector.broadcast %jit3A_2922 : f32 to vector<8x2048xf32>
      %select_n3A_2925 = arith.select %eq3A_2920, %broadcast_in_dim3A_2923, %broadcast_in_dim3A_2924 : vector<8x2048xi1>, vector<8x2048xf32>
      %get3A_2926 = arith.constant 0 : index
      %get3A_2927 = arith.constant 0 : index
      %get3A_2928 = vector.load %arg4[%get3A_2926, %get3A_2927] : memref<8x2048xf32, #tpu.memory_space<vmem>>, vector<8x2048xf32>
      %mul3A_2929 = arith.mulf %select_n3A_2925, %get3A_2913 : vector<8x2048xf32>
      %add3A_2930 = arith.addf %get3A_2928, %mul3A_2929 : vector<8x2048xf32>
      %swap3A_2931 = arith.constant 0 : index
      %swap3A_2932 = arith.constant 0 : index
      %swap3A_2933 = vector.load %arg4[%swap3A_2931, %swap3A_2932] : memref<8x2048xf32, #tpu.memory_space<vmem>>, vector<8x2048xf32>
      tpu.vector_store %arg4[%swap3A_2931, %swap3A_2932], %add3A_2930 {strides = array<i32>} : memref<8x2048xf32, #tpu.memory_space<vmem>>, vector<8x2048xf32>,
      %get3A_2934 = arith.constant 1016 : index
      %get3A_2935 = arith.constant 0 : index
      %get3A_2936 = vector.load %arg1[%get3A_2934, %get3A_2935] : memref<1024x2048xf32, #tpu.memory_space<vmem>>, vector<8x2048xf32>
      %add3A_2937 = arith.constant 1016 : i32
      %add3A_2938 = arith.addi %mul3A_18, %add3A_2937 : i32
      %iota3A_2939 = tpu.iota {dimensions = array<i32: 0>} : vector<8x2048xi32>
      %add3A_2940 = vector.broadcast %add3A_2938 : i32 to vector<8x2048xi32>
      %add3A_2941 = arith.addi %add3A_2940, %iota3A_2939 : vector<8x2048xi32>
      %eq3A_2942 = vector.broadcast %get3A_1 : vector<1x2048xi32> to vector<8x2048xi32>
      %eq3A_2943 = arith.cmpi eq, %add3A_2941, %eq3A_2942 : vector<8x2048xi32>
      %jit3A_2944 = arith.constant -0.899999976 : f32
      %jit3A_2945 = arith.constant -1.000020e-06 : f32
      %broadcast_in_dim3A_2946 = vector.broadcast %jit3A_2944 : f32 to vector<8x2048xf32>
      %broadcast_in_dim3A_2947 = vector.broadcast %jit3A_2945 : f32 to vector<8x2048xf32>
      %select_n3A_2948 = arith.select %eq3A_2943, %broadcast_in_dim3A_2946, %broadcast_in_dim3A_2947 : vector<8x2048xi1>, vector<8x2048xf32>
      %get3A_2949 = arith.constant 0 : index
      %get3A_2950 = arith.constant 0 : index
      %get3A_2951 = vector.load %arg4[%get3A_2949, %get3A_2950] : memref<8x2048xf32, #tpu.memory_space<vmem>>, vector<8x2048xf32>
      %mul3A_2952 = arith.mulf %select_n3A_2948, %get3A_2936 : vector<8x2048xf32>
      %add3A_2953 = arith.addf %get3A_2951, %mul3A_2952 : vector<8x2048xf32>
      %swap3A_2954 = arith.constant 0 : index
      %swap3A_2955 = arith.constant 0 : index
      %swap3A_2956 = vector.load %arg4[%swap3A_2954, %swap3A_2955] : memref<8x2048xf32, #tpu.memory_space<vmem>>, vector<8x2048xf32>
      tpu.vector_store %arg4[%swap3A_2954, %swap3A_2955], %add3A_2953 {strides = array<i32>} : memref<8x2048xf32, #tpu.memory_space<vmem>>, vector<8x2048xf32>,
    } else {
    }
    %eq3A_8 = arith.constant 0 : i32
    %eq3A_9 = arith.cmpi eq, %arg0, %eq3A_8 : i32
    %convert_element_type3A_10 = arith.extui %eq3A_9 : i1 to i32
    %cond3A_11 = arith.constant 0 : i32
    %cond3A_12 = arith.cmpi ne, %convert_element_type3A_10, %cond3A_11 : i32
    scf.if %cond3A_12 {
      %get3A_18 = arith.constant 0 : index
      %get3A_19 = arith.constant 0 : index
      %get3A_20 = vector.load %arg4[%get3A_18, %get3A_19] : memref<8x2048xf32, #tpu.memory_space<vmem>>, vector<1x2048xf32>
      %get3A_21 = arith.constant 0 : index
      %get3A_22 = arith.constant 0 : index
      %get3A_23 = vector.load %arg1[%get3A_21, %get3A_22] : memref<1024x2048xf32, #tpu.memory_space<vmem>>, vector<1x2048xf32>
      %mul3A = arith.constant 1.000020e-06 : f32
      %mul3A_24 = vector.broadcast %mul3A : f32 to vector<1x2048xf32>
      %mul3A_25 = arith.mulf %mul3A_24, %get3A_23 : vector<1x2048xf32>
      %add3A = arith.addf %get3A_20, %mul3A_25 : vector<1x2048xf32>
      %swap3A = arith.constant 0 : index
      %swap3A_26 = arith.constant 0 : index
      %swap3A_27 = vector.load %arg4[%swap3A, %swap3A_26] : memref<8x2048xf32, #tpu.memory_space<vmem>>, vector<1x2048xf32>
      tpu.vector_store %arg4[%swap3A, %swap3A_26], %add3A {strides = array<i32>} : memref<8x2048xf32, #tpu.memory_space<vmem>>, vector<1x2048xf32>,
    } else {
    }
    %eq3A_13 = arith.constant 97 : i32
    %eq3A_14 = arith.cmpi eq, %arg0, %eq3A_13 : i32
    %convert_element_type3A_15 = arith.extui %eq3A_14 : i1 to i32
    %cond3A_16 = arith.constant 0 : i32
    %cond3A_17 = arith.cmpi ne, %convert_element_type3A_15, %cond3A_16 : i32
    scf.if %cond3A_17 {
      %mul3A = arith.constant 1024 : i32
      %mul3A_18 = arith.muli %arg0, %mul3A : i32
      %get3A_19 = arith.constant 0 : index
      %get3A_20 = arith.constant 0 : index
      %get3A_21 = vector.load %arg1[%get3A_19, %get3A_20] : memref<1024x2048xf32, #tpu.memory_space<vmem>>, vector<8x2048xf32>
      %add3A = arith.constant 0 : i32
      %add3A_22 = arith.addi %mul3A_18, %add3A : i32
      %iota3A = tpu.iota {dimensions = array<i32: 0>} : vector<8x2048xi32>
      %add3A_23 = vector.broadcast %add3A_22 : i32 to vector<8x2048xi32>
      %add3A_24 = arith.addi %add3A_23, %iota3A : vector<8x2048xi32>
      %eq3A_25 = vector.broadcast %get3A_1 : vector<1x2048xi32> to vector<8x2048xi32>
      %eq3A_26 = arith.cmpi eq, %add3A_24, %eq3A_25 : vector<8x2048xi32>
      %jit3A = arith.constant -0.899999976 : f32
      %jit3A_27 = arith.constant -1.000020e-06 : f32
      %broadcast_in_dim3A = vector.broadcast %jit3A : f32 to vector<8x2048xf32>
      %broadcast_in_dim3A_28 = vector.broadcast %jit3A_27 : f32 to vector<8x2048xf32>
      %select_n3A = arith.select %eq3A_26, %broadcast_in_dim3A, %broadcast_in_dim3A_28 : vector<8x2048xi1>, vector<8x2048xf32>
      %get3A_29 = arith.constant 0 : index
      %get3A_30 = arith.constant 0 : index
      %get3A_31 = vector.load %arg4[%get3A_29, %get3A_30] : memref<8x2048xf32, #tpu.memory_space<vmem>>, vector<8x2048xf32>
      %mul3A_32 = arith.mulf %select_n3A, %get3A_21 : vector<8x2048xf32>
      %add3A_33 = arith.addf %get3A_31, %mul3A_32 : vector<8x2048xf32>
      %swap3A = arith.constant 0 : index
      %swap3A_34 = arith.constant 0 : index
      %swap3A_35 = vector.load %arg4[%swap3A, %swap3A_34] : memref<8x2048xf32, #tpu.memory_space<vmem>>, vector<8x2048xf32>
      tpu.vector_store %arg4[%swap3A, %swap3A_34], %add3A_33 {strides = array<i32>} : memref<8x2048xf32, #tpu.memory_space<vmem>>, vector<8x2048xf32>,
      %get3A_36 = arith.constant 8 : index
      %get3A_37 = arith.constant 0 : index
      %get3A_38 = vector.load %arg1[%get3A_36, %get3A_37] : memref<1024x2048xf32, #tpu.memory_space<vmem>>, vector<8x2048xf32>
      %add3A_39 = arith.constant 8 : i32
      %add3A_40 = arith.addi %mul3A_18, %add3A_39 : i32
      %iota3A_41 = tpu.iota {dimensions = array<i32: 0>} : vector<8x2048xi32>
      %add3A_42 = vector.broadcast %add3A_40 : i32 to vector<8x2048xi32>
      %add3A_43 = arith.addi %add3A_42, %iota3A_41 : vector<8x2048xi32>
      %eq3A_44 = vector.broadcast %get3A_1 : vector<1x2048xi32> to vector<8x2048xi32>
      %eq3A_45 = arith.cmpi eq, %add3A_43, %eq3A_44 : vector<8x2048xi32>
      %jit3A_46 = arith.constant -0.899999976 : f32
      %jit3A_47 = arith.constant -1.000020e-06 : f32
      %broadcast_in_dim3A_48 = vector.broadcast %jit3A_46 : f32 to vector<8x2048xf32>
      %broadcast_in_dim3A_49 = vector.broadcast %jit3A_47 : f32 to vector<8x2048xf32>
      %select_n3A_50 = arith.select %eq3A_45, %broadcast_in_dim3A_48, %broadcast_in_dim3A_49 : vector<8x2048xi1>, vector<8x2048xf32>
      %get3A_51 = arith.constant 0 : index
      %get3A_52 = arith.constant 0 : index
      %get3A_53 = vector.load %arg4[%get3A_51, %get3A_52] : memref<8x2048xf32, #tpu.memory_space<vmem>>, vector<8x2048xf32>
      %mul3A_54 = arith.mulf %select_n3A_50, %get3A_38 : vector<8x2048xf32>
      %add3A_55 = arith.addf %get3A_53, %mul3A_54 : vector<8x2048xf32>
      %swap3A_56 = arith.constant 0 : index
      %swap3A_57 = arith.constant 0 : index
      %swap3A_58 = vector.load %arg4[%swap3A_56, %swap3A_57] : memref<8x2048xf32, #tpu.memory_space<vmem>>, vector<8x2048xf32>
      tpu.vector_store %arg4[%swap3A_56, %swap3A_57], %add3A_55 {strides = array<i32>} : memref<8x2048xf32, #tpu.memory_space<vmem>>, vector<8x2048xf32>,
      %get3A_59 = arith.constant 16 : index
      %get3A_60 = arith.constant 0 : index
      %get3A_61 = vector.load %arg1[%get3A_59, %get3A_60] : memref<1024x2048xf32, #tpu.memory_space<vmem>>, vector<8x2048xf32>
      %add3A_62 = arith.constant 16 : i32
      %add3A_63 = arith.addi %mul3A_18, %add3A_62 : i32
      %iota3A_64 = tpu.iota {dimensions = array<i32: 0>} : vector<8x2048xi32>
      %add3A_65 = vector.broadcast %add3A_63 : i32 to vector<8x2048xi32>
      %add3A_66 = arith.addi %add3A_65, %iota3A_64 : vector<8x2048xi32>
      %eq3A_67 = vector.broadcast %get3A_1 : vector<1x2048xi32> to vector<8x2048xi32>
      %eq3A_68 = arith.cmpi eq, %add3A_66, %eq3A_67 : vector<8x2048xi32>
      %jit3A_69 = arith.constant -0.899999976 : f32
      %jit3A_70 = arith.constant -1.000020e-06 : f32
      %broadcast_in_dim3A_71 = vector.broadcast %jit3A_69 : f32 to vector<8x2048xf32>
      %broadcast_in_dim3A_72 = vector.broadcast %jit3A_70 : f32 to vector<8x2048xf32>
      %select_n3A_73 = arith.select %eq3A_68, %broadcast_in_dim3A_71, %broadcast_in_dim3A_72 : vector<8x2048xi1>, vector<8x2048xf32>
      %get3A_74 = arith.constant 0 : index
      %get3A_75 = arith.constant 0 : index
      %get3A_76 = vector.load %arg4[%get3A_74, %get3A_75] : memref<8x2048xf32, #tpu.memory_space<vmem>>, vector<8x2048xf32>
      %mul3A_77 = arith.mulf %select_n3A_73, %get3A_61 : vector<8x2048xf32>
      %add3A_78 = arith.addf %get3A_76, %mul3A_77 : vector<8x2048xf32>
      %swap3A_79 = arith.constant 0 : index
      %swap3A_80 = arith.constant 0 : index
      %swap3A_81 = vector.load %arg4[%swap3A_79, %swap3A_80] : memref<8x2048xf32, #tpu.memory_space<vmem>>, vector<8x2048xf32>
      tpu.vector_store %arg4[%swap3A_79, %swap3A_80], %add3A_78 {strides = array<i32>} : memref<8x2048xf32, #tpu.memory_space<vmem>>, vector<8x2048xf32>,
      %get3A_82 = arith.constant 24 : index
      %get3A_83 = arith.constant 0 : index
      %get3A_84 = vector.load %arg1[%get3A_82, %get3A_83] : memref<1024x2048xf32, #tpu.memory_space<vmem>>, vector<8x2048xf32>
      %add3A_85 = arith.constant 24 : i32
      %add3A_86 = arith.addi %mul3A_18, %add3A_85 : i32
      %iota3A_87 = tpu.iota {dimensions = array<i32: 0>} : vector<8x2048xi32>
      %add3A_88 = vector.broadcast %add3A_86 : i32 to vector<8x2048xi32>
      %add3A_89 = arith.addi %add3A_88, %iota3A_87 : vector<8x2048xi32>
      %eq3A_90 = vector.broadcast %get3A_1 : vector<1x2048xi32> to vector<8x2048xi32>
      %eq3A_91 = arith.cmpi eq, %add3A_89, %eq3A_90 : vector<8x2048xi32>
      %jit3A_92 = arith.constant -0.899999976 : f32
      %jit3A_93 = arith.constant -1.000020e-06 : f32
      %broadcast_in_dim3A_94 = vector.broadcast %jit3A_92 : f32 to vector<8x2048xf32>
      %broadcast_in_dim3A_95 = vector.broadcast %jit3A_93 : f32 to vector<8x2048xf32>
      %select_n3A_96 = arith.select %eq3A_91, %broadcast_in_dim3A_94, %broadcast_in_dim3A_95 : vector<8x2048xi1>, vector<8x2048xf32>
      %get3A_97 = arith.constant 0 : index
      %get3A_98 = arith.constant 0 : index
      %get3A_99 = vector.load %arg4[%get3A_97, %get3A_98] : memref<8x2048xf32, #tpu.memory_space<vmem>>, vector<8x2048xf32>
      %mul3A_100 = arith.mulf %select_n3A_96, %get3A_84 : vector<8x2048xf32>
      %add3A_101 = arith.addf %get3A_99, %mul3A_100 : vector<8x2048xf32>
      %swap3A_102 = arith.constant 0 : index
      %swap3A_103 = arith.constant 0 : index
      %swap3A_104 = vector.load %arg4[%swap3A_102, %swap3A_103] : memref<8x2048xf32, #tpu.memory_space<vmem>>, vector<8x2048xf32>
      tpu.vector_store %arg4[%swap3A_102, %swap3A_103], %add3A_101 {strides = array<i32>} : memref<8x2048xf32, #tpu.memory_space<vmem>>, vector<8x2048xf32>,
      %get3A_105 = arith.constant 32 : index
      %get3A_106 = arith.constant 0 : index
      %get3A_107 = vector.load %arg1[%get3A_105, %get3A_106] : memref<1024x2048xf32, #tpu.memory_space<vmem>>, vector<8x2048xf32>
      %add3A_108 = arith.constant 32 : i32
      %add3A_109 = arith.addi %mul3A_18, %add3A_108 : i32
      %iota3A_110 = tpu.iota {dimensions = array<i32: 0>} : vector<8x2048xi32>
      %add3A_111 = vector.broadcast %add3A_109 : i32 to vector<8x2048xi32>
      %add3A_112 = arith.addi %add3A_111, %iota3A_110 : vector<8x2048xi32>
      %eq3A_113 = vector.broadcast %get3A_1 : vector<1x2048xi32> to vector<8x2048xi32>
      %eq3A_114 = arith.cmpi eq, %add3A_112, %eq3A_113 : vector<8x2048xi32>
      %jit3A_115 = arith.constant -0.899999976 : f32
      %jit3A_116 = arith.constant -1.000020e-06 : f32
      %broadcast_in_dim3A_117 = vector.broadcast %jit3A_115 : f32 to vector<8x2048xf32>
      %broadcast_in_dim3A_118 = vector.broadcast %jit3A_116 : f32 to vector<8x2048xf32>
      %select_n3A_119 = arith.select %eq3A_114, %broadcast_in_dim3A_117, %broadcast_in_dim3A_118 : vector<8x2048xi1>, vector<8x2048xf32>
      %get3A_120 = arith.constant 0 : index
      %get3A_121 = arith.constant 0 : index
      %get3A_122 = vector.load %arg4[%get3A_120, %get3A_121] : memref<8x2048xf32, #tpu.memory_space<vmem>>, vector<8x2048xf32>
      %mul3A_123 = arith.mulf %select_n3A_119, %get3A_107 : vector<8x2048xf32>
      %add3A_124 = arith.addf %get3A_122, %mul3A_123 : vector<8x2048xf32>
      %swap3A_125 = arith.constant 0 : index
      %swap3A_126 = arith.constant 0 : index
      %swap3A_127 = vector.load %arg4[%swap3A_125, %swap3A_126] : memref<8x2048xf32, #tpu.memory_space<vmem>>, vector<8x2048xf32>
      tpu.vector_store %arg4[%swap3A_125, %swap3A_126], %add3A_124 {strides = array<i32>} : memref<8x2048xf32, #tpu.memory_space<vmem>>, vector<8x2048xf32>,
      %get3A_128 = arith.constant 40 : index
      %get3A_129 = arith.constant 0 : index
      %get3A_130 = vector.load %arg1[%get3A_128, %get3A_129] : memref<1024x2048xf32, #tpu.memory_space<vmem>>, vector<8x2048xf32>
      %add3A_131 = arith.constant 40 : i32
      %add3A_132 = arith.addi %mul3A_18, %add3A_131 : i32
      %iota3A_133 = tpu.iota {dimensions = array<i32: 0>} : vector<8x2048xi32>
      %add3A_134 = vector.broadcast %add3A_132 : i32 to vector<8x2048xi32>
      %add3A_135 = arith.addi %add3A_134, %iota3A_133 : vector<8x2048xi32>
      %eq3A_136 = vector.broadcast %get3A_1 : vector<1x2048xi32> to vector<8x2048xi32>
      %eq3A_137 = arith.cmpi eq, %add3A_135, %eq3A_136 : vector<8x2048xi32>
      %jit3A_138 = arith.constant -0.899999976 : f32
      %jit3A_139 = arith.constant -1.000020e-06 : f32
      %broadcast_in_dim3A_140 = vector.broadcast %jit3A_138 : f32 to vector<8x2048xf32>
      %broadcast_in_dim3A_141 = vector.broadcast %jit3A_139 : f32 to vector<8x2048xf32>
      %select_n3A_142 = arith.select %eq3A_137, %broadcast_in_dim3A_140, %broadcast_in_dim3A_141 : vector<8x2048xi1>, vector<8x2048xf32>
      %get3A_143 = arith.constant 0 : index
      %get3A_144 = arith.constant 0 : index
      %get3A_145 = vector.load %arg4[%get3A_143, %get3A_144] : memref<8x2048xf32, #tpu.memory_space<vmem>>, vector<8x2048xf32>
      %mul3A_146 = arith.mulf %select_n3A_142, %get3A_130 : vector<8x2048xf32>
      %add3A_147 = arith.addf %get3A_145, %mul3A_146 : vector<8x2048xf32>
      %swap3A_148 = arith.constant 0 : index
      %swap3A_149 = arith.constant 0 : index
      %swap3A_150 = vector.load %arg4[%swap3A_148, %swap3A_149] : memref<8x2048xf32, #tpu.memory_space<vmem>>, vector<8x2048xf32>
      tpu.vector_store %arg4[%swap3A_148, %swap3A_149], %add3A_147 {strides = array<i32>} : memref<8x2048xf32, #tpu.memory_space<vmem>>, vector<8x2048xf32>,
      %get3A_151 = arith.constant 48 : index
      %get3A_152 = arith.constant 0 : index
      %get3A_153 = vector.load %arg1[%get3A_151, %get3A_152] : memref<1024x2048xf32, #tpu.memory_space<vmem>>, vector<8x2048xf32>
      %add3A_154 = arith.constant 48 : i32
      %add3A_155 = arith.addi %mul3A_18, %add3A_154 : i32
      %iota3A_156 = tpu.iota {dimensions = array<i32: 0>} : vector<8x2048xi32>
      %add3A_157 = vector.broadcast %add3A_155 : i32 to vector<8x2048xi32>
      %add3A_158 = arith.addi %add3A_157, %iota3A_156 : vector<8x2048xi32>
      %eq3A_159 = vector.broadcast %get3A_1 : vector<1x2048xi32> to vector<8x2048xi32>
      %eq3A_160 = arith.cmpi eq, %add3A_158, %eq3A_159 : vector<8x2048xi32>
      %jit3A_161 = arith.constant -0.899999976 : f32
      %jit3A_162 = arith.constant -1.000020e-06 : f32
      %broadcast_in_dim3A_163 = vector.broadcast %jit3A_161 : f32 to vector<8x2048xf32>
      %broadcast_in_dim3A_164 = vector.broadcast %jit3A_162 : f32 to vector<8x2048xf32>
      %select_n3A_165 = arith.select %eq3A_160, %broadcast_in_dim3A_163, %broadcast_in_dim3A_164 : vector<8x2048xi1>, vector<8x2048xf32>
      %get3A_166 = arith.constant 0 : index
      %get3A_167 = arith.constant 0 : index
      %get3A_168 = vector.load %arg4[%get3A_166, %get3A_167] : memref<8x2048xf32, #tpu.memory_space<vmem>>, vector<8x2048xf32>
      %mul3A_169 = arith.mulf %select_n3A_165, %get3A_153 : vector<8x2048xf32>
      %add3A_170 = arith.addf %get3A_168, %mul3A_169 : vector<8x2048xf32>
      %swap3A_171 = arith.constant 0 : index
      %swap3A_172 = arith.constant 0 : index
      %swap3A_173 = vector.load %arg4[%swap3A_171, %swap3A_172] : memref<8x2048xf32, #tpu.memory_space<vmem>>, vector<8x2048xf32>
      tpu.vector_store %arg4[%swap3A_171, %swap3A_172], %add3A_170 {strides = array<i32>} : memref<8x2048xf32, #tpu.memory_space<vmem>>, vector<8x2048xf32>,
      %get3A_174 = arith.constant 56 : index
      %get3A_175 = arith.constant 0 : index
      %get3A_176 = vector.load %arg1[%get3A_174, %get3A_175] : memref<1024x2048xf32, #tpu.memory_space<vmem>>, vector<8x2048xf32>
      %add3A_177 = arith.constant 56 : i32
      %add3A_178 = arith.addi %mul3A_18, %add3A_177 : i32
      %iota3A_179 = tpu.iota {dimensions = array<i32: 0>} : vector<8x2048xi32>
      %add3A_180 = vector.broadcast %add3A_178 : i32 to vector<8x2048xi32>
      %add3A_181 = arith.addi %add3A_180, %iota3A_179 : vector<8x2048xi32>
      %eq3A_182 = vector.broadcast %get3A_1 : vector<1x2048xi32> to vector<8x2048xi32>
      %eq3A_183 = arith.cmpi eq, %add3A_181, %eq3A_182 : vector<8x2048xi32>
      %jit3A_184 = arith.constant -0.899999976 : f32
      %jit3A_185 = arith.constant -1.000020e-06 : f32
      %broadcast_in_dim3A_186 = vector.broadcast %jit3A_184 : f32 to vector<8x2048xf32>
      %broadcast_in_dim3A_187 = vector.broadcast %jit3A_185 : f32 to vector<8x2048xf32>
      %select_n3A_188 = arith.select %eq3A_183, %broadcast_in_dim3A_186, %broadcast_in_dim3A_187 : vector<8x2048xi1>, vector<8x2048xf32>
      %get3A_189 = arith.constant 0 : index
      %get3A_190 = arith.constant 0 : index
      %get3A_191 = vector.load %arg4[%get3A_189, %get3A_190] : memref<8x2048xf32, #tpu.memory_space<vmem>>, vector<8x2048xf32>
      %mul3A_192 = arith.mulf %select_n3A_188, %get3A_176 : vector<8x2048xf32>
      %add3A_193 = arith.addf %get3A_191, %mul3A_192 : vector<8x2048xf32>
      %swap3A_194 = arith.constant 0 : index
      %swap3A_195 = arith.constant 0 : index
      %swap3A_196 = vector.load %arg4[%swap3A_194, %swap3A_195] : memref<8x2048xf32, #tpu.memory_space<vmem>>, vector<8x2048xf32>
      tpu.vector_store %arg4[%swap3A_194, %swap3A_195], %add3A_193 {strides = array<i32>} : memref<8x2048xf32, #tpu.memory_space<vmem>>, vector<8x2048xf32>,
      %get3A_197 = arith.constant 64 : index
      %get3A_198 = arith.constant 0 : index
      %get3A_199 = vector.load %arg1[%get3A_197, %get3A_198] : memref<1024x2048xf32, #tpu.memory_space<vmem>>, vector<8x2048xf32>
      %add3A_200 = arith.constant 64 : i32
      %add3A_201 = arith.addi %mul3A_18, %add3A_200 : i32
      %iota3A_202 = tpu.iota {dimensions = array<i32: 0>} : vector<8x2048xi32>
      %add3A_203 = vector.broadcast %add3A_201 : i32 to vector<8x2048xi32>
      %add3A_204 = arith.addi %add3A_203, %iota3A_202 : vector<8x2048xi32>
      %eq3A_205 = vector.broadcast %get3A_1 : vector<1x2048xi32> to vector<8x2048xi32>
      %eq3A_206 = arith.cmpi eq, %add3A_204, %eq3A_205 : vector<8x2048xi32>
      %jit3A_207 = arith.constant -0.899999976 : f32
      %jit3A_208 = arith.constant -1.000020e-06 : f32
      %broadcast_in_dim3A_209 = vector.broadcast %jit3A_207 : f32 to vector<8x2048xf32>
      %broadcast_in_dim3A_210 = vector.broadcast %jit3A_208 : f32 to vector<8x2048xf32>
      %select_n3A_211 = arith.select %eq3A_206, %broadcast_in_dim3A_209, %broadcast_in_dim3A_210 : vector<8x2048xi1>, vector<8x2048xf32>
      %get3A_212 = arith.constant 0 : index
      %get3A_213 = arith.constant 0 : index
      %get3A_214 = vector.load %arg4[%get3A_212, %get3A_213] : memref<8x2048xf32, #tpu.memory_space<vmem>>, vector<8x2048xf32>
      %mul3A_215 = arith.mulf %select_n3A_211, %get3A_199 : vector<8x2048xf32>
      %add3A_216 = arith.addf %get3A_214, %mul3A_215 : vector<8x2048xf32>
      %swap3A_217 = arith.constant 0 : index
      %swap3A_218 = arith.constant 0 : index
      %swap3A_219 = vector.load %arg4[%swap3A_217, %swap3A_218] : memref<8x2048xf32, #tpu.memory_space<vmem>>, vector<8x2048xf32>
      tpu.vector_store %arg4[%swap3A_217, %swap3A_218], %add3A_216 {strides = array<i32>} : memref<8x2048xf32, #tpu.memory_space<vmem>>, vector<8x2048xf32>,
      %get3A_220 = arith.constant 72 : index
      %get3A_221 = arith.constant 0 : index
      %get3A_222 = vector.load %arg1[%get3A_220, %get3A_221] : memref<1024x2048xf32, #tpu.memory_space<vmem>>, vector<8x2048xf32>
      %add3A_223 = arith.constant 72 : i32
      %add3A_224 = arith.addi %mul3A_18, %add3A_223 : i32
      %iota3A_225 = tpu.iota {dimensions = array<i32: 0>} : vector<8x2048xi32>
      %add3A_226 = vector.broadcast %add3A_224 : i32 to vector<8x2048xi32>
      %add3A_227 = arith.addi %add3A_226, %iota3A_225 : vector<8x2048xi32>
      %eq3A_228 = vector.broadcast %get3A_1 : vector<1x2048xi32> to vector<8x2048xi32>
      %eq3A_229 = arith.cmpi eq, %add3A_227, %eq3A_228 : vector<8x2048xi32>
      %jit3A_230 = arith.constant -0.899999976 : f32
      %jit3A_231 = arith.constant -1.000020e-06 : f32
      %broadcast_in_dim3A_232 = vector.broadcast %jit3A_230 : f32 to vector<8x2048xf32>
      %broadcast_in_dim3A_233 = vector.broadcast %jit3A_231 : f32 to vector<8x2048xf32>
      %select_n3A_234 = arith.select %eq3A_229, %broadcast_in_dim3A_232, %broadcast_in_dim3A_233 : vector<8x2048xi1>, vector<8x2048xf32>
      %get3A_235 = arith.constant 0 : index
      %get3A_236 = arith.constant 0 : index
      %get3A_237 = vector.load %arg4[%get3A_235, %get3A_236] : memref<8x2048xf32, #tpu.memory_space<vmem>>, vector<8x2048xf32>
      %mul3A_238 = arith.mulf %select_n3A_234, %get3A_222 : vector<8x2048xf32>
      %add3A_239 = arith.addf %get3A_237, %mul3A_238 : vector<8x2048xf32>
      %swap3A_240 = arith.constant 0 : index
      %swap3A_241 = arith.constant 0 : index
      %swap3A_242 = vector.load %arg4[%swap3A_240, %swap3A_241] : memref<8x2048xf32, #tpu.memory_space<vmem>>, vector<8x2048xf32>
      tpu.vector_store %arg4[%swap3A_240, %swap3A_241], %add3A_239 {strides = array<i32>} : memref<8x2048xf32, #tpu.memory_space<vmem>>, vector<8x2048xf32>,
      %get3A_243 = arith.constant 80 : index
      %get3A_244 = arith.constant 0 : index
      %get3A_245 = vector.load %arg1[%get3A_243, %get3A_244] : memref<1024x2048xf32, #tpu.memory_space<vmem>>, vector<8x2048xf32>
      %add3A_246 = arith.constant 80 : i32
      %add3A_247 = arith.addi %mul3A_18, %add3A_246 : i32
      %iota3A_248 = tpu.iota {dimensions = array<i32: 0>} : vector<8x2048xi32>
      %add3A_249 = vector.broadcast %add3A_247 : i32 to vector<8x2048xi32>
      %add3A_250 = arith.addi %add3A_249, %iota3A_248 : vector<8x2048xi32>
      %eq3A_251 = vector.broadcast %get3A_1 : vector<1x2048xi32> to vector<8x2048xi32>
      %eq3A_252 = arith.cmpi eq, %add3A_250, %eq3A_251 : vector<8x2048xi32>
      %jit3A_253 = arith.constant -0.899999976 : f32
      %jit3A_254 = arith.constant -1.000020e-06 : f32
      %broadcast_in_dim3A_255 = vector.broadcast %jit3A_253 : f32 to vector<8x2048xf32>
      %broadcast_in_dim3A_256 = vector.broadcast %jit3A_254 : f32 to vector<8x2048xf32>
      %select_n3A_257 = arith.select %eq3A_252, %broadcast_in_dim3A_255, %broadcast_in_dim3A_256 : vector<8x2048xi1>, vector<8x2048xf32>
      %get3A_258 = arith.constant 0 : index
      %get3A_259 = arith.constant 0 : index
      %get3A_260 = vector.load %arg4[%get3A_258, %get3A_259] : memref<8x2048xf32, #tpu.memory_space<vmem>>, vector<8x2048xf32>
      %mul3A_261 = arith.mulf %select_n3A_257, %get3A_245 : vector<8x2048xf32>
      %add3A_262 = arith.addf %get3A_260, %mul3A_261 : vector<8x2048xf32>
      %swap3A_263 = arith.constant 0 : index
      %swap3A_264 = arith.constant 0 : index
      %swap3A_265 = vector.load %arg4[%swap3A_263, %swap3A_264] : memref<8x2048xf32, #tpu.memory_space<vmem>>, vector<8x2048xf32>
      tpu.vector_store %arg4[%swap3A_263, %swap3A_264], %add3A_262 {strides = array<i32>} : memref<8x2048xf32, #tpu.memory_space<vmem>>, vector<8x2048xf32>,
      %get3A_266 = arith.constant 88 : index
      %get3A_267 = arith.constant 0 : index
      %get3A_268 = vector.load %arg1[%get3A_266, %get3A_267] : memref<1024x2048xf32, #tpu.memory_space<vmem>>, vector<8x2048xf32>
      %add3A_269 = arith.constant 88 : i32
      %add3A_270 = arith.addi %mul3A_18, %add3A_269 : i32
      %iota3A_271 = tpu.iota {dimensions = array<i32: 0>} : vector<8x2048xi32>
      %add3A_272 = vector.broadcast %add3A_270 : i32 to vector<8x2048xi32>
      %add3A_273 = arith.addi %add3A_272, %iota3A_271 : vector<8x2048xi32>
      %eq3A_274 = vector.broadcast %get3A_1 : vector<1x2048xi32> to vector<8x2048xi32>
      %eq3A_275 = arith.cmpi eq, %add3A_273, %eq3A_274 : vector<8x2048xi32>
      %jit3A_276 = arith.constant -0.899999976 : f32
      %jit3A_277 = arith.constant -1.000020e-06 : f32
      %broadcast_in_dim3A_278 = vector.broadcast %jit3A_276 : f32 to vector<8x2048xf32>
      %broadcast_in_dim3A_279 = vector.broadcast %jit3A_277 : f32 to vector<8x2048xf32>
      %select_n3A_280 = arith.select %eq3A_275, %broadcast_in_dim3A_278, %broadcast_in_dim3A_279 : vector<8x2048xi1>, vector<8x2048xf32>
      %get3A_281 = arith.constant 0 : index
      %get3A_282 = arith.constant 0 : index
      %get3A_283 = vector.load %arg4[%get3A_281, %get3A_282] : memref<8x2048xf32, #tpu.memory_space<vmem>>, vector<8x2048xf32>
      %mul3A_284 = arith.mulf %select_n3A_280, %get3A_268 : vector<8x2048xf32>
      %add3A_285 = arith.addf %get3A_283, %mul3A_284 : vector<8x2048xf32>
      %swap3A_286 = arith.constant 0 : index
      %swap3A_287 = arith.constant 0 : index
      %swap3A_288 = vector.load %arg4[%swap3A_286, %swap3A_287] : memref<8x2048xf32, #tpu.memory_space<vmem>>, vector<8x2048xf32>
      tpu.vector_store %arg4[%swap3A_286, %swap3A_287], %add3A_285 {strides = array<i32>} : memref<8x2048xf32, #tpu.memory_space<vmem>>, vector<8x2048xf32>,
      %get3A_289 = arith.constant 96 : index
      %get3A_290 = arith.constant 0 : index
      %get3A_291 = vector.load %arg1[%get3A_289, %get3A_290] : memref<1024x2048xf32, #tpu.memory_space<vmem>>, vector<8x2048xf32>
      %add3A_292 = arith.constant 96 : i32
      %add3A_293 = arith.addi %mul3A_18, %add3A_292 : i32
      %iota3A_294 = tpu.iota {dimensions = array<i32: 0>} : vector<8x2048xi32>
      %add3A_295 = vector.broadcast %add3A_293 : i32 to vector<8x2048xi32>
      %add3A_296 = arith.addi %add3A_295, %iota3A_294 : vector<8x2048xi32>
      %eq3A_297 = vector.broadcast %get3A_1 : vector<1x2048xi32> to vector<8x2048xi32>
      %eq3A_298 = arith.cmpi eq, %add3A_296, %eq3A_297 : vector<8x2048xi32>
      %jit3A_299 = arith.constant -0.899999976 : f32
      %jit3A_300 = arith.constant -1.000020e-06 : f32
      %broadcast_in_dim3A_301 = vector.broadcast %jit3A_299 : f32 to vector<8x2048xf32>
      %broadcast_in_dim3A_302 = vector.broadcast %jit3A_300 : f32 to vector<8x2048xf32>
      %select_n3A_303 = arith.select %eq3A_298, %broadcast_in_dim3A_301, %broadcast_in_dim3A_302 : vector<8x2048xi1>, vector<8x2048xf32>
      %get3A_304 = arith.constant 0 : index
      %get3A_305 = arith.constant 0 : index
      %get3A_306 = vector.load %arg4[%get3A_304, %get3A_305] : memref<8x2048xf32, #tpu.memory_space<vmem>>, vector<8x2048xf32>
      %mul3A_307 = arith.mulf %select_n3A_303, %get3A_291 : vector<8x2048xf32>
      %add3A_308 = arith.addf %get3A_306, %mul3A_307 : vector<8x2048xf32>
      %swap3A_309 = arith.constant 0 : index
      %swap3A_310 = arith.constant 0 : index
      %swap3A_311 = vector.load %arg4[%swap3A_309, %swap3A_310] : memref<8x2048xf32, #tpu.memory_space<vmem>>, vector<8x2048xf32>
      tpu.vector_store %arg4[%swap3A_309, %swap3A_310], %add3A_308 {strides = array<i32>} : memref<8x2048xf32, #tpu.memory_space<vmem>>, vector<8x2048xf32>,
      %get3A_312 = arith.constant 104 : index
      %get3A_313 = arith.constant 0 : index
      %get3A_314 = vector.load %arg1[%get3A_312, %get3A_313] : memref<1024x2048xf32, #tpu.memory_space<vmem>>, vector<8x2048xf32>
      %add3A_315 = arith.constant 104 : i32
      %add3A_316 = arith.addi %mul3A_18, %add3A_315 : i32
      %iota3A_317 = tpu.iota {dimensions = array<i32: 0>} : vector<8x2048xi32>
      %add3A_318 = vector.broadcast %add3A_316 : i32 to vector<8x2048xi32>
      %add3A_319 = arith.addi %add3A_318, %iota3A_317 : vector<8x2048xi32>
      %eq3A_320 = vector.broadcast %get3A_1 : vector<1x2048xi32> to vector<8x2048xi32>
      %eq3A_321 = arith.cmpi eq, %add3A_319, %eq3A_320 : vector<8x2048xi32>
      %jit3A_322 = arith.constant -0.899999976 : f32
      %jit3A_323 = arith.constant -1.000020e-06 : f32
      %broadcast_in_dim3A_324 = vector.broadcast %jit3A_322 : f32 to vector<8x2048xf32>
      %broadcast_in_dim3A_325 = vector.broadcast %jit3A_323 : f32 to vector<8x2048xf32>
      %select_n3A_326 = arith.select %eq3A_321, %broadcast_in_dim3A_324, %broadcast_in_dim3A_325 : vector<8x2048xi1>, vector<8x2048xf32>
      %get3A_327 = arith.constant 0 : index
      %get3A_328 = arith.constant 0 : index
      %get3A_329 = vector.load %arg4[%get3A_327, %get3A_328] : memref<8x2048xf32, #tpu.memory_space<vmem>>, vector<8x2048xf32>
      %mul3A_330 = arith.mulf %select_n3A_326, %get3A_314 : vector<8x2048xf32>
      %add3A_331 = arith.addf %get3A_329, %mul3A_330 : vector<8x2048xf32>
      %swap3A_332 = arith.constant 0 : index
      %swap3A_333 = arith.constant 0 : index
      %swap3A_334 = vector.load %arg4[%swap3A_332, %swap3A_333] : memref<8x2048xf32, #tpu.memory_space<vmem>>, vector<8x2048xf32>
      tpu.vector_store %arg4[%swap3A_332, %swap3A_333], %add3A_331 {strides = array<i32>} : memref<8x2048xf32, #tpu.memory_space<vmem>>, vector<8x2048xf32>,
      %get3A_335 = arith.constant 112 : index
      %get3A_336 = arith.constant 0 : index
      %get3A_337 = vector.load %arg1[%get3A_335, %get3A_336] : memref<1024x2048xf32, #tpu.memory_space<vmem>>, vector<8x2048xf32>
      %add3A_338 = arith.constant 112 : i32
      %add3A_339 = arith.addi %mul3A_18, %add3A_338 : i32
      %iota3A_340 = tpu.iota {dimensions = array<i32: 0>} : vector<8x2048xi32>
      %add3A_341 = vector.broadcast %add3A_339 : i32 to vector<8x2048xi32>
      %add3A_342 = arith.addi %add3A_341, %iota3A_340 : vector<8x2048xi32>
      %eq3A_343 = vector.broadcast %get3A_1 : vector<1x2048xi32> to vector<8x2048xi32>
      %eq3A_344 = arith.cmpi eq, %add3A_342, %eq3A_343 : vector<8x2048xi32>
      %jit3A_345 = arith.constant -0.899999976 : f32
      %jit3A_346 = arith.constant -1.000020e-06 : f32
      %broadcast_in_dim3A_347 = vector.broadcast %jit3A_345 : f32 to vector<8x2048xf32>
      %broadcast_in_dim3A_348 = vector.broadcast %jit3A_346 : f32 to vector<8x2048xf32>
      %select_n3A_349 = arith.select %eq3A_344, %broadcast_in_dim3A_347, %broadcast_in_dim3A_348 : vector<8x2048xi1>, vector<8x2048xf32>
      %get3A_350 = arith.constant 0 : index
      %get3A_351 = arith.constant 0 : index
      %get3A_352 = vector.load %arg4[%get3A_350, %get3A_351] : memref<8x2048xf32, #tpu.memory_space<vmem>>, vector<8x2048xf32>
      %mul3A_353 = arith.mulf %select_n3A_349, %get3A_337 : vector<8x2048xf32>
      %add3A_354 = arith.addf %get3A_352, %mul3A_353 : vector<8x2048xf32>
      %swap3A_355 = arith.constant 0 : index
      %swap3A_356 = arith.constant 0 : index
      %swap3A_357 = vector.load %arg4[%swap3A_355, %swap3A_356] : memref<8x2048xf32, #tpu.memory_space<vmem>>, vector<8x2048xf32>
      tpu.vector_store %arg4[%swap3A_355, %swap3A_356], %add3A_354 {strides = array<i32>} : memref<8x2048xf32, #tpu.memory_space<vmem>>, vector<8x2048xf32>,
      %get3A_358 = arith.constant 120 : index
      %get3A_359 = arith.constant 0 : index
      %get3A_360 = vector.load %arg1[%get3A_358, %get3A_359] : memref<1024x2048xf32, #tpu.memory_space<vmem>>, vector<8x2048xf32>
      %add3A_361 = arith.constant 120 : i32
      %add3A_362 = arith.addi %mul3A_18, %add3A_361 : i32
      %iota3A_363 = tpu.iota {dimensions = array<i32: 0>} : vector<8x2048xi32>
      %add3A_364 = vector.broadcast %add3A_362 : i32 to vector<8x2048xi32>
      %add3A_365 = arith.addi %add3A_364, %iota3A_363 : vector<8x2048xi32>
      %eq3A_366 = vector.broadcast %get3A_1 : vector<1x2048xi32> to vector<8x2048xi32>
      %eq3A_367 = arith.cmpi eq, %add3A_365, %eq3A_366 : vector<8x2048xi32>
      %jit3A_368 = arith.constant -0.899999976 : f32
      %jit3A_369 = arith.constant -1.000020e-06 : f32
      %broadcast_in_dim3A_370 = vector.broadcast %jit3A_368 : f32 to vector<8x2048xf32>
      %broadcast_in_dim3A_371 = vector.broadcast %jit3A_369 : f32 to vector<8x2048xf32>
      %select_n3A_372 = arith.select %eq3A_367, %broadcast_in_dim3A_370, %broadcast_in_dim3A_371 : vector<8x2048xi1>, vector<8x2048xf32>
      %get3A_373 = arith.constant 0 : index
      %get3A_374 = arith.constant 0 : index
      %get3A_375 = vector.load %arg4[%get3A_373, %get3A_374] : memref<8x2048xf32, #tpu.memory_space<vmem>>, vector<8x2048xf32>
      %mul3A_376 = arith.mulf %select_n3A_372, %get3A_360 : vector<8x2048xf32>
      %add3A_377 = arith.addf %get3A_375, %mul3A_376 : vector<8x2048xf32>
      %swap3A_378 = arith.constant 0 : index
      %swap3A_379 = arith.constant 0 : index
      %swap3A_380 = vector.load %arg4[%swap3A_378, %swap3A_379] : memref<8x2048xf32, #tpu.memory_space<vmem>>, vector<8x2048xf32>
      tpu.vector_store %arg4[%swap3A_378, %swap3A_379], %add3A_377 {strides = array<i32>} : memref<8x2048xf32, #tpu.memory_space<vmem>>, vector<8x2048xf32>,
      %get3A_381 = arith.constant 128 : index
      %get3A_382 = arith.constant 0 : index
      %get3A_383 = vector.load %arg1[%get3A_381, %get3A_382] : memref<1024x2048xf32, #tpu.memory_space<vmem>>, vector<8x2048xf32>
      %add3A_384 = arith.constant 128 : i32
      %add3A_385 = arith.addi %mul3A_18, %add3A_384 : i32
      %iota3A_386 = tpu.iota {dimensions = array<i32: 0>} : vector<8x2048xi32>
      %add3A_387 = vector.broadcast %add3A_385 : i32 to vector<8x2048xi32>
      %add3A_388 = arith.addi %add3A_387, %iota3A_386 : vector<8x2048xi32>
      %eq3A_389 = vector.broadcast %get3A_1 : vector<1x2048xi32> to vector<8x2048xi32>
      %eq3A_390 = arith.cmpi eq, %add3A_388, %eq3A_389 : vector<8x2048xi32>
      %jit3A_391 = arith.constant -0.899999976 : f32
      %jit3A_392 = arith.constant -1.000020e-06 : f32
      %broadcast_in_dim3A_393 = vector.broadcast %jit3A_391 : f32 to vector<8x2048xf32>
      %broadcast_in_dim3A_394 = vector.broadcast %jit3A_392 : f32 to vector<8x2048xf32>
      %select_n3A_395 = arith.select %eq3A_390, %broadcast_in_dim3A_393, %broadcast_in_dim3A_394 : vector<8x2048xi1>, vector<8x2048xf32>
      %get3A_396 = arith.constant 0 : index
      %get3A_397 = arith.constant 0 : index
      %get3A_398 = vector.load %arg4[%get3A_396, %get3A_397] : memref<8x2048xf32, #tpu.memory_space<vmem>>, vector<8x2048xf32>
      %mul3A_399 = arith.mulf %select_n3A_395, %get3A_383 : vector<8x2048xf32>
      %add3A_400 = arith.addf %get3A_398, %mul3A_399 : vector<8x2048xf32>
      %swap3A_401 = arith.constant 0 : index
      %swap3A_402 = arith.constant 0 : index
      %swap3A_403 = vector.load %arg4[%swap3A_401, %swap3A_402] : memref<8x2048xf32, #tpu.memory_space<vmem>>, vector<8x2048xf32>
      tpu.vector_store %arg4[%swap3A_401, %swap3A_402], %add3A_400 {strides = array<i32>} : memref<8x2048xf32, #tpu.memory_space<vmem>>, vector<8x2048xf32>,
      %get3A_404 = arith.constant 136 : index
      %get3A_405 = arith.constant 0 : index
      %get3A_406 = vector.load %arg1[%get3A_404, %get3A_405] : memref<1024x2048xf32, #tpu.memory_space<vmem>>, vector<8x2048xf32>
      %add3A_407 = arith.constant 136 : i32
      %add3A_408 = arith.addi %mul3A_18, %add3A_407 : i32
      %iota3A_409 = tpu.iota {dimensions = array<i32: 0>} : vector<8x2048xi32>
      %add3A_410 = vector.broadcast %add3A_408 : i32 to vector<8x2048xi32>
      %add3A_411 = arith.addi %add3A_410, %iota3A_409 : vector<8x2048xi32>
      %eq3A_412 = vector.broadcast %get3A_1 : vector<1x2048xi32> to vector<8x2048xi32>
      %eq3A_413 = arith.cmpi eq, %add3A_411, %eq3A_412 : vector<8x2048xi32>
      %jit3A_414 = arith.constant -0.899999976 : f32
      %jit3A_415 = arith.constant -1.000020e-06 : f32
      %broadcast_in_dim3A_416 = vector.broadcast %jit3A_414 : f32 to vector<8x2048xf32>
      %broadcast_in_dim3A_417 = vector.broadcast %jit3A_415 : f32 to vector<8x2048xf32>
      %select_n3A_418 = arith.select %eq3A_413, %broadcast_in_dim3A_416, %broadcast_in_dim3A_417 : vector<8x2048xi1>, vector<8x2048xf32>
      %get3A_419 = arith.constant 0 : index
      %get3A_420 = arith.constant 0 : index
      %get3A_421 = vector.load %arg4[%get3A_419, %get3A_420] : memref<8x2048xf32, #tpu.memory_space<vmem>>, vector<8x2048xf32>
      %mul3A_422 = arith.mulf %select_n3A_418, %get3A_406 : vector<8x2048xf32>
      %add3A_423 = arith.addf %get3A_421, %mul3A_422 : vector<8x2048xf32>
      %swap3A_424 = arith.constant 0 : index
      %swap3A_425 = arith.constant 0 : index
      %swap3A_426 = vector.load %arg4[%swap3A_424, %swap3A_425] : memref<8x2048xf32, #tpu.memory_space<vmem>>, vector<8x2048xf32>
      tpu.vector_store %arg4[%swap3A_424, %swap3A_425], %add3A_423 {strides = array<i32>} : memref<8x2048xf32, #tpu.memory_space<vmem>>, vector<8x2048xf32>,
      %get3A_427 = arith.constant 144 : index
      %get3A_428 = arith.constant 0 : index
      %get3A_429 = vector.load %arg1[%get3A_427, %get3A_428] : memref<1024x2048xf32, #tpu.memory_space<vmem>>, vector<8x2048xf32>
      %add3A_430 = arith.constant 144 : i32
      %add3A_431 = arith.addi %mul3A_18, %add3A_430 : i32
      %iota3A_432 = tpu.iota {dimensions = array<i32: 0>} : vector<8x2048xi32>
      %add3A_433 = vector.broadcast %add3A_431 : i32 to vector<8x2048xi32>
      %add3A_434 = arith.addi %add3A_433, %iota3A_432 : vector<8x2048xi32>
      %eq3A_435 = vector.broadcast %get3A_1 : vector<1x2048xi32> to vector<8x2048xi32>
      %eq3A_436 = arith.cmpi eq, %add3A_434, %eq3A_435 : vector<8x2048xi32>
      %jit3A_437 = arith.constant -0.899999976 : f32
      %jit3A_438 = arith.constant -1.000020e-06 : f32
      %broadcast_in_dim3A_439 = vector.broadcast %jit3A_437 : f32 to vector<8x2048xf32>
      %broadcast_in_dim3A_440 = vector.broadcast %jit3A_438 : f32 to vector<8x2048xf32>
      %select_n3A_441 = arith.select %eq3A_436, %broadcast_in_dim3A_439, %broadcast_in_dim3A_440 : vector<8x2048xi1>, vector<8x2048xf32>
      %get3A_442 = arith.constant 0 : index
      %get3A_443 = arith.constant 0 : index
      %get3A_444 = vector.load %arg4[%get3A_442, %get3A_443] : memref<8x2048xf32, #tpu.memory_space<vmem>>, vector<8x2048xf32>
      %mul3A_445 = arith.mulf %select_n3A_441, %get3A_429 : vector<8x2048xf32>
      %add3A_446 = arith.addf %get3A_444, %mul3A_445 : vector<8x2048xf32>
      %swap3A_447 = arith.constant 0 : index
      %swap3A_448 = arith.constant 0 : index
      %swap3A_449 = vector.load %arg4[%swap3A_447, %swap3A_448] : memref<8x2048xf32, #tpu.memory_space<vmem>>, vector<8x2048xf32>
      tpu.vector_store %arg4[%swap3A_447, %swap3A_448], %add3A_446 {strides = array<i32>} : memref<8x2048xf32, #tpu.memory_space<vmem>>, vector<8x2048xf32>,
      %get3A_450 = arith.constant 152 : index
      %get3A_451 = arith.constant 0 : index
      %get3A_452 = vector.load %arg1[%get3A_450, %get3A_451] : memref<1024x2048xf32, #tpu.memory_space<vmem>>, vector<8x2048xf32>
      %add3A_453 = arith.constant 152 : i32
      %add3A_454 = arith.addi %mul3A_18, %add3A_453 : i32
      %iota3A_455 = tpu.iota {dimensions = array<i32: 0>} : vector<8x2048xi32>
      %add3A_456 = vector.broadcast %add3A_454 : i32 to vector<8x2048xi32>
      %add3A_457 = arith.addi %add3A_456, %iota3A_455 : vector<8x2048xi32>
      %eq3A_458 = vector.broadcast %get3A_1 : vector<1x2048xi32> to vector<8x2048xi32>
      %eq3A_459 = arith.cmpi eq, %add3A_457, %eq3A_458 : vector<8x2048xi32>
      %jit3A_460 = arith.constant -0.899999976 : f32
      %jit3A_461 = arith.constant -1.000020e-06 : f32
      %broadcast_in_dim3A_462 = vector.broadcast %jit3A_460 : f32 to vector<8x2048xf32>
      %broadcast_in_dim3A_463 = vector.broadcast %jit3A_461 : f32 to vector<8x2048xf32>
      %select_n3A_464 = arith.select %eq3A_459, %broadcast_in_dim3A_462, %broadcast_in_dim3A_463 : vector<8x2048xi1>, vector<8x2048xf32>
      %get3A_465 = arith.constant 0 : index
      %get3A_466 = arith.constant 0 : index
      %get3A_467 = vector.load %arg4[%get3A_465, %get3A_466] : memref<8x2048xf32, #tpu.memory_space<vmem>>, vector<8x2048xf32>
      %mul3A_468 = arith.mulf %select_n3A_464, %get3A_452 : vector<8x2048xf32>
      %add3A_469 = arith.addf %get3A_467, %mul3A_468 : vector<8x2048xf32>
      %swap3A_470 = arith.constant 0 : index
      %swap3A_471 = arith.constant 0 : index
      %swap3A_472 = vector.load %arg4[%swap3A_470, %swap3A_471] : memref<8x2048xf32, #tpu.memory_space<vmem>>, vector<8x2048xf32>
      tpu.vector_store %arg4[%swap3A_470, %swap3A_471], %add3A_469 {strides = array<i32>} : memref<8x2048xf32, #tpu.memory_space<vmem>>, vector<8x2048xf32>,
      %get3A_473 = arith.constant 160 : index
      %get3A_474 = arith.constant 0 : index
      %get3A_475 = vector.load %arg1[%get3A_473, %get3A_474] : memref<1024x2048xf32, #tpu.memory_space<vmem>>, vector<8x2048xf32>
      %add3A_476 = arith.constant 160 : i32
      %add3A_477 = arith.addi %mul3A_18, %add3A_476 : i32
      %iota3A_478 = tpu.iota {dimensions = array<i32: 0>} : vector<8x2048xi32>
      %add3A_479 = vector.broadcast %add3A_477 : i32 to vector<8x2048xi32>
      %add3A_480 = arith.addi %add3A_479, %iota3A_478 : vector<8x2048xi32>
      %eq3A_481 = vector.broadcast %get3A_1 : vector<1x2048xi32> to vector<8x2048xi32>
      %eq3A_482 = arith.cmpi eq, %add3A_480, %eq3A_481 : vector<8x2048xi32>
      %jit3A_483 = arith.constant -0.899999976 : f32
      %jit3A_484 = arith.constant -1.000020e-06 : f32
      %broadcast_in_dim3A_485 = vector.broadcast %jit3A_483 : f32 to vector<8x2048xf32>
      %broadcast_in_dim3A_486 = vector.broadcast %jit3A_484 : f32 to vector<8x2048xf32>
      %select_n3A_487 = arith.select %eq3A_482, %broadcast_in_dim3A_485, %broadcast_in_dim3A_486 : vector<8x2048xi1>, vector<8x2048xf32>
      %get3A_488 = arith.constant 0 : index
      %get3A_489 = arith.constant 0 : index
      %get3A_490 = vector.load %arg4[%get3A_488, %get3A_489] : memref<8x2048xf32, #tpu.memory_space<vmem>>, vector<8x2048xf32>
      %mul3A_491 = arith.mulf %select_n3A_487, %get3A_475 : vector<8x2048xf32>
      %add3A_492 = arith.addf %get3A_490, %mul3A_491 : vector<8x2048xf32>
      %swap3A_493 = arith.constant 0 : index
      %swap3A_494 = arith.constant 0 : index
      %swap3A_495 = vector.load %arg4[%swap3A_493, %swap3A_494] : memref<8x2048xf32, #tpu.memory_space<vmem>>, vector<8x2048xf32>
      tpu.vector_store %arg4[%swap3A_493, %swap3A_494], %add3A_492 {strides = array<i32>} : memref<8x2048xf32, #tpu.memory_space<vmem>>, vector<8x2048xf32>,
      %get3A_496 = arith.constant 168 : index
      %get3A_497 = arith.constant 0 : index
      %get3A_498 = vector.load %arg1[%get3A_496, %get3A_497] : memref<1024x2048xf32, #tpu.memory_space<vmem>>, vector<8x2048xf32>
      %add3A_499 = arith.constant 168 : i32
      %add3A_500 = arith.addi %mul3A_18, %add3A_499 : i32
      %iota3A_501 = tpu.iota {dimensions = array<i32: 0>} : vector<8x2048xi32>
      %add3A_502 = vector.broadcast %add3A_500 : i32 to vector<8x2048xi32>
      %add3A_503 = arith.addi %add3A_502, %iota3A_501 : vector<8x2048xi32>
      %eq3A_504 = vector.broadcast %get3A_1 : vector<1x2048xi32> to vector<8x2048xi32>
      %eq3A_505 = arith.cmpi eq, %add3A_503, %eq3A_504 : vector<8x2048xi32>
      %jit3A_506 = arith.constant -0.899999976 : f32
      %jit3A_507 = arith.constant -1.000020e-06 : f32
      %broadcast_in_dim3A_508 = vector.broadcast %jit3A_506 : f32 to vector<8x2048xf32>
      %broadcast_in_dim3A_509 = vector.broadcast %jit3A_507 : f32 to vector<8x2048xf32>
      %select_n3A_510 = arith.select %eq3A_505, %broadcast_in_dim3A_508, %broadcast_in_dim3A_509 : vector<8x2048xi1>, vector<8x2048xf32>
      %get3A_511 = arith.constant 0 : index
      %get3A_512 = arith.constant 0 : index
      %get3A_513 = vector.load %arg4[%get3A_511, %get3A_512] : memref<8x2048xf32, #tpu.memory_space<vmem>>, vector<8x2048xf32>
      %mul3A_514 = arith.mulf %select_n3A_510, %get3A_498 : vector<8x2048xf32>
      %add3A_515 = arith.addf %get3A_513, %mul3A_514 : vector<8x2048xf32>
      %swap3A_516 = arith.constant 0 : index
      %swap3A_517 = arith.constant 0 : index
      %swap3A_518 = vector.load %arg4[%swap3A_516, %swap3A_517] : memref<8x2048xf32, #tpu.memory_space<vmem>>, vector<8x2048xf32>
      tpu.vector_store %arg4[%swap3A_516, %swap3A_517], %add3A_515 {strides = array<i32>} : memref<8x2048xf32, #tpu.memory_space<vmem>>, vector<8x2048xf32>,
      %get3A_519 = arith.constant 176 : index
      %get3A_520 = arith.constant 0 : index
      %get3A_521 = vector.load %arg1[%get3A_519, %get3A_520] : memref<1024x2048xf32, #tpu.memory_space<vmem>>, vector<8x2048xf32>
      %add3A_522 = arith.constant 176 : i32
      %add3A_523 = arith.addi %mul3A_18, %add3A_522 : i32
      %iota3A_524 = tpu.iota {dimensions = array<i32: 0>} : vector<8x2048xi32>
      %add3A_525 = vector.broadcast %add3A_523 : i32 to vector<8x2048xi32>
      %add3A_526 = arith.addi %add3A_525, %iota3A_524 : vector<8x2048xi32>
      %eq3A_527 = vector.broadcast %get3A_1 : vector<1x2048xi32> to vector<8x2048xi32>
      %eq3A_528 = arith.cmpi eq, %add3A_526, %eq3A_527 : vector<8x2048xi32>
      %jit3A_529 = arith.constant -0.899999976 : f32
      %jit3A_530 = arith.constant -1.000020e-06 : f32
      %broadcast_in_dim3A_531 = vector.broadcast %jit3A_529 : f32 to vector<8x2048xf32>
      %broadcast_in_dim3A_532 = vector.broadcast %jit3A_530 : f32 to vector<8x2048xf32>
      %select_n3A_533 = arith.select %eq3A_528, %broadcast_in_dim3A_531, %broadcast_in_dim3A_532 : vector<8x2048xi1>, vector<8x2048xf32>
      %get3A_534 = arith.constant 0 : index
      %get3A_535 = arith.constant 0 : index
      %get3A_536 = vector.load %arg4[%get3A_534, %get3A_535] : memref<8x2048xf32, #tpu.memory_space<vmem>>, vector<8x2048xf32>
      %mul3A_537 = arith.mulf %select_n3A_533, %get3A_521 : vector<8x2048xf32>
      %add3A_538 = arith.addf %get3A_536, %mul3A_537 : vector<8x2048xf32>
      %swap3A_539 = arith.constant 0 : index
      %swap3A_540 = arith.constant 0 : index
      %swap3A_541 = vector.load %arg4[%swap3A_539, %swap3A_540] : memref<8x2048xf32, #tpu.memory_space<vmem>>, vector<8x2048xf32>
      tpu.vector_store %arg4[%swap3A_539, %swap3A_540], %add3A_538 {strides = array<i32>} : memref<8x2048xf32, #tpu.memory_space<vmem>>, vector<8x2048xf32>,
      %get3A_542 = arith.constant 184 : index
      %get3A_543 = arith.constant 0 : index
      %get3A_544 = vector.load %arg1[%get3A_542, %get3A_543] : memref<1024x2048xf32, #tpu.memory_space<vmem>>, vector<8x2048xf32>
      %add3A_545 = arith.constant 184 : i32
      %add3A_546 = arith.addi %mul3A_18, %add3A_545 : i32
      %iota3A_547 = tpu.iota {dimensions = array<i32: 0>} : vector<8x2048xi32>
      %add3A_548 = vector.broadcast %add3A_546 : i32 to vector<8x2048xi32>
      %add3A_549 = arith.addi %add3A_548, %iota3A_547 : vector<8x2048xi32>
      %eq3A_550 = vector.broadcast %get3A_1 : vector<1x2048xi32> to vector<8x2048xi32>
      %eq3A_551 = arith.cmpi eq, %add3A_549, %eq3A_550 : vector<8x2048xi32>
      %jit3A_552 = arith.constant -0.899999976 : f32
      %jit3A_553 = arith.constant -1.000020e-06 : f32
      %broadcast_in_dim3A_554 = vector.broadcast %jit3A_552 : f32 to vector<8x2048xf32>
      %broadcast_in_dim3A_555 = vector.broadcast %jit3A_553 : f32 to vector<8x2048xf32>
      %select_n3A_556 = arith.select %eq3A_551, %broadcast_in_dim3A_554, %broadcast_in_dim3A_555 : vector<8x2048xi1>, vector<8x2048xf32>
      %get3A_557 = arith.constant 0 : index
      %get3A_558 = arith.constant 0 : index
      %get3A_559 = vector.load %arg4[%get3A_557, %get3A_558] : memref<8x2048xf32, #tpu.memory_space<vmem>>, vector<8x2048xf32>
      %mul3A_560 = arith.mulf %select_n3A_556, %get3A_544 : vector<8x2048xf32>
      %add3A_561 = arith.addf %get3A_559, %mul3A_560 : vector<8x2048xf32>
      %swap3A_562 = arith.constant 0 : index
      %swap3A_563 = arith.constant 0 : index
      %swap3A_564 = vector.load %arg4[%swap3A_562, %swap3A_563] : memref<8x2048xf32, #tpu.memory_space<vmem>>, vector<8x2048xf32>
      tpu.vector_store %arg4[%swap3A_562, %swap3A_563], %add3A_561 {strides = array<i32>} : memref<8x2048xf32, #tpu.memory_space<vmem>>, vector<8x2048xf32>,
      %get3A_565 = arith.constant 192 : index
      %get3A_566 = arith.constant 0 : index
      %get3A_567 = vector.load %arg1[%get3A_565, %get3A_566] : memref<1024x2048xf32, #tpu.memory_space<vmem>>, vector<8x2048xf32>
      %add3A_568 = arith.constant 192 : i32
      %add3A_569 = arith.addi %mul3A_18, %add3A_568 : i32
      %iota3A_570 = tpu.iota {dimensions = array<i32: 0>} : vector<8x2048xi32>
      %add3A_571 = vector.broadcast %add3A_569 : i32 to vector<8x2048xi32>
      %add3A_572 = arith.addi %add3A_571, %iota3A_570 : vector<8x2048xi32>
      %eq3A_573 = vector.broadcast %get3A_1 : vector<1x2048xi32> to vector<8x2048xi32>
      %eq3A_574 = arith.cmpi eq, %add3A_572, %eq3A_573 : vector<8x2048xi32>
      %jit3A_575 = arith.constant -0.899999976 : f32
      %jit3A_576 = arith.constant -1.000020e-06 : f32
      %broadcast_in_dim3A_577 = vector.broadcast %jit3A_575 : f32 to vector<8x2048xf32>
      %broadcast_in_dim3A_578 = vector.broadcast %jit3A_576 : f32 to vector<8x2048xf32>
      %select_n3A_579 = arith.select %eq3A_574, %broadcast_in_dim3A_577, %broadcast_in_dim3A_578 : vector<8x2048xi1>, vector<8x2048xf32>
      %get3A_580 = arith.constant 0 : index
      %get3A_581 = arith.constant 0 : index
      %get3A_582 = vector.load %arg4[%get3A_580, %get3A_581] : memref<8x2048xf32, #tpu.memory_space<vmem>>, vector<8x2048xf32>
      %mul3A_583 = arith.mulf %select_n3A_579, %get3A_567 : vector<8x2048xf32>
      %add3A_584 = arith.addf %get3A_582, %mul3A_583 : vector<8x2048xf32>
      %swap3A_585 = arith.constant 0 : index
      %swap3A_586 = arith.constant 0 : index
      %swap3A_587 = vector.load %arg4[%swap3A_585, %swap3A_586] : memref<8x2048xf32, #tpu.memory_space<vmem>>, vector<8x2048xf32>
      tpu.vector_store %arg4[%swap3A_585, %swap3A_586], %add3A_584 {strides = array<i32>} : memref<8x2048xf32, #tpu.memory_space<vmem>>, vector<8x2048xf32>,
      %get3A_588 = arith.constant 200 : index
      %get3A_589 = arith.constant 0 : index
      %get3A_590 = vector.load %arg1[%get3A_588, %get3A_589] : memref<1024x2048xf32, #tpu.memory_space<vmem>>, vector<8x2048xf32>
      %add3A_591 = arith.constant 200 : i32
      %add3A_592 = arith.addi %mul3A_18, %add3A_591 : i32
      %iota3A_593 = tpu.iota {dimensions = array<i32: 0>} : vector<8x2048xi32>
      %add3A_594 = vector.broadcast %add3A_592 : i32 to vector<8x2048xi32>
      %add3A_595 = arith.addi %add3A_594, %iota3A_593 : vector<8x2048xi32>
      %eq3A_596 = vector.broadcast %get3A_1 : vector<1x2048xi32> to vector<8x2048xi32>
      %eq3A_597 = arith.cmpi eq, %add3A_595, %eq3A_596 : vector<8x2048xi32>
      %jit3A_598 = arith.constant -0.899999976 : f32
      %jit3A_599 = arith.constant -1.000020e-06 : f32
      %broadcast_in_dim3A_600 = vector.broadcast %jit3A_598 : f32 to vector<8x2048xf32>
      %broadcast_in_dim3A_601 = vector.broadcast %jit3A_599 : f32 to vector<8x2048xf32>
      %select_n3A_602 = arith.select %eq3A_597, %broadcast_in_dim3A_600, %broadcast_in_dim3A_601 : vector<8x2048xi1>, vector<8x2048xf32>
      %get3A_603 = arith.constant 0 : index
      %get3A_604 = arith.constant 0 : index
      %get3A_605 = vector.load %arg4[%get3A_603, %get3A_604] : memref<8x2048xf32, #tpu.memory_space<vmem>>, vector<8x2048xf32>
      %mul3A_606 = arith.mulf %select_n3A_602, %get3A_590 : vector<8x2048xf32>
      %add3A_607 = arith.addf %get3A_605, %mul3A_606 : vector<8x2048xf32>
      %swap3A_608 = arith.constant 0 : index
      %swap3A_609 = arith.constant 0 : index
      %swap3A_610 = vector.load %arg4[%swap3A_608, %swap3A_609] : memref<8x2048xf32, #tpu.memory_space<vmem>>, vector<8x2048xf32>
      tpu.vector_store %arg4[%swap3A_608, %swap3A_609], %add3A_607 {strides = array<i32>} : memref<8x2048xf32, #tpu.memory_space<vmem>>, vector<8x2048xf32>,
      %get3A_611 = arith.constant 208 : index
      %get3A_612 = arith.constant 0 : index
      %get3A_613 = vector.load %arg1[%get3A_611, %get3A_612] : memref<1024x2048xf32, #tpu.memory_space<vmem>>, vector<8x2048xf32>
      %add3A_614 = arith.constant 208 : i32
      %add3A_615 = arith.addi %mul3A_18, %add3A_614 : i32
      %iota3A_616 = tpu.iota {dimensions = array<i32: 0>} : vector<8x2048xi32>
      %add3A_617 = vector.broadcast %add3A_615 : i32 to vector<8x2048xi32>
      %add3A_618 = arith.addi %add3A_617, %iota3A_616 : vector<8x2048xi32>
      %eq3A_619 = vector.broadcast %get3A_1 : vector<1x2048xi32> to vector<8x2048xi32>
      %eq3A_620 = arith.cmpi eq, %add3A_618, %eq3A_619 : vector<8x2048xi32>
      %jit3A_621 = arith.constant -0.899999976 : f32
      %jit3A_622 = arith.constant -1.000020e-06 : f32
      %broadcast_in_dim3A_623 = vector.broadcast %jit3A_621 : f32 to vector<8x2048xf32>
      %broadcast_in_dim3A_624 = vector.broadcast %jit3A_622 : f32 to vector<8x2048xf32>
      %select_n3A_625 = arith.select %eq3A_620, %broadcast_in_dim3A_623, %broadcast_in_dim3A_624 : vector<8x2048xi1>, vector<8x2048xf32>
      %get3A_626 = arith.constant 0 : index
      %get3A_627 = arith.constant 0 : index
      %get3A_628 = vector.load %arg4[%get3A_626, %get3A_627] : memref<8x2048xf32, #tpu.memory_space<vmem>>, vector<8x2048xf32>
      %mul3A_629 = arith.mulf %select_n3A_625, %get3A_613 : vector<8x2048xf32>
      %add3A_630 = arith.addf %get3A_628, %mul3A_629 : vector<8x2048xf32>
      %swap3A_631 = arith.constant 0 : index
      %swap3A_632 = arith.constant 0 : index
      %swap3A_633 = vector.load %arg4[%swap3A_631, %swap3A_632] : memref<8x2048xf32, #tpu.memory_space<vmem>>, vector<8x2048xf32>
      tpu.vector_store %arg4[%swap3A_631, %swap3A_632], %add3A_630 {strides = array<i32>} : memref<8x2048xf32, #tpu.memory_space<vmem>>, vector<8x2048xf32>,
      %get3A_634 = arith.constant 216 : index
      %get3A_635 = arith.constant 0 : index
      %get3A_636 = vector.load %arg1[%get3A_634, %get3A_635] : memref<1024x2048xf32, #tpu.memory_space<vmem>>, vector<8x2048xf32>
      %add3A_637 = arith.constant 216 : i32
      %add3A_638 = arith.addi %mul3A_18, %add3A_637 : i32
      %iota3A_639 = tpu.iota {dimensions = array<i32: 0>} : vector<8x2048xi32>
      %add3A_640 = vector.broadcast %add3A_638 : i32 to vector<8x2048xi32>
      %add3A_641 = arith.addi %add3A_640, %iota3A_639 : vector<8x2048xi32>
      %eq3A_642 = vector.broadcast %get3A_1 : vector<1x2048xi32> to vector<8x2048xi32>
      %eq3A_643 = arith.cmpi eq, %add3A_641, %eq3A_642 : vector<8x2048xi32>
      %jit3A_644 = arith.constant -0.899999976 : f32
      %jit3A_645 = arith.constant -1.000020e-06 : f32
      %broadcast_in_dim3A_646 = vector.broadcast %jit3A_644 : f32 to vector<8x2048xf32>
      %broadcast_in_dim3A_647 = vector.broadcast %jit3A_645 : f32 to vector<8x2048xf32>
      %select_n3A_648 = arith.select %eq3A_643, %broadcast_in_dim3A_646, %broadcast_in_dim3A_647 : vector<8x2048xi1>, vector<8x2048xf32>
      %get3A_649 = arith.constant 0 : index
      %get3A_650 = arith.constant 0 : index
      %get3A_651 = vector.load %arg4[%get3A_649, %get3A_650] : memref<8x2048xf32, #tpu.memory_space<vmem>>, vector<8x2048xf32>
      %mul3A_652 = arith.mulf %select_n3A_648, %get3A_636 : vector<8x2048xf32>
      %add3A_653 = arith.addf %get3A_651, %mul3A_652 : vector<8x2048xf32>
      %swap3A_654 = arith.constant 0 : index
      %swap3A_655 = arith.constant 0 : index
      %swap3A_656 = vector.load %arg4[%swap3A_654, %swap3A_655] : memref<8x2048xf32, #tpu.memory_space<vmem>>, vector<8x2048xf32>
      tpu.vector_store %arg4[%swap3A_654, %swap3A_655], %add3A_653 {strides = array<i32>} : memref<8x2048xf32, #tpu.memory_space<vmem>>, vector<8x2048xf32>,
      %get3A_657 = arith.constant 224 : index
      %get3A_658 = arith.constant 0 : index
      %get3A_659 = vector.load %arg1[%get3A_657, %get3A_658] : memref<1024x2048xf32, #tpu.memory_space<vmem>>, vector<8x2048xf32>
      %add3A_660 = arith.constant 224 : i32
      %add3A_661 = arith.addi %mul3A_18, %add3A_660 : i32
      %iota3A_662 = tpu.iota {dimensions = array<i32: 0>} : vector<8x2048xi32>
      %add3A_663 = vector.broadcast %add3A_661 : i32 to vector<8x2048xi32>
      %add3A_664 = arith.addi %add3A_663, %iota3A_662 : vector<8x2048xi32>
      %eq3A_665 = vector.broadcast %get3A_1 : vector<1x2048xi32> to vector<8x2048xi32>
      %eq3A_666 = arith.cmpi eq, %add3A_664, %eq3A_665 : vector<8x2048xi32>
      %jit3A_667 = arith.constant -0.899999976 : f32
      %jit3A_668 = arith.constant -1.000020e-06 : f32
      %broadcast_in_dim3A_669 = vector.broadcast %jit3A_667 : f32 to vector<8x2048xf32>
      %broadcast_in_dim3A_670 = vector.broadcast %jit3A_668 : f32 to vector<8x2048xf32>
      %select_n3A_671 = arith.select %eq3A_666, %broadcast_in_dim3A_669, %broadcast_in_dim3A_670 : vector<8x2048xi1>, vector<8x2048xf32>
      %get3A_672 = arith.constant 0 : index
      %get3A_673 = arith.constant 0 : index
      %get3A_674 = vector.load %arg4[%get3A_672, %get3A_673] : memref<8x2048xf32, #tpu.memory_space<vmem>>, vector<8x2048xf32>
      %mul3A_675 = arith.mulf %select_n3A_671, %get3A_659 : vector<8x2048xf32>
      %add3A_676 = arith.addf %get3A_674, %mul3A_675 : vector<8x2048xf32>
      %swap3A_677 = arith.constant 0 : index
      %swap3A_678 = arith.constant 0 : index
      %swap3A_679 = vector.load %arg4[%swap3A_677, %swap3A_678] : memref<8x2048xf32, #tpu.memory_space<vmem>>, vector<8x2048xf32>
      tpu.vector_store %arg4[%swap3A_677, %swap3A_678], %add3A_676 {strides = array<i32>} : memref<8x2048xf32, #tpu.memory_space<vmem>>, vector<8x2048xf32>,
      %get3A_680 = arith.constant 232 : index
      %get3A_681 = arith.constant 0 : index
      %get3A_682 = vector.load %arg1[%get3A_680, %get3A_681] : memref<1024x2048xf32, #tpu.memory_space<vmem>>, vector<8x2048xf32>
      %add3A_683 = arith.constant 232 : i32
      %add3A_684 = arith.addi %mul3A_18, %add3A_683 : i32
      %iota3A_685 = tpu.iota {dimensions = array<i32: 0>} : vector<8x2048xi32>
      %add3A_686 = vector.broadcast %add3A_684 : i32 to vector<8x2048xi32>
      %add3A_687 = arith.addi %add3A_686, %iota3A_685 : vector<8x2048xi32>
      %eq3A_688 = vector.broadcast %get3A_1 : vector<1x2048xi32> to vector<8x2048xi32>
      %eq3A_689 = arith.cmpi eq, %add3A_687, %eq3A_688 : vector<8x2048xi32>
      %jit3A_690 = arith.constant -0.899999976 : f32
      %jit3A_691 = arith.constant -1.000020e-06 : f32
      %broadcast_in_dim3A_692 = vector.broadcast %jit3A_690 : f32 to vector<8x2048xf32>
      %broadcast_in_dim3A_693 = vector.broadcast %jit3A_691 : f32 to vector<8x2048xf32>
      %select_n3A_694 = arith.select %eq3A_689, %broadcast_in_dim3A_692, %broadcast_in_dim3A_693 : vector<8x2048xi1>, vector<8x2048xf32>
      %get3A_695 = arith.constant 0 : index
      %get3A_696 = arith.constant 0 : index
      %get3A_697 = vector.load %arg4[%get3A_695, %get3A_696] : memref<8x2048xf32, #tpu.memory_space<vmem>>, vector<8x2048xf32>
      %mul3A_698 = arith.mulf %select_n3A_694, %get3A_682 : vector<8x2048xf32>
      %add3A_699 = arith.addf %get3A_697, %mul3A_698 : vector<8x2048xf32>
      %swap3A_700 = arith.constant 0 : index
      %swap3A_701 = arith.constant 0 : index
      %swap3A_702 = vector.load %arg4[%swap3A_700, %swap3A_701] : memref<8x2048xf32, #tpu.memory_space<vmem>>, vector<8x2048xf32>
      tpu.vector_store %arg4[%swap3A_700, %swap3A_701], %add3A_699 {strides = array<i32>} : memref<8x2048xf32, #tpu.memory_space<vmem>>, vector<8x2048xf32>,
      %get3A_703 = arith.constant 240 : index
      %get3A_704 = arith.constant 0 : index
      %get3A_705 = vector.load %arg1[%get3A_703, %get3A_704] : memref<1024x2048xf32, #tpu.memory_space<vmem>>, vector<8x2048xf32>
      %add3A_706 = arith.constant 240 : i32
      %add3A_707 = arith.addi %mul3A_18, %add3A_706 : i32
      %iota3A_708 = tpu.iota {dimensions = array<i32: 0>} : vector<8x2048xi32>
      %add3A_709 = vector.broadcast %add3A_707 : i32 to vector<8x2048xi32>
      %add3A_710 = arith.addi %add3A_709, %iota3A_708 : vector<8x2048xi32>
      %eq3A_711 = vector.broadcast %get3A_1 : vector<1x2048xi32> to vector<8x2048xi32>
      %eq3A_712 = arith.cmpi eq, %add3A_710, %eq3A_711 : vector<8x2048xi32>
      %jit3A_713 = arith.constant -0.899999976 : f32
      %jit3A_714 = arith.constant -1.000020e-06 : f32
      %broadcast_in_dim3A_715 = vector.broadcast %jit3A_713 : f32 to vector<8x2048xf32>
      %broadcast_in_dim3A_716 = vector.broadcast %jit3A_714 : f32 to vector<8x2048xf32>
      %select_n3A_717 = arith.select %eq3A_712, %broadcast_in_dim3A_715, %broadcast_in_dim3A_716 : vector<8x2048xi1>, vector<8x2048xf32>
      %get3A_718 = arith.constant 0 : index
      %get3A_719 = arith.constant 0 : index
      %get3A_720 = vector.load %arg4[%get3A_718, %get3A_719] : memref<8x2048xf32, #tpu.memory_space<vmem>>, vector<8x2048xf32>
      %mul3A_721 = arith.mulf %select_n3A_717, %get3A_705 : vector<8x2048xf32>
      %add3A_722 = arith.addf %get3A_720, %mul3A_721 : vector<8x2048xf32>
      %swap3A_723 = arith.constant 0 : index
      %swap3A_724 = arith.constant 0 : index
      %swap3A_725 = vector.load %arg4[%swap3A_723, %swap3A_724] : memref<8x2048xf32, #tpu.memory_space<vmem>>, vector<8x2048xf32>
      tpu.vector_store %arg4[%swap3A_723, %swap3A_724], %add3A_722 {strides = array<i32>} : memref<8x2048xf32, #tpu.memory_space<vmem>>, vector<8x2048xf32>,
      %get3A_726 = arith.constant 248 : index
      %get3A_727 = arith.constant 0 : index
      %get3A_728 = vector.load %arg1[%get3A_726, %get3A_727] : memref<1024x2048xf32, #tpu.memory_space<vmem>>, vector<8x2048xf32>
      %add3A_729 = arith.constant 248 : i32
      %add3A_730 = arith.addi %mul3A_18, %add3A_729 : i32
      %iota3A_731 = tpu.iota {dimensions = array<i32: 0>} : vector<8x2048xi32>
      %add3A_732 = vector.broadcast %add3A_730 : i32 to vector<8x2048xi32>
      %add3A_733 = arith.addi %add3A_732, %iota3A_731 : vector<8x2048xi32>
      %eq3A_734 = vector.broadcast %get3A_1 : vector<1x2048xi32> to vector<8x2048xi32>
      %eq3A_735 = arith.cmpi eq, %add3A_733, %eq3A_734 : vector<8x2048xi32>
      %jit3A_736 = arith.constant -0.899999976 : f32
      %jit3A_737 = arith.constant -1.000020e-06 : f32
      %broadcast_in_dim3A_738 = vector.broadcast %jit3A_736 : f32 to vector<8x2048xf32>
      %broadcast_in_dim3A_739 = vector.broadcast %jit3A_737 : f32 to vector<8x2048xf32>
      %select_n3A_740 = arith.select %eq3A_735, %broadcast_in_dim3A_738, %broadcast_in_dim3A_739 : vector<8x2048xi1>, vector<8x2048xf32>
      %get3A_741 = arith.constant 0 : index
      %get3A_742 = arith.constant 0 : index
      %get3A_743 = vector.load %arg4[%get3A_741, %get3A_742] : memref<8x2048xf32, #tpu.memory_space<vmem>>, vector<8x2048xf32>
      %mul3A_744 = arith.mulf %select_n3A_740, %get3A_728 : vector<8x2048xf32>
      %add3A_745 = arith.addf %get3A_743, %mul3A_744 : vector<8x2048xf32>
      %swap3A_746 = arith.constant 0 : index
      %swap3A_747 = arith.constant 0 : index
      %swap3A_748 = vector.load %arg4[%swap3A_746, %swap3A_747] : memref<8x2048xf32, #tpu.memory_space<vmem>>, vector<8x2048xf32>
      tpu.vector_store %arg4[%swap3A_746, %swap3A_747], %add3A_745 {strides = array<i32>} : memref<8x2048xf32, #tpu.memory_space<vmem>>, vector<8x2048xf32>,
      %get3A_749 = arith.constant 256 : index
      %get3A_750 = arith.constant 0 : index
      %get3A_751 = vector.load %arg1[%get3A_749, %get3A_750] : memref<1024x2048xf32, #tpu.memory_space<vmem>>, vector<8x2048xf32>
      %add3A_752 = arith.constant 256 : i32
      %add3A_753 = arith.addi %mul3A_18, %add3A_752 : i32
      %iota3A_754 = tpu.iota {dimensions = array<i32: 0>} : vector<8x2048xi32>
      %add3A_755 = vector.broadcast %add3A_753 : i32 to vector<8x2048xi32>
      %add3A_756 = arith.addi %add3A_755, %iota3A_754 : vector<8x2048xi32>
      %eq3A_757 = vector.broadcast %get3A_1 : vector<1x2048xi32> to vector<8x2048xi32>
      %eq3A_758 = arith.cmpi eq, %add3A_756, %eq3A_757 : vector<8x2048xi32>
      %jit3A_759 = arith.constant -0.899999976 : f32
      %jit3A_760 = arith.constant -1.000020e-06 : f32
      %broadcast_in_dim3A_761 = vector.broadcast %jit3A_759 : f32 to vector<8x2048xf32>
      %broadcast_in_dim3A_762 = vector.broadcast %jit3A_760 : f32 to vector<8x2048xf32>
      %select_n3A_763 = arith.select %eq3A_758, %broadcast_in_dim3A_761, %broadcast_in_dim3A_762 : vector<8x2048xi1>, vector<8x2048xf32>
      %get3A_764 = arith.constant 0 : index
      %get3A_765 = arith.constant 0 : index
      %get3A_766 = vector.load %arg4[%get3A_764, %get3A_765] : memref<8x2048xf32, #tpu.memory_space<vmem>>, vector<8x2048xf32>
      %mul3A_767 = arith.mulf %select_n3A_763, %get3A_751 : vector<8x2048xf32>
      %add3A_768 = arith.addf %get3A_766, %mul3A_767 : vector<8x2048xf32>
      %swap3A_769 = arith.constant 0 : index
      %swap3A_770 = arith.constant 0 : index
      %swap3A_771 = vector.load %arg4[%swap3A_769, %swap3A_770] : memref<8x2048xf32, #tpu.memory_space<vmem>>, vector<8x2048xf32>
      tpu.vector_store %arg4[%swap3A_769, %swap3A_770], %add3A_768 {strides = array<i32>} : memref<8x2048xf32, #tpu.memory_space<vmem>>, vector<8x2048xf32>,
      %get3A_772 = arith.constant 264 : index
      %get3A_773 = arith.constant 0 : index
      %get3A_774 = vector.load %arg1[%get3A_772, %get3A_773] : memref<1024x2048xf32, #tpu.memory_space<vmem>>, vector<8x2048xf32>
      %add3A_775 = arith.constant 264 : i32
      %add3A_776 = arith.addi %mul3A_18, %add3A_775 : i32
      %iota3A_777 = tpu.iota {dimensions = array<i32: 0>} : vector<8x2048xi32>
      %add3A_778 = vector.broadcast %add3A_776 : i32 to vector<8x2048xi32>
      %add3A_779 = arith.addi %add3A_778, %iota3A_777 : vector<8x2048xi32>
      %eq3A_780 = vector.broadcast %get3A_1 : vector<1x2048xi32> to vector<8x2048xi32>
      %eq3A_781 = arith.cmpi eq, %add3A_779, %eq3A_780 : vector<8x2048xi32>
      %jit3A_782 = arith.constant -0.899999976 : f32
      %jit3A_783 = arith.constant -1.000020e-06 : f32
      %broadcast_in_dim3A_784 = vector.broadcast %jit3A_782 : f32 to vector<8x2048xf32>
      %broadcast_in_dim3A_785 = vector.broadcast %jit3A_783 : f32 to vector<8x2048xf32>
      %select_n3A_786 = arith.select %eq3A_781, %broadcast_in_dim3A_784, %broadcast_in_dim3A_785 : vector<8x2048xi1>, vector<8x2048xf32>
      %get3A_787 = arith.constant 0 : index
      %get3A_788 = arith.constant 0 : index
      %get3A_789 = vector.load %arg4[%get3A_787, %get3A_788] : memref<8x2048xf32, #tpu.memory_space<vmem>>, vector<8x2048xf32>
      %mul3A_790 = arith.mulf %select_n3A_786, %get3A_774 : vector<8x2048xf32>
      %add3A_791 = arith.addf %get3A_789, %mul3A_790 : vector<8x2048xf32>
      %swap3A_792 = arith.constant 0 : index
      %swap3A_793 = arith.constant 0 : index
      %swap3A_794 = vector.load %arg4[%swap3A_792, %swap3A_793] : memref<8x2048xf32, #tpu.memory_space<vmem>>, vector<8x2048xf32>
      tpu.vector_store %arg4[%swap3A_792, %swap3A_793], %add3A_791 {strides = array<i32>} : memref<8x2048xf32, #tpu.memory_space<vmem>>, vector<8x2048xf32>,
      %get3A_795 = arith.constant 272 : index
      %get3A_796 = arith.constant 0 : index
      %get3A_797 = vector.load %arg1[%get3A_795, %get3A_796] : memref<1024x2048xf32, #tpu.memory_space<vmem>>, vector<8x2048xf32>
      %add3A_798 = arith.constant 272 : i32
      %add3A_799 = arith.addi %mul3A_18, %add3A_798 : i32
      %iota3A_800 = tpu.iota {dimensions = array<i32: 0>} : vector<8x2048xi32>
      %add3A_801 = vector.broadcast %add3A_799 : i32 to vector<8x2048xi32>
      %add3A_802 = arith.addi %add3A_801, %iota3A_800 : vector<8x2048xi32>
      %eq3A_803 = vector.broadcast %get3A_1 : vector<1x2048xi32> to vector<8x2048xi32>
      %eq3A_804 = arith.cmpi eq, %add3A_802, %eq3A_803 : vector<8x2048xi32>
      %jit3A_805 = arith.constant -0.899999976 : f32
      %jit3A_806 = arith.constant -1.000020e-06 : f32
      %broadcast_in_dim3A_807 = vector.broadcast %jit3A_805 : f32 to vector<8x2048xf32>
      %broadcast_in_dim3A_808 = vector.broadcast %jit3A_806 : f32 to vector<8x2048xf32>
      %select_n3A_809 = arith.select %eq3A_804, %broadcast_in_dim3A_807, %broadcast_in_dim3A_808 : vector<8x2048xi1>, vector<8x2048xf32>
      %get3A_810 = arith.constant 0 : index
      %get3A_811 = arith.constant 0 : index
      %get3A_812 = vector.load %arg4[%get3A_810, %get3A_811] : memref<8x2048xf32, #tpu.memory_space<vmem>>, vector<8x2048xf32>
      %mul3A_813 = arith.mulf %select_n3A_809, %get3A_797 : vector<8x2048xf32>
      %add3A_814 = arith.addf %get3A_812, %mul3A_813 : vector<8x2048xf32>
      %swap3A_815 = arith.constant 0 : index
      %swap3A_816 = arith.constant 0 : index
      %swap3A_817 = vector.load %arg4[%swap3A_815, %swap3A_816] : memref<8x2048xf32, #tpu.memory_space<vmem>>, vector<8x2048xf32>
      tpu.vector_store %arg4[%swap3A_815, %swap3A_816], %add3A_814 {strides = array<i32>} : memref<8x2048xf32, #tpu.memory_space<vmem>>, vector<8x2048xf32>,
      %get3A_818 = arith.constant 280 : index
      %get3A_819 = arith.constant 0 : index
      %get3A_820 = vector.load %arg1[%get3A_818, %get3A_819] : memref<1024x2048xf32, #tpu.memory_space<vmem>>, vector<8x2048xf32>
      %add3A_821 = arith.constant 280 : i32
      %add3A_822 = arith.addi %mul3A_18, %add3A_821 : i32
      %iota3A_823 = tpu.iota {dimensions = array<i32: 0>} : vector<8x2048xi32>
      %add3A_824 = vector.broadcast %add3A_822 : i32 to vector<8x2048xi32>
      %add3A_825 = arith.addi %add3A_824, %iota3A_823 : vector<8x2048xi32>
      %eq3A_826 = vector.broadcast %get3A_1 : vector<1x2048xi32> to vector<8x2048xi32>
      %eq3A_827 = arith.cmpi eq, %add3A_825, %eq3A_826 : vector<8x2048xi32>
      %jit3A_828 = arith.constant -0.899999976 : f32
      %jit3A_829 = arith.constant -1.000020e-06 : f32
      %broadcast_in_dim3A_830 = vector.broadcast %jit3A_828 : f32 to vector<8x2048xf32>
      %broadcast_in_dim3A_831 = vector.broadcast %jit3A_829 : f32 to vector<8x2048xf32>
      %select_n3A_832 = arith.select %eq3A_827, %broadcast_in_dim3A_830, %broadcast_in_dim3A_831 : vector<8x2048xi1>, vector<8x2048xf32>
      %get3A_833 = arith.constant 0 : index
      %get3A_834 = arith.constant 0 : index
      %get3A_835 = vector.load %arg4[%get3A_833, %get3A_834] : memref<8x2048xf32, #tpu.memory_space<vmem>>, vector<8x2048xf32>
      %mul3A_836 = arith.mulf %select_n3A_832, %get3A_820 : vector<8x2048xf32>
      %add3A_837 = arith.addf %get3A_835, %mul3A_836 : vector<8x2048xf32>
      %swap3A_838 = arith.constant 0 : index
      %swap3A_839 = arith.constant 0 : index
      %swap3A_840 = vector.load %arg4[%swap3A_838, %swap3A_839] : memref<8x2048xf32, #tpu.memory_space<vmem>>, vector<8x2048xf32>
      tpu.vector_store %arg4[%swap3A_838, %swap3A_839], %add3A_837 {strides = array<i32>} : memref<8x2048xf32, #tpu.memory_space<vmem>>, vector<8x2048xf32>,
      %get3A_841 = arith.constant 288 : index
      %get3A_842 = arith.constant 0 : index
      %get3A_843 = vector.load %arg1[%get3A_841, %get3A_842] : memref<1024x2048xf32, #tpu.memory_space<vmem>>, vector<8x2048xf32>
      %add3A_844 = arith.constant 288 : i32
      %add3A_845 = arith.addi %mul3A_18, %add3A_844 : i32
      %iota3A_846 = tpu.iota {dimensions = array<i32: 0>} : vector<8x2048xi32>
      %add3A_847 = vector.broadcast %add3A_845 : i32 to vector<8x2048xi32>
      %add3A_848 = arith.addi %add3A_847, %iota3A_846 : vector<8x2048xi32>
      %eq3A_849 = vector.broadcast %get3A_1 : vector<1x2048xi32> to vector<8x2048xi32>
      %eq3A_850 = arith.cmpi eq, %add3A_848, %eq3A_849 : vector<8x2048xi32>
      %jit3A_851 = arith.constant -0.899999976 : f32
      %jit3A_852 = arith.constant -1.000020e-06 : f32
      %broadcast_in_dim3A_853 = vector.broadcast %jit3A_851 : f32 to vector<8x2048xf32>
      %broadcast_in_dim3A_854 = vector.broadcast %jit3A_852 : f32 to vector<8x2048xf32>
      %select_n3A_855 = arith.select %eq3A_850, %broadcast_in_dim3A_853, %broadcast_in_dim3A_854 : vector<8x2048xi1>, vector<8x2048xf32>
      %get3A_856 = arith.constant 0 : index
      %get3A_857 = arith.constant 0 : index
      %get3A_858 = vector.load %arg4[%get3A_856, %get3A_857] : memref<8x2048xf32, #tpu.memory_space<vmem>>, vector<8x2048xf32>
      %mul3A_859 = arith.mulf %select_n3A_855, %get3A_843 : vector<8x2048xf32>
      %add3A_860 = arith.addf %get3A_858, %mul3A_859 : vector<8x2048xf32>
      %swap3A_861 = arith.constant 0 : index
      %swap3A_862 = arith.constant 0 : index
      %swap3A_863 = vector.load %arg4[%swap3A_861, %swap3A_862] : memref<8x2048xf32, #tpu.memory_space<vmem>>, vector<8x2048xf32>
      tpu.vector_store %arg4[%swap3A_861, %swap3A_862], %add3A_860 {strides = array<i32>} : memref<8x2048xf32, #tpu.memory_space<vmem>>, vector<8x2048xf32>,
      %get3A_864 = arith.constant 296 : index
      %get3A_865 = arith.constant 0 : index
      %get3A_866 = vector.load %arg1[%get3A_864, %get3A_865] : memref<1024x2048xf32, #tpu.memory_space<vmem>>, vector<8x2048xf32>
      %add3A_867 = arith.constant 296 : i32
      %add3A_868 = arith.addi %mul3A_18, %add3A_867 : i32
      %iota3A_869 = tpu.iota {dimensions = array<i32: 0>} : vector<8x2048xi32>
      %add3A_870 = vector.broadcast %add3A_868 : i32 to vector<8x2048xi32>
      %add3A_871 = arith.addi %add3A_870, %iota3A_869 : vector<8x2048xi32>
      %eq3A_872 = vector.broadcast %get3A_1 : vector<1x2048xi32> to vector<8x2048xi32>
      %eq3A_873 = arith.cmpi eq, %add3A_871, %eq3A_872 : vector<8x2048xi32>
      %jit3A_874 = arith.constant -0.899999976 : f32
      %jit3A_875 = arith.constant -1.000020e-06 : f32
      %broadcast_in_dim3A_876 = vector.broadcast %jit3A_874 : f32 to vector<8x2048xf32>
      %broadcast_in_dim3A_877 = vector.broadcast %jit3A_875 : f32 to vector<8x2048xf32>
      %select_n3A_878 = arith.select %eq3A_873, %broadcast_in_dim3A_876, %broadcast_in_dim3A_877 : vector<8x2048xi1>, vector<8x2048xf32>
      %get3A_879 = arith.constant 0 : index
      %get3A_880 = arith.constant 0 : index
      %get3A_881 = vector.load %arg4[%get3A_879, %get3A_880] : memref<8x2048xf32, #tpu.memory_space<vmem>>, vector<8x2048xf32>
      %mul3A_882 = arith.mulf %select_n3A_878, %get3A_866 : vector<8x2048xf32>
      %add3A_883 = arith.addf %get3A_881, %mul3A_882 : vector<8x2048xf32>
      %swap3A_884 = arith.constant 0 : index
      %swap3A_885 = arith.constant 0 : index
      %swap3A_886 = vector.load %arg4[%swap3A_884, %swap3A_885] : memref<8x2048xf32, #tpu.memory_space<vmem>>, vector<8x2048xf32>
      tpu.vector_store %arg4[%swap3A_884, %swap3A_885], %add3A_883 {strides = array<i32>} : memref<8x2048xf32, #tpu.memory_space<vmem>>, vector<8x2048xf32>,
      %get3A_887 = arith.constant 304 : index
      %get3A_888 = arith.constant 0 : index
      %get3A_889 = vector.load %arg1[%get3A_887, %get3A_888] : memref<1024x2048xf32, #tpu.memory_space<vmem>>, vector<8x2048xf32>
      %add3A_890 = arith.constant 304 : i32
      %add3A_891 = arith.addi %mul3A_18, %add3A_890 : i32
      %iota3A_892 = tpu.iota {dimensions = array<i32: 0>} : vector<8x2048xi32>
      %add3A_893 = vector.broadcast %add3A_891 : i32 to vector<8x2048xi32>
      %add3A_894 = arith.addi %add3A_893, %iota3A_892 : vector<8x2048xi32>
      %eq3A_895 = vector.broadcast %get3A_1 : vector<1x2048xi32> to vector<8x2048xi32>
      %eq3A_896 = arith.cmpi eq, %add3A_894, %eq3A_895 : vector<8x2048xi32>
      %jit3A_897 = arith.constant -0.899999976 : f32
      %jit3A_898 = arith.constant -1.000020e-06 : f32
      %broadcast_in_dim3A_899 = vector.broadcast %jit3A_897 : f32 to vector<8x2048xf32>
      %broadcast_in_dim3A_900 = vector.broadcast %jit3A_898 : f32 to vector<8x2048xf32>
      %select_n3A_901 = arith.select %eq3A_896, %broadcast_in_dim3A_899, %broadcast_in_dim3A_900 : vector<8x2048xi1>, vector<8x2048xf32>
      %get3A_902 = arith.constant 0 : index
      %get3A_903 = arith.constant 0 : index
      %get3A_904 = vector.load %arg4[%get3A_902, %get3A_903] : memref<8x2048xf32, #tpu.memory_space<vmem>>, vector<8x2048xf32>
      %mul3A_905 = arith.mulf %select_n3A_901, %get3A_889 : vector<8x2048xf32>
      %add3A_906 = arith.addf %get3A_904, %mul3A_905 : vector<8x2048xf32>
      %swap3A_907 = arith.constant 0 : index
      %swap3A_908 = arith.constant 0 : index
      %swap3A_909 = vector.load %arg4[%swap3A_907, %swap3A_908] : memref<8x2048xf32, #tpu.memory_space<vmem>>, vector<8x2048xf32>
      tpu.vector_store %arg4[%swap3A_907, %swap3A_908], %add3A_906 {strides = array<i32>} : memref<8x2048xf32, #tpu.memory_space<vmem>>, vector<8x2048xf32>,
      %get3A_910 = arith.constant 312 : index
      %get3A_911 = arith.constant 0 : index
      %get3A_912 = vector.load %arg1[%get3A_910, %get3A_911] : memref<1024x2048xf32, #tpu.memory_space<vmem>>, vector<8x2048xf32>
      %add3A_913 = arith.constant 312 : i32
      %add3A_914 = arith.addi %mul3A_18, %add3A_913 : i32
      %iota3A_915 = tpu.iota {dimensions = array<i32: 0>} : vector<8x2048xi32>
      %add3A_916 = vector.broadcast %add3A_914 : i32 to vector<8x2048xi32>
      %add3A_917 = arith.addi %add3A_916, %iota3A_915 : vector<8x2048xi32>
      %eq3A_918 = vector.broadcast %get3A_1 : vector<1x2048xi32> to vector<8x2048xi32>
      %eq3A_919 = arith.cmpi eq, %add3A_917, %eq3A_918 : vector<8x2048xi32>
      %jit3A_920 = arith.constant -0.899999976 : f32
      %jit3A_921 = arith.constant -1.000020e-06 : f32
      %broadcast_in_dim3A_922 = vector.broadcast %jit3A_920 : f32 to vector<8x2048xf32>
      %broadcast_in_dim3A_923 = vector.broadcast %jit3A_921 : f32 to vector<8x2048xf32>
      %select_n3A_924 = arith.select %eq3A_919, %broadcast_in_dim3A_922, %broadcast_in_dim3A_923 : vector<8x2048xi1>, vector<8x2048xf32>
      %get3A_925 = arith.constant 0 : index
      %get3A_926 = arith.constant 0 : index
      %get3A_927 = vector.load %arg4[%get3A_925, %get3A_926] : memref<8x2048xf32, #tpu.memory_space<vmem>>, vector<8x2048xf32>
      %mul3A_928 = arith.mulf %select_n3A_924, %get3A_912 : vector<8x2048xf32>
      %add3A_929 = arith.addf %get3A_927, %mul3A_928 : vector<8x2048xf32>
      %swap3A_930 = arith.constant 0 : index
      %swap3A_931 = arith.constant 0 : index
      %swap3A_932 = vector.load %arg4[%swap3A_930, %swap3A_931] : memref<8x2048xf32, #tpu.memory_space<vmem>>, vector<8x2048xf32>
      tpu.vector_store %arg4[%swap3A_930, %swap3A_931], %add3A_929 {strides = array<i32>} : memref<8x2048xf32, #tpu.memory_space<vmem>>, vector<8x2048xf32>,
      %get3A_933 = arith.constant 320 : index
      %get3A_934 = arith.constant 0 : index
      %get3A_935 = vector.load %arg1[%get3A_933, %get3A_934] : memref<1024x2048xf32, #tpu.memory_space<vmem>>, vector<8x2048xf32>
      %add3A_936 = arith.constant 320 : i32
      %add3A_937 = arith.addi %mul3A_18, %add3A_936 : i32
      %iota3A_938 = tpu.iota {dimensions = array<i32: 0>} : vector<8x2048xi32>
      %add3A_939 = vector.broadcast %add3A_937 : i32 to vector<8x2048xi32>
      %add3A_940 = arith.addi %add3A_939, %iota3A_938 : vector<8x2048xi32>
      %eq3A_941 = vector.broadcast %get3A_1 : vector<1x2048xi32> to vector<8x2048xi32>
      %eq3A_942 = arith.cmpi eq, %add3A_940, %eq3A_941 : vector<8x2048xi32>
      %jit3A_943 = arith.constant -0.899999976 : f32
      %jit3A_944 = arith.constant -1.000020e-06 : f32
      %broadcast_in_dim3A_945 = vector.broadcast %jit3A_943 : f32 to vector<8x2048xf32>
      %broadcast_in_dim3A_946 = vector.broadcast %jit3A_944 : f32 to vector<8x2048xf32>
      %select_n3A_947 = arith.select %eq3A_942, %broadcast_in_dim3A_945, %broadcast_in_dim3A_946 : vector<8x2048xi1>, vector<8x2048xf32>
      %get3A_948 = arith.constant 0 : index
      %get3A_949 = arith.constant 0 : index
      %get3A_950 = vector.load %arg4[%get3A_948, %get3A_949] : memref<8x2048xf32, #tpu.memory_space<vmem>>, vector<8x2048xf32>
      %mul3A_951 = arith.mulf %select_n3A_947, %get3A_935 : vector<8x2048xf32>
      %add3A_952 = arith.addf %get3A_950, %mul3A_951 : vector<8x2048xf32>
      %swap3A_953 = arith.constant 0 : index
      %swap3A_954 = arith.constant 0 : index
      %swap3A_955 = vector.load %arg4[%swap3A_953, %swap3A_954] : memref<8x2048xf32, #tpu.memory_space<vmem>>, vector<8x2048xf32>
      tpu.vector_store %arg4[%swap3A_953, %swap3A_954], %add3A_952 {strides = array<i32>} : memref<8x2048xf32, #tpu.memory_space<vmem>>, vector<8x2048xf32>,
      %get3A_956 = arith.constant 328 : index
      %get3A_957 = arith.constant 0 : index
      %get3A_958 = vector.load %arg1[%get3A_956, %get3A_957] : memref<1024x2048xf32, #tpu.memory_space<vmem>>, vector<8x2048xf32>
      %add3A_959 = arith.constant 328 : i32
      %add3A_960 = arith.addi %mul3A_18, %add3A_959 : i32
      %iota3A_961 = tpu.iota {dimensions = array<i32: 0>} : vector<8x2048xi32>
      %add3A_962 = vector.broadcast %add3A_960 : i32 to vector<8x2048xi32>
      %add3A_963 = arith.addi %add3A_962, %iota3A_961 : vector<8x2048xi32>
      %eq3A_964 = vector.broadcast %get3A_1 : vector<1x2048xi32> to vector<8x2048xi32>
      %eq3A_965 = arith.cmpi eq, %add3A_963, %eq3A_964 : vector<8x2048xi32>
      %jit3A_966 = arith.constant -0.899999976 : f32
      %jit3A_967 = arith.constant -1.000020e-06 : f32
      %broadcast_in_dim3A_968 = vector.broadcast %jit3A_966 : f32 to vector<8x2048xf32>
      %broadcast_in_dim3A_969 = vector.broadcast %jit3A_967 : f32 to vector<8x2048xf32>
      %select_n3A_970 = arith.select %eq3A_965, %broadcast_in_dim3A_968, %broadcast_in_dim3A_969 : vector<8x2048xi1>, vector<8x2048xf32>
      %get3A_971 = arith.constant 0 : index
      %get3A_972 = arith.constant 0 : index
      %get3A_973 = vector.load %arg4[%get3A_971, %get3A_972] : memref<8x2048xf32, #tpu.memory_space<vmem>>, vector<8x2048xf32>
      %mul3A_974 = arith.mulf %select_n3A_970, %get3A_958 : vector<8x2048xf32>
      %add3A_975 = arith.addf %get3A_973, %mul3A_974 : vector<8x2048xf32>
      %swap3A_976 = arith.constant 0 : index
      %swap3A_977 = arith.constant 0 : index
      %swap3A_978 = vector.load %arg4[%swap3A_976, %swap3A_977] : memref<8x2048xf32, #tpu.memory_space<vmem>>, vector<8x2048xf32>
      tpu.vector_store %arg4[%swap3A_976, %swap3A_977], %add3A_975 {strides = array<i32>} : memref<8x2048xf32, #tpu.memory_space<vmem>>, vector<8x2048xf32>,
      %get3A_979 = arith.constant 336 : index
      %get3A_980 = arith.constant 0 : index
      %get3A_981 = vector.load %arg1[%get3A_979, %get3A_980] : memref<1024x2048xf32, #tpu.memory_space<vmem>>, vector<8x2048xf32>
      %add3A_982 = arith.constant 336 : i32
      %add3A_983 = arith.addi %mul3A_18, %add3A_982 : i32
      %iota3A_984 = tpu.iota {dimensions = array<i32: 0>} : vector<8x2048xi32>
      %add3A_985 = vector.broadcast %add3A_983 : i32 to vector<8x2048xi32>
      %add3A_986 = arith.addi %add3A_985, %iota3A_984 : vector<8x2048xi32>
      %eq3A_987 = vector.broadcast %get3A_1 : vector<1x2048xi32> to vector<8x2048xi32>
      %eq3A_988 = arith.cmpi eq, %add3A_986, %eq3A_987 : vector<8x2048xi32>
      %jit3A_989 = arith.constant -0.899999976 : f32
      %jit3A_990 = arith.constant -1.000020e-06 : f32
      %broadcast_in_dim3A_991 = vector.broadcast %jit3A_989 : f32 to vector<8x2048xf32>
      %broadcast_in_dim3A_992 = vector.broadcast %jit3A_990 : f32 to vector<8x2048xf32>
      %select_n3A_993 = arith.select %eq3A_988, %broadcast_in_dim3A_991, %broadcast_in_dim3A_992 : vector<8x2048xi1>, vector<8x2048xf32>
      %get3A_994 = arith.constant 0 : index
      %get3A_995 = arith.constant 0 : index
      %get3A_996 = vector.load %arg4[%get3A_994, %get3A_995] : memref<8x2048xf32, #tpu.memory_space<vmem>>, vector<8x2048xf32>
      %mul3A_997 = arith.mulf %select_n3A_993, %get3A_981 : vector<8x2048xf32>
      %add3A_998 = arith.addf %get3A_996, %mul3A_997 : vector<8x2048xf32>
      %swap3A_999 = arith.constant 0 : index
      %swap3A_1000 = arith.constant 0 : index
      %swap3A_1001 = vector.load %arg4[%swap3A_999, %swap3A_1000] : memref<8x2048xf32, #tpu.memory_space<vmem>>, vector<8x2048xf32>
      tpu.vector_store %arg4[%swap3A_999, %swap3A_1000], %add3A_998 {strides = array<i32>} : memref<8x2048xf32, #tpu.memory_space<vmem>>, vector<8x2048xf32>,
      %get3A_1002 = arith.constant 344 : index
      %get3A_1003 = arith.constant 0 : index
      %get3A_1004 = vector.load %arg1[%get3A_1002, %get3A_1003] : memref<1024x2048xf32, #tpu.memory_space<vmem>>, vector<8x2048xf32>
      %add3A_1005 = arith.constant 344 : i32
      %add3A_1006 = arith.addi %mul3A_18, %add3A_1005 : i32
      %iota3A_1007 = tpu.iota {dimensions = array<i32: 0>} : vector<8x2048xi32>
      %add3A_1008 = vector.broadcast %add3A_1006 : i32 to vector<8x2048xi32>
      %add3A_1009 = arith.addi %add3A_1008, %iota3A_1007 : vector<8x2048xi32>
      %eq3A_1010 = vector.broadcast %get3A_1 : vector<1x2048xi32> to vector<8x2048xi32>
      %eq3A_1011 = arith.cmpi eq, %add3A_1009, %eq3A_1010 : vector<8x2048xi32>
      %jit3A_1012 = arith.constant -0.899999976 : f32
      %jit3A_1013 = arith.constant -1.000020e-06 : f32
      %broadcast_in_dim3A_1014 = vector.broadcast %jit3A_1012 : f32 to vector<8x2048xf32>
      %broadcast_in_dim3A_1015 = vector.broadcast %jit3A_1013 : f32 to vector<8x2048xf32>
      %select_n3A_1016 = arith.select %eq3A_1011, %broadcast_in_dim3A_1014, %broadcast_in_dim3A_1015 : vector<8x2048xi1>, vector<8x2048xf32>
      %get3A_1017 = arith.constant 0 : index
      %get3A_1018 = arith.constant 0 : index
      %get3A_1019 = vector.load %arg4[%get3A_1017, %get3A_1018] : memref<8x2048xf32, #tpu.memory_space<vmem>>, vector<8x2048xf32>
      %mul3A_1020 = arith.mulf %select_n3A_1016, %get3A_1004 : vector<8x2048xf32>
      %add3A_1021 = arith.addf %get3A_1019, %mul3A_1020 : vector<8x2048xf32>
      %swap3A_1022 = arith.constant 0 : index
      %swap3A_1023 = arith.constant 0 : index
      %swap3A_1024 = vector.load %arg4[%swap3A_1022, %swap3A_1023] : memref<8x2048xf32, #tpu.memory_space<vmem>>, vector<8x2048xf32>
      tpu.vector_store %arg4[%swap3A_1022, %swap3A_1023], %add3A_1021 {strides = array<i32>} : memref<8x2048xf32, #tpu.memory_space<vmem>>, vector<8x2048xf32>,
      %get3A_1025 = arith.constant 352 : index
      %get3A_1026 = arith.constant 0 : index
      %get3A_1027 = vector.load %arg1[%get3A_1025, %get3A_1026] : memref<1024x2048xf32, #tpu.memory_space<vmem>>, vector<8x2048xf32>
      %add3A_1028 = arith.constant 352 : i32
      %add3A_1029 = arith.addi %mul3A_18, %add3A_1028 : i32
      %iota3A_1030 = tpu.iota {dimensions = array<i32: 0>} : vector<8x2048xi32>
      %add3A_1031 = vector.broadcast %add3A_1029 : i32 to vector<8x2048xi32>
      %add3A_1032 = arith.addi %add3A_1031, %iota3A_1030 : vector<8x2048xi32>
      %eq3A_1033 = vector.broadcast %get3A_1 : vector<1x2048xi32> to vector<8x2048xi32>
      %eq3A_1034 = arith.cmpi eq, %add3A_1032, %eq3A_1033 : vector<8x2048xi32>
      %jit3A_1035 = arith.constant -0.899999976 : f32
      %jit3A_1036 = arith.constant -1.000020e-06 : f32
      %broadcast_in_dim3A_1037 = vector.broadcast %jit3A_1035 : f32 to vector<8x2048xf32>
      %broadcast_in_dim3A_1038 = vector.broadcast %jit3A_1036 : f32 to vector<8x2048xf32>
      %select_n3A_1039 = arith.select %eq3A_1034, %broadcast_in_dim3A_1037, %broadcast_in_dim3A_1038 : vector<8x2048xi1>, vector<8x2048xf32>
      %get3A_1040 = arith.constant 0 : index
      %get3A_1041 = arith.constant 0 : index
      %get3A_1042 = vector.load %arg4[%get3A_1040, %get3A_1041] : memref<8x2048xf32, #tpu.memory_space<vmem>>, vector<8x2048xf32>
      %mul3A_1043 = arith.mulf %select_n3A_1039, %get3A_1027 : vector<8x2048xf32>
      %add3A_1044 = arith.addf %get3A_1042, %mul3A_1043 : vector<8x2048xf32>
      %swap3A_1045 = arith.constant 0 : index
      %swap3A_1046 = arith.constant 0 : index
      %swap3A_1047 = vector.load %arg4[%swap3A_1045, %swap3A_1046] : memref<8x2048xf32, #tpu.memory_space<vmem>>, vector<8x2048xf32>
      tpu.vector_store %arg4[%swap3A_1045, %swap3A_1046], %add3A_1044 {strides = array<i32>} : memref<8x2048xf32, #tpu.memory_space<vmem>>, vector<8x2048xf32>,
      %get3A_1048 = arith.constant 360 : index
      %get3A_1049 = arith.constant 0 : index
      %get3A_1050 = vector.load %arg1[%get3A_1048, %get3A_1049] : memref<1024x2048xf32, #tpu.memory_space<vmem>>, vector<8x2048xf32>
      %add3A_1051 = arith.constant 360 : i32
      %add3A_1052 = arith.addi %mul3A_18, %add3A_1051 : i32
      %iota3A_1053 = tpu.iota {dimensions = array<i32: 0>} : vector<8x2048xi32>
      %add3A_1054 = vector.broadcast %add3A_1052 : i32 to vector<8x2048xi32>
      %add3A_1055 = arith.addi %add3A_1054, %iota3A_1053 : vector<8x2048xi32>
      %eq3A_1056 = vector.broadcast %get3A_1 : vector<1x2048xi32> to vector<8x2048xi32>
      %eq3A_1057 = arith.cmpi eq, %add3A_1055, %eq3A_1056 : vector<8x2048xi32>
      %jit3A_1058 = arith.constant -0.899999976 : f32
      %jit3A_1059 = arith.constant -1.000020e-06 : f32
      %broadcast_in_dim3A_1060 = vector.broadcast %jit3A_1058 : f32 to vector<8x2048xf32>
      %broadcast_in_dim3A_1061 = vector.broadcast %jit3A_1059 : f32 to vector<8x2048xf32>
      %select_n3A_1062 = arith.select %eq3A_1057, %broadcast_in_dim3A_1060, %broadcast_in_dim3A_1061 : vector<8x2048xi1>, vector<8x2048xf32>
      %get3A_1063 = arith.constant 0 : index
      %get3A_1064 = arith.constant 0 : index
      %get3A_1065 = vector.load %arg4[%get3A_1063, %get3A_1064] : memref<8x2048xf32, #tpu.memory_space<vmem>>, vector<8x2048xf32>
      %mul3A_1066 = arith.mulf %select_n3A_1062, %get3A_1050 : vector<8x2048xf32>
      %add3A_1067 = arith.addf %get3A_1065, %mul3A_1066 : vector<8x2048xf32>
      %swap3A_1068 = arith.constant 0 : index
      %swap3A_1069 = arith.constant 0 : index
      %swap3A_1070 = vector.load %arg4[%swap3A_1068, %swap3A_1069] : memref<8x2048xf32, #tpu.memory_space<vmem>>, vector<8x2048xf32>
      tpu.vector_store %arg4[%swap3A_1068, %swap3A_1069], %add3A_1067 {strides = array<i32>} : memref<8x2048xf32, #tpu.memory_space<vmem>>, vector<8x2048xf32>,
      %get3A_1071 = arith.constant 368 : index
      %get3A_1072 = arith.constant 0 : index
      %get3A_1073 = vector.load %arg1[%get3A_1071, %get3A_1072] : memref<1024x2048xf32, #tpu.memory_space<vmem>>, vector<8x2048xf32>
      %add3A_1074 = arith.constant 368 : i32
      %add3A_1075 = arith.addi %mul3A_18, %add3A_1074 : i32
      %iota3A_1076 = tpu.iota {dimensions = array<i32: 0>} : vector<8x2048xi32>
      %add3A_1077 = vector.broadcast %add3A_1075 : i32 to vector<8x2048xi32>
      %add3A_1078 = arith.addi %add3A_1077, %iota3A_1076 : vector<8x2048xi32>
      %eq3A_1079 = vector.broadcast %get3A_1 : vector<1x2048xi32> to vector<8x2048xi32>
      %eq3A_1080 = arith.cmpi eq, %add3A_1078, %eq3A_1079 : vector<8x2048xi32>
      %jit3A_1081 = arith.constant -0.899999976 : f32
      %jit3A_1082 = arith.constant -1.000020e-06 : f32
      %broadcast_in_dim3A_1083 = vector.broadcast %jit3A_1081 : f32 to vector<8x2048xf32>
      %broadcast_in_dim3A_1084 = vector.broadcast %jit3A_1082 : f32 to vector<8x2048xf32>
      %select_n3A_1085 = arith.select %eq3A_1080, %broadcast_in_dim3A_1083, %broadcast_in_dim3A_1084 : vector<8x2048xi1>, vector<8x2048xf32>
      %get3A_1086 = arith.constant 0 : index
      %get3A_1087 = arith.constant 0 : index
      %get3A_1088 = vector.load %arg4[%get3A_1086, %get3A_1087] : memref<8x2048xf32, #tpu.memory_space<vmem>>, vector<8x2048xf32>
      %mul3A_1089 = arith.mulf %select_n3A_1085, %get3A_1073 : vector<8x2048xf32>
      %add3A_1090 = arith.addf %get3A_1088, %mul3A_1089 : vector<8x2048xf32>
      %swap3A_1091 = arith.constant 0 : index
      %swap3A_1092 = arith.constant 0 : index
      %swap3A_1093 = vector.load %arg4[%swap3A_1091, %swap3A_1092] : memref<8x2048xf32, #tpu.memory_space<vmem>>, vector<8x2048xf32>
      tpu.vector_store %arg4[%swap3A_1091, %swap3A_1092], %add3A_1090 {strides = array<i32>} : memref<8x2048xf32, #tpu.memory_space<vmem>>, vector<8x2048xf32>,
      %get3A_1094 = arith.constant 376 : index
      %get3A_1095 = arith.constant 0 : index
      %get3A_1096 = vector.load %arg1[%get3A_1094, %get3A_1095] : memref<1024x2048xf32, #tpu.memory_space<vmem>>, vector<8x2048xf32>
      %add3A_1097 = arith.constant 376 : i32
      %add3A_1098 = arith.addi %mul3A_18, %add3A_1097 : i32
      %iota3A_1099 = tpu.iota {dimensions = array<i32: 0>} : vector<8x2048xi32>
      %add3A_1100 = vector.broadcast %add3A_1098 : i32 to vector<8x2048xi32>
      %add3A_1101 = arith.addi %add3A_1100, %iota3A_1099 : vector<8x2048xi32>
      %eq3A_1102 = vector.broadcast %get3A_1 : vector<1x2048xi32> to vector<8x2048xi32>
      %eq3A_1103 = arith.cmpi eq, %add3A_1101, %eq3A_1102 : vector<8x2048xi32>
      %jit3A_1104 = arith.constant -0.899999976 : f32
      %jit3A_1105 = arith.constant -1.000020e-06 : f32
      %broadcast_in_dim3A_1106 = vector.broadcast %jit3A_1104 : f32 to vector<8x2048xf32>
      %broadcast_in_dim3A_1107 = vector.broadcast %jit3A_1105 : f32 to vector<8x2048xf32>
      %select_n3A_1108 = arith.select %eq3A_1103, %broadcast_in_dim3A_1106, %broadcast_in_dim3A_1107 : vector<8x2048xi1>, vector<8x2048xf32>
      %get3A_1109 = arith.constant 0 : index
      %get3A_1110 = arith.constant 0 : index
      %get3A_1111 = vector.load %arg4[%get3A_1109, %get3A_1110] : memref<8x2048xf32, #tpu.memory_space<vmem>>, vector<8x2048xf32>
      %mul3A_1112 = arith.mulf %select_n3A_1108, %get3A_1096 : vector<8x2048xf32>
      %add3A_1113 = arith.addf %get3A_1111, %mul3A_1112 : vector<8x2048xf32>
      %swap3A_1114 = arith.constant 0 : index
      %swap3A_1115 = arith.constant 0 : index
      %swap3A_1116 = vector.load %arg4[%swap3A_1114, %swap3A_1115] : memref<8x2048xf32, #tpu.memory_space<vmem>>, vector<8x2048xf32>
      tpu.vector_store %arg4[%swap3A_1114, %swap3A_1115], %add3A_1113 {strides = array<i32>} : memref<8x2048xf32, #tpu.memory_space<vmem>>, vector<8x2048xf32>,
      %get3A_1117 = arith.constant 384 : index
      %get3A_1118 = arith.constant 0 : index
      %get3A_1119 = vector.load %arg1[%get3A_1117, %get3A_1118] : memref<1024x2048xf32, #tpu.memory_space<vmem>>, vector<8x2048xf32>
      %add3A_1120 = arith.constant 384 : i32
      %add3A_1121 = arith.addi %mul3A_18, %add3A_1120 : i32
      %iota3A_1122 = tpu.iota {dimensions = array<i32: 0>} : vector<8x2048xi32>
      %add3A_1123 = vector.broadcast %add3A_1121 : i32 to vector<8x2048xi32>
      %add3A_1124 = arith.addi %add3A_1123, %iota3A_1122 : vector<8x2048xi32>
      %eq3A_1125 = vector.broadcast %get3A_1 : vector<1x2048xi32> to vector<8x2048xi32>
      %eq3A_1126 = arith.cmpi eq, %add3A_1124, %eq3A_1125 : vector<8x2048xi32>
      %jit3A_1127 = arith.constant -0.899999976 : f32
      %jit3A_1128 = arith.constant -1.000020e-06 : f32
      %broadcast_in_dim3A_1129 = vector.broadcast %jit3A_1127 : f32 to vector<8x2048xf32>
      %broadcast_in_dim3A_1130 = vector.broadcast %jit3A_1128 : f32 to vector<8x2048xf32>
      %select_n3A_1131 = arith.select %eq3A_1126, %broadcast_in_dim3A_1129, %broadcast_in_dim3A_1130 : vector<8x2048xi1>, vector<8x2048xf32>
      %get3A_1132 = arith.constant 0 : index
      %get3A_1133 = arith.constant 0 : index
      %get3A_1134 = vector.load %arg4[%get3A_1132, %get3A_1133] : memref<8x2048xf32, #tpu.memory_space<vmem>>, vector<8x2048xf32>
      %mul3A_1135 = arith.mulf %select_n3A_1131, %get3A_1119 : vector<8x2048xf32>
      %add3A_1136 = arith.addf %get3A_1134, %mul3A_1135 : vector<8x2048xf32>
      %swap3A_1137 = arith.constant 0 : index
      %swap3A_1138 = arith.constant 0 : index
      %swap3A_1139 = vector.load %arg4[%swap3A_1137, %swap3A_1138] : memref<8x2048xf32, #tpu.memory_space<vmem>>, vector<8x2048xf32>
      tpu.vector_store %arg4[%swap3A_1137, %swap3A_1138], %add3A_1136 {strides = array<i32>} : memref<8x2048xf32, #tpu.memory_space<vmem>>, vector<8x2048xf32>,
      %get3A_1140 = arith.constant 392 : index
      %get3A_1141 = arith.constant 0 : index
      %get3A_1142 = vector.load %arg1[%get3A_1140, %get3A_1141] : memref<1024x2048xf32, #tpu.memory_space<vmem>>, vector<8x2048xf32>
      %add3A_1143 = arith.constant 392 : i32
      %add3A_1144 = arith.addi %mul3A_18, %add3A_1143 : i32
      %iota3A_1145 = tpu.iota {dimensions = array<i32: 0>} : vector<8x2048xi32>
      %add3A_1146 = vector.broadcast %add3A_1144 : i32 to vector<8x2048xi32>
      %add3A_1147 = arith.addi %add3A_1146, %iota3A_1145 : vector<8x2048xi32>
      %eq3A_1148 = vector.broadcast %get3A_1 : vector<1x2048xi32> to vector<8x2048xi32>
      %eq3A_1149 = arith.cmpi eq, %add3A_1147, %eq3A_1148 : vector<8x2048xi32>
      %jit3A_1150 = arith.constant -0.899999976 : f32
      %jit3A_1151 = arith.constant -1.000020e-06 : f32
      %broadcast_in_dim3A_1152 = vector.broadcast %jit3A_1150 : f32 to vector<8x2048xf32>
      %broadcast_in_dim3A_1153 = vector.broadcast %jit3A_1151 : f32 to vector<8x2048xf32>
      %select_n3A_1154 = arith.select %eq3A_1149, %broadcast_in_dim3A_1152, %broadcast_in_dim3A_1153 : vector<8x2048xi1>, vector<8x2048xf32>
      %get3A_1155 = arith.constant 0 : index
      %get3A_1156 = arith.constant 0 : index
      %get3A_1157 = vector.load %arg4[%get3A_1155, %get3A_1156] : memref<8x2048xf32, #tpu.memory_space<vmem>>, vector<8x2048xf32>
      %mul3A_1158 = arith.mulf %select_n3A_1154, %get3A_1142 : vector<8x2048xf32>
      %add3A_1159 = arith.addf %get3A_1157, %mul3A_1158 : vector<8x2048xf32>
      %swap3A_1160 = arith.constant 0 : index
      %swap3A_1161 = arith.constant 0 : index
      %swap3A_1162 = vector.load %arg4[%swap3A_1160, %swap3A_1161] : memref<8x2048xf32, #tpu.memory_space<vmem>>, vector<8x2048xf32>
      tpu.vector_store %arg4[%swap3A_1160, %swap3A_1161], %add3A_1159 {strides = array<i32>} : memref<8x2048xf32, #tpu.memory_space<vmem>>, vector<8x2048xf32>,
      %get3A_1163 = arith.constant 400 : index
      %get3A_1164 = arith.constant 0 : index
      %get3A_1165 = vector.load %arg1[%get3A_1163, %get3A_1164] : memref<1024x2048xf32, #tpu.memory_space<vmem>>, vector<8x2048xf32>
      %add3A_1166 = arith.constant 400 : i32
      %add3A_1167 = arith.addi %mul3A_18, %add3A_1166 : i32
      %iota3A_1168 = tpu.iota {dimensions = array<i32: 0>} : vector<8x2048xi32>
      %add3A_1169 = vector.broadcast %add3A_1167 : i32 to vector<8x2048xi32>
      %add3A_1170 = arith.addi %add3A_1169, %iota3A_1168 : vector<8x2048xi32>
      %eq3A_1171 = vector.broadcast %get3A_1 : vector<1x2048xi32> to vector<8x2048xi32>
      %eq3A_1172 = arith.cmpi eq, %add3A_1170, %eq3A_1171 : vector<8x2048xi32>
      %jit3A_1173 = arith.constant -0.899999976 : f32
      %jit3A_1174 = arith.constant -1.000020e-06 : f32
      %broadcast_in_dim3A_1175 = vector.broadcast %jit3A_1173 : f32 to vector<8x2048xf32>
      %broadcast_in_dim3A_1176 = vector.broadcast %jit3A_1174 : f32 to vector<8x2048xf32>
      %select_n3A_1177 = arith.select %eq3A_1172, %broadcast_in_dim3A_1175, %broadcast_in_dim3A_1176 : vector<8x2048xi1>, vector<8x2048xf32>
      %get3A_1178 = arith.constant 0 : index
      %get3A_1179 = arith.constant 0 : index
      %get3A_1180 = vector.load %arg4[%get3A_1178, %get3A_1179] : memref<8x2048xf32, #tpu.memory_space<vmem>>, vector<8x2048xf32>
      %mul3A_1181 = arith.mulf %select_n3A_1177, %get3A_1165 : vector<8x2048xf32>
      %add3A_1182 = arith.addf %get3A_1180, %mul3A_1181 : vector<8x2048xf32>
      %swap3A_1183 = arith.constant 0 : index
      %swap3A_1184 = arith.constant 0 : index
      %swap3A_1185 = vector.load %arg4[%swap3A_1183, %swap3A_1184] : memref<8x2048xf32, #tpu.memory_space<vmem>>, vector<8x2048xf32>
      tpu.vector_store %arg4[%swap3A_1183, %swap3A_1184], %add3A_1182 {strides = array<i32>} : memref<8x2048xf32, #tpu.memory_space<vmem>>, vector<8x2048xf32>,
      %get3A_1186 = arith.constant 408 : index
      %get3A_1187 = arith.constant 0 : index
      %get3A_1188 = vector.load %arg1[%get3A_1186, %get3A_1187] : memref<1024x2048xf32, #tpu.memory_space<vmem>>, vector<8x2048xf32>
      %add3A_1189 = arith.constant 408 : i32
      %add3A_1190 = arith.addi %mul3A_18, %add3A_1189 : i32
      %iota3A_1191 = tpu.iota {dimensions = array<i32: 0>} : vector<8x2048xi32>
      %add3A_1192 = vector.broadcast %add3A_1190 : i32 to vector<8x2048xi32>
      %add3A_1193 = arith.addi %add3A_1192, %iota3A_1191 : vector<8x2048xi32>
      %eq3A_1194 = vector.broadcast %get3A_1 : vector<1x2048xi32> to vector<8x2048xi32>
      %eq3A_1195 = arith.cmpi eq, %add3A_1193, %eq3A_1194 : vector<8x2048xi32>
      %jit3A_1196 = arith.constant -0.899999976 : f32
      %jit3A_1197 = arith.constant -1.000020e-06 : f32
      %broadcast_in_dim3A_1198 = vector.broadcast %jit3A_1196 : f32 to vector<8x2048xf32>
      %broadcast_in_dim3A_1199 = vector.broadcast %jit3A_1197 : f32 to vector<8x2048xf32>
      %select_n3A_1200 = arith.select %eq3A_1195, %broadcast_in_dim3A_1198, %broadcast_in_dim3A_1199 : vector<8x2048xi1>, vector<8x2048xf32>
      %get3A_1201 = arith.constant 0 : index
      %get3A_1202 = arith.constant 0 : index
      %get3A_1203 = vector.load %arg4[%get3A_1201, %get3A_1202] : memref<8x2048xf32, #tpu.memory_space<vmem>>, vector<8x2048xf32>
      %mul3A_1204 = arith.mulf %select_n3A_1200, %get3A_1188 : vector<8x2048xf32>
      %add3A_1205 = arith.addf %get3A_1203, %mul3A_1204 : vector<8x2048xf32>
      %swap3A_1206 = arith.constant 0 : index
      %swap3A_1207 = arith.constant 0 : index
      %swap3A_1208 = vector.load %arg4[%swap3A_1206, %swap3A_1207] : memref<8x2048xf32, #tpu.memory_space<vmem>>, vector<8x2048xf32>
      tpu.vector_store %arg4[%swap3A_1206, %swap3A_1207], %add3A_1205 {strides = array<i32>} : memref<8x2048xf32, #tpu.memory_space<vmem>>, vector<8x2048xf32>,
      %get3A_1209 = arith.constant 416 : index
      %get3A_1210 = arith.constant 0 : index
      %get3A_1211 = vector.load %arg1[%get3A_1209, %get3A_1210] : memref<1024x2048xf32, #tpu.memory_space<vmem>>, vector<8x2048xf32>
      %add3A_1212 = arith.constant 416 : i32
      %add3A_1213 = arith.addi %mul3A_18, %add3A_1212 : i32
      %iota3A_1214 = tpu.iota {dimensions = array<i32: 0>} : vector<8x2048xi32>
      %add3A_1215 = vector.broadcast %add3A_1213 : i32 to vector<8x2048xi32>
      %add3A_1216 = arith.addi %add3A_1215, %iota3A_1214 : vector<8x2048xi32>
      %eq3A_1217 = vector.broadcast %get3A_1 : vector<1x2048xi32> to vector<8x2048xi32>
      %eq3A_1218 = arith.cmpi eq, %add3A_1216, %eq3A_1217 : vector<8x2048xi32>
      %jit3A_1219 = arith.constant -0.899999976 : f32
      %jit3A_1220 = arith.constant -1.000020e-06 : f32
      %broadcast_in_dim3A_1221 = vector.broadcast %jit3A_1219 : f32 to vector<8x2048xf32>
      %broadcast_in_dim3A_1222 = vector.broadcast %jit3A_1220 : f32 to vector<8x2048xf32>
      %select_n3A_1223 = arith.select %eq3A_1218, %broadcast_in_dim3A_1221, %broadcast_in_dim3A_1222 : vector<8x2048xi1>, vector<8x2048xf32>
      %get3A_1224 = arith.constant 0 : index
      %get3A_1225 = arith.constant 0 : index
      %get3A_1226 = vector.load %arg4[%get3A_1224, %get3A_1225] : memref<8x2048xf32, #tpu.memory_space<vmem>>, vector<8x2048xf32>
      %mul3A_1227 = arith.mulf %select_n3A_1223, %get3A_1211 : vector<8x2048xf32>
      %add3A_1228 = arith.addf %get3A_1226, %mul3A_1227 : vector<8x2048xf32>
      %swap3A_1229 = arith.constant 0 : index
      %swap3A_1230 = arith.constant 0 : index
      %swap3A_1231 = vector.load %arg4[%swap3A_1229, %swap3A_1230] : memref<8x2048xf32, #tpu.memory_space<vmem>>, vector<8x2048xf32>
      tpu.vector_store %arg4[%swap3A_1229, %swap3A_1230], %add3A_1228 {strides = array<i32>} : memref<8x2048xf32, #tpu.memory_space<vmem>>, vector<8x2048xf32>,
      %get3A_1232 = arith.constant 424 : index
      %get3A_1233 = arith.constant 0 : index
      %get3A_1234 = vector.load %arg1[%get3A_1232, %get3A_1233] : memref<1024x2048xf32, #tpu.memory_space<vmem>>, vector<8x2048xf32>
      %add3A_1235 = arith.constant 424 : i32
      %add3A_1236 = arith.addi %mul3A_18, %add3A_1235 : i32
      %iota3A_1237 = tpu.iota {dimensions = array<i32: 0>} : vector<8x2048xi32>
      %add3A_1238 = vector.broadcast %add3A_1236 : i32 to vector<8x2048xi32>
      %add3A_1239 = arith.addi %add3A_1238, %iota3A_1237 : vector<8x2048xi32>
      %eq3A_1240 = vector.broadcast %get3A_1 : vector<1x2048xi32> to vector<8x2048xi32>
      %eq3A_1241 = arith.cmpi eq, %add3A_1239, %eq3A_1240 : vector<8x2048xi32>
      %jit3A_1242 = arith.constant -0.899999976 : f32
      %jit3A_1243 = arith.constant -1.000020e-06 : f32
      %broadcast_in_dim3A_1244 = vector.broadcast %jit3A_1242 : f32 to vector<8x2048xf32>
      %broadcast_in_dim3A_1245 = vector.broadcast %jit3A_1243 : f32 to vector<8x2048xf32>
      %select_n3A_1246 = arith.select %eq3A_1241, %broadcast_in_dim3A_1244, %broadcast_in_dim3A_1245 : vector<8x2048xi1>, vector<8x2048xf32>
      %get3A_1247 = arith.constant 0 : index
      %get3A_1248 = arith.constant 0 : index
      %get3A_1249 = vector.load %arg4[%get3A_1247, %get3A_1248] : memref<8x2048xf32, #tpu.memory_space<vmem>>, vector<8x2048xf32>
      %mul3A_1250 = arith.mulf %select_n3A_1246, %get3A_1234 : vector<8x2048xf32>
      %add3A_1251 = arith.addf %get3A_1249, %mul3A_1250 : vector<8x2048xf32>
      %swap3A_1252 = arith.constant 0 : index
      %swap3A_1253 = arith.constant 0 : index
      %swap3A_1254 = vector.load %arg4[%swap3A_1252, %swap3A_1253] : memref<8x2048xf32, #tpu.memory_space<vmem>>, vector<8x2048xf32>
      tpu.vector_store %arg4[%swap3A_1252, %swap3A_1253], %add3A_1251 {strides = array<i32>} : memref<8x2048xf32, #tpu.memory_space<vmem>>, vector<8x2048xf32>,
      %get3A_1255 = arith.constant 432 : index
      %get3A_1256 = arith.constant 0 : index
      %get3A_1257 = vector.load %arg1[%get3A_1255, %get3A_1256] : memref<1024x2048xf32, #tpu.memory_space<vmem>>, vector<8x2048xf32>
      %add3A_1258 = arith.constant 432 : i32
      %add3A_1259 = arith.addi %mul3A_18, %add3A_1258 : i32
      %iota3A_1260 = tpu.iota {dimensions = array<i32: 0>} : vector<8x2048xi32>
      %add3A_1261 = vector.broadcast %add3A_1259 : i32 to vector<8x2048xi32>
      %add3A_1262 = arith.addi %add3A_1261, %iota3A_1260 : vector<8x2048xi32>
      %eq3A_1263 = vector.broadcast %get3A_1 : vector<1x2048xi32> to vector<8x2048xi32>
      %eq3A_1264 = arith.cmpi eq, %add3A_1262, %eq3A_1263 : vector<8x2048xi32>
      %jit3A_1265 = arith.constant -0.899999976 : f32
      %jit3A_1266 = arith.constant -1.000020e-06 : f32
      %broadcast_in_dim3A_1267 = vector.broadcast %jit3A_1265 : f32 to vector<8x2048xf32>
      %broadcast_in_dim3A_1268 = vector.broadcast %jit3A_1266 : f32 to vector<8x2048xf32>
      %select_n3A_1269 = arith.select %eq3A_1264, %broadcast_in_dim3A_1267, %broadcast_in_dim3A_1268 : vector<8x2048xi1>, vector<8x2048xf32>
      %get3A_1270 = arith.constant 0 : index
      %get3A_1271 = arith.constant 0 : index
      %get3A_1272 = vector.load %arg4[%get3A_1270, %get3A_1271] : memref<8x2048xf32, #tpu.memory_space<vmem>>, vector<8x2048xf32>
      %mul3A_1273 = arith.mulf %select_n3A_1269, %get3A_1257 : vector<8x2048xf32>
      %add3A_1274 = arith.addf %get3A_1272, %mul3A_1273 : vector<8x2048xf32>
      %swap3A_1275 = arith.constant 0 : index
      %swap3A_1276 = arith.constant 0 : index
      %swap3A_1277 = vector.load %arg4[%swap3A_1275, %swap3A_1276] : memref<8x2048xf32, #tpu.memory_space<vmem>>, vector<8x2048xf32>
      tpu.vector_store %arg4[%swap3A_1275, %swap3A_1276], %add3A_1274 {strides = array<i32>} : memref<8x2048xf32, #tpu.memory_space<vmem>>, vector<8x2048xf32>,
      %get3A_1278 = arith.constant 440 : index
      %get3A_1279 = arith.constant 0 : index
      %get3A_1280 = vector.load %arg1[%get3A_1278, %get3A_1279] : memref<1024x2048xf32, #tpu.memory_space<vmem>>, vector<8x2048xf32>
      %add3A_1281 = arith.constant 440 : i32
      %add3A_1282 = arith.addi %mul3A_18, %add3A_1281 : i32
      %iota3A_1283 = tpu.iota {dimensions = array<i32: 0>} : vector<8x2048xi32>
      %add3A_1284 = vector.broadcast %add3A_1282 : i32 to vector<8x2048xi32>
      %add3A_1285 = arith.addi %add3A_1284, %iota3A_1283 : vector<8x2048xi32>
      %eq3A_1286 = vector.broadcast %get3A_1 : vector<1x2048xi32> to vector<8x2048xi32>
      %eq3A_1287 = arith.cmpi eq, %add3A_1285, %eq3A_1286 : vector<8x2048xi32>
      %jit3A_1288 = arith.constant -0.899999976 : f32
      %jit3A_1289 = arith.constant -1.000020e-06 : f32
      %broadcast_in_dim3A_1290 = vector.broadcast %jit3A_1288 : f32 to vector<8x2048xf32>
      %broadcast_in_dim3A_1291 = vector.broadcast %jit3A_1289 : f32 to vector<8x2048xf32>
      %select_n3A_1292 = arith.select %eq3A_1287, %broadcast_in_dim3A_1290, %broadcast_in_dim3A_1291 : vector<8x2048xi1>, vector<8x2048xf32>
      %get3A_1293 = arith.constant 0 : index
      %get3A_1294 = arith.constant 0 : index
      %get3A_1295 = vector.load %arg4[%get3A_1293, %get3A_1294] : memref<8x2048xf32, #tpu.memory_space<vmem>>, vector<8x2048xf32>
      %mul3A_1296 = arith.mulf %select_n3A_1292, %get3A_1280 : vector<8x2048xf32>
      %add3A_1297 = arith.addf %get3A_1295, %mul3A_1296 : vector<8x2048xf32>
      %swap3A_1298 = arith.constant 0 : index
      %swap3A_1299 = arith.constant 0 : index
      %swap3A_1300 = vector.load %arg4[%swap3A_1298, %swap3A_1299] : memref<8x2048xf32, #tpu.memory_space<vmem>>, vector<8x2048xf32>
      tpu.vector_store %arg4[%swap3A_1298, %swap3A_1299], %add3A_1297 {strides = array<i32>} : memref<8x2048xf32, #tpu.memory_space<vmem>>, vector<8x2048xf32>,
      %get3A_1301 = arith.constant 448 : index
      %get3A_1302 = arith.constant 0 : index
      %get3A_1303 = vector.load %arg1[%get3A_1301, %get3A_1302] : memref<1024x2048xf32, #tpu.memory_space<vmem>>, vector<8x2048xf32>
      %add3A_1304 = arith.constant 448 : i32
      %add3A_1305 = arith.addi %mul3A_18, %add3A_1304 : i32
      %iota3A_1306 = tpu.iota {dimensions = array<i32: 0>} : vector<8x2048xi32>
      %add3A_1307 = vector.broadcast %add3A_1305 : i32 to vector<8x2048xi32>
      %add3A_1308 = arith.addi %add3A_1307, %iota3A_1306 : vector<8x2048xi32>
      %eq3A_1309 = vector.broadcast %get3A_1 : vector<1x2048xi32> to vector<8x2048xi32>
      %eq3A_1310 = arith.cmpi eq, %add3A_1308, %eq3A_1309 : vector<8x2048xi32>
      %jit3A_1311 = arith.constant -0.899999976 : f32
      %jit3A_1312 = arith.constant -1.000020e-06 : f32
      %broadcast_in_dim3A_1313 = vector.broadcast %jit3A_1311 : f32 to vector<8x2048xf32>
      %broadcast_in_dim3A_1314 = vector.broadcast %jit3A_1312 : f32 to vector<8x2048xf32>
      %select_n3A_1315 = arith.select %eq3A_1310, %broadcast_in_dim3A_1313, %broadcast_in_dim3A_1314 : vector<8x2048xi1>, vector<8x2048xf32>
      %get3A_1316 = arith.constant 0 : index
      %get3A_1317 = arith.constant 0 : index
      %get3A_1318 = vector.load %arg4[%get3A_1316, %get3A_1317] : memref<8x2048xf32, #tpu.memory_space<vmem>>, vector<8x2048xf32>
      %mul3A_1319 = arith.mulf %select_n3A_1315, %get3A_1303 : vector<8x2048xf32>
      %add3A_1320 = arith.addf %get3A_1318, %mul3A_1319 : vector<8x2048xf32>
      %swap3A_1321 = arith.constant 0 : index
      %swap3A_1322 = arith.constant 0 : index
      %swap3A_1323 = vector.load %arg4[%swap3A_1321, %swap3A_1322] : memref<8x2048xf32, #tpu.memory_space<vmem>>, vector<8x2048xf32>
      tpu.vector_store %arg4[%swap3A_1321, %swap3A_1322], %add3A_1320 {strides = array<i32>} : memref<8x2048xf32, #tpu.memory_space<vmem>>, vector<8x2048xf32>,
      %get3A_1324 = arith.constant 456 : index
      %get3A_1325 = arith.constant 0 : index
      %get3A_1326 = vector.load %arg1[%get3A_1324, %get3A_1325] : memref<1024x2048xf32, #tpu.memory_space<vmem>>, vector<8x2048xf32>
      %add3A_1327 = arith.constant 456 : i32
      %add3A_1328 = arith.addi %mul3A_18, %add3A_1327 : i32
      %iota3A_1329 = tpu.iota {dimensions = array<i32: 0>} : vector<8x2048xi32>
      %add3A_1330 = vector.broadcast %add3A_1328 : i32 to vector<8x2048xi32>
      %add3A_1331 = arith.addi %add3A_1330, %iota3A_1329 : vector<8x2048xi32>
      %eq3A_1332 = vector.broadcast %get3A_1 : vector<1x2048xi32> to vector<8x2048xi32>
      %eq3A_1333 = arith.cmpi eq, %add3A_1331, %eq3A_1332 : vector<8x2048xi32>
      %jit3A_1334 = arith.constant -0.899999976 : f32
      %jit3A_1335 = arith.constant -1.000020e-06 : f32
      %broadcast_in_dim3A_1336 = vector.broadcast %jit3A_1334 : f32 to vector<8x2048xf32>
      %broadcast_in_dim3A_1337 = vector.broadcast %jit3A_1335 : f32 to vector<8x2048xf32>
      %select_n3A_1338 = arith.select %eq3A_1333, %broadcast_in_dim3A_1336, %broadcast_in_dim3A_1337 : vector<8x2048xi1>, vector<8x2048xf32>
      %get3A_1339 = arith.constant 0 : index
      %get3A_1340 = arith.constant 0 : index
      %get3A_1341 = vector.load %arg4[%get3A_1339, %get3A_1340] : memref<8x2048xf32, #tpu.memory_space<vmem>>, vector<8x2048xf32>
      %mul3A_1342 = arith.mulf %select_n3A_1338, %get3A_1326 : vector<8x2048xf32>
      %add3A_1343 = arith.addf %get3A_1341, %mul3A_1342 : vector<8x2048xf32>
      %swap3A_1344 = arith.constant 0 : index
      %swap3A_1345 = arith.constant 0 : index
      %swap3A_1346 = vector.load %arg4[%swap3A_1344, %swap3A_1345] : memref<8x2048xf32, #tpu.memory_space<vmem>>, vector<8x2048xf32>
      tpu.vector_store %arg4[%swap3A_1344, %swap3A_1345], %add3A_1343 {strides = array<i32>} : memref<8x2048xf32, #tpu.memory_space<vmem>>, vector<8x2048xf32>,
      %get3A_1347 = arith.constant 464 : index
      %get3A_1348 = arith.constant 0 : index
      %get3A_1349 = vector.load %arg1[%get3A_1347, %get3A_1348] : memref<1024x2048xf32, #tpu.memory_space<vmem>>, vector<8x2048xf32>
      %add3A_1350 = arith.constant 464 : i32
      %add3A_1351 = arith.addi %mul3A_18, %add3A_1350 : i32
      %iota3A_1352 = tpu.iota {dimensions = array<i32: 0>} : vector<8x2048xi32>
      %add3A_1353 = vector.broadcast %add3A_1351 : i32 to vector<8x2048xi32>
      %add3A_1354 = arith.addi %add3A_1353, %iota3A_1352 : vector<8x2048xi32>
      %eq3A_1355 = vector.broadcast %get3A_1 : vector<1x2048xi32> to vector<8x2048xi32>
      %eq3A_1356 = arith.cmpi eq, %add3A_1354, %eq3A_1355 : vector<8x2048xi32>
      %jit3A_1357 = arith.constant -0.899999976 : f32
      %jit3A_1358 = arith.constant -1.000020e-06 : f32
      %broadcast_in_dim3A_1359 = vector.broadcast %jit3A_1357 : f32 to vector<8x2048xf32>
      %broadcast_in_dim3A_1360 = vector.broadcast %jit3A_1358 : f32 to vector<8x2048xf32>
      %select_n3A_1361 = arith.select %eq3A_1356, %broadcast_in_dim3A_1359, %broadcast_in_dim3A_1360 : vector<8x2048xi1>, vector<8x2048xf32>
      %get3A_1362 = arith.constant 0 : index
      %get3A_1363 = arith.constant 0 : index
      %get3A_1364 = vector.load %arg4[%get3A_1362, %get3A_1363] : memref<8x2048xf32, #tpu.memory_space<vmem>>, vector<8x2048xf32>
      %mul3A_1365 = arith.mulf %select_n3A_1361, %get3A_1349 : vector<8x2048xf32>
      %add3A_1366 = arith.addf %get3A_1364, %mul3A_1365 : vector<8x2048xf32>
      %swap3A_1367 = arith.constant 0 : index
      %swap3A_1368 = arith.constant 0 : index
      %swap3A_1369 = vector.load %arg4[%swap3A_1367, %swap3A_1368] : memref<8x2048xf32, #tpu.memory_space<vmem>>, vector<8x2048xf32>
      tpu.vector_store %arg4[%swap3A_1367, %swap3A_1368], %add3A_1366 {strides = array<i32>} : memref<8x2048xf32, #tpu.memory_space<vmem>>, vector<8x2048xf32>,
      %get3A_1370 = arith.constant 472 : index
      %get3A_1371 = arith.constant 0 : index
      %get3A_1372 = vector.load %arg1[%get3A_1370, %get3A_1371] : memref<1024x2048xf32, #tpu.memory_space<vmem>>, vector<8x2048xf32>
      %add3A_1373 = arith.constant 472 : i32
      %add3A_1374 = arith.addi %mul3A_18, %add3A_1373 : i32
      %iota3A_1375 = tpu.iota {dimensions = array<i32: 0>} : vector<8x2048xi32>
      %add3A_1376 = vector.broadcast %add3A_1374 : i32 to vector<8x2048xi32>
      %add3A_1377 = arith.addi %add3A_1376, %iota3A_1375 : vector<8x2048xi32>
      %eq3A_1378 = vector.broadcast %get3A_1 : vector<1x2048xi32> to vector<8x2048xi32>
      %eq3A_1379 = arith.cmpi eq, %add3A_1377, %eq3A_1378 : vector<8x2048xi32>
      %jit3A_1380 = arith.constant -0.899999976 : f32
      %jit3A_1381 = arith.constant -1.000020e-06 : f32
      %broadcast_in_dim3A_1382 = vector.broadcast %jit3A_1380 : f32 to vector<8x2048xf32>
      %broadcast_in_dim3A_1383 = vector.broadcast %jit3A_1381 : f32 to vector<8x2048xf32>
      %select_n3A_1384 = arith.select %eq3A_1379, %broadcast_in_dim3A_1382, %broadcast_in_dim3A_1383 : vector<8x2048xi1>, vector<8x2048xf32>
      %get3A_1385 = arith.constant 0 : index
      %get3A_1386 = arith.constant 0 : index
      %get3A_1387 = vector.load %arg4[%get3A_1385, %get3A_1386] : memref<8x2048xf32, #tpu.memory_space<vmem>>, vector<8x2048xf32>
      %mul3A_1388 = arith.mulf %select_n3A_1384, %get3A_1372 : vector<8x2048xf32>
      %add3A_1389 = arith.addf %get3A_1387, %mul3A_1388 : vector<8x2048xf32>
      %swap3A_1390 = arith.constant 0 : index
      %swap3A_1391 = arith.constant 0 : index
      %swap3A_1392 = vector.load %arg4[%swap3A_1390, %swap3A_1391] : memref<8x2048xf32, #tpu.memory_space<vmem>>, vector<8x2048xf32>
      tpu.vector_store %arg4[%swap3A_1390, %swap3A_1391], %add3A_1389 {strides = array<i32>} : memref<8x2048xf32, #tpu.memory_space<vmem>>, vector<8x2048xf32>,
      %get3A_1393 = arith.constant 480 : index
      %get3A_1394 = arith.constant 0 : index
      %get3A_1395 = vector.load %arg1[%get3A_1393, %get3A_1394] : memref<1024x2048xf32, #tpu.memory_space<vmem>>, vector<8x2048xf32>
      %add3A_1396 = arith.constant 480 : i32
      %add3A_1397 = arith.addi %mul3A_18, %add3A_1396 : i32
      %iota3A_1398 = tpu.iota {dimensions = array<i32: 0>} : vector<8x2048xi32>
      %add3A_1399 = vector.broadcast %add3A_1397 : i32 to vector<8x2048xi32>
      %add3A_1400 = arith.addi %add3A_1399, %iota3A_1398 : vector<8x2048xi32>
      %eq3A_1401 = vector.broadcast %get3A_1 : vector<1x2048xi32> to vector<8x2048xi32>
      %eq3A_1402 = arith.cmpi eq, %add3A_1400, %eq3A_1401 : vector<8x2048xi32>
      %jit3A_1403 = arith.constant -0.899999976 : f32
      %jit3A_1404 = arith.constant -1.000020e-06 : f32
      %broadcast_in_dim3A_1405 = vector.broadcast %jit3A_1403 : f32 to vector<8x2048xf32>
      %broadcast_in_dim3A_1406 = vector.broadcast %jit3A_1404 : f32 to vector<8x2048xf32>
      %select_n3A_1407 = arith.select %eq3A_1402, %broadcast_in_dim3A_1405, %broadcast_in_dim3A_1406 : vector<8x2048xi1>, vector<8x2048xf32>
      %get3A_1408 = arith.constant 0 : index
      %get3A_1409 = arith.constant 0 : index
      %get3A_1410 = vector.load %arg4[%get3A_1408, %get3A_1409] : memref<8x2048xf32, #tpu.memory_space<vmem>>, vector<8x2048xf32>
      %mul3A_1411 = arith.mulf %select_n3A_1407, %get3A_1395 : vector<8x2048xf32>
      %add3A_1412 = arith.addf %get3A_1410, %mul3A_1411 : vector<8x2048xf32>
      %swap3A_1413 = arith.constant 0 : index
      %swap3A_1414 = arith.constant 0 : index
      %swap3A_1415 = vector.load %arg4[%swap3A_1413, %swap3A_1414] : memref<8x2048xf32, #tpu.memory_space<vmem>>, vector<8x2048xf32>
      tpu.vector_store %arg4[%swap3A_1413, %swap3A_1414], %add3A_1412 {strides = array<i32>} : memref<8x2048xf32, #tpu.memory_space<vmem>>, vector<8x2048xf32>,
      %get3A_1416 = arith.constant 488 : index
      %get3A_1417 = arith.constant 0 : index
      %get3A_1418 = vector.load %arg1[%get3A_1416, %get3A_1417] : memref<1024x2048xf32, #tpu.memory_space<vmem>>, vector<8x2048xf32>
      %add3A_1419 = arith.constant 488 : i32
      %add3A_1420 = arith.addi %mul3A_18, %add3A_1419 : i32
      %iota3A_1421 = tpu.iota {dimensions = array<i32: 0>} : vector<8x2048xi32>
      %add3A_1422 = vector.broadcast %add3A_1420 : i32 to vector<8x2048xi32>
      %add3A_1423 = arith.addi %add3A_1422, %iota3A_1421 : vector<8x2048xi32>
      %eq3A_1424 = vector.broadcast %get3A_1 : vector<1x2048xi32> to vector<8x2048xi32>
      %eq3A_1425 = arith.cmpi eq, %add3A_1423, %eq3A_1424 : vector<8x2048xi32>
      %jit3A_1426 = arith.constant -0.899999976 : f32
      %jit3A_1427 = arith.constant -1.000020e-06 : f32
      %broadcast_in_dim3A_1428 = vector.broadcast %jit3A_1426 : f32 to vector<8x2048xf32>
      %broadcast_in_dim3A_1429 = vector.broadcast %jit3A_1427 : f32 to vector<8x2048xf32>
      %select_n3A_1430 = arith.select %eq3A_1425, %broadcast_in_dim3A_1428, %broadcast_in_dim3A_1429 : vector<8x2048xi1>, vector<8x2048xf32>
      %get3A_1431 = arith.constant 0 : index
      %get3A_1432 = arith.constant 0 : index
      %get3A_1433 = vector.load %arg4[%get3A_1431, %get3A_1432] : memref<8x2048xf32, #tpu.memory_space<vmem>>, vector<8x2048xf32>
      %mul3A_1434 = arith.mulf %select_n3A_1430, %get3A_1418 : vector<8x2048xf32>
      %add3A_1435 = arith.addf %get3A_1433, %mul3A_1434 : vector<8x2048xf32>
      %swap3A_1436 = arith.constant 0 : index
      %swap3A_1437 = arith.constant 0 : index
      %swap3A_1438 = vector.load %arg4[%swap3A_1436, %swap3A_1437] : memref<8x2048xf32, #tpu.memory_space<vmem>>, vector<8x2048xf32>
      tpu.vector_store %arg4[%swap3A_1436, %swap3A_1437], %add3A_1435 {strides = array<i32>} : memref<8x2048xf32, #tpu.memory_space<vmem>>, vector<8x2048xf32>,
      %get3A_1439 = arith.constant 496 : index
      %get3A_1440 = arith.constant 0 : index
      %get3A_1441 = vector.load %arg1[%get3A_1439, %get3A_1440] : memref<1024x2048xf32, #tpu.memory_space<vmem>>, vector<8x2048xf32>
      %add3A_1442 = arith.constant 496 : i32
      %add3A_1443 = arith.addi %mul3A_18, %add3A_1442 : i32
      %iota3A_1444 = tpu.iota {dimensions = array<i32: 0>} : vector<8x2048xi32>
      %add3A_1445 = vector.broadcast %add3A_1443 : i32 to vector<8x2048xi32>
      %add3A_1446 = arith.addi %add3A_1445, %iota3A_1444 : vector<8x2048xi32>
      %eq3A_1447 = vector.broadcast %get3A_1 : vector<1x2048xi32> to vector<8x2048xi32>
      %eq3A_1448 = arith.cmpi eq, %add3A_1446, %eq3A_1447 : vector<8x2048xi32>
      %jit3A_1449 = arith.constant -0.899999976 : f32
      %jit3A_1450 = arith.constant -1.000020e-06 : f32
      %broadcast_in_dim3A_1451 = vector.broadcast %jit3A_1449 : f32 to vector<8x2048xf32>
      %broadcast_in_dim3A_1452 = vector.broadcast %jit3A_1450 : f32 to vector<8x2048xf32>
      %select_n3A_1453 = arith.select %eq3A_1448, %broadcast_in_dim3A_1451, %broadcast_in_dim3A_1452 : vector<8x2048xi1>, vector<8x2048xf32>
      %get3A_1454 = arith.constant 0 : index
      %get3A_1455 = arith.constant 0 : index
      %get3A_1456 = vector.load %arg4[%get3A_1454, %get3A_1455] : memref<8x2048xf32, #tpu.memory_space<vmem>>, vector<8x2048xf32>
      %mul3A_1457 = arith.mulf %select_n3A_1453, %get3A_1441 : vector<8x2048xf32>
      %add3A_1458 = arith.addf %get3A_1456, %mul3A_1457 : vector<8x2048xf32>
      %swap3A_1459 = arith.constant 0 : index
      %swap3A_1460 = arith.constant 0 : index
      %swap3A_1461 = vector.load %arg4[%swap3A_1459, %swap3A_1460] : memref<8x2048xf32, #tpu.memory_space<vmem>>, vector<8x2048xf32>
      tpu.vector_store %arg4[%swap3A_1459, %swap3A_1460], %add3A_1458 {strides = array<i32>} : memref<8x2048xf32, #tpu.memory_space<vmem>>, vector<8x2048xf32>,
      %get3A_1462 = arith.constant 504 : index
      %get3A_1463 = arith.constant 0 : index
      %get3A_1464 = vector.load %arg1[%get3A_1462, %get3A_1463] : memref<1024x2048xf32, #tpu.memory_space<vmem>>, vector<8x2048xf32>
      %add3A_1465 = arith.constant 504 : i32
      %add3A_1466 = arith.addi %mul3A_18, %add3A_1465 : i32
      %iota3A_1467 = tpu.iota {dimensions = array<i32: 0>} : vector<8x2048xi32>
      %add3A_1468 = vector.broadcast %add3A_1466 : i32 to vector<8x2048xi32>
      %add3A_1469 = arith.addi %add3A_1468, %iota3A_1467 : vector<8x2048xi32>
      %eq3A_1470 = vector.broadcast %get3A_1 : vector<1x2048xi32> to vector<8x2048xi32>
      %eq3A_1471 = arith.cmpi eq, %add3A_1469, %eq3A_1470 : vector<8x2048xi32>
      %jit3A_1472 = arith.constant -0.899999976 : f32
      %jit3A_1473 = arith.constant -1.000020e-06 : f32
      %broadcast_in_dim3A_1474 = vector.broadcast %jit3A_1472 : f32 to vector<8x2048xf32>
      %broadcast_in_dim3A_1475 = vector.broadcast %jit3A_1473 : f32 to vector<8x2048xf32>
      %select_n3A_1476 = arith.select %eq3A_1471, %broadcast_in_dim3A_1474, %broadcast_in_dim3A_1475 : vector<8x2048xi1>, vector<8x2048xf32>
      %get3A_1477 = arith.constant 0 : index
      %get3A_1478 = arith.constant 0 : index
      %get3A_1479 = vector.load %arg4[%get3A_1477, %get3A_1478] : memref<8x2048xf32, #tpu.memory_space<vmem>>, vector<8x2048xf32>
      %mul3A_1480 = arith.mulf %select_n3A_1476, %get3A_1464 : vector<8x2048xf32>
      %add3A_1481 = arith.addf %get3A_1479, %mul3A_1480 : vector<8x2048xf32>
      %swap3A_1482 = arith.constant 0 : index
      %swap3A_1483 = arith.constant 0 : index
      %swap3A_1484 = vector.load %arg4[%swap3A_1482, %swap3A_1483] : memref<8x2048xf32, #tpu.memory_space<vmem>>, vector<8x2048xf32>
      tpu.vector_store %arg4[%swap3A_1482, %swap3A_1483], %add3A_1481 {strides = array<i32>} : memref<8x2048xf32, #tpu.memory_space<vmem>>, vector<8x2048xf32>,
      %get3A_1485 = arith.constant 512 : index
      %get3A_1486 = arith.constant 0 : index
      %get3A_1487 = vector.load %arg1[%get3A_1485, %get3A_1486] : memref<1024x2048xf32, #tpu.memory_space<vmem>>, vector<8x2048xf32>
      %add3A_1488 = arith.constant 512 : i32
      %add3A_1489 = arith.addi %mul3A_18, %add3A_1488 : i32
      %iota3A_1490 = tpu.iota {dimensions = array<i32: 0>} : vector<8x2048xi32>
      %add3A_1491 = vector.broadcast %add3A_1489 : i32 to vector<8x2048xi32>
      %add3A_1492 = arith.addi %add3A_1491, %iota3A_1490 : vector<8x2048xi32>
      %eq3A_1493 = vector.broadcast %get3A_1 : vector<1x2048xi32> to vector<8x2048xi32>
      %eq3A_1494 = arith.cmpi eq, %add3A_1492, %eq3A_1493 : vector<8x2048xi32>
      %jit3A_1495 = arith.constant -0.899999976 : f32
      %jit3A_1496 = arith.constant -1.000020e-06 : f32
      %broadcast_in_dim3A_1497 = vector.broadcast %jit3A_1495 : f32 to vector<8x2048xf32>
      %broadcast_in_dim3A_1498 = vector.broadcast %jit3A_1496 : f32 to vector<8x2048xf32>
      %select_n3A_1499 = arith.select %eq3A_1494, %broadcast_in_dim3A_1497, %broadcast_in_dim3A_1498 : vector<8x2048xi1>, vector<8x2048xf32>
      %get3A_1500 = arith.constant 0 : index
      %get3A_1501 = arith.constant 0 : index
      %get3A_1502 = vector.load %arg4[%get3A_1500, %get3A_1501] : memref<8x2048xf32, #tpu.memory_space<vmem>>, vector<8x2048xf32>
      %mul3A_1503 = arith.mulf %select_n3A_1499, %get3A_1487 : vector<8x2048xf32>
      %add3A_1504 = arith.addf %get3A_1502, %mul3A_1503 : vector<8x2048xf32>
      %swap3A_1505 = arith.constant 0 : index
      %swap3A_1506 = arith.constant 0 : index
      %swap3A_1507 = vector.load %arg4[%swap3A_1505, %swap3A_1506] : memref<8x2048xf32, #tpu.memory_space<vmem>>, vector<8x2048xf32>
      tpu.vector_store %arg4[%swap3A_1505, %swap3A_1506], %add3A_1504 {strides = array<i32>} : memref<8x2048xf32, #tpu.memory_space<vmem>>, vector<8x2048xf32>,
      %get3A_1508 = arith.constant 520 : index
      %get3A_1509 = arith.constant 0 : index
      %get3A_1510 = vector.load %arg1[%get3A_1508, %get3A_1509] : memref<1024x2048xf32, #tpu.memory_space<vmem>>, vector<8x2048xf32>
      %add3A_1511 = arith.constant 520 : i32
      %add3A_1512 = arith.addi %mul3A_18, %add3A_1511 : i32
      %iota3A_1513 = tpu.iota {dimensions = array<i32: 0>} : vector<8x2048xi32>
      %add3A_1514 = vector.broadcast %add3A_1512 : i32 to vector<8x2048xi32>
      %add3A_1515 = arith.addi %add3A_1514, %iota3A_1513 : vector<8x2048xi32>
      %eq3A_1516 = vector.broadcast %get3A_1 : vector<1x2048xi32> to vector<8x2048xi32>
      %eq3A_1517 = arith.cmpi eq, %add3A_1515, %eq3A_1516 : vector<8x2048xi32>
      %jit3A_1518 = arith.constant -0.899999976 : f32
      %jit3A_1519 = arith.constant -1.000020e-06 : f32
      %broadcast_in_dim3A_1520 = vector.broadcast %jit3A_1518 : f32 to vector<8x2048xf32>
      %broadcast_in_dim3A_1521 = vector.broadcast %jit3A_1519 : f32 to vector<8x2048xf32>
      %select_n3A_1522 = arith.select %eq3A_1517, %broadcast_in_dim3A_1520, %broadcast_in_dim3A_1521 : vector<8x2048xi1>, vector<8x2048xf32>
      %get3A_1523 = arith.constant 0 : index
      %get3A_1524 = arith.constant 0 : index
      %get3A_1525 = vector.load %arg4[%get3A_1523, %get3A_1524] : memref<8x2048xf32, #tpu.memory_space<vmem>>, vector<8x2048xf32>
      %mul3A_1526 = arith.mulf %select_n3A_1522, %get3A_1510 : vector<8x2048xf32>
      %add3A_1527 = arith.addf %get3A_1525, %mul3A_1526 : vector<8x2048xf32>
      %swap3A_1528 = arith.constant 0 : index
      %swap3A_1529 = arith.constant 0 : index
      %swap3A_1530 = vector.load %arg4[%swap3A_1528, %swap3A_1529] : memref<8x2048xf32, #tpu.memory_space<vmem>>, vector<8x2048xf32>
      tpu.vector_store %arg4[%swap3A_1528, %swap3A_1529], %add3A_1527 {strides = array<i32>} : memref<8x2048xf32, #tpu.memory_space<vmem>>, vector<8x2048xf32>,
      %get3A_1531 = arith.constant 528 : index
      %get3A_1532 = arith.constant 0 : index
      %get3A_1533 = vector.load %arg1[%get3A_1531, %get3A_1532] : memref<1024x2048xf32, #tpu.memory_space<vmem>>, vector<8x2048xf32>
      %add3A_1534 = arith.constant 528 : i32
      %add3A_1535 = arith.addi %mul3A_18, %add3A_1534 : i32
      %iota3A_1536 = tpu.iota {dimensions = array<i32: 0>} : vector<8x2048xi32>
      %add3A_1537 = vector.broadcast %add3A_1535 : i32 to vector<8x2048xi32>
      %add3A_1538 = arith.addi %add3A_1537, %iota3A_1536 : vector<8x2048xi32>
      %eq3A_1539 = vector.broadcast %get3A_1 : vector<1x2048xi32> to vector<8x2048xi32>
      %eq3A_1540 = arith.cmpi eq, %add3A_1538, %eq3A_1539 : vector<8x2048xi32>
      %jit3A_1541 = arith.constant -0.899999976 : f32
      %jit3A_1542 = arith.constant -1.000020e-06 : f32
      %broadcast_in_dim3A_1543 = vector.broadcast %jit3A_1541 : f32 to vector<8x2048xf32>
      %broadcast_in_dim3A_1544 = vector.broadcast %jit3A_1542 : f32 to vector<8x2048xf32>
      %select_n3A_1545 = arith.select %eq3A_1540, %broadcast_in_dim3A_1543, %broadcast_in_dim3A_1544 : vector<8x2048xi1>, vector<8x2048xf32>
      %get3A_1546 = arith.constant 0 : index
      %get3A_1547 = arith.constant 0 : index
      %get3A_1548 = vector.load %arg4[%get3A_1546, %get3A_1547] : memref<8x2048xf32, #tpu.memory_space<vmem>>, vector<8x2048xf32>
      %mul3A_1549 = arith.mulf %select_n3A_1545, %get3A_1533 : vector<8x2048xf32>
      %add3A_1550 = arith.addf %get3A_1548, %mul3A_1549 : vector<8x2048xf32>
      %swap3A_1551 = arith.constant 0 : index
      %swap3A_1552 = arith.constant 0 : index
      %swap3A_1553 = vector.load %arg4[%swap3A_1551, %swap3A_1552] : memref<8x2048xf32, #tpu.memory_space<vmem>>, vector<8x2048xf32>
      tpu.vector_store %arg4[%swap3A_1551, %swap3A_1552], %add3A_1550 {strides = array<i32>} : memref<8x2048xf32, #tpu.memory_space<vmem>>, vector<8x2048xf32>,
      %get3A_1554 = arith.constant 536 : index
      %get3A_1555 = arith.constant 0 : index
      %get3A_1556 = vector.load %arg1[%get3A_1554, %get3A_1555] : memref<1024x2048xf32, #tpu.memory_space<vmem>>, vector<8x2048xf32>
      %add3A_1557 = arith.constant 536 : i32
      %add3A_1558 = arith.addi %mul3A_18, %add3A_1557 : i32
      %iota3A_1559 = tpu.iota {dimensions = array<i32: 0>} : vector<8x2048xi32>
      %add3A_1560 = vector.broadcast %add3A_1558 : i32 to vector<8x2048xi32>
      %add3A_1561 = arith.addi %add3A_1560, %iota3A_1559 : vector<8x2048xi32>
      %eq3A_1562 = vector.broadcast %get3A_1 : vector<1x2048xi32> to vector<8x2048xi32>
      %eq3A_1563 = arith.cmpi eq, %add3A_1561, %eq3A_1562 : vector<8x2048xi32>
      %jit3A_1564 = arith.constant -0.899999976 : f32
      %jit3A_1565 = arith.constant -1.000020e-06 : f32
      %broadcast_in_dim3A_1566 = vector.broadcast %jit3A_1564 : f32 to vector<8x2048xf32>
      %broadcast_in_dim3A_1567 = vector.broadcast %jit3A_1565 : f32 to vector<8x2048xf32>
      %select_n3A_1568 = arith.select %eq3A_1563, %broadcast_in_dim3A_1566, %broadcast_in_dim3A_1567 : vector<8x2048xi1>, vector<8x2048xf32>
      %get3A_1569 = arith.constant 0 : index
      %get3A_1570 = arith.constant 0 : index
      %get3A_1571 = vector.load %arg4[%get3A_1569, %get3A_1570] : memref<8x2048xf32, #tpu.memory_space<vmem>>, vector<8x2048xf32>
      %mul3A_1572 = arith.mulf %select_n3A_1568, %get3A_1556 : vector<8x2048xf32>
      %add3A_1573 = arith.addf %get3A_1571, %mul3A_1572 : vector<8x2048xf32>
      %swap3A_1574 = arith.constant 0 : index
      %swap3A_1575 = arith.constant 0 : index
      %swap3A_1576 = vector.load %arg4[%swap3A_1574, %swap3A_1575] : memref<8x2048xf32, #tpu.memory_space<vmem>>, vector<8x2048xf32>
      tpu.vector_store %arg4[%swap3A_1574, %swap3A_1575], %add3A_1573 {strides = array<i32>} : memref<8x2048xf32, #tpu.memory_space<vmem>>, vector<8x2048xf32>,
      %get3A_1577 = arith.constant 544 : index
      %get3A_1578 = arith.constant 0 : index
      %get3A_1579 = vector.load %arg1[%get3A_1577, %get3A_1578] : memref<1024x2048xf32, #tpu.memory_space<vmem>>, vector<8x2048xf32>
      %add3A_1580 = arith.constant 544 : i32
      %add3A_1581 = arith.addi %mul3A_18, %add3A_1580 : i32
      %iota3A_1582 = tpu.iota {dimensions = array<i32: 0>} : vector<8x2048xi32>
      %add3A_1583 = vector.broadcast %add3A_1581 : i32 to vector<8x2048xi32>
      %add3A_1584 = arith.addi %add3A_1583, %iota3A_1582 : vector<8x2048xi32>
      %eq3A_1585 = vector.broadcast %get3A_1 : vector<1x2048xi32> to vector<8x2048xi32>
      %eq3A_1586 = arith.cmpi eq, %add3A_1584, %eq3A_1585 : vector<8x2048xi32>
      %jit3A_1587 = arith.constant -0.899999976 : f32
      %jit3A_1588 = arith.constant -1.000020e-06 : f32
      %broadcast_in_dim3A_1589 = vector.broadcast %jit3A_1587 : f32 to vector<8x2048xf32>
      %broadcast_in_dim3A_1590 = vector.broadcast %jit3A_1588 : f32 to vector<8x2048xf32>
      %select_n3A_1591 = arith.select %eq3A_1586, %broadcast_in_dim3A_1589, %broadcast_in_dim3A_1590 : vector<8x2048xi1>, vector<8x2048xf32>
      %get3A_1592 = arith.constant 0 : index
      %get3A_1593 = arith.constant 0 : index
      %get3A_1594 = vector.load %arg4[%get3A_1592, %get3A_1593] : memref<8x2048xf32, #tpu.memory_space<vmem>>, vector<8x2048xf32>
      %mul3A_1595 = arith.mulf %select_n3A_1591, %get3A_1579 : vector<8x2048xf32>
      %add3A_1596 = arith.addf %get3A_1594, %mul3A_1595 : vector<8x2048xf32>
      %swap3A_1597 = arith.constant 0 : index
      %swap3A_1598 = arith.constant 0 : index
      %swap3A_1599 = vector.load %arg4[%swap3A_1597, %swap3A_1598] : memref<8x2048xf32, #tpu.memory_space<vmem>>, vector<8x2048xf32>
      tpu.vector_store %arg4[%swap3A_1597, %swap3A_1598], %add3A_1596 {strides = array<i32>} : memref<8x2048xf32, #tpu.memory_space<vmem>>, vector<8x2048xf32>,
      %get3A_1600 = arith.constant 552 : index
      %get3A_1601 = arith.constant 0 : index
      %get3A_1602 = vector.load %arg1[%get3A_1600, %get3A_1601] : memref<1024x2048xf32, #tpu.memory_space<vmem>>, vector<8x2048xf32>
      %add3A_1603 = arith.constant 552 : i32
      %add3A_1604 = arith.addi %mul3A_18, %add3A_1603 : i32
      %iota3A_1605 = tpu.iota {dimensions = array<i32: 0>} : vector<8x2048xi32>
      %add3A_1606 = vector.broadcast %add3A_1604 : i32 to vector<8x2048xi32>
      %add3A_1607 = arith.addi %add3A_1606, %iota3A_1605 : vector<8x2048xi32>
      %eq3A_1608 = vector.broadcast %get3A_1 : vector<1x2048xi32> to vector<8x2048xi32>
      %eq3A_1609 = arith.cmpi eq, %add3A_1607, %eq3A_1608 : vector<8x2048xi32>
      %jit3A_1610 = arith.constant -0.899999976 : f32
      %jit3A_1611 = arith.constant -1.000020e-06 : f32
      %broadcast_in_dim3A_1612 = vector.broadcast %jit3A_1610 : f32 to vector<8x2048xf32>
      %broadcast_in_dim3A_1613 = vector.broadcast %jit3A_1611 : f32 to vector<8x2048xf32>
      %select_n3A_1614 = arith.select %eq3A_1609, %broadcast_in_dim3A_1612, %broadcast_in_dim3A_1613 : vector<8x2048xi1>, vector<8x2048xf32>
      %get3A_1615 = arith.constant 0 : index
      %get3A_1616 = arith.constant 0 : index
      %get3A_1617 = vector.load %arg4[%get3A_1615, %get3A_1616] : memref<8x2048xf32, #tpu.memory_space<vmem>>, vector<8x2048xf32>
      %mul3A_1618 = arith.mulf %select_n3A_1614, %get3A_1602 : vector<8x2048xf32>
      %add3A_1619 = arith.addf %get3A_1617, %mul3A_1618 : vector<8x2048xf32>
      %swap3A_1620 = arith.constant 0 : index
      %swap3A_1621 = arith.constant 0 : index
      %swap3A_1622 = vector.load %arg4[%swap3A_1620, %swap3A_1621] : memref<8x2048xf32, #tpu.memory_space<vmem>>, vector<8x2048xf32>
      tpu.vector_store %arg4[%swap3A_1620, %swap3A_1621], %add3A_1619 {strides = array<i32>} : memref<8x2048xf32, #tpu.memory_space<vmem>>, vector<8x2048xf32>,
      %get3A_1623 = arith.constant 560 : index
      %get3A_1624 = arith.constant 0 : index
      %get3A_1625 = vector.load %arg1[%get3A_1623, %get3A_1624] : memref<1024x2048xf32, #tpu.memory_space<vmem>>, vector<8x2048xf32>
      %add3A_1626 = arith.constant 560 : i32
      %add3A_1627 = arith.addi %mul3A_18, %add3A_1626 : i32
      %iota3A_1628 = tpu.iota {dimensions = array<i32: 0>} : vector<8x2048xi32>
      %add3A_1629 = vector.broadcast %add3A_1627 : i32 to vector<8x2048xi32>
      %add3A_1630 = arith.addi %add3A_1629, %iota3A_1628 : vector<8x2048xi32>
      %eq3A_1631 = vector.broadcast %get3A_1 : vector<1x2048xi32> to vector<8x2048xi32>
      %eq3A_1632 = arith.cmpi eq, %add3A_1630, %eq3A_1631 : vector<8x2048xi32>
      %jit3A_1633 = arith.constant -0.899999976 : f32
      %jit3A_1634 = arith.constant -1.000020e-06 : f32
      %broadcast_in_dim3A_1635 = vector.broadcast %jit3A_1633 : f32 to vector<8x2048xf32>
      %broadcast_in_dim3A_1636 = vector.broadcast %jit3A_1634 : f32 to vector<8x2048xf32>
      %select_n3A_1637 = arith.select %eq3A_1632, %broadcast_in_dim3A_1635, %broadcast_in_dim3A_1636 : vector<8x2048xi1>, vector<8x2048xf32>
      %get3A_1638 = arith.constant 0 : index
      %get3A_1639 = arith.constant 0 : index
      %get3A_1640 = vector.load %arg4[%get3A_1638, %get3A_1639] : memref<8x2048xf32, #tpu.memory_space<vmem>>, vector<8x2048xf32>
      %mul3A_1641 = arith.mulf %select_n3A_1637, %get3A_1625 : vector<8x2048xf32>
      %add3A_1642 = arith.addf %get3A_1640, %mul3A_1641 : vector<8x2048xf32>
      %swap3A_1643 = arith.constant 0 : index
      %swap3A_1644 = arith.constant 0 : index
      %swap3A_1645 = vector.load %arg4[%swap3A_1643, %swap3A_1644] : memref<8x2048xf32, #tpu.memory_space<vmem>>, vector<8x2048xf32>
      tpu.vector_store %arg4[%swap3A_1643, %swap3A_1644], %add3A_1642 {strides = array<i32>} : memref<8x2048xf32, #tpu.memory_space<vmem>>, vector<8x2048xf32>,
      %get3A_1646 = arith.constant 568 : index
      %get3A_1647 = arith.constant 0 : index
      %get3A_1648 = vector.load %arg1[%get3A_1646, %get3A_1647] : memref<1024x2048xf32, #tpu.memory_space<vmem>>, vector<8x2048xf32>
      %add3A_1649 = arith.constant 568 : i32
      %add3A_1650 = arith.addi %mul3A_18, %add3A_1649 : i32
      %iota3A_1651 = tpu.iota {dimensions = array<i32: 0>} : vector<8x2048xi32>
      %add3A_1652 = vector.broadcast %add3A_1650 : i32 to vector<8x2048xi32>
      %add3A_1653 = arith.addi %add3A_1652, %iota3A_1651 : vector<8x2048xi32>
      %eq3A_1654 = vector.broadcast %get3A_1 : vector<1x2048xi32> to vector<8x2048xi32>
      %eq3A_1655 = arith.cmpi eq, %add3A_1653, %eq3A_1654 : vector<8x2048xi32>
      %jit3A_1656 = arith.constant -0.899999976 : f32
      %jit3A_1657 = arith.constant -1.000020e-06 : f32
      %broadcast_in_dim3A_1658 = vector.broadcast %jit3A_1656 : f32 to vector<8x2048xf32>
      %broadcast_in_dim3A_1659 = vector.broadcast %jit3A_1657 : f32 to vector<8x2048xf32>
      %select_n3A_1660 = arith.select %eq3A_1655, %broadcast_in_dim3A_1658, %broadcast_in_dim3A_1659 : vector<8x2048xi1>, vector<8x2048xf32>
      %get3A_1661 = arith.constant 0 : index
      %get3A_1662 = arith.constant 0 : index
      %get3A_1663 = vector.load %arg4[%get3A_1661, %get3A_1662] : memref<8x2048xf32, #tpu.memory_space<vmem>>, vector<8x2048xf32>
      %mul3A_1664 = arith.mulf %select_n3A_1660, %get3A_1648 : vector<8x2048xf32>
      %add3A_1665 = arith.addf %get3A_1663, %mul3A_1664 : vector<8x2048xf32>
      %swap3A_1666 = arith.constant 0 : index
      %swap3A_1667 = arith.constant 0 : index
      %swap3A_1668 = vector.load %arg4[%swap3A_1666, %swap3A_1667] : memref<8x2048xf32, #tpu.memory_space<vmem>>, vector<8x2048xf32>
      tpu.vector_store %arg4[%swap3A_1666, %swap3A_1667], %add3A_1665 {strides = array<i32>} : memref<8x2048xf32, #tpu.memory_space<vmem>>, vector<8x2048xf32>,
      %get3A_1669 = arith.constant 576 : index
      %get3A_1670 = arith.constant 0 : index
      %get3A_1671 = vector.load %arg1[%get3A_1669, %get3A_1670] : memref<1024x2048xf32, #tpu.memory_space<vmem>>, vector<8x2048xf32>
      %add3A_1672 = arith.constant 576 : i32
      %add3A_1673 = arith.addi %mul3A_18, %add3A_1672 : i32
      %iota3A_1674 = tpu.iota {dimensions = array<i32: 0>} : vector<8x2048xi32>
      %add3A_1675 = vector.broadcast %add3A_1673 : i32 to vector<8x2048xi32>
      %add3A_1676 = arith.addi %add3A_1675, %iota3A_1674 : vector<8x2048xi32>
      %eq3A_1677 = vector.broadcast %get3A_1 : vector<1x2048xi32> to vector<8x2048xi32>
      %eq3A_1678 = arith.cmpi eq, %add3A_1676, %eq3A_1677 : vector<8x2048xi32>
      %jit3A_1679 = arith.constant -0.899999976 : f32
      %jit3A_1680 = arith.constant -1.000020e-06 : f32
      %broadcast_in_dim3A_1681 = vector.broadcast %jit3A_1679 : f32 to vector<8x2048xf32>
      %broadcast_in_dim3A_1682 = vector.broadcast %jit3A_1680 : f32 to vector<8x2048xf32>
      %select_n3A_1683 = arith.select %eq3A_1678, %broadcast_in_dim3A_1681, %broadcast_in_dim3A_1682 : vector<8x2048xi1>, vector<8x2048xf32>
      %get3A_1684 = arith.constant 0 : index
      %get3A_1685 = arith.constant 0 : index
      %get3A_1686 = vector.load %arg4[%get3A_1684, %get3A_1685] : memref<8x2048xf32, #tpu.memory_space<vmem>>, vector<8x2048xf32>
      %mul3A_1687 = arith.mulf %select_n3A_1683, %get3A_1671 : vector<8x2048xf32>
      %add3A_1688 = arith.addf %get3A_1686, %mul3A_1687 : vector<8x2048xf32>
      %swap3A_1689 = arith.constant 0 : index
      %swap3A_1690 = arith.constant 0 : index
      %swap3A_1691 = vector.load %arg4[%swap3A_1689, %swap3A_1690] : memref<8x2048xf32, #tpu.memory_space<vmem>>, vector<8x2048xf32>
      tpu.vector_store %arg4[%swap3A_1689, %swap3A_1690], %add3A_1688 {strides = array<i32>} : memref<8x2048xf32, #tpu.memory_space<vmem>>, vector<8x2048xf32>,
      %get3A_1692 = arith.constant 584 : index
      %get3A_1693 = arith.constant 0 : index
      %get3A_1694 = vector.load %arg1[%get3A_1692, %get3A_1693] : memref<1024x2048xf32, #tpu.memory_space<vmem>>, vector<8x2048xf32>
      %add3A_1695 = arith.constant 584 : i32
      %add3A_1696 = arith.addi %mul3A_18, %add3A_1695 : i32
      %iota3A_1697 = tpu.iota {dimensions = array<i32: 0>} : vector<8x2048xi32>
      %add3A_1698 = vector.broadcast %add3A_1696 : i32 to vector<8x2048xi32>
      %add3A_1699 = arith.addi %add3A_1698, %iota3A_1697 : vector<8x2048xi32>
      %eq3A_1700 = vector.broadcast %get3A_1 : vector<1x2048xi32> to vector<8x2048xi32>
      %eq3A_1701 = arith.cmpi eq, %add3A_1699, %eq3A_1700 : vector<8x2048xi32>
      %jit3A_1702 = arith.constant -0.899999976 : f32
      %jit3A_1703 = arith.constant -1.000020e-06 : f32
      %broadcast_in_dim3A_1704 = vector.broadcast %jit3A_1702 : f32 to vector<8x2048xf32>
      %broadcast_in_dim3A_1705 = vector.broadcast %jit3A_1703 : f32 to vector<8x2048xf32>
      %select_n3A_1706 = arith.select %eq3A_1701, %broadcast_in_dim3A_1704, %broadcast_in_dim3A_1705 : vector<8x2048xi1>, vector<8x2048xf32>
      %get3A_1707 = arith.constant 0 : index
      %get3A_1708 = arith.constant 0 : index
      %get3A_1709 = vector.load %arg4[%get3A_1707, %get3A_1708] : memref<8x2048xf32, #tpu.memory_space<vmem>>, vector<8x2048xf32>
      %mul3A_1710 = arith.mulf %select_n3A_1706, %get3A_1694 : vector<8x2048xf32>
      %add3A_1711 = arith.addf %get3A_1709, %mul3A_1710 : vector<8x2048xf32>
      %swap3A_1712 = arith.constant 0 : index
      %swap3A_1713 = arith.constant 0 : index
      %swap3A_1714 = vector.load %arg4[%swap3A_1712, %swap3A_1713] : memref<8x2048xf32, #tpu.memory_space<vmem>>, vector<8x2048xf32>
      tpu.vector_store %arg4[%swap3A_1712, %swap3A_1713], %add3A_1711 {strides = array<i32>} : memref<8x2048xf32, #tpu.memory_space<vmem>>, vector<8x2048xf32>,
      %get3A_1715 = arith.constant 592 : index
      %get3A_1716 = arith.constant 0 : index
      %get3A_1717 = vector.load %arg1[%get3A_1715, %get3A_1716] : memref<1024x2048xf32, #tpu.memory_space<vmem>>, vector<8x2048xf32>
      %add3A_1718 = arith.constant 592 : i32
      %add3A_1719 = arith.addi %mul3A_18, %add3A_1718 : i32
      %iota3A_1720 = tpu.iota {dimensions = array<i32: 0>} : vector<8x2048xi32>
      %add3A_1721 = vector.broadcast %add3A_1719 : i32 to vector<8x2048xi32>
      %add3A_1722 = arith.addi %add3A_1721, %iota3A_1720 : vector<8x2048xi32>
      %eq3A_1723 = vector.broadcast %get3A_1 : vector<1x2048xi32> to vector<8x2048xi32>
      %eq3A_1724 = arith.cmpi eq, %add3A_1722, %eq3A_1723 : vector<8x2048xi32>
      %jit3A_1725 = arith.constant -0.899999976 : f32
      %jit3A_1726 = arith.constant -1.000020e-06 : f32
      %broadcast_in_dim3A_1727 = vector.broadcast %jit3A_1725 : f32 to vector<8x2048xf32>
      %broadcast_in_dim3A_1728 = vector.broadcast %jit3A_1726 : f32 to vector<8x2048xf32>
      %select_n3A_1729 = arith.select %eq3A_1724, %broadcast_in_dim3A_1727, %broadcast_in_dim3A_1728 : vector<8x2048xi1>, vector<8x2048xf32>
      %get3A_1730 = arith.constant 0 : index
      %get3A_1731 = arith.constant 0 : index
      %get3A_1732 = vector.load %arg4[%get3A_1730, %get3A_1731] : memref<8x2048xf32, #tpu.memory_space<vmem>>, vector<8x2048xf32>
      %mul3A_1733 = arith.mulf %select_n3A_1729, %get3A_1717 : vector<8x2048xf32>
      %add3A_1734 = arith.addf %get3A_1732, %mul3A_1733 : vector<8x2048xf32>
      %swap3A_1735 = arith.constant 0 : index
      %swap3A_1736 = arith.constant 0 : index
      %swap3A_1737 = vector.load %arg4[%swap3A_1735, %swap3A_1736] : memref<8x2048xf32, #tpu.memory_space<vmem>>, vector<8x2048xf32>
      tpu.vector_store %arg4[%swap3A_1735, %swap3A_1736], %add3A_1734 {strides = array<i32>} : memref<8x2048xf32, #tpu.memory_space<vmem>>, vector<8x2048xf32>,
      %get3A_1738 = arith.constant 600 : index
      %get3A_1739 = arith.constant 0 : index
      %get3A_1740 = vector.load %arg1[%get3A_1738, %get3A_1739] : memref<1024x2048xf32, #tpu.memory_space<vmem>>, vector<8x2048xf32>
      %add3A_1741 = arith.constant 600 : i32
      %add3A_1742 = arith.addi %mul3A_18, %add3A_1741 : i32
      %iota3A_1743 = tpu.iota {dimensions = array<i32: 0>} : vector<8x2048xi32>
      %add3A_1744 = vector.broadcast %add3A_1742 : i32 to vector<8x2048xi32>
      %add3A_1745 = arith.addi %add3A_1744, %iota3A_1743 : vector<8x2048xi32>
      %eq3A_1746 = vector.broadcast %get3A_1 : vector<1x2048xi32> to vector<8x2048xi32>
      %eq3A_1747 = arith.cmpi eq, %add3A_1745, %eq3A_1746 : vector<8x2048xi32>
      %jit3A_1748 = arith.constant -0.899999976 : f32
      %jit3A_1749 = arith.constant -1.000020e-06 : f32
      %broadcast_in_dim3A_1750 = vector.broadcast %jit3A_1748 : f32 to vector<8x2048xf32>
      %broadcast_in_dim3A_1751 = vector.broadcast %jit3A_1749 : f32 to vector<8x2048xf32>
      %select_n3A_1752 = arith.select %eq3A_1747, %broadcast_in_dim3A_1750, %broadcast_in_dim3A_1751 : vector<8x2048xi1>, vector<8x2048xf32>
      %get3A_1753 = arith.constant 0 : index
      %get3A_1754 = arith.constant 0 : index
      %get3A_1755 = vector.load %arg4[%get3A_1753, %get3A_1754] : memref<8x2048xf32, #tpu.memory_space<vmem>>, vector<8x2048xf32>
      %mul3A_1756 = arith.mulf %select_n3A_1752, %get3A_1740 : vector<8x2048xf32>
      %add3A_1757 = arith.addf %get3A_1755, %mul3A_1756 : vector<8x2048xf32>
      %swap3A_1758 = arith.constant 0 : index
      %swap3A_1759 = arith.constant 0 : index
      %swap3A_1760 = vector.load %arg4[%swap3A_1758, %swap3A_1759] : memref<8x2048xf32, #tpu.memory_space<vmem>>, vector<8x2048xf32>
      tpu.vector_store %arg4[%swap3A_1758, %swap3A_1759], %add3A_1757 {strides = array<i32>} : memref<8x2048xf32, #tpu.memory_space<vmem>>, vector<8x2048xf32>,
      %get3A_1761 = arith.constant 608 : index
      %get3A_1762 = arith.constant 0 : index
      %get3A_1763 = vector.load %arg1[%get3A_1761, %get3A_1762] : memref<1024x2048xf32, #tpu.memory_space<vmem>>, vector<8x2048xf32>
      %add3A_1764 = arith.constant 608 : i32
      %add3A_1765 = arith.addi %mul3A_18, %add3A_1764 : i32
      %iota3A_1766 = tpu.iota {dimensions = array<i32: 0>} : vector<8x2048xi32>
      %add3A_1767 = vector.broadcast %add3A_1765 : i32 to vector<8x2048xi32>
      %add3A_1768 = arith.addi %add3A_1767, %iota3A_1766 : vector<8x2048xi32>
      %eq3A_1769 = vector.broadcast %get3A_1 : vector<1x2048xi32> to vector<8x2048xi32>
      %eq3A_1770 = arith.cmpi eq, %add3A_1768, %eq3A_1769 : vector<8x2048xi32>
      %jit3A_1771 = arith.constant -0.899999976 : f32
      %jit3A_1772 = arith.constant -1.000020e-06 : f32
      %broadcast_in_dim3A_1773 = vector.broadcast %jit3A_1771 : f32 to vector<8x2048xf32>
      %broadcast_in_dim3A_1774 = vector.broadcast %jit3A_1772 : f32 to vector<8x2048xf32>
      %select_n3A_1775 = arith.select %eq3A_1770, %broadcast_in_dim3A_1773, %broadcast_in_dim3A_1774 : vector<8x2048xi1>, vector<8x2048xf32>
      %get3A_1776 = arith.constant 0 : index
      %get3A_1777 = arith.constant 0 : index
      %get3A_1778 = vector.load %arg4[%get3A_1776, %get3A_1777] : memref<8x2048xf32, #tpu.memory_space<vmem>>, vector<8x2048xf32>
      %mul3A_1779 = arith.mulf %select_n3A_1775, %get3A_1763 : vector<8x2048xf32>
      %add3A_1780 = arith.addf %get3A_1778, %mul3A_1779 : vector<8x2048xf32>
      %swap3A_1781 = arith.constant 0 : index
      %swap3A_1782 = arith.constant 0 : index
      %swap3A_1783 = vector.load %arg4[%swap3A_1781, %swap3A_1782] : memref<8x2048xf32, #tpu.memory_space<vmem>>, vector<8x2048xf32>
      tpu.vector_store %arg4[%swap3A_1781, %swap3A_1782], %add3A_1780 {strides = array<i32>} : memref<8x2048xf32, #tpu.memory_space<vmem>>, vector<8x2048xf32>,
      %get3A_1784 = arith.constant 616 : index
      %get3A_1785 = arith.constant 0 : index
      %get3A_1786 = vector.load %arg1[%get3A_1784, %get3A_1785] : memref<1024x2048xf32, #tpu.memory_space<vmem>>, vector<8x2048xf32>
      %add3A_1787 = arith.constant 616 : i32
      %add3A_1788 = arith.addi %mul3A_18, %add3A_1787 : i32
      %iota3A_1789 = tpu.iota {dimensions = array<i32: 0>} : vector<8x2048xi32>
      %add3A_1790 = vector.broadcast %add3A_1788 : i32 to vector<8x2048xi32>
      %add3A_1791 = arith.addi %add3A_1790, %iota3A_1789 : vector<8x2048xi32>
      %eq3A_1792 = vector.broadcast %get3A_1 : vector<1x2048xi32> to vector<8x2048xi32>
      %eq3A_1793 = arith.cmpi eq, %add3A_1791, %eq3A_1792 : vector<8x2048xi32>
      %jit3A_1794 = arith.constant -0.899999976 : f32
      %jit3A_1795 = arith.constant -1.000020e-06 : f32
      %broadcast_in_dim3A_1796 = vector.broadcast %jit3A_1794 : f32 to vector<8x2048xf32>
      %broadcast_in_dim3A_1797 = vector.broadcast %jit3A_1795 : f32 to vector<8x2048xf32>
      %select_n3A_1798 = arith.select %eq3A_1793, %broadcast_in_dim3A_1796, %broadcast_in_dim3A_1797 : vector<8x2048xi1>, vector<8x2048xf32>
      %get3A_1799 = arith.constant 0 : index
      %get3A_1800 = arith.constant 0 : index
      %get3A_1801 = vector.load %arg4[%get3A_1799, %get3A_1800] : memref<8x2048xf32, #tpu.memory_space<vmem>>, vector<8x2048xf32>
      %mul3A_1802 = arith.mulf %select_n3A_1798, %get3A_1786 : vector<8x2048xf32>
      %add3A_1803 = arith.addf %get3A_1801, %mul3A_1802 : vector<8x2048xf32>
      %swap3A_1804 = arith.constant 0 : index
      %swap3A_1805 = arith.constant 0 : index
      %swap3A_1806 = vector.load %arg4[%swap3A_1804, %swap3A_1805] : memref<8x2048xf32, #tpu.memory_space<vmem>>, vector<8x2048xf32>
      tpu.vector_store %arg4[%swap3A_1804, %swap3A_1805], %add3A_1803 {strides = array<i32>} : memref<8x2048xf32, #tpu.memory_space<vmem>>, vector<8x2048xf32>,
      %get3A_1807 = arith.constant 624 : index
      %get3A_1808 = arith.constant 0 : index
      %get3A_1809 = vector.load %arg1[%get3A_1807, %get3A_1808] : memref<1024x2048xf32, #tpu.memory_space<vmem>>, vector<8x2048xf32>
      %add3A_1810 = arith.constant 624 : i32
      %add3A_1811 = arith.addi %mul3A_18, %add3A_1810 : i32
      %iota3A_1812 = tpu.iota {dimensions = array<i32: 0>} : vector<8x2048xi32>
      %add3A_1813 = vector.broadcast %add3A_1811 : i32 to vector<8x2048xi32>
      %add3A_1814 = arith.addi %add3A_1813, %iota3A_1812 : vector<8x2048xi32>
      %eq3A_1815 = vector.broadcast %get3A_1 : vector<1x2048xi32> to vector<8x2048xi32>
      %eq3A_1816 = arith.cmpi eq, %add3A_1814, %eq3A_1815 : vector<8x2048xi32>
      %jit3A_1817 = arith.constant -0.899999976 : f32
      %jit3A_1818 = arith.constant -1.000020e-06 : f32
      %broadcast_in_dim3A_1819 = vector.broadcast %jit3A_1817 : f32 to vector<8x2048xf32>
      %broadcast_in_dim3A_1820 = vector.broadcast %jit3A_1818 : f32 to vector<8x2048xf32>
      %select_n3A_1821 = arith.select %eq3A_1816, %broadcast_in_dim3A_1819, %broadcast_in_dim3A_1820 : vector<8x2048xi1>, vector<8x2048xf32>
      %get3A_1822 = arith.constant 0 : index
      %get3A_1823 = arith.constant 0 : index
      %get3A_1824 = vector.load %arg4[%get3A_1822, %get3A_1823] : memref<8x2048xf32, #tpu.memory_space<vmem>>, vector<8x2048xf32>
      %mul3A_1825 = arith.mulf %select_n3A_1821, %get3A_1809 : vector<8x2048xf32>
      %add3A_1826 = arith.addf %get3A_1824, %mul3A_1825 : vector<8x2048xf32>
      %swap3A_1827 = arith.constant 0 : index
      %swap3A_1828 = arith.constant 0 : index
      %swap3A_1829 = vector.load %arg4[%swap3A_1827, %swap3A_1828] : memref<8x2048xf32, #tpu.memory_space<vmem>>, vector<8x2048xf32>
      tpu.vector_store %arg4[%swap3A_1827, %swap3A_1828], %add3A_1826 {strides = array<i32>} : memref<8x2048xf32, #tpu.memory_space<vmem>>, vector<8x2048xf32>,
      %get3A_1830 = arith.constant 632 : index
      %get3A_1831 = arith.constant 0 : index
      %get3A_1832 = vector.load %arg1[%get3A_1830, %get3A_1831] : memref<1024x2048xf32, #tpu.memory_space<vmem>>, vector<8x2048xf32>
      %add3A_1833 = arith.constant 632 : i32
      %add3A_1834 = arith.addi %mul3A_18, %add3A_1833 : i32
      %iota3A_1835 = tpu.iota {dimensions = array<i32: 0>} : vector<8x2048xi32>
      %add3A_1836 = vector.broadcast %add3A_1834 : i32 to vector<8x2048xi32>
      %add3A_1837 = arith.addi %add3A_1836, %iota3A_1835 : vector<8x2048xi32>
      %eq3A_1838 = vector.broadcast %get3A_1 : vector<1x2048xi32> to vector<8x2048xi32>
      %eq3A_1839 = arith.cmpi eq, %add3A_1837, %eq3A_1838 : vector<8x2048xi32>
      %jit3A_1840 = arith.constant -0.899999976 : f32
      %jit3A_1841 = arith.constant -1.000020e-06 : f32
      %broadcast_in_dim3A_1842 = vector.broadcast %jit3A_1840 : f32 to vector<8x2048xf32>
      %broadcast_in_dim3A_1843 = vector.broadcast %jit3A_1841 : f32 to vector<8x2048xf32>
      %select_n3A_1844 = arith.select %eq3A_1839, %broadcast_in_dim3A_1842, %broadcast_in_dim3A_1843 : vector<8x2048xi1>, vector<8x2048xf32>
      %get3A_1845 = arith.constant 0 : index
      %get3A_1846 = arith.constant 0 : index
      %get3A_1847 = vector.load %arg4[%get3A_1845, %get3A_1846] : memref<8x2048xf32, #tpu.memory_space<vmem>>, vector<8x2048xf32>
      %mul3A_1848 = arith.mulf %select_n3A_1844, %get3A_1832 : vector<8x2048xf32>
      %add3A_1849 = arith.addf %get3A_1847, %mul3A_1848 : vector<8x2048xf32>
      %swap3A_1850 = arith.constant 0 : index
      %swap3A_1851 = arith.constant 0 : index
      %swap3A_1852 = vector.load %arg4[%swap3A_1850, %swap3A_1851] : memref<8x2048xf32, #tpu.memory_space<vmem>>, vector<8x2048xf32>
      tpu.vector_store %arg4[%swap3A_1850, %swap3A_1851], %add3A_1849 {strides = array<i32>} : memref<8x2048xf32, #tpu.memory_space<vmem>>, vector<8x2048xf32>,
      %get3A_1853 = arith.constant 640 : index
      %get3A_1854 = arith.constant 0 : index
      %get3A_1855 = vector.load %arg1[%get3A_1853, %get3A_1854] : memref<1024x2048xf32, #tpu.memory_space<vmem>>, vector<8x2048xf32>
      %add3A_1856 = arith.constant 640 : i32
      %add3A_1857 = arith.addi %mul3A_18, %add3A_1856 : i32
      %iota3A_1858 = tpu.iota {dimensions = array<i32: 0>} : vector<8x2048xi32>
      %add3A_1859 = vector.broadcast %add3A_1857 : i32 to vector<8x2048xi32>
      %add3A_1860 = arith.addi %add3A_1859, %iota3A_1858 : vector<8x2048xi32>
      %eq3A_1861 = vector.broadcast %get3A_1 : vector<1x2048xi32> to vector<8x2048xi32>
      %eq3A_1862 = arith.cmpi eq, %add3A_1860, %eq3A_1861 : vector<8x2048xi32>
      %jit3A_1863 = arith.constant -0.899999976 : f32
      %jit3A_1864 = arith.constant -1.000020e-06 : f32
      %broadcast_in_dim3A_1865 = vector.broadcast %jit3A_1863 : f32 to vector<8x2048xf32>
      %broadcast_in_dim3A_1866 = vector.broadcast %jit3A_1864 : f32 to vector<8x2048xf32>
      %select_n3A_1867 = arith.select %eq3A_1862, %broadcast_in_dim3A_1865, %broadcast_in_dim3A_1866 : vector<8x2048xi1>, vector<8x2048xf32>
      %get3A_1868 = arith.constant 0 : index
      %get3A_1869 = arith.constant 0 : index
      %get3A_1870 = vector.load %arg4[%get3A_1868, %get3A_1869] : memref<8x2048xf32, #tpu.memory_space<vmem>>, vector<8x2048xf32>
      %mul3A_1871 = arith.mulf %select_n3A_1867, %get3A_1855 : vector<8x2048xf32>
      %add3A_1872 = arith.addf %get3A_1870, %mul3A_1871 : vector<8x2048xf32>
      %swap3A_1873 = arith.constant 0 : index
      %swap3A_1874 = arith.constant 0 : index
      %swap3A_1875 = vector.load %arg4[%swap3A_1873, %swap3A_1874] : memref<8x2048xf32, #tpu.memory_space<vmem>>, vector<8x2048xf32>
      tpu.vector_store %arg4[%swap3A_1873, %swap3A_1874], %add3A_1872 {strides = array<i32>} : memref<8x2048xf32, #tpu.memory_space<vmem>>, vector<8x2048xf32>,
      %get3A_1876 = arith.constant 648 : index
      %get3A_1877 = arith.constant 0 : index
      %get3A_1878 = vector.load %arg1[%get3A_1876, %get3A_1877] : memref<1024x2048xf32, #tpu.memory_space<vmem>>, vector<8x2048xf32>
      %add3A_1879 = arith.constant 648 : i32
      %add3A_1880 = arith.addi %mul3A_18, %add3A_1879 : i32
      %iota3A_1881 = tpu.iota {dimensions = array<i32: 0>} : vector<8x2048xi32>
      %add3A_1882 = vector.broadcast %add3A_1880 : i32 to vector<8x2048xi32>
      %add3A_1883 = arith.addi %add3A_1882, %iota3A_1881 : vector<8x2048xi32>
      %eq3A_1884 = vector.broadcast %get3A_1 : vector<1x2048xi32> to vector<8x2048xi32>
      %eq3A_1885 = arith.cmpi eq, %add3A_1883, %eq3A_1884 : vector<8x2048xi32>
      %jit3A_1886 = arith.constant -0.899999976 : f32
      %jit3A_1887 = arith.constant -1.000020e-06 : f32
      %broadcast_in_dim3A_1888 = vector.broadcast %jit3A_1886 : f32 to vector<8x2048xf32>
      %broadcast_in_dim3A_1889 = vector.broadcast %jit3A_1887 : f32 to vector<8x2048xf32>
      %select_n3A_1890 = arith.select %eq3A_1885, %broadcast_in_dim3A_1888, %broadcast_in_dim3A_1889 : vector<8x2048xi1>, vector<8x2048xf32>
      %get3A_1891 = arith.constant 0 : index
      %get3A_1892 = arith.constant 0 : index
      %get3A_1893 = vector.load %arg4[%get3A_1891, %get3A_1892] : memref<8x2048xf32, #tpu.memory_space<vmem>>, vector<8x2048xf32>
      %mul3A_1894 = arith.mulf %select_n3A_1890, %get3A_1878 : vector<8x2048xf32>
      %add3A_1895 = arith.addf %get3A_1893, %mul3A_1894 : vector<8x2048xf32>
      %swap3A_1896 = arith.constant 0 : index
      %swap3A_1897 = arith.constant 0 : index
      %swap3A_1898 = vector.load %arg4[%swap3A_1896, %swap3A_1897] : memref<8x2048xf32, #tpu.memory_space<vmem>>, vector<8x2048xf32>
      tpu.vector_store %arg4[%swap3A_1896, %swap3A_1897], %add3A_1895 {strides = array<i32>} : memref<8x2048xf32, #tpu.memory_space<vmem>>, vector<8x2048xf32>,
      %get3A_1899 = arith.constant 656 : index
      %get3A_1900 = arith.constant 0 : index
      %get3A_1901 = vector.load %arg1[%get3A_1899, %get3A_1900] : memref<1024x2048xf32, #tpu.memory_space<vmem>>, vector<8x2048xf32>
      %add3A_1902 = arith.constant 656 : i32
      %add3A_1903 = arith.addi %mul3A_18, %add3A_1902 : i32
      %iota3A_1904 = tpu.iota {dimensions = array<i32: 0>} : vector<8x2048xi32>
      %add3A_1905 = vector.broadcast %add3A_1903 : i32 to vector<8x2048xi32>
      %add3A_1906 = arith.addi %add3A_1905, %iota3A_1904 : vector<8x2048xi32>
      %eq3A_1907 = vector.broadcast %get3A_1 : vector<1x2048xi32> to vector<8x2048xi32>
      %eq3A_1908 = arith.cmpi eq, %add3A_1906, %eq3A_1907 : vector<8x2048xi32>
      %jit3A_1909 = arith.constant -0.899999976 : f32
      %jit3A_1910 = arith.constant -1.000020e-06 : f32
      %broadcast_in_dim3A_1911 = vector.broadcast %jit3A_1909 : f32 to vector<8x2048xf32>
      %broadcast_in_dim3A_1912 = vector.broadcast %jit3A_1910 : f32 to vector<8x2048xf32>
      %select_n3A_1913 = arith.select %eq3A_1908, %broadcast_in_dim3A_1911, %broadcast_in_dim3A_1912 : vector<8x2048xi1>, vector<8x2048xf32>
      %get3A_1914 = arith.constant 0 : index
      %get3A_1915 = arith.constant 0 : index
      %get3A_1916 = vector.load %arg4[%get3A_1914, %get3A_1915] : memref<8x2048xf32, #tpu.memory_space<vmem>>, vector<8x2048xf32>
      %mul3A_1917 = arith.mulf %select_n3A_1913, %get3A_1901 : vector<8x2048xf32>
      %add3A_1918 = arith.addf %get3A_1916, %mul3A_1917 : vector<8x2048xf32>
      %swap3A_1919 = arith.constant 0 : index
      %swap3A_1920 = arith.constant 0 : index
      %swap3A_1921 = vector.load %arg4[%swap3A_1919, %swap3A_1920] : memref<8x2048xf32, #tpu.memory_space<vmem>>, vector<8x2048xf32>
      tpu.vector_store %arg4[%swap3A_1919, %swap3A_1920], %add3A_1918 {strides = array<i32>} : memref<8x2048xf32, #tpu.memory_space<vmem>>, vector<8x2048xf32>,
      %get3A_1922 = arith.constant 664 : index
      %get3A_1923 = arith.constant 0 : index
      %get3A_1924 = vector.load %arg1[%get3A_1922, %get3A_1923] : memref<1024x2048xf32, #tpu.memory_space<vmem>>, vector<8x2048xf32>
      %add3A_1925 = arith.constant 664 : i32
      %add3A_1926 = arith.addi %mul3A_18, %add3A_1925 : i32
      %iota3A_1927 = tpu.iota {dimensions = array<i32: 0>} : vector<8x2048xi32>
      %add3A_1928 = vector.broadcast %add3A_1926 : i32 to vector<8x2048xi32>
      %add3A_1929 = arith.addi %add3A_1928, %iota3A_1927 : vector<8x2048xi32>
      %eq3A_1930 = vector.broadcast %get3A_1 : vector<1x2048xi32> to vector<8x2048xi32>
      %eq3A_1931 = arith.cmpi eq, %add3A_1929, %eq3A_1930 : vector<8x2048xi32>
      %jit3A_1932 = arith.constant -0.899999976 : f32
      %jit3A_1933 = arith.constant -1.000020e-06 : f32
      %broadcast_in_dim3A_1934 = vector.broadcast %jit3A_1932 : f32 to vector<8x2048xf32>
      %broadcast_in_dim3A_1935 = vector.broadcast %jit3A_1933 : f32 to vector<8x2048xf32>
      %select_n3A_1936 = arith.select %eq3A_1931, %broadcast_in_dim3A_1934, %broadcast_in_dim3A_1935 : vector<8x2048xi1>, vector<8x2048xf32>
      %get3A_1937 = arith.constant 0 : index
      %get3A_1938 = arith.constant 0 : index
      %get3A_1939 = vector.load %arg4[%get3A_1937, %get3A_1938] : memref<8x2048xf32, #tpu.memory_space<vmem>>, vector<8x2048xf32>
      %mul3A_1940 = arith.mulf %select_n3A_1936, %get3A_1924 : vector<8x2048xf32>
      %add3A_1941 = arith.addf %get3A_1939, %mul3A_1940 : vector<8x2048xf32>
      %swap3A_1942 = arith.constant 0 : index
      %swap3A_1943 = arith.constant 0 : index
      %swap3A_1944 = vector.load %arg4[%swap3A_1942, %swap3A_1943] : memref<8x2048xf32, #tpu.memory_space<vmem>>, vector<8x2048xf32>
      tpu.vector_store %arg4[%swap3A_1942, %swap3A_1943], %add3A_1941 {strides = array<i32>} : memref<8x2048xf32, #tpu.memory_space<vmem>>, vector<8x2048xf32>,
      %get3A_1945 = arith.constant 0 : index
      %get3A_1946 = arith.constant 0 : index
      %get3A_1947 = vector.load %arg4[%get3A_1945, %get3A_1946] : memref<8x2048xf32, #tpu.memory_space<vmem>>, vector<8x2048xf32>
      %reduce_sum3A = arith.constant dense<0.000000e+00> : vector<2048xf32>
      %reduce_sum3A_1948 = vector.multi_reduction <add>, %get3A_1947, %reduce_sum3A [0] : vector<8x2048xf32> to vector<2048xf32>
      %broadcast_in_dim3A_1949 = vector.shape_cast %reduce_sum3A_1948 : vector<2048xf32> to vector<1x2048xf32>
      %swap3A_1950 = arith.constant 0 : index
      %swap3A_1951 = arith.constant 0 : index
      %swap3A_1952 = vector.load %arg3[%swap3A_1950, %swap3A_1951] : memref<1x2048xf32, #tpu.memory_space<vmem>>, vector<1x2048xf32>
      tpu.vector_store %arg3[%swap3A_1950, %swap3A_1951], %broadcast_in_dim3A_1949 {strides = array<i32>} : memref<1x2048xf32, #tpu.memory_space<vmem>>, vector<1x2048xf32>,
    } else {
    }
    return
  }
  func.func @transform_0(%arg0: i32) -> (i32, i32) {
    %c0_i32 = arith.constant 0 : i32
    %c0_i32_0 = arith.constant 0 : i32
    return %arg0, %c0_i32 : i32, i32
  }
  func.func @transform_1(%arg0: i32) -> (i32, i32) {
    %c0_i32 = arith.constant 0 : i32
    %c0_i32_0 = arith.constant 0 : i32
    %c0_i32_1 = arith.constant 0 : i32
    return %c0_i32, %c0_i32_0 : i32, i32
  }
  func.func @transform_2(%arg0: i32) -> (i32, i32) {
    %c0_i32 = arith.constant 0 : i32
    %c0_i32_0 = arith.constant 0 : i32
    %c0_i32_1 = arith.constant 0 : i32
    return %c0_i32, %c0_i32_0 : i32, i32
  }
}

</mosaic_0001>

<sc_bundles>
// kernel: kernel.4.cloned.1.call-start
scs
__scs_entry_jumppad:
0x0: {  	(pc) =	sbr.rel $0x88, $3  }
0x1: {  	(tag) =	ssettag $0x0;
	lr =	simm.s32 $0x1  }
0x2: {  	[smem:$0x3F9F] =	sst lr;
	_ =	strace $0xD0000000  }
0x3: {  	_ = 	snop  }
0x4: {  	_ = 	snop  }
0x5: {  	_ = 	snop  }
0x6: {  	_ = 	snop  }
0x7: {  	_ = 	snop  }
__scs_overlays_trampoline_lowered:
0x8: {  	[smem:$0x3FAE] =	sst s0  }
0x9: {  	[smem:$0x3FAF] =	sst s1  }
0xa: {  	[smem:$0x3FB0] =	sst s2  }
0xb: {  	[smem:$0x3FB1] =	sst s3  }
0xc: {  	[smem:$0x3FB2] =	sst s4  }
0xd: {  	[smem:$0x3FB3] =	sst s5  }
0xe: {  	[smem:$0x3FB4] =	sst s6  }
0xf: {  	[smem:$0x3FB5] =	sst s7  }
0x10: {  	[smem:$0x3FB6] =	sst s8  }
0x11: {  	[smem:$0x3FB7] =	sst s9;
	s0 =	simm.s32 @!p0 $0x0  }
0x12: {  	s1 =	sld [smem:$0x3F9D];
	s0 =	simm.s32 @p0 $0x1  }
0x13: {  	[smem:$0x3FB8] =	sst s0;
	s0 =	simm.s32 @!p1 $0x0  }
0x14: {  	s2 =	sld [smem:$0x3F9C];
	s0 =	simm.s32 @p1 $0x1  }
0x15: {  	[smem:$0x3FB9] =	sst s0;
	s0 =	simm.s32 @!p2 $0x0  }
0x16: {  	s3 =	sld [smem:$0x3FDB];
	s0 =	simm.s32 @p2 $0x1  }
0x17: {  	s4 =	simm.s32 $0x1BF5;
	[smem:$0x3FBB] =	sst s0  }
0x18: {  	s0 =	sld [smem:$0x3F9E];
	_ =	swait.ge [sflag:s4], $0x0  }
0x19: {  	s7 =	sld [smem:$0x3F9F]  }
0x1a: {  	s8 =	sadd.s32 $0xFFFFE003, lr  }
0x1b: {  	s9 =	sadd.s32 $0xFFFFFEF7, lr;
	s5 =	simm.s32 $0xFFFFFFFF;
	p2 =	slt.u32 s8, $0xFFFFF086  }
0x1c: {  	p1 =	slt.u32 s9, $0xF7A;
	s5 =	simm.s32 @!p2 $0x0  }
0x1d: {  	s5 =	simm.s32 @p1 $0x1;
	p0 =	seq.s32 s7, s2  }
0x1e: {  	s7 =	smul.u32 @!p0 $0xF7A, s2;
	p2 =	seq.s32 @!p0 s5, $0x0  }
0x1f: {  	s9 =	smul.u32 $0xF7A, s1;
	s8 =	simm.s32 @!p0 $0x1BF5;
	p2 =	por !p2, p0  }
0x20: {  	[sflag:s8] =	ssyncset.s32 @!p0 $0xFFFFF086;
	s6 =	sadd.s32 @!p0 s3, s7;
	s7 =	simm.s32 @!p0 $0x108  }
0x21: {  	s3 =	sadd.s32 s3, s9;
	s6 =	sadd.s32 @!p0 $0x88, s6;
	s7 =	simm.s32 @p2 $0x1082  }
0x22: {  	[simem:s7], [sflag:s8] =	dma.local @!p0 [hbm:s6], $0xF7A  }
0x23: {  	s9 =	sor.u32 $0xD0000000, s2;
	s6 =	simm.s32 $0x108;
	_ =	swait.ge @!p0 [sflag:s8], $0x0  }
0x24: {  	s3 =	sadd.s32 $0x88, s3;
	s6 =	simm.s32 @!p1 $0x1082;
	[sflag:s4] =	ssyncset.s32 $0xFFFFF086  }
0x25: {  	[simem:s6], [sflag:s4] =	dma.local [hbm:s3], $0xF7A  }
0x26: {  	[smem:$0x3F9F] =	sst s1;
	(tag) =	ssettag s2;
	_ =	strace s9  }
0x27: {  	s1 =	sld [smem:$0x3FAF]  }
0x28: {  	s2 =	sld [smem:$0x3FB0]  }
0x29: {  	s4 =	sld [smem:$0x3FB2]  }
0x2a: {  	p0 =	seq.s32 s5, $0x0;
	s5 =	sld [smem:$0x3FB3]  }
0x2b: {  	s6 =	sld [smem:$0x3FB4]  }
0x2c: {  	s7 =	sld [smem:$0x3FB5]  }
0x2d: {  	s3 =	simm.s32 $0x108;
	s8 =	sld [smem:$0x3FB6]  }
0x2e: {  	s3 =	simm.s32 @!p0 $0x1082;
	s9 =	sld [smem:$0x3FB7]  }
0x2f: {  	lr =	sadd.s32 s0, s3;
	s0 =	sld [smem:$0x3FAE]  }
0x30: {  	s3 =	sld [smem:$0x3FB1]  }
0x31: {  	[smem:$0x3FBA] =	sst s10  }
0x32: {  	s10 =	sld [smem:$0x3FB8];
	_ =	sdelay $0x3  }
0x33: {  	p0 =	seq.s32 s10, $0x1;
	s10 =	sld [smem:$0x3FBA];
	_ =	sdelay $0x3  }
0x34: {  	[smem:$0x3FBA] =	sst s10  }
0x35: {  	s10 =	sld [smem:$0x3FB9];
	_ =	sdelay $0x3  }
0x36: {  	p1 =	seq.s32 s10, $0x1;
	s10 =	sld [smem:$0x3FBA];
	_ =	sdelay $0x3  }
0x37: {  	[smem:$0x3FBA] =	sst s10  }
0x38: {  	s10 =	sld [smem:$0x3FBB]  }
0x39: {  	_ = 	snop;
	(pc) =	sbr.ind lr, $3  }
0x3a: {  	_ = 	snop  }
0x3b: {  	_ = 	snop  }
0x3c: {  	p2 =	seq.s32 s10, $0x1;
	s10 =	sld [smem:$0x3FBA]  }
0x3d: {  	_ =	shalt  }
0x3e: {  	_ =	shalt  }
0x3f: {  	_ =	shalt  }
0x40: {  	_ =	shalt  }
0x41: {  	_ =	shalt  }
0x42: {  	_ =	shalt  }
0x43: {  	_ =	shalt  }
0x44: {  	_ =	shalt  }
0x45: {  	_ =	shalt  }
0x46: {  	_ =	shalt  }
0x47: {  	_ =	shalt  }
0x48: {  	_ =	shalt  }
0x49: {  	_ =	shalt  }
0x4a: {  	_ =	shalt  }
0x4b: {  	_ =	shalt  }
0x4c: {  	_ =	shalt  }
0x4d: {  	_ =	shalt  }
0x4e: {  	_ =	shalt  }
0x4f: {  	_ =	shalt  }
0x50: {  	_ =	shalt  }
0x51: {  	_ =	shalt  }
0x52: {  	_ =	shalt  }
0x53: {  	_ =	shalt  }
0x54: {  	_ =	shalt  }
0x55: {  	_ =	shalt  }
0x56: {  	_ =	shalt  }
0x57: {  	_ =	shalt  }
0x58: {  	_ =	shalt  }
0x59: {  	_ =	shalt  }
0x5a: {  	_ =	shalt  }
0x5b: {  	_ =	shalt  }
0x5c: {  	_ =	shalt  }
0x5d: {  	_ =	shalt  }
0x5e: {  	_ =	shalt  }
0x5f: {  	_ =	shalt  }
0x60: {  	_ =	shalt  }
0x61: {  	_ =	shalt  }
0x62: {  	_ =	shalt  }
0x63: {  	_ =	shalt  }
0x64: {  	_ =	shalt  }
0x65: {  	_ =	shalt  }
0x66: {  	_ =	shalt  }
0x67: {  	_ =	shalt  }
0x68: {  	_ =	shalt  }
0x69: {  	_ =	shalt  }
0x6a: {  	_ =	shalt  }
0x6b: {  	_ =	shalt  }
0x6c: {  	_ =	shalt  }
0x6d: {  	_ =	shalt  }
0x6e: {  	_ =	shalt  }
0x6f: {  	_ =	shalt  }
0x70: {  	_ =	shalt  }
0x71: {  	_ =	shalt  }
0x72: {  	_ =	shalt  }
0x73: {  	_ =	shalt  }
0x74: {  	_ =	shalt  }
0x75: {  	_ =	shalt  }
0x76: {  	_ =	shalt  }
0x77: {  	_ =	shalt  }
0x78: {  	_ =	shalt  }
0x79: {  	_ =	shalt  }
0x7a: {  	_ =	shalt  }
0x7b: {  	_ =	shalt  }
0x7c: {  	_ =	shalt  }
0x7d: {  	_ =	shalt  }
0x7e: {  	_ =	shalt  }
0x7f: {  	_ =	shalt  }
0x80: {  	_ =	shalt  }
0x81: {  	_ =	shalt  }
0x82: {  	_ =	shalt  }
0x83: {  	_ =	shalt  }
0x84: {  	_ =	shalt  }
0x85: {  	_ =	shalt  }
0x86: {  	_ =	shalt  }
0x87: {  	_ =	shalt  }
.Lfunc_end0:
.L_simem_size_0:
called_computation_lowered:
.L_overlay_start_0:
0x88: {  	s2 =	sld [smem:$0x3FD9]  }
0x89: {  	s3 =	sld [smem:$0x3FFE];
	_ =	sdelay $0x1  }
0x8a: {  	s1 =	srdreg.scid  }
0x8b: {  	s0 =	sand.u32 $0x1, s1  }
0x8c: {  	s17 =	sshll.u32 s0, $0xA;
	s2 =	sadd.s32 s3, s2  }
0x8d: {  	s2 =	sadd.s32 s2, s17  }
0x8e: {  	[smem:$0x3FC6] =	sst s2  }
0x8f: {  	_ = 	snop  }
0x90: {  	s2 =	sld [smem:$0x3FC8];
	(tm) =	ssettm $0x1  }
0x91: {  	s18 =	sld [smem:$0x3FFB];
	_ =	sdelay $0x3  }
0x92: {  	_ =	strace s18  }
0x93: {  	s3 =	sld [smem:$0x3FFC];
	_ =	sdelay $0x3  }
0x94: {  	_ =	strace s3  }
0x95: {  	s3 =	sld [smem:$0x3FFD];
	_ =	sdelay $0x3  }
0x96: {  	_ =	strace s3  }
0x97: {  	_ =	strace $0x8FFFFFFF  }
0x98: {  	s19 =	sld [smem:$0x3FDB];
	_ =	sdelay $0x1  }
0x99: {  	s4 =	simm.s32 $_scs_section_size  }
0x9a: {  	s5 =	simm.s32 $_size__tile_overlayer_lowered;
	s6 =	simm.s32 $_tile_overlayer_lowered  }
0x9b: {  	s22 =	simm.s32 $0x1BFF;
	s21 =	sshll.u32 s6, $0x1;
	s3 =	sadd.s32 s4, s19  }
0x9c: {  	s7 =	simm.s32 $0x0;
	s20 =	sshll.u32 s5, $0x1;
	s5 =	sadd.s32 s21, s3  }
0x9d: {  	[timem:s7], [sflag:s22] =	dma.local [hbm:s5], s20  }
0x9e: {  	_ =	swait.ge [sflag:s22], s20  }
0x9f: {  	s4 =	ssub.s32 $0x0, s20;
	[sflag:s22] =	ssyncset.done $0x0  }
0xa0: {  	[sflag:s22] =	ssyncadd.s32 s4;
	_ =	sdelay $0x1  }
0xa1: {  	s23 =	simm.s32 $0x1B8B  }
0xa2: {  	_ =	swait.ge [sflag:s23], $0x1  }
0xa3: {  	[sflag:s23] =	ssyncset.done $0x0  }
0xa4: {  	s25 =	simm.s32 $0x1B8E;
	s24 =	sld [smem:$0x3FFE];
	[sflag:s23] =	ssyncadd.s32 $0xFFFFFFFF  }
0xa5: {  	s26 =	simm.s32 $execute0_lowered;
	[smem:$0x3FD2] =	sst s25  }
0xa6: {  	s5 =	sshll.u32 s26, $0x1;
	_ =	strace $0x80000046;
	[dreg:$0x1] =	wrdreg $0xFFFFFFFF  }
0xa7: {  	s28 =	simm.s32 $_size_execute0_lowered;
	s3 =	sadd.s32 s3, s5;
	[dreg:$0x0] =	wrdreg $0x0  }
0xa8: {  	s5 =	sshll.u32 s28, $0x1;
	[dreg:$0x2] =	wrdreg s3  }
0xa9: {  	[dreg:$0x3] =	wrdreg s5  }
0xaa: {  	[dreg:$0x4] =	wrdreg $0xC0  }
0xab: {  	_ =	task [dreg:s7], $0x5FFFF  }
0xac: {  	[dreg:$0x1] =	wrdreg $0xFFFFFFFF  }
0xad: {  	[dreg:$0x0] =	wrdreg $0x60  }
0xae: {  	[dreg:$0x2] =	wrdreg s24  }
0xaf: {  	[dreg:$0x3] =	wrdreg s2  }
0xb0: {  	[dreg:$0x4] =	wrdreg $0x9  }
0xb1: {  	_ =	task.clear_ibuf [dreg:s7], $0x5FFFF;
	_ =	strace $0x90000046  }
0xb2: {  	s29 =	simm.s32 $0x9;
	_ =	strace $0x80000048  }
0xb3: {  	_ =	swait.ge [sflag:s29], $0x1  }
0xb4: {  	[sflag:s29] =	ssyncadd.s32 $0xFFFFFFFF  }
0xb5: {  	_ =	strace $0x90000048  }
0xb6: {  	_ =	sfence  }
0xb7: {  	s30 =	sld [smem:$0x0];
	_ =	sdelay $0x2  }
0xb8: {  	s31 =	sshll.u32 s1, $0xD;
	s1 =	sshrl.u32 s1, $0x2  }
0xb9: {  	s3 =	sand.u32 $0x4000, s31;
	s1 =	sadd.s32 s1, s30  }
0xba: {  	s0 =	sor.u32 s3, s0;
	s1 =	sshll.u32 s1, $0x11  }
0xbb: {  	s0 =	sor.u32 s1, s0  }
0xbc: {  	s0 =	sadd.s32 $0x8F2B, s0  }
0xbd: {  	[sflag:s0] =	ssyncadd.remote.s32 $0x1  }
0xbe: {  	_ =	sfence.sel $0xFFFF  }
0xbf: {  	[dreg:$0x0] =	wrdreg $0xFFFFFFFF;
	(pc) =	sbr.abs _section_cstart, $3  }
0xc0: {  	[dreg:$0x1] =	wrdreg $0xFFFFFFFF  }
0xc1: {  	_ =	task.clear_ibuf [dreg:s7], $0x2FFFF;
	_ =	strace $0x9FFFFFFF  }
0xc2: {  	(tm) =	ssettm $0x7FFFFFFF  }
0xc3: {  	_ =	shalt  }
tec
execute0_lowered:
.L_overlay_start_1:
0x0: {  	(tag) =	ssettag $0x1  }
0x1: {  	s0 =	srdreg.scid  }
0x2: {  	s3 =	sand.u32 $0x1, s0;
	s0 =	stileid.u32  }
0x3: {  	s5 =	sshll.u32 s0, $0x1;
	s6 =	ssub.s32 $0x0, s3  }
0x4: {  	p0 =	sne.s32 s5, s6  }
.Ltmp0:
0x5: {  	_ = 	snop;
	(pc) =	sbr.rel @p0 .LBB2_5-.Ltmp0, $4  }
0x6: {  	_ = 	snop  }
0x7: {  	s4 =	rddreg [dreg:$0x0]  }
0x8: {  	s2 =	rddreg [dreg:$0x1]  }
0x9: {  	s1 =	rddreg [dreg:$0x2];
	_ =	strace $0x80000047  }
0xa: {  	s5 =	ssub.s32 $0x2, s3;
	s3 =	sadd.s32 $0x400, s4  }
0xb: {  	s4 =	sadd.s32 $0x600, s4;
	s7 =	simm.s32 $0x1;
	s6 =	sshrl.u32 s5, $0x1  }
0xc: {  	s8 =	simm.s32 $0x800;
	s9 =	simm.s32 $0x1000;
	s5 =	ssub.s32 s5, s6  }
0xd: {  	v0 =	vimm.f32 $1.000000000e+00;
	s10 =	simm.s32 $0x0;
	s6 =	simm.s32 $0x0;
	s5 =	smax.u32 s5, $0x1  }
.LBB2_2:
0xe: {  	[tilespmem:s6], [sflag:$0x1] =	stream.linear.gather [hbm4b:s3+s6], $0x800, $0x38;
	[tilespmem:$0x1080] =	vst v63  }
0xf: {  	_ =	swait.ge [sflag:s7], $0x800  }
0x10: {  	[sflag:s7] =	ssyncset.done $0x0  }
0x11: {  	[sflag:s7] =	ssyncadd.s32 $0xFFFFF800  }
0x12: {  	[tilespmem:s8], [sflag:$0x1] =	stream.linear.gather [hbm4b:s2+s6], $0x800, $0x38;
	[tilespmem:$0x1080] =	vst v63  }
0x13: {  	_ =	swait.ge [sflag:s7], $0x800  }
0x14: {  	[sflag:s7] =	ssyncset.done $0x0  }
0x15: {  	s12 =	simm.s32 $0x0;
	[sflag:s7] =	ssyncadd.s32 $0xFFFFF800  }
0x16: {  	v2 =	vld [tilespmem:s12+$0x800]  }
0x17: {  	v3 =	vld [tilespmem:s12+$0x0];
	_ =	sdelay $0x2  }
0x18: {  	v1 =	vimm.f32 $0.0e+00;
	s11 =	simm.s32 $0x40  }
.LBB2_3:
0x19: {  	s12 =	sshra.s32 s11, $0x2;
	p0 =	sne.s32 s11, $0x1FC0  }
.Ltmp1:
0x1a: {  	s11 =	sadd.s32 $0x40, s11;
	vm0 =	veq.s32 v2, $0x0;
	v2 =	vld [tilespmem:s12+$0x800];
	v4 =	vadd.f32 $-1.476373550e+00, v3;
	(pc) =	sbr.rel @p0 .LBB2_3-.Ltmp1, $3  }
0x1b: {  	v5 =	vsel vm0, $0x0, v0;
	v3 =	vld [tilespmem:s12+$0x0]  }
0x1c: {  	v4 =	vmul.f32 v4, v5;
	_ =	sdelay $0x1  }
0x1d: {  	v1 =	vadd.f32 v4, v1  }
0x1e: {  	_ = 	snop  }
0x1f: {  	vm0 =	veq.s32 v2, $0x0;
	v2 =	vadd.f32 $-1.476373550e+00, v3  }
0x20: {  	v3 =	vsel vm0, $0x0, v0  }
0x21: {  	v2 =	vmul.f32 v2, v3;
	_ =	sdelay $0x1  }
0x22: {  	s10 =	sadd.s32 $0x1, s10;
	v1 =	vadd.f32 v2, v1  }
0x23: {  	p0 =	sne.s32 s10, s5  }
.Ltmp2:
0x24: {  	[tilespmem:$0x1000] =	vst v1;
	(pc) =	sbr.rel @p0 .LBB2_2-.Ltmp2, $4  }
0x25: {  	[hbm4b:s4+s6] =	stream.linear.scatter [tilespmem:s9], [sflag:$0x1], $0x80, $0x38;
	[tilespmem:$0x1080] =	vst v63  }
0x26: {  	_ =	swait.ge [sflag:s7], $0x80  }
0x27: {  	[sflag:s7] =	ssyncset.done $0x0  }
0x28: {  	[sflag:s7] =	ssyncadd.s32 $0xFFFFFF80  }
.LBB2_5:
0x29: {  	_ =	sfence.sel $0x180000  }
0x2a: {  	[bflag:$0x0] =	sbarrier.arrive $0xFFFF  }
0x2b: {  	p0 =	sne.s32 s0, $0x0;
	_ =	strace $0x90000047  }
0x2c: {  	s0 =	sadd.s32 @!p0 $0x100000, s1;
	[bflag:$0x2] =	sbarrier.arrive $0xFFFF  }
0x2d: {  	[sflag:s0] =	ssyncadd.tile.s32 @!p0 $0x1;
	_ =	shalt  }
.Lfunc_end2:
_tile_overlayer_lowered:
.L_overlay_start_2:
0x2e: {  	(tag) =	ssettag $0x2  }
0x2f: {  	s0 =	rddreg [dreg:$0x0];
	s2 =	stileid.u32  }
0x30: {  	s1 =	rddreg [dreg:$0x1];
	p0 =	sne.s32 s2, $0x0  }
0x31: {  	s3 =	rddreg [dreg:$0x2];
	[bflag:$0x3] =	sbarrier.arrive $0xFFFF;
	s2 =	simm.s32 @!p0 $0x1C01  }
0x32: {  	[timem:s3], [sflag:s2] =	dma.local @!p0 [hbm:s0], s1  }
0x33: {  	s0 =	simm.s32 @!p0 $0x1  }
0x34: {  	_ =	swait.ge @!p0 [sflag:s0], s1  }
0x35: {  	s1 =	ssub.s32 @!p0 $0x0, s1;
	[sflag:s0] =	ssyncset.done @!p0 $0x0  }
0x36: {  	[sflag:s0] =	ssyncadd.s32 @!p0 s1  }
0x37: {  	[bflag:$0x3] =	sbarrier.arrive $0xFFFF  }
0x38: {  	_ =	shalt  }

</sc_bundles>
